<compile_context>
chip_gen: v7x
topology: tpu7x:2x2x1
jax: 0.10.2.dev20260603
libtpu: 0.0.44.dev20260713+nightly
codegen_flags: <defaults>
</compile_context>

<pallas_src>
import functools

import jax
import jax.numpy as jnp
from jax import lax
from jax.experimental import pallas as pl
from jax.experimental.pallas import tpu as pltpu
from jax.experimental.pallas import tpu_sc as plsc

_T = 2048
_H = 1024
_E = 8
_F = 512
_P = 2 * _T
_BT = 512
_NB = _P // _BT + _E
_C = _NB * _BT
_NBPAD = 48
_NC = 2
_NS = 16
_CH = _P // (_NC * _NS)
_TPW = _T // (_NC * _NS)
_RB = 512


def _router_plan_kernel(x_ref, wg_ref, logits_ref, w1x_ref, w2x_ref,
                        dest_ref, bev_ref):
    x = x_ref[...]
    logits = lax.dot_general(
        x, wg_ref[...], (((1,), (0,)), ((), ())),
        preferred_element_type=jnp.float32)
    logits_ref[...] = logits
    m = jnp.max(logits, axis=1, keepdims=True)
    ex = jnp.exp(logits - m)
    s = ex / jnp.sum(ex, axis=1, keepdims=True)
    lane = lax.broadcasted_iota(jnp.int32, s.shape, 1)
    v1 = jnp.max(s, axis=1, keepdims=True)
    i1 = jnp.max(jnp.where(s == v1, lane, -1), axis=1, keepdims=True)
    rest = jnp.where(s == v1, -jnp.inf, s)
    v2 = jnp.max(rest, axis=1, keepdims=True)
    i2 = jnp.max(jnp.where(rest == v2, lane, -1), axis=1, keepdims=True)
    tot = v1 + v2
    w1x_ref[...] = jnp.broadcast_to(v1 / tot, (_T, 16))
    w2x_ref[...] = jnp.broadcast_to(v2 / tot, (_T, 16))

    oh1 = jnp.where(lane == i1, 1.0, 0.0)
    oh2 = jnp.where(lane == i2, 1.0, 0.0)
    totals = jnp.sum(oh1, axis=0, keepdims=True) + jnp.sum(
        oh2, axis=0, keepdims=True)
    ptot = jnp.floor((totals + (_BT - 1)) * (1.0 / _BT)) * _BT
    ei = lax.broadcasted_iota(jnp.int32, (_E, _E), 0)
    ej = lax.broadcasted_iota(jnp.int32, (_E, _E), 1)
    lt = jnp.where(ei < ej, 1.0, 0.0)
    poff = lax.dot_general(ptot, lt, (((1,), (0,)), ((), ())),
                           preferred_element_type=jnp.float32)

    ri = lax.broadcasted_iota(jnp.int32, (_RB, _RB), 0)
    rj = lax.broadcasted_iota(jnp.int32, (_RB, _RB), 1)
    tril = jnp.where(ri >= rj, 1.0, 0.0)
    carry = jnp.zeros((1, _E), jnp.float32)
    nblk = _T // _RB
    for b in range(2 * nblk):
        if b < nblk:
            ohb = oh1[b * _RB:(b + 1) * _RB, :]
            iselb = i1[b * _RB:(b + 1) * _RB, :]
        else:
            ohb = oh2[(b - nblk) * _RB:(b - nblk + 1) * _RB, :]
            iselb = i2[(b - nblk) * _RB:(b - nblk + 1) * _RB, :]
        csb = lax.dot_general(tril, ohb, (((1,), (0,)), ((), ())),
                              preferred_element_type=jnp.float32) + carry
        carry = carry + jnp.sum(ohb, axis=0, keepdims=True)
        lane8 = lax.broadcasted_iota(jnp.int32, (_RB, _E), 1)
        sel = lane8 == iselb
        rank = jnp.sum(jnp.where(sel, csb, 0.0), axis=1, keepdims=True)
        pofs = jnp.sum(jnp.where(sel, jnp.broadcast_to(poff, (_RB, _E)), 0.0),
                       axis=1, keepdims=True)
        dest_ref[b * _RB:(b + 1) * _RB, :] = (pofs + rank - 1.0).astype(
            jnp.int32)

    pend = poff + ptot
    bi = lax.broadcasted_iota(jnp.int32, (_NBPAD, _E), 0).astype(
        jnp.float32) * _BT
    acc = jnp.sum(jnp.where(bi >= jnp.broadcast_to(pend, (_NBPAD, _E)),
                            1, 0), axis=1, keepdims=True)
    bev_ref[...] = jnp.minimum(acc, _E - 1)
    lastreal = (jnp.sum(ptot, axis=1, keepdims=True) * (1.0 / _BT)
                - 1.0).astype(jnp.int32)
    bev_ref[_NB:_NB + 1, :] = lastreal


def _bc16(x):
    return jnp.full((16,), x, jnp.int32)


def _dispatch_body(dest_hbm, xb_hbm, xs_hbm, tokdma, destdma, rows,
                   gs0, gs1, ss0, ss1):
    c = lax.axis_index("c")
    s = lax.axis_index("s")
    lane = jnp.arange(16, dtype=jnp.int32)
    zero16 = jnp.zeros((16,), jnp.int32)
    w = s * _NC + c
    pbase = w * _CH
    pb16 = _bc16(pbase)
    for j in range(_CH // 16):
        pair = pb16 + (16 * j) + lane
        tok = pair - jnp.where(pair >= _T, _bc16(_T), zero16)
        tokdma[j // 2, pl.ds(16 * (j % 2), 16)] = tok
    for k in range(4):
        pltpu.sync_copy(dest_hbm.at[pl.ds(pbase + 32 * k, 32)],
                        destdma.at[k])
    gsem = (gs0, gs1)
    ssem = (ss0, ss1)
    scat = [None, None]
    for k in range(4):
        bf = k % 2
        if scat[bf] is not None:
            scat[bf].wait()
        pltpu.async_copy(xb_hbm.at[tokdma.at[k]], rows.at[bf],
                         gsem[bf]).wait()
        scat[bf] = pltpu.async_copy(rows.at[bf], xs_hbm.at[destdma.at[k]],
                                    ssem[bf])
    scat[0].wait()
    scat[1].wait()


def _grouped_mlp_kernel(be_ref, xs_ref, wg_ref, wu_ref, wd_ref, out_ref):
    x = xs_ref[...].astype(jnp.bfloat16)
    wg = wg_ref[0].astype(jnp.bfloat16)
    wu = wu_ref[0].astype(jnp.bfloat16)
    wd = wd_ref[0].astype(jnp.bfloat16)
    g = lax.dot_general(x, wg, (((1,), (0,)), ((), ())),
                        preferred_element_type=jnp.float32)
    u = lax.dot_general(x, wu, (((1,), (0,)), ((), ())),
                        preferred_element_type=jnp.float32)
    h = (g * lax.logistic(g) * u).astype(jnp.bfloat16)
    y = lax.dot_general(h, wd, (((1,), (0,)), ((), ())),
                        preferred_element_type=jnp.float32)
    out_ref[...] = y


def _finish_body(dest_hbm, ys_hbm, w1_hbm, w2_hbm, out_hbm,
                 pidx, rows1, rows2, outb, w1vm, w2vm, gs0, gs1, ss0):
    c = lax.axis_index("c")
    s = lax.axis_index("s")
    w = s * _NC + c
    tb = _TPW * w
    for k in range(2):
        pltpu.sync_copy(dest_hbm.at[pl.ds(tb + 32 * k, 32)], pidx.at[k])
        pltpu.sync_copy(dest_hbm.at[pl.ds(_T + tb + 32 * k, 32)],
                        pidx.at[2 + k])
    pltpu.sync_copy(w1_hbm.at[pl.ds(tb, _TPW)], w1vm)
    pltpu.sync_copy(w2_hbm.at[pl.ds(tb, _TPW)], w2vm)
    for k in range(2):
        pltpu.async_copy(ys_hbm.at[pidx.at[k]], rows1, gs0).wait()
        pltpu.async_copy(ys_hbm.at[pidx.at[2 + k]], rows2, gs1).wait()

        def tok(i, carry):
            w1b = w1vm[32 * k + i, pl.ds(0, 16)]
            w2b = w2vm[32 * k + i, pl.ds(0, 16)]
            for v in range(_H // 16):
                r1 = rows1[i, pl.ds(16 * v, 16)]
                r2 = rows2[i, pl.ds(16 * v, 16)]
                outb[i, pl.ds(16 * v, 16)] = r1 * w1b + r2 * w2b
            return carry

        lax.fori_loop(0, 32, tok, 0)
        pltpu.sync_copy(outb, out_hbm.at[pl.ds(tb + 32 * k, 32)])


@functools.cache
def _sc_kernels():
    mesh = plsc.VectorSubcoreMesh(core_axis_name="c", subcore_axis_name="s")
    dispatch = functools.partial(
        pl.kernel, mesh=mesh,
        out_type=jax.ShapeDtypeStruct((_C, _H), jnp.float32),
        scratch_types=[
            pltpu.VMEM((4, 32), jnp.int32),
            pltpu.VMEM((4, 32), jnp.int32),
            pltpu.VMEM((2, 32, _H), jnp.float32),
            pltpu.SemaphoreType.DMA,
            pltpu.SemaphoreType.DMA,
            pltpu.SemaphoreType.DMA,
            pltpu.SemaphoreType.DMA,
        ],
    )(_dispatch_body)
    finish = functools.partial(
        pl.kernel, mesh=mesh,
        out_type=jax.ShapeDtypeStruct((_T, _H), jnp.float32),
        scratch_types=[
            pltpu.VMEM((4, 32), jnp.int32),
            pltpu.VMEM((32, _H), jnp.float32),
            pltpu.VMEM((32, _H), jnp.float32),
            pltpu.VMEM((32, _H), jnp.float32),
            pltpu.VMEM((_TPW, 16), jnp.float32),
            pltpu.VMEM((_TPW, 16), jnp.float32),
            pltpu.SemaphoreType.DMA,
            pltpu.SemaphoreType.DMA,
            pltpu.SemaphoreType.DMA,
        ],
    )(_finish_body)
    return dispatch, finish


@jax.jit
def kernel(hidden_states, W_gate, Wg, Wu, Wd):
    b, seq, d = hidden_states.shape
    x = hidden_states.reshape(-1, d)

    logits, w1x, w2x, dest2d, bev = pl.pallas_call(
        _router_plan_kernel,
        out_shape=(
            jax.ShapeDtypeStruct((_T, _E), jnp.float32),
            jax.ShapeDtypeStruct((_T, 16), jnp.float32),
            jax.ShapeDtypeStruct((_T, 16), jnp.float32),
            jax.ShapeDtypeStruct((_P, 1), jnp.int32),
            jax.ShapeDtypeStruct((_NBPAD, 1), jnp.int32),
        ),
    )(x, W_gate)
    dest = dest2d.reshape(_P)
    bexp = bev.reshape(_NBPAD)

    dispatch, finish = _sc_kernels()
    xs = dispatch(dest, x)

    y_sorted = pl.pallas_call(
        _grouped_mlp_kernel,
        grid_spec=pltpu.PrefetchScalarGridSpec(
            num_scalar_prefetch=1,
            grid=(_NB,),
            in_specs=[
                pl.BlockSpec(
                    (_BT, _H),
                    lambda j, be: (jnp.minimum(j, be[_NB]), 0)),
                pl.BlockSpec(
                    (1, _H, _F),
                    lambda j, be: (be[jnp.minimum(j, be[_NB])], 0, 0)),
                pl.BlockSpec(
                    (1, _H, _F),
                    lambda j, be: (be[jnp.minimum(j, be[_NB])], 0, 0)),
                pl.BlockSpec(
                    (1, _F, _H),
                    lambda j, be: (be[jnp.minimum(j, be[_NB])], 0, 0)),
            ],
            out_specs=pl.BlockSpec(
                (_BT, _H), lambda j, be: (jnp.minimum(j, be[_NB]), 0)),
        ),
        out_shape=jax.ShapeDtypeStruct((_C, _H), jnp.float32),
        compiler_params=pltpu.CompilerParams(
            dimension_semantics=("arbitrary",)),
    )(bexp, xs, Wg, Wu, Wd)

    out = finish(dest, y_sorted, w1x, w2x)

    return out.reshape(b, seq, d), logits

# --- scband reference (transcript-rebuilt; emitter-appended) ---
"""Pipeline reference for scband-qwen3-moe-sparse-moe-block-grouped-45964740001918 (READ-ONLY COPY).

The authoritative reference and input builder live on the scoring server;
editing this copy changes nothing except your own understanding.
"""

import jax, jax.numpy as jnp
import numpy as np

HIDDEN = 1024
NUM_EXPERTS = 8
TOP_K = 2
D_FF = 512
B, S = 1, 2048


def setup_inputs(seed: int = 0) -> dict:
    key = jax.random.key(seed)
    k1, k2, k3, k4, k5 = jax.random.split(key, 5)
    hidden_states = jax.random.normal(k1, (B, S, HIDDEN), dtype=jnp.float32)
    W_gate = jax.random.normal(k2, (HIDDEN, NUM_EXPERTS), dtype=jnp.float32) * 0.02
    Wg = jax.random.normal(k3, (NUM_EXPERTS, HIDDEN, D_FF), dtype=jnp.float32) * 0.02
    Wu = jax.random.normal(k4, (NUM_EXPERTS, HIDDEN, D_FF), dtype=jnp.float32) * 0.02
    Wd = jax.random.normal(k5, (NUM_EXPERTS, D_FF, HIDDEN), dtype=jnp.float32) * 0.02
    return {"hidden_states": hidden_states, "W_gate": W_gate, "Wg": Wg, "Wu": Wu, "Wd": Wd}


def reference(hidden_states, W_gate, Wg, Wu, Wd):
    b, s, d = hidden_states.shape
    E = Wg.shape[0]
    x = hidden_states.reshape(-1, d)
    T = x.shape[0]
    # router
    router_logits = x @ W_gate  # [T, E]
    routing_weights = jax.nn.softmax(router_logits.astype(jnp.float32), axis=1)
    routing_weights, selected_experts = jax.lax.top_k(routing_weights, TOP_K)
    # norm_topk_prob = True
    routing_weights = routing_weights / jnp.sum(routing_weights, axis=-1, keepdims=True)
    routing_weights = routing_weights.astype(x.dtype)
    # dense combine matrix [T, E] (scatter of top-k weights)
    rows = jnp.arange(T)[:, None]
    combine = jnp.zeros((T, E), dtype=x.dtype).at[rows, selected_experts].set(routing_weights)
    # tokens_per_expert (as in topk_expert); kept for faithfulness
    tokens_per_expert = jnp.sum((combine > 0).astype(jnp.int32), axis=0)
    # grouped expert MLP: down(silu(gate(x)) * up(x)), combined with routing weights
    out = jnp.zeros_like(x)
    for e in range(E):
        g = x @ Wg[e]
        u = x @ Wu[e]
        h = (jax.nn.silu(g) * u) @ Wd[e]
        out = out + combine[:, e:e + 1] * h
    final_hidden_states = out.reshape(b, s, d)
    return (final_hidden_states, router_logits)

if __name__ == "__main__":
    import jax
    _d = setup_inputs()
    print(jax.jit(kernel)(*tuple(_d.values())))

</pallas_src>

<mosaic_0001>
#map = affine_map<(d0, d1) -> (0)>
#map1 = affine_map<(d0, d1) -> (0, 0)>
module attributes {stable_mosaic.version = 14 : i64} {
  func.func @_finish_body(%arg0: i32, %arg1: i32, %arg2: memref<4096xi32, #tpu.memory_space<hbm>>, %arg3: memref<8192x1024xf32, #tpu.memory_space<hbm>>, %arg4: memref<2048x16xf32, #tpu.memory_space<hbm>>, %arg5: memref<2048x16xf32, #tpu.memory_space<hbm>>, %arg6: memref<2048x1024xf32, #tpu.memory_space<hbm>>, %arg7: memref<4x32xi32, #tpu.memory_space<vmem>>, %arg8: memref<32x1024xf32, #tpu.memory_space<vmem>>, %arg9: memref<32x1024xf32, #tpu.memory_space<vmem>>, %arg10: memref<32x1024xf32, #tpu.memory_space<vmem>>, %arg11: memref<64x16xf32, #tpu.memory_space<vmem>>, %arg12: memref<64x16xf32, #tpu.memory_space<vmem>>, %arg13: memref<!tpu.dma_semaphore, #tpu.memory_space<semaphore_mem>>, %arg14: memref<!tpu.dma_semaphore, #tpu.memory_space<semaphore_mem>>, %arg15: memref<!tpu.dma_semaphore, #tpu.memory_space<semaphore_mem>>) attributes {dimension_semantics = [#tpu.dimension_semantics<core_parallel>, #tpu.dimension_semantics<subcore_parallel>], iteration_bounds = array<i64: 2, 16>, scalar_prefetch = 0 : i64, scratch_operands = 9 : i64, tpu.core_type = #tpu.core_type<sc_vector_subcore>, window_params = [{transform_indices = #map}, {transform_indices = #map1}, {transform_indices = #map1}, {transform_indices = #map1}, {transform_indices = #map1}]} {
    %mul3A = arith.constant 2 : i32
    %mul3A_0 = arith.muli %arg1, %mul3A : i32
    %add3A = arith.addi %mul3A_0, %arg0 : i32
    %mul3A_1 = arith.constant 64 : i32
    %mul3A_2 = arith.muli %mul3A_1, %add3A : i32
    %add3A_3 = arith.constant 0 : i32
    %add3A_4 = arith.addi %mul3A_2, %add3A_3 : i32
    %run_scoped3A = arith.constant 0 : i32
    "tpu.region"() ({
      %run_scoped3A_87 = tpu.sem_alloc : memref<!tpu.dma_semaphore, #tpu.memory_space<semaphore_mem>>
      %dma_start3A_88 = arith.constant 0 : i32
      %dma_start3A_89 = tpu.memref_slice %arg7[%run_scoped3A, %dma_start3A_88] : memref<4x32xi32, #tpu.memory_space<vmem>> -> memref<1x32xi32, #tpu.memory_space<vmem>>
      %dma_start3A_90 = tpu.memref_squeeze %dma_start3A_89 : memref<1x32xi32, #tpu.memory_space<vmem>> -> memref<32xi32, #tpu.memory_space<vmem>>
      %dma_start3A_91 = tpu.memref_slice %arg2[%add3A_4] : memref<4096xi32, #tpu.memory_space<hbm>> -> memref<32xi32, #tpu.memory_space<hbm>>
      %dma_start3A_92 = arith.constant 0 : i32
      %dma_start3A_93 = tpu.memref_slice %arg7[%run_scoped3A, %dma_start3A_92] : memref<4x32xi32, #tpu.memory_space<vmem>> -> memref<1x32xi32, #tpu.memory_space<vmem>>
      %dma_start3A_94 = tpu.memref_squeeze %dma_start3A_93 : memref<1x32xi32, #tpu.memory_space<vmem>> -> memref<32xi32, #tpu.memory_space<vmem>>
      %dma_start3A_95 = tpu.memref_slice %arg2[%add3A_4] : memref<4096xi32, #tpu.memory_space<hbm>> -> memref<32xi32, #tpu.memory_space<hbm>>
      tpu.enqueue_dma source(%dma_start3A_95 : memref<32xi32, #tpu.memory_space<hbm>>) target(%dma_start3A_94 : memref<32xi32, #tpu.memory_space<vmem>>) target_semaphore(%run_scoped3A_87 : memref<!tpu.dma_semaphore, #tpu.memory_space<semaphore_mem>>)
      %dma_wait3A_96 = arith.constant 0 : i32
      %dma_wait3A_97 = tpu.memref_slice %arg7[%run_scoped3A, %dma_wait3A_96] : memref<4x32xi32, #tpu.memory_space<vmem>> -> memref<1x32xi32, #tpu.memory_space<vmem>>
      %dma_wait3A_98 = tpu.memref_squeeze %dma_wait3A_97 : memref<1x32xi32, #tpu.memory_space<vmem>> -> memref<32xi32, #tpu.memory_space<vmem>>
      %dma_wait3A_99 = tpu.memref_slice %arg2[%add3A_4] : memref<4096xi32, #tpu.memory_space<hbm>> -> memref<32xi32, #tpu.memory_space<hbm>>
      %dma_wait3A_100 = arith.constant 0 : i32
      %dma_wait3A_101 = tpu.memref_slice %arg7[%run_scoped3A, %dma_wait3A_100] : memref<4x32xi32, #tpu.memory_space<vmem>> -> memref<1x32xi32, #tpu.memory_space<vmem>>
      %dma_wait3A_102 = tpu.memref_squeeze %dma_wait3A_101 : memref<1x32xi32, #tpu.memory_space<vmem>> -> memref<32xi32, #tpu.memory_space<vmem>>
      %dma_wait3A_103 = tpu.memref_slice %arg2[%add3A_4] : memref<4096xi32, #tpu.memory_space<hbm>> -> memref<32xi32, #tpu.memory_space<hbm>>
      tpu.wait_dma2 semaphore(%run_scoped3A_87 : memref<!tpu.dma_semaphore, #tpu.memory_space<semaphore_mem>>) src(%dma_wait3A_103 : memref<32xi32, #tpu.memory_space<hbm>>) dst(%dma_wait3A_102 : memref<32xi32, #tpu.memory_space<vmem>>)
      tpu.yield
    }) : () -> ()
    %add3A_5 = arith.constant 2048 : i32
    %add3A_6 = arith.addi %add3A_5, %mul3A_2 : i32
    %add3A_7 = arith.constant 0 : i32
    %add3A_8 = arith.addi %add3A_6, %add3A_7 : i32
    %run_scoped3A_9 = arith.constant 2 : i32
    "tpu.region"() ({
      %run_scoped3A_87 = tpu.sem_alloc : memref<!tpu.dma_semaphore, #tpu.memory_space<semaphore_mem>>
      %dma_start3A_88 = arith.constant 0 : i32
      %dma_start3A_89 = tpu.memref_slice %arg7[%run_scoped3A_9, %dma_start3A_88] : memref<4x32xi32, #tpu.memory_space<vmem>> -> memref<1x32xi32, #tpu.memory_space<vmem>>
      %dma_start3A_90 = tpu.memref_squeeze %dma_start3A_89 : memref<1x32xi32, #tpu.memory_space<vmem>> -> memref<32xi32, #tpu.memory_space<vmem>>
      %dma_start3A_91 = tpu.memref_slice %arg2[%add3A_8] : memref<4096xi32, #tpu.memory_space<hbm>> -> memref<32xi32, #tpu.memory_space<hbm>>
      %dma_start3A_92 = arith.constant 0 : i32
      %dma_start3A_93 = tpu.memref_slice %arg7[%run_scoped3A_9, %dma_start3A_92] : memref<4x32xi32, #tpu.memory_space<vmem>> -> memref<1x32xi32, #tpu.memory_space<vmem>>
      %dma_start3A_94 = tpu.memref_squeeze %dma_start3A_93 : memref<1x32xi32, #tpu.memory_space<vmem>> -> memref<32xi32, #tpu.memory_space<vmem>>
      %dma_start3A_95 = tpu.memref_slice %arg2[%add3A_8] : memref<4096xi32, #tpu.memory_space<hbm>> -> memref<32xi32, #tpu.memory_space<hbm>>
      tpu.enqueue_dma source(%dma_start3A_95 : memref<32xi32, #tpu.memory_space<hbm>>) target(%dma_start3A_94 : memref<32xi32, #tpu.memory_space<vmem>>) target_semaphore(%run_scoped3A_87 : memref<!tpu.dma_semaphore, #tpu.memory_space<semaphore_mem>>)
      %dma_wait3A_96 = arith.constant 0 : i32
      %dma_wait3A_97 = tpu.memref_slice %arg7[%run_scoped3A_9, %dma_wait3A_96] : memref<4x32xi32, #tpu.memory_space<vmem>> -> memref<1x32xi32, #tpu.memory_space<vmem>>
      %dma_wait3A_98 = tpu.memref_squeeze %dma_wait3A_97 : memref<1x32xi32, #tpu.memory_space<vmem>> -> memref<32xi32, #tpu.memory_space<vmem>>
      %dma_wait3A_99 = tpu.memref_slice %arg2[%add3A_8] : memref<4096xi32, #tpu.memory_space<hbm>> -> memref<32xi32, #tpu.memory_space<hbm>>
      %dma_wait3A_100 = arith.constant 0 : i32
      %dma_wait3A_101 = tpu.memref_slice %arg7[%run_scoped3A_9, %dma_wait3A_100] : memref<4x32xi32, #tpu.memory_space<vmem>> -> memref<1x32xi32, #tpu.memory_space<vmem>>
      %dma_wait3A_102 = tpu.memref_squeeze %dma_wait3A_101 : memref<1x32xi32, #tpu.memory_space<vmem>> -> memref<32xi32, #tpu.memory_space<vmem>>
      %dma_wait3A_103 = tpu.memref_slice %arg2[%add3A_8] : memref<4096xi32, #tpu.memory_space<hbm>> -> memref<32xi32, #tpu.memory_space<hbm>>
      tpu.wait_dma2 semaphore(%run_scoped3A_87 : memref<!tpu.dma_semaphore, #tpu.memory_space<semaphore_mem>>) src(%dma_wait3A_103 : memref<32xi32, #tpu.memory_space<hbm>>) dst(%dma_wait3A_102 : memref<32xi32, #tpu.memory_space<vmem>>)
      tpu.yield
    }) : () -> ()
    %add3A_10 = arith.constant 32 : i32
    %add3A_11 = arith.addi %mul3A_2, %add3A_10 : i32
    %run_scoped3A_12 = arith.constant 1 : i32
    "tpu.region"() ({
      %run_scoped3A_87 = tpu.sem_alloc : memref<!tpu.dma_semaphore, #tpu.memory_space<semaphore_mem>>
      %dma_start3A_88 = arith.constant 0 : i32
      %dma_start3A_89 = tpu.memref_slice %arg7[%run_scoped3A_12, %dma_start3A_88] : memref<4x32xi32, #tpu.memory_space<vmem>> -> memref<1x32xi32, #tpu.memory_space<vmem>>
      %dma_start3A_90 = tpu.memref_squeeze %dma_start3A_89 : memref<1x32xi32, #tpu.memory_space<vmem>> -> memref<32xi32, #tpu.memory_space<vmem>>
      %dma_start3A_91 = tpu.memref_slice %arg2[%add3A_11] : memref<4096xi32, #tpu.memory_space<hbm>> -> memref<32xi32, #tpu.memory_space<hbm>>
      %dma_start3A_92 = arith.constant 0 : i32
      %dma_start3A_93 = tpu.memref_slice %arg7[%run_scoped3A_12, %dma_start3A_92] : memref<4x32xi32, #tpu.memory_space<vmem>> -> memref<1x32xi32, #tpu.memory_space<vmem>>
      %dma_start3A_94 = tpu.memref_squeeze %dma_start3A_93 : memref<1x32xi32, #tpu.memory_space<vmem>> -> memref<32xi32, #tpu.memory_space<vmem>>
      %dma_start3A_95 = tpu.memref_slice %arg2[%add3A_11] : memref<4096xi32, #tpu.memory_space<hbm>> -> memref<32xi32, #tpu.memory_space<hbm>>
      tpu.enqueue_dma source(%dma_start3A_95 : memref<32xi32, #tpu.memory_space<hbm>>) target(%dma_start3A_94 : memref<32xi32, #tpu.memory_space<vmem>>) target_semaphore(%run_scoped3A_87 : memref<!tpu.dma_semaphore, #tpu.memory_space<semaphore_mem>>)
      %dma_wait3A_96 = arith.constant 0 : i32
      %dma_wait3A_97 = tpu.memref_slice %arg7[%run_scoped3A_12, %dma_wait3A_96] : memref<4x32xi32, #tpu.memory_space<vmem>> -> memref<1x32xi32, #tpu.memory_space<vmem>>
      %dma_wait3A_98 = tpu.memref_squeeze %dma_wait3A_97 : memref<1x32xi32, #tpu.memory_space<vmem>> -> memref<32xi32, #tpu.memory_space<vmem>>
      %dma_wait3A_99 = tpu.memref_slice %arg2[%add3A_11] : memref<4096xi32, #tpu.memory_space<hbm>> -> memref<32xi32, #tpu.memory_space<hbm>>
      %dma_wait3A_100 = arith.constant 0 : i32
      %dma_wait3A_101 = tpu.memref_slice %arg7[%run_scoped3A_12, %dma_wait3A_100] : memref<4x32xi32, #tpu.memory_space<vmem>> -> memref<1x32xi32, #tpu.memory_space<vmem>>
      %dma_wait3A_102 = tpu.memref_squeeze %dma_wait3A_101 : memref<1x32xi32, #tpu.memory_space<vmem>> -> memref<32xi32, #tpu.memory_space<vmem>>
      %dma_wait3A_103 = tpu.memref_slice %arg2[%add3A_11] : memref<4096xi32, #tpu.memory_space<hbm>> -> memref<32xi32, #tpu.memory_space<hbm>>
      tpu.wait_dma2 semaphore(%run_scoped3A_87 : memref<!tpu.dma_semaphore, #tpu.memory_space<semaphore_mem>>) src(%dma_wait3A_103 : memref<32xi32, #tpu.memory_space<hbm>>) dst(%dma_wait3A_102 : memref<32xi32, #tpu.memory_space<vmem>>)
      tpu.yield
    }) : () -> ()
    %add3A_13 = arith.constant 2048 : i32
    %add3A_14 = arith.addi %add3A_13, %mul3A_2 : i32
    %add3A_15 = arith.constant 32 : i32
    %add3A_16 = arith.addi %add3A_14, %add3A_15 : i32
    %run_scoped3A_17 = arith.constant 3 : i32
    "tpu.region"() ({
      %run_scoped3A_87 = tpu.sem_alloc : memref<!tpu.dma_semaphore, #tpu.memory_space<semaphore_mem>>
      %dma_start3A_88 = arith.constant 0 : i32
      %dma_start3A_89 = tpu.memref_slice %arg7[%run_scoped3A_17, %dma_start3A_88] : memref<4x32xi32, #tpu.memory_space<vmem>> -> memref<1x32xi32, #tpu.memory_space<vmem>>
      %dma_start3A_90 = tpu.memref_squeeze %dma_start3A_89 : memref<1x32xi32, #tpu.memory_space<vmem>> -> memref<32xi32, #tpu.memory_space<vmem>>
      %dma_start3A_91 = tpu.memref_slice %arg2[%add3A_16] : memref<4096xi32, #tpu.memory_space<hbm>> -> memref<32xi32, #tpu.memory_space<hbm>>
      %dma_start3A_92 = arith.constant 0 : i32
      %dma_start3A_93 = tpu.memref_slice %arg7[%run_scoped3A_17, %dma_start3A_92] : memref<4x32xi32, #tpu.memory_space<vmem>> -> memref<1x32xi32, #tpu.memory_space<vmem>>
      %dma_start3A_94 = tpu.memref_squeeze %dma_start3A_93 : memref<1x32xi32, #tpu.memory_space<vmem>> -> memref<32xi32, #tpu.memory_space<vmem>>
      %dma_start3A_95 = tpu.memref_slice %arg2[%add3A_16] : memref<4096xi32, #tpu.memory_space<hbm>> -> memref<32xi32, #tpu.memory_space<hbm>>
      tpu.enqueue_dma source(%dma_start3A_95 : memref<32xi32, #tpu.memory_space<hbm>>) target(%dma_start3A_94 : memref<32xi32, #tpu.memory_space<vmem>>) target_semaphore(%run_scoped3A_87 : memref<!tpu.dma_semaphore, #tpu.memory_space<semaphore_mem>>)
      %dma_wait3A_96 = arith.constant 0 : i32
      %dma_wait3A_97 = tpu.memref_slice %arg7[%run_scoped3A_17, %dma_wait3A_96] : memref<4x32xi32, #tpu.memory_space<vmem>> -> memref<1x32xi32, #tpu.memory_space<vmem>>
      %dma_wait3A_98 = tpu.memref_squeeze %dma_wait3A_97 : memref<1x32xi32, #tpu.memory_space<vmem>> -> memref<32xi32, #tpu.memory_space<vmem>>
      %dma_wait3A_99 = tpu.memref_slice %arg2[%add3A_16] : memref<4096xi32, #tpu.memory_space<hbm>> -> memref<32xi32, #tpu.memory_space<hbm>>
      %dma_wait3A_100 = arith.constant 0 : i32
      %dma_wait3A_101 = tpu.memref_slice %arg7[%run_scoped3A_17, %dma_wait3A_100] : memref<4x32xi32, #tpu.memory_space<vmem>> -> memref<1x32xi32, #tpu.memory_space<vmem>>
      %dma_wait3A_102 = tpu.memref_squeeze %dma_wait3A_101 : memref<1x32xi32, #tpu.memory_space<vmem>> -> memref<32xi32, #tpu.memory_space<vmem>>
      %dma_wait3A_103 = tpu.memref_slice %arg2[%add3A_16] : memref<4096xi32, #tpu.memory_space<hbm>> -> memref<32xi32, #tpu.memory_space<hbm>>
      tpu.wait_dma2 semaphore(%run_scoped3A_87 : memref<!tpu.dma_semaphore, #tpu.memory_space<semaphore_mem>>) src(%dma_wait3A_103 : memref<32xi32, #tpu.memory_space<hbm>>) dst(%dma_wait3A_102 : memref<32xi32, #tpu.memory_space<vmem>>)
      tpu.yield
    }) : () -> ()
    "tpu.region"() ({
      %run_scoped3A_87 = tpu.sem_alloc : memref<!tpu.dma_semaphore, #tpu.memory_space<semaphore_mem>>
      %dma_start3A_88 = arith.constant 0 : i32
      %dma_start3A_89 = tpu.memref_slice %arg4[%mul3A_2, %dma_start3A_88] : memref<2048x16xf32, #tpu.memory_space<hbm>> -> memref<64x16xf32, #tpu.memory_space<hbm>>
      %dma_start3A_90 = arith.constant 0 : i32
      %dma_start3A_91 = tpu.memref_slice %arg4[%mul3A_2, %dma_start3A_90] : memref<2048x16xf32, #tpu.memory_space<hbm>> -> memref<64x16xf32, #tpu.memory_space<hbm>>
      tpu.enqueue_dma source(%dma_start3A_91 : memref<64x16xf32, #tpu.memory_space<hbm>>) target(%arg11 : memref<64x16xf32, #tpu.memory_space<vmem>>) target_semaphore(%run_scoped3A_87 : memref<!tpu.dma_semaphore, #tpu.memory_space<semaphore_mem>>)
      %dma_wait3A_92 = arith.constant 0 : i32
      %dma_wait3A_93 = tpu.memref_slice %arg4[%mul3A_2, %dma_wait3A_92] : memref<2048x16xf32, #tpu.memory_space<hbm>> -> memref<64x16xf32, #tpu.memory_space<hbm>>
      %dma_wait3A_94 = arith.constant 0 : i32
      %dma_wait3A_95 = tpu.memref_slice %arg4[%mul3A_2, %dma_wait3A_94] : memref<2048x16xf32, #tpu.memory_space<hbm>> -> memref<64x16xf32, #tpu.memory_space<hbm>>
      tpu.wait_dma2 semaphore(%run_scoped3A_87 : memref<!tpu.dma_semaphore, #tpu.memory_space<semaphore_mem>>) src(%dma_wait3A_95 : memref<64x16xf32, #tpu.memory_space<hbm>>) dst(%arg11 : memref<64x16xf32, #tpu.memory_space<vmem>>)
      tpu.yield
    }) : () -> ()
    "tpu.region"() ({
      %run_scoped3A_87 = tpu.sem_alloc : memref<!tpu.dma_semaphore, #tpu.memory_space<semaphore_mem>>
      %dma_start3A_88 = arith.constant 0 : i32
      %dma_start3A_89 = tpu.memref_slice %arg5[%mul3A_2, %dma_start3A_88] : memref<2048x16xf32, #tpu.memory_space<hbm>> -> memref<64x16xf32, #tpu.memory_space<hbm>>
      %dma_start3A_90 = arith.constant 0 : i32
      %dma_start3A_91 = tpu.memref_slice %arg5[%mul3A_2, %dma_start3A_90] : memref<2048x16xf32, #tpu.memory_space<hbm>> -> memref<64x16xf32, #tpu.memory_space<hbm>>
      tpu.enqueue_dma source(%dma_start3A_91 : memref<64x16xf32, #tpu.memory_space<hbm>>) target(%arg12 : memref<64x16xf32, #tpu.memory_space<vmem>>) target_semaphore(%run_scoped3A_87 : memref<!tpu.dma_semaphore, #tpu.memory_space<semaphore_mem>>)
      %dma_wait3A_92 = arith.constant 0 : i32
      %dma_wait3A_93 = tpu.memref_slice %arg5[%mul3A_2, %dma_wait3A_92] : memref<2048x16xf32, #tpu.memory_space<hbm>> -> memref<64x16xf32, #tpu.memory_space<hbm>>
      %dma_wait3A_94 = arith.constant 0 : i32
      %dma_wait3A_95 = tpu.memref_slice %arg5[%mul3A_2, %dma_wait3A_94] : memref<2048x16xf32, #tpu.memory_space<hbm>> -> memref<64x16xf32, #tpu.memory_space<hbm>>
      tpu.wait_dma2 semaphore(%run_scoped3A_87 : memref<!tpu.dma_semaphore, #tpu.memory_space<semaphore_mem>>) src(%dma_wait3A_95 : memref<64x16xf32, #tpu.memory_space<hbm>>) dst(%arg12 : memref<64x16xf32, #tpu.memory_space<vmem>>)
      tpu.yield
    }) : () -> ()
    %dma_start3A = arith.constant 0 : i32
    %dma_start3A_18 = arith.constant 0 : i32
    %dma_start3A_19 = tpu.memref_slice %arg7[%dma_start3A, %dma_start3A_18] : memref<4x32xi32, #tpu.memory_space<vmem>> -> memref<1x32xi32, #tpu.memory_space<vmem>>
    %dma_start3A_20 = tpu.memref_squeeze %dma_start3A_19 : memref<1x32xi32, #tpu.memory_space<vmem>> -> memref<32xi32, #tpu.memory_space<vmem>>
    %dma_start3A_21 = arith.constant 0 : i32
    %dma_start3A_22 = arith.constant 0 : i32
    %dma_start3A_23 = tpu.memref_slice %arg3[%dma_start3A_21, %dma_start3A_22] : memref<8192x1024xf32, #tpu.memory_space<hbm>> -> memref<8192x1024xf32, #tpu.memory_space<hbm>>
    tpu.enqueue_indirect_dma source(%dma_start3A_23 : memref<8192x1024xf32, #tpu.memory_space<hbm>>) target(%arg8 : memref<32x1024xf32, #tpu.memory_space<vmem>>) offsets(%dma_start3A_20 : memref<32xi32, #tpu.memory_space<vmem>>) semaphore(%arg13 : memref<!tpu.dma_semaphore, #tpu.memory_space<semaphore_mem>>)
    %dma_wait3A = arith.constant 0 : i32
    %dma_wait3A_24 = arith.constant 0 : i32
    %dma_wait3A_25 = tpu.memref_slice %arg7[%dma_wait3A, %dma_wait3A_24] : memref<4x32xi32, #tpu.memory_space<vmem>> -> memref<1x32xi32, #tpu.memory_space<vmem>>
    %dma_wait3A_26 = tpu.memref_squeeze %dma_wait3A_25 : memref<1x32xi32, #tpu.memory_space<vmem>> -> memref<32xi32, #tpu.memory_space<vmem>>
    %dma_wait3A_27 = arith.constant 0 : i32
    %dma_wait3A_28 = arith.constant 0 : i32
    %dma_wait3A_29 = tpu.memref_slice %arg3[%dma_wait3A_27, %dma_wait3A_28] : memref<8192x1024xf32, #tpu.memory_space<hbm>> -> memref<8192x1024xf32, #tpu.memory_space<hbm>>
    tpu.wait_indirect_dma semaphore(%arg13 : memref<!tpu.dma_semaphore, #tpu.memory_space<semaphore_mem>>) src(%dma_wait3A_29 : memref<8192x1024xf32, #tpu.memory_space<hbm>>) dst(%arg8 : memref<32x1024xf32, #tpu.memory_space<vmem>>)
    %dma_start3A_30 = arith.constant 2 : i32
    %dma_start3A_31 = arith.constant 0 : i32
    %dma_start3A_32 = tpu.memref_slice %arg7[%dma_start3A_30, %dma_start3A_31] : memref<4x32xi32, #tpu.memory_space<vmem>> -> memref<1x32xi32, #tpu.memory_space<vmem>>
    %dma_start3A_33 = tpu.memref_squeeze %dma_start3A_32 : memref<1x32xi32, #tpu.memory_space<vmem>> -> memref<32xi32, #tpu.memory_space<vmem>>
    %dma_start3A_34 = arith.constant 0 : i32
    %dma_start3A_35 = arith.constant 0 : i32
    %dma_start3A_36 = tpu.memref_slice %arg3[%dma_start3A_34, %dma_start3A_35] : memref<8192x1024xf32, #tpu.memory_space<hbm>> -> memref<8192x1024xf32, #tpu.memory_space<hbm>>
    tpu.enqueue_indirect_dma source(%dma_start3A_36 : memref<8192x1024xf32, #tpu.memory_space<hbm>>) target(%arg9 : memref<32x1024xf32, #tpu.memory_space<vmem>>) offsets(%dma_start3A_33 : memref<32xi32, #tpu.memory_space<vmem>>) semaphore(%arg14 : memref<!tpu.dma_semaphore, #tpu.memory_space<semaphore_mem>>)
    %dma_wait3A_37 = arith.constant 2 : i32
    %dma_wait3A_38 = arith.constant 0 : i32
    %dma_wait3A_39 = tpu.memref_slice %arg7[%dma_wait3A_37, %dma_wait3A_38] : memref<4x32xi32, #tpu.memory_space<vmem>> -> memref<1x32xi32, #tpu.memory_space<vmem>>
    %dma_wait3A_40 = tpu.memref_squeeze %dma_wait3A_39 : memref<1x32xi32, #tpu.memory_space<vmem>> -> memref<32xi32, #tpu.memory_space<vmem>>
    %dma_wait3A_41 = arith.constant 0 : i32
    %dma_wait3A_42 = arith.constant 0 : i32
    %dma_wait3A_43 = tpu.memref_slice %arg3[%dma_wait3A_41, %dma_wait3A_42] : memref<8192x1024xf32, #tpu.memory_space<hbm>> -> memref<8192x1024xf32, #tpu.memory_space<hbm>>
    tpu.wait_indirect_dma semaphore(%arg14 : memref<!tpu.dma_semaphore, #tpu.memory_space<semaphore_mem>>) src(%dma_wait3A_43 : memref<8192x1024xf32, #tpu.memory_space<hbm>>) dst(%arg9 : memref<32x1024xf32, #tpu.memory_space<vmem>>)
    %scan3A = arith.constant 0 : i32
    %scan3A_44 = arith.constant 0 : i32
    %scan3A_45 = arith.constant 32 : i32
    %scan3A_46 = arith.addi %scan3A_44, %scan3A_45 : i32
    %scan3A_47 = arith.constant 1 : i32
    scf.for %scan3A_87 = %scan3A_44 to %scan3A_46 step %scan3A_47  : i32 {
      %add3A_88 = arith.constant 0 : i32
      %add3A_89 = arith.addi %add3A_88, %scan3A_87 : i32
      %get3A = arith.index_cast %add3A_89 : i32 to index
      %get3A_90 = arith.constant 0 : index
      %get3A_91 = tpu.vector_load %arg11[%get3A, %get3A_90] {strides = array<i32>} : memref<64x16xf32, #tpu.memory_space<vmem>>, vector<1x16xf32>,
      %get3A_92 = vector.shape_cast %get3A_91 : vector<1x16xf32> to vector<16xf32>
      %add3A_93 = arith.constant 0 : i32
      %add3A_94 = arith.addi %add3A_93, %scan3A_87 : i32
      %get3A_95 = arith.index_cast %add3A_94 : i32 to index
      %get3A_96 = arith.constant 0 : index
      %get3A_97 = tpu.vector_load %arg12[%get3A_95, %get3A_96] {strides = array<i32>} : memref<64x16xf32, #tpu.memory_space<vmem>>, vector<1x16xf32>,
      %get3A_98 = vector.shape_cast %get3A_97 : vector<1x16xf32> to vector<16xf32>
      %get3A_99 = arith.index_cast %scan3A_87 : i32 to index
      %get3A_100 = arith.constant 0 : index
      %get3A_101 = tpu.vector_load %arg8[%get3A_99, %get3A_100] {strides = array<i32>} : memref<32x1024xf32, #tpu.memory_space<vmem>>, vector<1x16xf32>,
      %get3A_102 = vector.shape_cast %get3A_101 : vector<1x16xf32> to vector<16xf32>
      %get3A_103 = arith.index_cast %scan3A_87 : i32 to index
      %get3A_104 = arith.constant 0 : index
      %get3A_105 = tpu.vector_load %arg9[%get3A_103, %get3A_104] {strides = array<i32>} : memref<32x1024xf32, #tpu.memory_space<vmem>>, vector<1x16xf32>,
      %get3A_106 = vector.shape_cast %get3A_105 : vector<1x16xf32> to vector<16xf32>
      %mul3A_107 = arith.mulf %get3A_102, %get3A_92 : vector<16xf32>
      %mul3A_108 = arith.mulf %get3A_106, %get3A_98 : vector<16xf32>
      %add3A_109 = arith.addf %mul3A_107, %mul3A_108 : vector<16xf32>
      %swap3A = arith.index_cast %scan3A_87 : i32 to index
      %swap3A_110 = arith.constant 0 : index
      %swap3A_111 = tpu.vector_load %arg10[%swap3A, %swap3A_110] {strides = array<i32>} : memref<32x1024xf32, #tpu.memory_space<vmem>>, vector<1x16xf32>,
      %swap3A_112 = vector.shape_cast %swap3A_111 : vector<1x16xf32> to vector<16xf32>
      %swap3A_113 = vector.shape_cast %add3A_109 : vector<16xf32> to vector<1x16xf32>
      tpu.vector_store %arg10[%swap3A, %swap3A_110], %swap3A_113 {strides = array<i32>} : memref<32x1024xf32, #tpu.memory_space<vmem>>, vector<1x16xf32>,
      %get3A_114 = arith.index_cast %scan3A_87 : i32 to index
      %get3A_115 = arith.constant 16 : index
      %get3A_116 = tpu.vector_load %arg8[%get3A_114, %get3A_115] {strides = array<i32>} : memref<32x1024xf32, #tpu.memory_space<vmem>>, vector<1x16xf32>,
      %get3A_117 = vector.shape_cast %get3A_116 : vector<1x16xf32> to vector<16xf32>
      %get3A_118 = arith.index_cast %scan3A_87 : i32 to index
      %get3A_119 = arith.constant 16 : index
      %get3A_120 = tpu.vector_load %arg9[%get3A_118, %get3A_119] {strides = array<i32>} : memref<32x1024xf32, #tpu.memory_space<vmem>>, vector<1x16xf32>,
      %get3A_121 = vector.shape_cast %get3A_120 : vector<1x16xf32> to vector<16xf32>
      %mul3A_122 = arith.mulf %get3A_117, %get3A_92 : vector<16xf32>
      %mul3A_123 = arith.mulf %get3A_121, %get3A_98 : vector<16xf32>
      %add3A_124 = arith.addf %mul3A_122, %mul3A_123 : vector<16xf32>
      %swap3A_125 = arith.index_cast %scan3A_87 : i32 to index
      %swap3A_126 = arith.constant 16 : index
      %swap3A_127 = tpu.vector_load %arg10[%swap3A_125, %swap3A_126] {strides = array<i32>} : memref<32x1024xf32, #tpu.memory_space<vmem>>, vector<1x16xf32>,
      %swap3A_128 = vector.shape_cast %swap3A_127 : vector<1x16xf32> to vector<16xf32>
      %swap3A_129 = vector.shape_cast %add3A_124 : vector<16xf32> to vector<1x16xf32>
      tpu.vector_store %arg10[%swap3A_125, %swap3A_126], %swap3A_129 {strides = array<i32>} : memref<32x1024xf32, #tpu.memory_space<vmem>>, vector<1x16xf32>,
      %get3A_130 = arith.index_cast %scan3A_87 : i32 to index
      %get3A_131 = arith.constant 32 : index
      %get3A_132 = tpu.vector_load %arg8[%get3A_130, %get3A_131] {strides = array<i32>} : memref<32x1024xf32, #tpu.memory_space<vmem>>, vector<1x16xf32>,
      %get3A_133 = vector.shape_cast %get3A_132 : vector<1x16xf32> to vector<16xf32>
      %get3A_134 = arith.index_cast %scan3A_87 : i32 to index
      %get3A_135 = arith.constant 32 : index
      %get3A_136 = tpu.vector_load %arg9[%get3A_134, %get3A_135] {strides = array<i32>} : memref<32x1024xf32, #tpu.memory_space<vmem>>, vector<1x16xf32>,
      %get3A_137 = vector.shape_cast %get3A_136 : vector<1x16xf32> to vector<16xf32>
      %mul3A_138 = arith.mulf %get3A_133, %get3A_92 : vector<16xf32>
      %mul3A_139 = arith.mulf %get3A_137, %get3A_98 : vector<16xf32>
      %add3A_140 = arith.addf %mul3A_138, %mul3A_139 : vector<16xf32>
      %swap3A_141 = arith.index_cast %scan3A_87 : i32 to index
      %swap3A_142 = arith.constant 32 : index
      %swap3A_143 = tpu.vector_load %arg10[%swap3A_141, %swap3A_142] {strides = array<i32>} : memref<32x1024xf32, #tpu.memory_space<vmem>>, vector<1x16xf32>,
      %swap3A_144 = vector.shape_cast %swap3A_143 : vector<1x16xf32> to vector<16xf32>
      %swap3A_145 = vector.shape_cast %add3A_140 : vector<16xf32> to vector<1x16xf32>
      tpu.vector_store %arg10[%swap3A_141, %swap3A_142], %swap3A_145 {strides = array<i32>} : memref<32x1024xf32, #tpu.memory_space<vmem>>, vector<1x16xf32>,
      %get3A_146 = arith.index_cast %scan3A_87 : i32 to index
      %get3A_147 = arith.constant 48 : index
      %get3A_148 = tpu.vector_load %arg8[%get3A_146, %get3A_147] {strides = array<i32>} : memref<32x1024xf32, #tpu.memory_space<vmem>>, vector<1x16xf32>,
      %get3A_149 = vector.shape_cast %get3A_148 : vector<1x16xf32> to vector<16xf32>
      %get3A_150 = arith.index_cast %scan3A_87 : i32 to index
      %get3A_151 = arith.constant 48 : index
      %get3A_152 = tpu.vector_load %arg9[%get3A_150, %get3A_151] {strides = array<i32>} : memref<32x1024xf32, #tpu.memory_space<vmem>>, vector<1x16xf32>,
      %get3A_153 = vector.shape_cast %get3A_152 : vector<1x16xf32> to vector<16xf32>
      %mul3A_154 = arith.mulf %get3A_149, %get3A_92 : vector<16xf32>
      %mul3A_155 = arith.mulf %get3A_153, %get3A_98 : vector<16xf32>
      %add3A_156 = arith.addf %mul3A_154, %mul3A_155 : vector<16xf32>
      %swap3A_157 = arith.index_cast %scan3A_87 : i32 to index
      %swap3A_158 = arith.constant 48 : index
      %swap3A_159 = tpu.vector_load %arg10[%swap3A_157, %swap3A_158] {strides = array<i32>} : memref<32x1024xf32, #tpu.memory_space<vmem>>, vector<1x16xf32>,
      %swap3A_160 = vector.shape_cast %swap3A_159 : vector<1x16xf32> to vector<16xf32>
      %swap3A_161 = vector.shape_cast %add3A_156 : vector<16xf32> to vector<1x16xf32>
      tpu.vector_store %arg10[%swap3A_157, %swap3A_158], %swap3A_161 {strides = array<i32>} : memref<32x1024xf32, #tpu.memory_space<vmem>>, vector<1x16xf32>,
      %get3A_162 = arith.index_cast %scan3A_87 : i32 to index
      %get3A_163 = arith.constant 64 : index
      %get3A_164 = tpu.vector_load %arg8[%get3A_162, %get3A_163] {strides = array<i32>} : memref<32x1024xf32, #tpu.memory_space<vmem>>, vector<1x16xf32>,
      %get3A_165 = vector.shape_cast %get3A_164 : vector<1x16xf32> to vector<16xf32>
      %get3A_166 = arith.index_cast %scan3A_87 : i32 to index
      %get3A_167 = arith.constant 64 : index
      %get3A_168 = tpu.vector_load %arg9[%get3A_166, %get3A_167] {strides = array<i32>} : memref<32x1024xf32, #tpu.memory_space<vmem>>, vector<1x16xf32>,
      %get3A_169 = vector.shape_cast %get3A_168 : vector<1x16xf32> to vector<16xf32>
      %mul3A_170 = arith.mulf %get3A_165, %get3A_92 : vector<16xf32>
      %mul3A_171 = arith.mulf %get3A_169, %get3A_98 : vector<16xf32>
      %add3A_172 = arith.addf %mul3A_170, %mul3A_171 : vector<16xf32>
      %swap3A_173 = arith.index_cast %scan3A_87 : i32 to index
      %swap3A_174 = arith.constant 64 : index
      %swap3A_175 = tpu.vector_load %arg10[%swap3A_173, %swap3A_174] {strides = array<i32>} : memref<32x1024xf32, #tpu.memory_space<vmem>>, vector<1x16xf32>,
      %swap3A_176 = vector.shape_cast %swap3A_175 : vector<1x16xf32> to vector<16xf32>
      %swap3A_177 = vector.shape_cast %add3A_172 : vector<16xf32> to vector<1x16xf32>
      tpu.vector_store %arg10[%swap3A_173, %swap3A_174], %swap3A_177 {strides = array<i32>} : memref<32x1024xf32, #tpu.memory_space<vmem>>, vector<1x16xf32>,
      %get3A_178 = arith.index_cast %scan3A_87 : i32 to index
      %get3A_179 = arith.constant 80 : index
      %get3A_180 = tpu.vector_load %arg8[%get3A_178, %get3A_179] {strides = array<i32>} : memref<32x1024xf32, #tpu.memory_space<vmem>>, vector<1x16xf32>,
      %get3A_181 = vector.shape_cast %get3A_180 : vector<1x16xf32> to vector<16xf32>
      %get3A_182 = arith.index_cast %scan3A_87 : i32 to index
      %get3A_183 = arith.constant 80 : index
      %get3A_184 = tpu.vector_load %arg9[%get3A_182, %get3A_183] {strides = array<i32>} : memref<32x1024xf32, #tpu.memory_space<vmem>>, vector<1x16xf32>,
      %get3A_185 = vector.shape_cast %get3A_184 : vector<1x16xf32> to vector<16xf32>
      %mul3A_186 = arith.mulf %get3A_181, %get3A_92 : vector<16xf32>
      %mul3A_187 = arith.mulf %get3A_185, %get3A_98 : vector<16xf32>
      %add3A_188 = arith.addf %mul3A_186, %mul3A_187 : vector<16xf32>
      %swap3A_189 = arith.index_cast %scan3A_87 : i32 to index
      %swap3A_190 = arith.constant 80 : index
      %swap3A_191 = tpu.vector_load %arg10[%swap3A_189, %swap3A_190] {strides = array<i32>} : memref<32x1024xf32, #tpu.memory_space<vmem>>, vector<1x16xf32>,
      %swap3A_192 = vector.shape_cast %swap3A_191 : vector<1x16xf32> to vector<16xf32>
      %swap3A_193 = vector.shape_cast %add3A_188 : vector<16xf32> to vector<1x16xf32>
      tpu.vector_store %arg10[%swap3A_189, %swap3A_190], %swap3A_193 {strides = array<i32>} : memref<32x1024xf32, #tpu.memory_space<vmem>>, vector<1x16xf32>,
      %get3A_194 = arith.index_cast %scan3A_87 : i32 to index
      %get3A_195 = arith.constant 96 : index
      %get3A_196 = tpu.vector_load %arg8[%get3A_194, %get3A_195] {strides = array<i32>} : memref<32x1024xf32, #tpu.memory_space<vmem>>, vector<1x16xf32>,
      %get3A_197 = vector.shape_cast %get3A_196 : vector<1x16xf32> to vector<16xf32>
      %get3A_198 = arith.index_cast %scan3A_87 : i32 to index
      %get3A_199 = arith.constant 96 : index
      %get3A_200 = tpu.vector_load %arg9[%get3A_198, %get3A_199] {strides = array<i32>} : memref<32x1024xf32, #tpu.memory_space<vmem>>, vector<1x16xf32>,
      %get3A_201 = vector.shape_cast %get3A_200 : vector<1x16xf32> to vector<16xf32>
      %mul3A_202 = arith.mulf %get3A_197, %get3A_92 : vector<16xf32>
      %mul3A_203 = arith.mulf %get3A_201, %get3A_98 : vector<16xf32>
      %add3A_204 = arith.addf %mul3A_202, %mul3A_203 : vector<16xf32>
      %swap3A_205 = arith.index_cast %scan3A_87 : i32 to index
      %swap3A_206 = arith.constant 96 : index
      %swap3A_207 = tpu.vector_load %arg10[%swap3A_205, %swap3A_206] {strides = array<i32>} : memref<32x1024xf32, #tpu.memory_space<vmem>>, vector<1x16xf32>,
      %swap3A_208 = vector.shape_cast %swap3A_207 : vector<1x16xf32> to vector<16xf32>
      %swap3A_209 = vector.shape_cast %add3A_204 : vector<16xf32> to vector<1x16xf32>
      tpu.vector_store %arg10[%swap3A_205, %swap3A_206], %swap3A_209 {strides = array<i32>} : memref<32x1024xf32, #tpu.memory_space<vmem>>, vector<1x16xf32>,
      %get3A_210 = arith.index_cast %scan3A_87 : i32 to index
      %get3A_211 = arith.constant 112 : index
      %get3A_212 = tpu.vector_load %arg8[%get3A_210, %get3A_211] {strides = array<i32>} : memref<32x1024xf32, #tpu.memory_space<vmem>>, vector<1x16xf32>,
      %get3A_213 = vector.shape_cast %get3A_212 : vector<1x16xf32> to vector<16xf32>
      %get3A_214 = arith.index_cast %scan3A_87 : i32 to index
      %get3A_215 = arith.constant 112 : index
      %get3A_216 = tpu.vector_load %arg9[%get3A_214, %get3A_215] {strides = array<i32>} : memref<32x1024xf32, #tpu.memory_space<vmem>>, vector<1x16xf32>,
      %get3A_217 = vector.shape_cast %get3A_216 : vector<1x16xf32> to vector<16xf32>
      %mul3A_218 = arith.mulf %get3A_213, %get3A_92 : vector<16xf32>
      %mul3A_219 = arith.mulf %get3A_217, %get3A_98 : vector<16xf32>
      %add3A_220 = arith.addf %mul3A_218, %mul3A_219 : vector<16xf32>
      %swap3A_221 = arith.index_cast %scan3A_87 : i32 to index
      %swap3A_222 = arith.constant 112 : index
      %swap3A_223 = tpu.vector_load %arg10[%swap3A_221, %swap3A_222] {strides = array<i32>} : memref<32x1024xf32, #tpu.memory_space<vmem>>, vector<1x16xf32>,
      %swap3A_224 = vector.shape_cast %swap3A_223 : vector<1x16xf32> to vector<16xf32>
      %swap3A_225 = vector.shape_cast %add3A_220 : vector<16xf32> to vector<1x16xf32>
      tpu.vector_store %arg10[%swap3A_221, %swap3A_222], %swap3A_225 {strides = array<i32>} : memref<32x1024xf32, #tpu.memory_space<vmem>>, vector<1x16xf32>,
      %get3A_226 = arith.index_cast %scan3A_87 : i32 to index
      %get3A_227 = arith.constant 128 : index
      %get3A_228 = tpu.vector_load %arg8[%get3A_226, %get3A_227] {strides = array<i32>} : memref<32x1024xf32, #tpu.memory_space<vmem>>, vector<1x16xf32>,
      %get3A_229 = vector.shape_cast %get3A_228 : vector<1x16xf32> to vector<16xf32>
      %get3A_230 = arith.index_cast %scan3A_87 : i32 to index
      %get3A_231 = arith.constant 128 : index
      %get3A_232 = tpu.vector_load %arg9[%get3A_230, %get3A_231] {strides = array<i32>} : memref<32x1024xf32, #tpu.memory_space<vmem>>, vector<1x16xf32>,
      %get3A_233 = vector.shape_cast %get3A_232 : vector<1x16xf32> to vector<16xf32>
      %mul3A_234 = arith.mulf %get3A_229, %get3A_92 : vector<16xf32>
      %mul3A_235 = arith.mulf %get3A_233, %get3A_98 : vector<16xf32>
      %add3A_236 = arith.addf %mul3A_234, %mul3A_235 : vector<16xf32>
      %swap3A_237 = arith.index_cast %scan3A_87 : i32 to index
      %swap3A_238 = arith.constant 128 : index
      %swap3A_239 = tpu.vector_load %arg10[%swap3A_237, %swap3A_238] {strides = array<i32>} : memref<32x1024xf32, #tpu.memory_space<vmem>>, vector<1x16xf32>,
      %swap3A_240 = vector.shape_cast %swap3A_239 : vector<1x16xf32> to vector<16xf32>
      %swap3A_241 = vector.shape_cast %add3A_236 : vector<16xf32> to vector<1x16xf32>
      tpu.vector_store %arg10[%swap3A_237, %swap3A_238], %swap3A_241 {strides = array<i32>} : memref<32x1024xf32, #tpu.memory_space<vmem>>, vector<1x16xf32>,
      %get3A_242 = arith.index_cast %scan3A_87 : i32 to index
      %get3A_243 = arith.constant 144 : index
      %get3A_244 = tpu.vector_load %arg8[%get3A_242, %get3A_243] {strides = array<i32>} : memref<32x1024xf32, #tpu.memory_space<vmem>>, vector<1x16xf32>,
      %get3A_245 = vector.shape_cast %get3A_244 : vector<1x16xf32> to vector<16xf32>
      %get3A_246 = arith.index_cast %scan3A_87 : i32 to index
      %get3A_247 = arith.constant 144 : index
      %get3A_248 = tpu.vector_load %arg9[%get3A_246, %get3A_247] {strides = array<i32>} : memref<32x1024xf32, #tpu.memory_space<vmem>>, vector<1x16xf32>,
      %get3A_249 = vector.shape_cast %get3A_248 : vector<1x16xf32> to vector<16xf32>
      %mul3A_250 = arith.mulf %get3A_245, %get3A_92 : vector<16xf32>
      %mul3A_251 = arith.mulf %get3A_249, %get3A_98 : vector<16xf32>
      %add3A_252 = arith.addf %mul3A_250, %mul3A_251 : vector<16xf32>
      %swap3A_253 = arith.index_cast %scan3A_87 : i32 to index
      %swap3A_254 = arith.constant 144 : index
      %swap3A_255 = tpu.vector_load %arg10[%swap3A_253, %swap3A_254] {strides = array<i32>} : memref<32x1024xf32, #tpu.memory_space<vmem>>, vector<1x16xf32>,
      %swap3A_256 = vector.shape_cast %swap3A_255 : vector<1x16xf32> to vector<16xf32>
      %swap3A_257 = vector.shape_cast %add3A_252 : vector<16xf32> to vector<1x16xf32>
      tpu.vector_store %arg10[%swap3A_253, %swap3A_254], %swap3A_257 {strides = array<i32>} : memref<32x1024xf32, #tpu.memory_space<vmem>>, vector<1x16xf32>,
      %get3A_258 = arith.index_cast %scan3A_87 : i32 to index
      %get3A_259 = arith.constant 160 : index
      %get3A_260 = tpu.vector_load %arg8[%get3A_258, %get3A_259] {strides = array<i32>} : memref<32x1024xf32, #tpu.memory_space<vmem>>, vector<1x16xf32>,
      %get3A_261 = vector.shape_cast %get3A_260 : vector<1x16xf32> to vector<16xf32>
      %get3A_262 = arith.index_cast %scan3A_87 : i32 to index
      %get3A_263 = arith.constant 160 : index
      %get3A_264 = tpu.vector_load %arg9[%get3A_262, %get3A_263] {strides = array<i32>} : memref<32x1024xf32, #tpu.memory_space<vmem>>, vector<1x16xf32>,
      %get3A_265 = vector.shape_cast %get3A_264 : vector<1x16xf32> to vector<16xf32>
      %mul3A_266 = arith.mulf %get3A_261, %get3A_92 : vector<16xf32>
      %mul3A_267 = arith.mulf %get3A_265, %get3A_98 : vector<16xf32>
      %add3A_268 = arith.addf %mul3A_266, %mul3A_267 : vector<16xf32>
      %swap3A_269 = arith.index_cast %scan3A_87 : i32 to index
      %swap3A_270 = arith.constant 160 : index
      %swap3A_271 = tpu.vector_load %arg10[%swap3A_269, %swap3A_270] {strides = array<i32>} : memref<32x1024xf32, #tpu.memory_space<vmem>>, vector<1x16xf32>,
      %swap3A_272 = vector.shape_cast %swap3A_271 : vector<1x16xf32> to vector<16xf32>
      %swap3A_273 = vector.shape_cast %add3A_268 : vector<16xf32> to vector<1x16xf32>
      tpu.vector_store %arg10[%swap3A_269, %swap3A_270], %swap3A_273 {strides = array<i32>} : memref<32x1024xf32, #tpu.memory_space<vmem>>, vector<1x16xf32>,
      %get3A_274 = arith.index_cast %scan3A_87 : i32 to index
      %get3A_275 = arith.constant 176 : index
      %get3A_276 = tpu.vector_load %arg8[%get3A_274, %get3A_275] {strides = array<i32>} : memref<32x1024xf32, #tpu.memory_space<vmem>>, vector<1x16xf32>,
      %get3A_277 = vector.shape_cast %get3A_276 : vector<1x16xf32> to vector<16xf32>
      %get3A_278 = arith.index_cast %scan3A_87 : i32 to index
      %get3A_279 = arith.constant 176 : index
      %get3A_280 = tpu.vector_load %arg9[%get3A_278, %get3A_279] {strides = array<i32>} : memref<32x1024xf32, #tpu.memory_space<vmem>>, vector<1x16xf32>,
      %get3A_281 = vector.shape_cast %get3A_280 : vector<1x16xf32> to vector<16xf32>
      %mul3A_282 = arith.mulf %get3A_277, %get3A_92 : vector<16xf32>
      %mul3A_283 = arith.mulf %get3A_281, %get3A_98 : vector<16xf32>
      %add3A_284 = arith.addf %mul3A_282, %mul3A_283 : vector<16xf32>
      %swap3A_285 = arith.index_cast %scan3A_87 : i32 to index
      %swap3A_286 = arith.constant 176 : index
      %swap3A_287 = tpu.vector_load %arg10[%swap3A_285, %swap3A_286] {strides = array<i32>} : memref<32x1024xf32, #tpu.memory_space<vmem>>, vector<1x16xf32>,
      %swap3A_288 = vector.shape_cast %swap3A_287 : vector<1x16xf32> to vector<16xf32>
      %swap3A_289 = vector.shape_cast %add3A_284 : vector<16xf32> to vector<1x16xf32>
      tpu.vector_store %arg10[%swap3A_285, %swap3A_286], %swap3A_289 {strides = array<i32>} : memref<32x1024xf32, #tpu.memory_space<vmem>>, vector<1x16xf32>,
      %get3A_290 = arith.index_cast %scan3A_87 : i32 to index
      %get3A_291 = arith.constant 192 : index
      %get3A_292 = tpu.vector_load %arg8[%get3A_290, %get3A_291] {strides = array<i32>} : memref<32x1024xf32, #tpu.memory_space<vmem>>, vector<1x16xf32>,
      %get3A_293 = vector.shape_cast %get3A_292 : vector<1x16xf32> to vector<16xf32>
      %get3A_294 = arith.index_cast %scan3A_87 : i32 to index
      %get3A_295 = arith.constant 192 : index
      %get3A_296 = tpu.vector_load %arg9[%get3A_294, %get3A_295] {strides = array<i32>} : memref<32x1024xf32, #tpu.memory_space<vmem>>, vector<1x16xf32>,
      %get3A_297 = vector.shape_cast %get3A_296 : vector<1x16xf32> to vector<16xf32>
      %mul3A_298 = arith.mulf %get3A_293, %get3A_92 : vector<16xf32>
      %mul3A_299 = arith.mulf %get3A_297, %get3A_98 : vector<16xf32>
      %add3A_300 = arith.addf %mul3A_298, %mul3A_299 : vector<16xf32>
      %swap3A_301 = arith.index_cast %scan3A_87 : i32 to index
      %swap3A_302 = arith.constant 192 : index
      %swap3A_303 = tpu.vector_load %arg10[%swap3A_301, %swap3A_302] {strides = array<i32>} : memref<32x1024xf32, #tpu.memory_space<vmem>>, vector<1x16xf32>,
      %swap3A_304 = vector.shape_cast %swap3A_303 : vector<1x16xf32> to vector<16xf32>
      %swap3A_305 = vector.shape_cast %add3A_300 : vector<16xf32> to vector<1x16xf32>
      tpu.vector_store %arg10[%swap3A_301, %swap3A_302], %swap3A_305 {strides = array<i32>} : memref<32x1024xf32, #tpu.memory_space<vmem>>, vector<1x16xf32>,
      %get3A_306 = arith.index_cast %scan3A_87 : i32 to index
      %get3A_307 = arith.constant 208 : index
      %get3A_308 = tpu.vector_load %arg8[%get3A_306, %get3A_307] {strides = array<i32>} : memref<32x1024xf32, #tpu.memory_space<vmem>>, vector<1x16xf32>,
      %get3A_309 = vector.shape_cast %get3A_308 : vector<1x16xf32> to vector<16xf32>
      %get3A_310 = arith.index_cast %scan3A_87 : i32 to index
      %get3A_311 = arith.constant 208 : index
      %get3A_312 = tpu.vector_load %arg9[%get3A_310, %get3A_311] {strides = array<i32>} : memref<32x1024xf32, #tpu.memory_space<vmem>>, vector<1x16xf32>,
      %get3A_313 = vector.shape_cast %get3A_312 : vector<1x16xf32> to vector<16xf32>
      %mul3A_314 = arith.mulf %get3A_309, %get3A_92 : vector<16xf32>
      %mul3A_315 = arith.mulf %get3A_313, %get3A_98 : vector<16xf32>
      %add3A_316 = arith.addf %mul3A_314, %mul3A_315 : vector<16xf32>
      %swap3A_317 = arith.index_cast %scan3A_87 : i32 to index
      %swap3A_318 = arith.constant 208 : index
      %swap3A_319 = tpu.vector_load %arg10[%swap3A_317, %swap3A_318] {strides = array<i32>} : memref<32x1024xf32, #tpu.memory_space<vmem>>, vector<1x16xf32>,
      %swap3A_320 = vector.shape_cast %swap3A_319 : vector<1x16xf32> to vector<16xf32>
      %swap3A_321 = vector.shape_cast %add3A_316 : vector<16xf32> to vector<1x16xf32>
      tpu.vector_store %arg10[%swap3A_317, %swap3A_318], %swap3A_321 {strides = array<i32>} : memref<32x1024xf32, #tpu.memory_space<vmem>>, vector<1x16xf32>,
      %get3A_322 = arith.index_cast %scan3A_87 : i32 to index
      %get3A_323 = arith.constant 224 : index
      %get3A_324 = tpu.vector_load %arg8[%get3A_322, %get3A_323] {strides = array<i32>} : memref<32x1024xf32, #tpu.memory_space<vmem>>, vector<1x16xf32>,
      %get3A_325 = vector.shape_cast %get3A_324 : vector<1x16xf32> to vector<16xf32>
      %get3A_326 = arith.index_cast %scan3A_87 : i32 to index
      %get3A_327 = arith.constant 224 : index
      %get3A_328 = tpu.vector_load %arg9[%get3A_326, %get3A_327] {strides = array<i32>} : memref<32x1024xf32, #tpu.memory_space<vmem>>, vector<1x16xf32>,
      %get3A_329 = vector.shape_cast %get3A_328 : vector<1x16xf32> to vector<16xf32>
      %mul3A_330 = arith.mulf %get3A_325, %get3A_92 : vector<16xf32>
      %mul3A_331 = arith.mulf %get3A_329, %get3A_98 : vector<16xf32>
      %add3A_332 = arith.addf %mul3A_330, %mul3A_331 : vector<16xf32>
      %swap3A_333 = arith.index_cast %scan3A_87 : i32 to index
      %swap3A_334 = arith.constant 224 : index
      %swap3A_335 = tpu.vector_load %arg10[%swap3A_333, %swap3A_334] {strides = array<i32>} : memref<32x1024xf32, #tpu.memory_space<vmem>>, vector<1x16xf32>,
      %swap3A_336 = vector.shape_cast %swap3A_335 : vector<1x16xf32> to vector<16xf32>
      %swap3A_337 = vector.shape_cast %add3A_332 : vector<16xf32> to vector<1x16xf32>
      tpu.vector_store %arg10[%swap3A_333, %swap3A_334], %swap3A_337 {strides = array<i32>} : memref<32x1024xf32, #tpu.memory_space<vmem>>, vector<1x16xf32>,
      %get3A_338 = arith.index_cast %scan3A_87 : i32 to index
      %get3A_339 = arith.constant 240 : index
      %get3A_340 = tpu.vector_load %arg8[%get3A_338, %get3A_339] {strides = array<i32>} : memref<32x1024xf32, #tpu.memory_space<vmem>>, vector<1x16xf32>,
      %get3A_341 = vector.shape_cast %get3A_340 : vector<1x16xf32> to vector<16xf32>
      %get3A_342 = arith.index_cast %scan3A_87 : i32 to index
      %get3A_343 = arith.constant 240 : index
      %get3A_344 = tpu.vector_load %arg9[%get3A_342, %get3A_343] {strides = array<i32>} : memref<32x1024xf32, #tpu.memory_space<vmem>>, vector<1x16xf32>,
      %get3A_345 = vector.shape_cast %get3A_344 : vector<1x16xf32> to vector<16xf32>
      %mul3A_346 = arith.mulf %get3A_341, %get3A_92 : vector<16xf32>
      %mul3A_347 = arith.mulf %get3A_345, %get3A_98 : vector<16xf32>
      %add3A_348 = arith.addf %mul3A_346, %mul3A_347 : vector<16xf32>
      %swap3A_349 = arith.index_cast %scan3A_87 : i32 to index
      %swap3A_350 = arith.constant 240 : index
      %swap3A_351 = tpu.vector_load %arg10[%swap3A_349, %swap3A_350] {strides = array<i32>} : memref<32x1024xf32, #tpu.memory_space<vmem>>, vector<1x16xf32>,
      %swap3A_352 = vector.shape_cast %swap3A_351 : vector<1x16xf32> to vector<16xf32>
      %swap3A_353 = vector.shape_cast %add3A_348 : vector<16xf32> to vector<1x16xf32>
      tpu.vector_store %arg10[%swap3A_349, %swap3A_350], %swap3A_353 {strides = array<i32>} : memref<32x1024xf32, #tpu.memory_space<vmem>>, vector<1x16xf32>,
      %get3A_354 = arith.index_cast %scan3A_87 : i32 to index
      %get3A_355 = arith.constant 256 : index
      %get3A_356 = tpu.vector_load %arg8[%get3A_354, %get3A_355] {strides = array<i32>} : memref<32x1024xf32, #tpu.memory_space<vmem>>, vector<1x16xf32>,
      %get3A_357 = vector.shape_cast %get3A_356 : vector<1x16xf32> to vector<16xf32>
      %get3A_358 = arith.index_cast %scan3A_87 : i32 to index
      %get3A_359 = arith.constant 256 : index
      %get3A_360 = tpu.vector_load %arg9[%get3A_358, %get3A_359] {strides = array<i32>} : memref<32x1024xf32, #tpu.memory_space<vmem>>, vector<1x16xf32>,
      %get3A_361 = vector.shape_cast %get3A_360 : vector<1x16xf32> to vector<16xf32>
      %mul3A_362 = arith.mulf %get3A_357, %get3A_92 : vector<16xf32>
      %mul3A_363 = arith.mulf %get3A_361, %get3A_98 : vector<16xf32>
      %add3A_364 = arith.addf %mul3A_362, %mul3A_363 : vector<16xf32>
      %swap3A_365 = arith.index_cast %scan3A_87 : i32 to index
      %swap3A_366 = arith.constant 256 : index
      %swap3A_367 = tpu.vector_load %arg10[%swap3A_365, %swap3A_366] {strides = array<i32>} : memref<32x1024xf32, #tpu.memory_space<vmem>>, vector<1x16xf32>,
      %swap3A_368 = vector.shape_cast %swap3A_367 : vector<1x16xf32> to vector<16xf32>
      %swap3A_369 = vector.shape_cast %add3A_364 : vector<16xf32> to vector<1x16xf32>
      tpu.vector_store %arg10[%swap3A_365, %swap3A_366], %swap3A_369 {strides = array<i32>} : memref<32x1024xf32, #tpu.memory_space<vmem>>, vector<1x16xf32>,
      %get3A_370 = arith.index_cast %scan3A_87 : i32 to index
      %get3A_371 = arith.constant 272 : index
      %get3A_372 = tpu.vector_load %arg8[%get3A_370, %get3A_371] {strides = array<i32>} : memref<32x1024xf32, #tpu.memory_space<vmem>>, vector<1x16xf32>,
      %get3A_373 = vector.shape_cast %get3A_372 : vector<1x16xf32> to vector<16xf32>
      %get3A_374 = arith.index_cast %scan3A_87 : i32 to index
      %get3A_375 = arith.constant 272 : index
      %get3A_376 = tpu.vector_load %arg9[%get3A_374, %get3A_375] {strides = array<i32>} : memref<32x1024xf32, #tpu.memory_space<vmem>>, vector<1x16xf32>,
      %get3A_377 = vector.shape_cast %get3A_376 : vector<1x16xf32> to vector<16xf32>
      %mul3A_378 = arith.mulf %get3A_373, %get3A_92 : vector<16xf32>
      %mul3A_379 = arith.mulf %get3A_377, %get3A_98 : vector<16xf32>
      %add3A_380 = arith.addf %mul3A_378, %mul3A_379 : vector<16xf32>
      %swap3A_381 = arith.index_cast %scan3A_87 : i32 to index
      %swap3A_382 = arith.constant 272 : index
      %swap3A_383 = tpu.vector_load %arg10[%swap3A_381, %swap3A_382] {strides = array<i32>} : memref<32x1024xf32, #tpu.memory_space<vmem>>, vector<1x16xf32>,
      %swap3A_384 = vector.shape_cast %swap3A_383 : vector<1x16xf32> to vector<16xf32>
      %swap3A_385 = vector.shape_cast %add3A_380 : vector<16xf32> to vector<1x16xf32>
      tpu.vector_store %arg10[%swap3A_381, %swap3A_382], %swap3A_385 {strides = array<i32>} : memref<32x1024xf32, #tpu.memory_space<vmem>>, vector<1x16xf32>,
      %get3A_386 = arith.index_cast %scan3A_87 : i32 to index
      %get3A_387 = arith.constant 288 : index
      %get3A_388 = tpu.vector_load %arg8[%get3A_386, %get3A_387] {strides = array<i32>} : memref<32x1024xf32, #tpu.memory_space<vmem>>, vector<1x16xf32>,
      %get3A_389 = vector.shape_cast %get3A_388 : vector<1x16xf32> to vector<16xf32>
      %get3A_390 = arith.index_cast %scan3A_87 : i32 to index
      %get3A_391 = arith.constant 288 : index
      %get3A_392 = tpu.vector_load %arg9[%get3A_390, %get3A_391] {strides = array<i32>} : memref<32x1024xf32, #tpu.memory_space<vmem>>, vector<1x16xf32>,
      %get3A_393 = vector.shape_cast %get3A_392 : vector<1x16xf32> to vector<16xf32>
      %mul3A_394 = arith.mulf %get3A_389, %get3A_92 : vector<16xf32>
      %mul3A_395 = arith.mulf %get3A_393, %get3A_98 : vector<16xf32>
      %add3A_396 = arith.addf %mul3A_394, %mul3A_395 : vector<16xf32>
      %swap3A_397 = arith.index_cast %scan3A_87 : i32 to index
      %swap3A_398 = arith.constant 288 : index
      %swap3A_399 = tpu.vector_load %arg10[%swap3A_397, %swap3A_398] {strides = array<i32>} : memref<32x1024xf32, #tpu.memory_space<vmem>>, vector<1x16xf32>,
      %swap3A_400 = vector.shape_cast %swap3A_399 : vector<1x16xf32> to vector<16xf32>
      %swap3A_401 = vector.shape_cast %add3A_396 : vector<16xf32> to vector<1x16xf32>
      tpu.vector_store %arg10[%swap3A_397, %swap3A_398], %swap3A_401 {strides = array<i32>} : memref<32x1024xf32, #tpu.memory_space<vmem>>, vector<1x16xf32>,
      %get3A_402 = arith.index_cast %scan3A_87 : i32 to index
      %get3A_403 = arith.constant 304 : index
      %get3A_404 = tpu.vector_load %arg8[%get3A_402, %get3A_403] {strides = array<i32>} : memref<32x1024xf32, #tpu.memory_space<vmem>>, vector<1x16xf32>,
      %get3A_405 = vector.shape_cast %get3A_404 : vector<1x16xf32> to vector<16xf32>
      %get3A_406 = arith.index_cast %scan3A_87 : i32 to index
      %get3A_407 = arith.constant 304 : index
      %get3A_408 = tpu.vector_load %arg9[%get3A_406, %get3A_407] {strides = array<i32>} : memref<32x1024xf32, #tpu.memory_space<vmem>>, vector<1x16xf32>,
      %get3A_409 = vector.shape_cast %get3A_408 : vector<1x16xf32> to vector<16xf32>
      %mul3A_410 = arith.mulf %get3A_405, %get3A_92 : vector<16xf32>
      %mul3A_411 = arith.mulf %get3A_409, %get3A_98 : vector<16xf32>
      %add3A_412 = arith.addf %mul3A_410, %mul3A_411 : vector<16xf32>
      %swap3A_413 = arith.index_cast %scan3A_87 : i32 to index
      %swap3A_414 = arith.constant 304 : index
      %swap3A_415 = tpu.vector_load %arg10[%swap3A_413, %swap3A_414] {strides = array<i32>} : memref<32x1024xf32, #tpu.memory_space<vmem>>, vector<1x16xf32>,
      %swap3A_416 = vector.shape_cast %swap3A_415 : vector<1x16xf32> to vector<16xf32>
      %swap3A_417 = vector.shape_cast %add3A_412 : vector<16xf32> to vector<1x16xf32>
      tpu.vector_store %arg10[%swap3A_413, %swap3A_414], %swap3A_417 {strides = array<i32>} : memref<32x1024xf32, #tpu.memory_space<vmem>>, vector<1x16xf32>,
      %get3A_418 = arith.index_cast %scan3A_87 : i32 to index
      %get3A_419 = arith.constant 320 : index
      %get3A_420 = tpu.vector_load %arg8[%get3A_418, %get3A_419] {strides = array<i32>} : memref<32x1024xf32, #tpu.memory_space<vmem>>, vector<1x16xf32>,
      %get3A_421 = vector.shape_cast %get3A_420 : vector<1x16xf32> to vector<16xf32>
      %get3A_422 = arith.index_cast %scan3A_87 : i32 to index
      %get3A_423 = arith.constant 320 : index
      %get3A_424 = tpu.vector_load %arg9[%get3A_422, %get3A_423] {strides = array<i32>} : memref<32x1024xf32, #tpu.memory_space<vmem>>, vector<1x16xf32>,
      %get3A_425 = vector.shape_cast %get3A_424 : vector<1x16xf32> to vector<16xf32>
      %mul3A_426 = arith.mulf %get3A_421, %get3A_92 : vector<16xf32>
      %mul3A_427 = arith.mulf %get3A_425, %get3A_98 : vector<16xf32>
      %add3A_428 = arith.addf %mul3A_426, %mul3A_427 : vector<16xf32>
      %swap3A_429 = arith.index_cast %scan3A_87 : i32 to index
      %swap3A_430 = arith.constant 320 : index
      %swap3A_431 = tpu.vector_load %arg10[%swap3A_429, %swap3A_430] {strides = array<i32>} : memref<32x1024xf32, #tpu.memory_space<vmem>>, vector<1x16xf32>,
      %swap3A_432 = vector.shape_cast %swap3A_431 : vector<1x16xf32> to vector<16xf32>
      %swap3A_433 = vector.shape_cast %add3A_428 : vector<16xf32> to vector<1x16xf32>
      tpu.vector_store %arg10[%swap3A_429, %swap3A_430], %swap3A_433 {strides = array<i32>} : memref<32x1024xf32, #tpu.memory_space<vmem>>, vector<1x16xf32>,
      %get3A_434 = arith.index_cast %scan3A_87 : i32 to index
      %get3A_435 = arith.constant 336 : index
      %get3A_436 = tpu.vector_load %arg8[%get3A_434, %get3A_435] {strides = array<i32>} : memref<32x1024xf32, #tpu.memory_space<vmem>>, vector<1x16xf32>,
      %get3A_437 = vector.shape_cast %get3A_436 : vector<1x16xf32> to vector<16xf32>
      %get3A_438 = arith.index_cast %scan3A_87 : i32 to index
      %get3A_439 = arith.constant 336 : index
      %get3A_440 = tpu.vector_load %arg9[%get3A_438, %get3A_439] {strides = array<i32>} : memref<32x1024xf32, #tpu.memory_space<vmem>>, vector<1x16xf32>,
      %get3A_441 = vector.shape_cast %get3A_440 : vector<1x16xf32> to vector<16xf32>
      %mul3A_442 = arith.mulf %get3A_437, %get3A_92 : vector<16xf32>
      %mul3A_443 = arith.mulf %get3A_441, %get3A_98 : vector<16xf32>
      %add3A_444 = arith.addf %mul3A_442, %mul3A_443 : vector<16xf32>
      %swap3A_445 = arith.index_cast %scan3A_87 : i32 to index
      %swap3A_446 = arith.constant 336 : index
      %swap3A_447 = tpu.vector_load %arg10[%swap3A_445, %swap3A_446] {strides = array<i32>} : memref<32x1024xf32, #tpu.memory_space<vmem>>, vector<1x16xf32>,
      %swap3A_448 = vector.shape_cast %swap3A_447 : vector<1x16xf32> to vector<16xf32>
      %swap3A_449 = vector.shape_cast %add3A_444 : vector<16xf32> to vector<1x16xf32>
      tpu.vector_store %arg10[%swap3A_445, %swap3A_446], %swap3A_449 {strides = array<i32>} : memref<32x1024xf32, #tpu.memory_space<vmem>>, vector<1x16xf32>,
      %get3A_450 = arith.index_cast %scan3A_87 : i32 to index
      %get3A_451 = arith.constant 352 : index
      %get3A_452 = tpu.vector_load %arg8[%get3A_450, %get3A_451] {strides = array<i32>} : memref<32x1024xf32, #tpu.memory_space<vmem>>, vector<1x16xf32>,
      %get3A_453 = vector.shape_cast %get3A_452 : vector<1x16xf32> to vector<16xf32>
      %get3A_454 = arith.index_cast %scan3A_87 : i32 to index
      %get3A_455 = arith.constant 352 : index
      %get3A_456 = tpu.vector_load %arg9[%get3A_454, %get3A_455] {strides = array<i32>} : memref<32x1024xf32, #tpu.memory_space<vmem>>, vector<1x16xf32>,
      %get3A_457 = vector.shape_cast %get3A_456 : vector<1x16xf32> to vector<16xf32>
      %mul3A_458 = arith.mulf %get3A_453, %get3A_92 : vector<16xf32>
      %mul3A_459 = arith.mulf %get3A_457, %get3A_98 : vector<16xf32>
      %add3A_460 = arith.addf %mul3A_458, %mul3A_459 : vector<16xf32>
      %swap3A_461 = arith.index_cast %scan3A_87 : i32 to index
      %swap3A_462 = arith.constant 352 : index
      %swap3A_463 = tpu.vector_load %arg10[%swap3A_461, %swap3A_462] {strides = array<i32>} : memref<32x1024xf32, #tpu.memory_space<vmem>>, vector<1x16xf32>,
      %swap3A_464 = vector.shape_cast %swap3A_463 : vector<1x16xf32> to vector<16xf32>
      %swap3A_465 = vector.shape_cast %add3A_460 : vector<16xf32> to vector<1x16xf32>
      tpu.vector_store %arg10[%swap3A_461, %swap3A_462], %swap3A_465 {strides = array<i32>} : memref<32x1024xf32, #tpu.memory_space<vmem>>, vector<1x16xf32>,
      %get3A_466 = arith.index_cast %scan3A_87 : i32 to index
      %get3A_467 = arith.constant 368 : index
      %get3A_468 = tpu.vector_load %arg8[%get3A_466, %get3A_467] {strides = array<i32>} : memref<32x1024xf32, #tpu.memory_space<vmem>>, vector<1x16xf32>,
      %get3A_469 = vector.shape_cast %get3A_468 : vector<1x16xf32> to vector<16xf32>
      %get3A_470 = arith.index_cast %scan3A_87 : i32 to index
      %get3A_471 = arith.constant 368 : index
      %get3A_472 = tpu.vector_load %arg9[%get3A_470, %get3A_471] {strides = array<i32>} : memref<32x1024xf32, #tpu.memory_space<vmem>>, vector<1x16xf32>,
      %get3A_473 = vector.shape_cast %get3A_472 : vector<1x16xf32> to vector<16xf32>
      %mul3A_474 = arith.mulf %get3A_469, %get3A_92 : vector<16xf32>
      %mul3A_475 = arith.mulf %get3A_473, %get3A_98 : vector<16xf32>
      %add3A_476 = arith.addf %mul3A_474, %mul3A_475 : vector<16xf32>
      %swap3A_477 = arith.index_cast %scan3A_87 : i32 to index
      %swap3A_478 = arith.constant 368 : index
      %swap3A_479 = tpu.vector_load %arg10[%swap3A_477, %swap3A_478] {strides = array<i32>} : memref<32x1024xf32, #tpu.memory_space<vmem>>, vector<1x16xf32>,
      %swap3A_480 = vector.shape_cast %swap3A_479 : vector<1x16xf32> to vector<16xf32>
      %swap3A_481 = vector.shape_cast %add3A_476 : vector<16xf32> to vector<1x16xf32>
      tpu.vector_store %arg10[%swap3A_477, %swap3A_478], %swap3A_481 {strides = array<i32>} : memref<32x1024xf32, #tpu.memory_space<vmem>>, vector<1x16xf32>,
      %get3A_482 = arith.index_cast %scan3A_87 : i32 to index
      %get3A_483 = arith.constant 384 : index
      %get3A_484 = tpu.vector_load %arg8[%get3A_482, %get3A_483] {strides = array<i32>} : memref<32x1024xf32, #tpu.memory_space<vmem>>, vector<1x16xf32>,
      %get3A_485 = vector.shape_cast %get3A_484 : vector<1x16xf32> to vector<16xf32>
      %get3A_486 = arith.index_cast %scan3A_87 : i32 to index
      %get3A_487 = arith.constant 384 : index
      %get3A_488 = tpu.vector_load %arg9[%get3A_486, %get3A_487] {strides = array<i32>} : memref<32x1024xf32, #tpu.memory_space<vmem>>, vector<1x16xf32>,
      %get3A_489 = vector.shape_cast %get3A_488 : vector<1x16xf32> to vector<16xf32>
      %mul3A_490 = arith.mulf %get3A_485, %get3A_92 : vector<16xf32>
      %mul3A_491 = arith.mulf %get3A_489, %get3A_98 : vector<16xf32>
      %add3A_492 = arith.addf %mul3A_490, %mul3A_491 : vector<16xf32>
      %swap3A_493 = arith.index_cast %scan3A_87 : i32 to index
      %swap3A_494 = arith.constant 384 : index
      %swap3A_495 = tpu.vector_load %arg10[%swap3A_493, %swap3A_494] {strides = array<i32>} : memref<32x1024xf32, #tpu.memory_space<vmem>>, vector<1x16xf32>,
      %swap3A_496 = vector.shape_cast %swap3A_495 : vector<1x16xf32> to vector<16xf32>
      %swap3A_497 = vector.shape_cast %add3A_492 : vector<16xf32> to vector<1x16xf32>
      tpu.vector_store %arg10[%swap3A_493, %swap3A_494], %swap3A_497 {strides = array<i32>} : memref<32x1024xf32, #tpu.memory_space<vmem>>, vector<1x16xf32>,
      %get3A_498 = arith.index_cast %scan3A_87 : i32 to index
      %get3A_499 = arith.constant 400 : index
      %get3A_500 = tpu.vector_load %arg8[%get3A_498, %get3A_499] {strides = array<i32>} : memref<32x1024xf32, #tpu.memory_space<vmem>>, vector<1x16xf32>,
      %get3A_501 = vector.shape_cast %get3A_500 : vector<1x16xf32> to vector<16xf32>
      %get3A_502 = arith.index_cast %scan3A_87 : i32 to index
      %get3A_503 = arith.constant 400 : index
      %get3A_504 = tpu.vector_load %arg9[%get3A_502, %get3A_503] {strides = array<i32>} : memref<32x1024xf32, #tpu.memory_space<vmem>>, vector<1x16xf32>,
      %get3A_505 = vector.shape_cast %get3A_504 : vector<1x16xf32> to vector<16xf32>
      %mul3A_506 = arith.mulf %get3A_501, %get3A_92 : vector<16xf32>
      %mul3A_507 = arith.mulf %get3A_505, %get3A_98 : vector<16xf32>
      %add3A_508 = arith.addf %mul3A_506, %mul3A_507 : vector<16xf32>
      %swap3A_509 = arith.index_cast %scan3A_87 : i32 to index
      %swap3A_510 = arith.constant 400 : index
      %swap3A_511 = tpu.vector_load %arg10[%swap3A_509, %swap3A_510] {strides = array<i32>} : memref<32x1024xf32, #tpu.memory_space<vmem>>, vector<1x16xf32>,
      %swap3A_512 = vector.shape_cast %swap3A_511 : vector<1x16xf32> to vector<16xf32>
      %swap3A_513 = vector.shape_cast %add3A_508 : vector<16xf32> to vector<1x16xf32>
      tpu.vector_store %arg10[%swap3A_509, %swap3A_510], %swap3A_513 {strides = array<i32>} : memref<32x1024xf32, #tpu.memory_space<vmem>>, vector<1x16xf32>,
      %get3A_514 = arith.index_cast %scan3A_87 : i32 to index
      %get3A_515 = arith.constant 416 : index
      %get3A_516 = tpu.vector_load %arg8[%get3A_514, %get3A_515] {strides = array<i32>} : memref<32x1024xf32, #tpu.memory_space<vmem>>, vector<1x16xf32>,
      %get3A_517 = vector.shape_cast %get3A_516 : vector<1x16xf32> to vector<16xf32>
      %get3A_518 = arith.index_cast %scan3A_87 : i32 to index
      %get3A_519 = arith.constant 416 : index
      %get3A_520 = tpu.vector_load %arg9[%get3A_518, %get3A_519] {strides = array<i32>} : memref<32x1024xf32, #tpu.memory_space<vmem>>, vector<1x16xf32>,
      %get3A_521 = vector.shape_cast %get3A_520 : vector<1x16xf32> to vector<16xf32>
      %mul3A_522 = arith.mulf %get3A_517, %get3A_92 : vector<16xf32>
      %mul3A_523 = arith.mulf %get3A_521, %get3A_98 : vector<16xf32>
      %add3A_524 = arith.addf %mul3A_522, %mul3A_523 : vector<16xf32>
      %swap3A_525 = arith.index_cast %scan3A_87 : i32 to index
      %swap3A_526 = arith.constant 416 : index
      %swap3A_527 = tpu.vector_load %arg10[%swap3A_525, %swap3A_526] {strides = array<i32>} : memref<32x1024xf32, #tpu.memory_space<vmem>>, vector<1x16xf32>,
      %swap3A_528 = vector.shape_cast %swap3A_527 : vector<1x16xf32> to vector<16xf32>
      %swap3A_529 = vector.shape_cast %add3A_524 : vector<16xf32> to vector<1x16xf32>
      tpu.vector_store %arg10[%swap3A_525, %swap3A_526], %swap3A_529 {strides = array<i32>} : memref<32x1024xf32, #tpu.memory_space<vmem>>, vector<1x16xf32>,
      %get3A_530 = arith.index_cast %scan3A_87 : i32 to index
      %get3A_531 = arith.constant 432 : index
      %get3A_532 = tpu.vector_load %arg8[%get3A_530, %get3A_531] {strides = array<i32>} : memref<32x1024xf32, #tpu.memory_space<vmem>>, vector<1x16xf32>,
      %get3A_533 = vector.shape_cast %get3A_532 : vector<1x16xf32> to vector<16xf32>
      %get3A_534 = arith.index_cast %scan3A_87 : i32 to index
      %get3A_535 = arith.constant 432 : index
      %get3A_536 = tpu.vector_load %arg9[%get3A_534, %get3A_535] {strides = array<i32>} : memref<32x1024xf32, #tpu.memory_space<vmem>>, vector<1x16xf32>,
      %get3A_537 = vector.shape_cast %get3A_536 : vector<1x16xf32> to vector<16xf32>
      %mul3A_538 = arith.mulf %get3A_533, %get3A_92 : vector<16xf32>
      %mul3A_539 = arith.mulf %get3A_537, %get3A_98 : vector<16xf32>
      %add3A_540 = arith.addf %mul3A_538, %mul3A_539 : vector<16xf32>
      %swap3A_541 = arith.index_cast %scan3A_87 : i32 to index
      %swap3A_542 = arith.constant 432 : index
      %swap3A_543 = tpu.vector_load %arg10[%swap3A_541, %swap3A_542] {strides = array<i32>} : memref<32x1024xf32, #tpu.memory_space<vmem>>, vector<1x16xf32>,
      %swap3A_544 = vector.shape_cast %swap3A_543 : vector<1x16xf32> to vector<16xf32>
      %swap3A_545 = vector.shape_cast %add3A_540 : vector<16xf32> to vector<1x16xf32>
      tpu.vector_store %arg10[%swap3A_541, %swap3A_542], %swap3A_545 {strides = array<i32>} : memref<32x1024xf32, #tpu.memory_space<vmem>>, vector<1x16xf32>,
      %get3A_546 = arith.index_cast %scan3A_87 : i32 to index
      %get3A_547 = arith.constant 448 : index
      %get3A_548 = tpu.vector_load %arg8[%get3A_546, %get3A_547] {strides = array<i32>} : memref<32x1024xf32, #tpu.memory_space<vmem>>, vector<1x16xf32>,
      %get3A_549 = vector.shape_cast %get3A_548 : vector<1x16xf32> to vector<16xf32>
      %get3A_550 = arith.index_cast %scan3A_87 : i32 to index
      %get3A_551 = arith.constant 448 : index
      %get3A_552 = tpu.vector_load %arg9[%get3A_550, %get3A_551] {strides = array<i32>} : memref<32x1024xf32, #tpu.memory_space<vmem>>, vector<1x16xf32>,
      %get3A_553 = vector.shape_cast %get3A_552 : vector<1x16xf32> to vector<16xf32>
      %mul3A_554 = arith.mulf %get3A_549, %get3A_92 : vector<16xf32>
      %mul3A_555 = arith.mulf %get3A_553, %get3A_98 : vector<16xf32>
      %add3A_556 = arith.addf %mul3A_554, %mul3A_555 : vector<16xf32>
      %swap3A_557 = arith.index_cast %scan3A_87 : i32 to index
      %swap3A_558 = arith.constant 448 : index
      %swap3A_559 = tpu.vector_load %arg10[%swap3A_557, %swap3A_558] {strides = array<i32>} : memref<32x1024xf32, #tpu.memory_space<vmem>>, vector<1x16xf32>,
      %swap3A_560 = vector.shape_cast %swap3A_559 : vector<1x16xf32> to vector<16xf32>
      %swap3A_561 = vector.shape_cast %add3A_556 : vector<16xf32> to vector<1x16xf32>
      tpu.vector_store %arg10[%swap3A_557, %swap3A_558], %swap3A_561 {strides = array<i32>} : memref<32x1024xf32, #tpu.memory_space<vmem>>, vector<1x16xf32>,
      %get3A_562 = arith.index_cast %scan3A_87 : i32 to index
      %get3A_563 = arith.constant 464 : index
      %get3A_564 = tpu.vector_load %arg8[%get3A_562, %get3A_563] {strides = array<i32>} : memref<32x1024xf32, #tpu.memory_space<vmem>>, vector<1x16xf32>,
      %get3A_565 = vector.shape_cast %get3A_564 : vector<1x16xf32> to vector<16xf32>
      %get3A_566 = arith.index_cast %scan3A_87 : i32 to index
      %get3A_567 = arith.constant 464 : index
      %get3A_568 = tpu.vector_load %arg9[%get3A_566, %get3A_567] {strides = array<i32>} : memref<32x1024xf32, #tpu.memory_space<vmem>>, vector<1x16xf32>,
      %get3A_569 = vector.shape_cast %get3A_568 : vector<1x16xf32> to vector<16xf32>
      %mul3A_570 = arith.mulf %get3A_565, %get3A_92 : vector<16xf32>
      %mul3A_571 = arith.mulf %get3A_569, %get3A_98 : vector<16xf32>
      %add3A_572 = arith.addf %mul3A_570, %mul3A_571 : vector<16xf32>
      %swap3A_573 = arith.index_cast %scan3A_87 : i32 to index
      %swap3A_574 = arith.constant 464 : index
      %swap3A_575 = tpu.vector_load %arg10[%swap3A_573, %swap3A_574] {strides = array<i32>} : memref<32x1024xf32, #tpu.memory_space<vmem>>, vector<1x16xf32>,
      %swap3A_576 = vector.shape_cast %swap3A_575 : vector<1x16xf32> to vector<16xf32>
      %swap3A_577 = vector.shape_cast %add3A_572 : vector<16xf32> to vector<1x16xf32>
      tpu.vector_store %arg10[%swap3A_573, %swap3A_574], %swap3A_577 {strides = array<i32>} : memref<32x1024xf32, #tpu.memory_space<vmem>>, vector<1x16xf32>,
      %get3A_578 = arith.index_cast %scan3A_87 : i32 to index
      %get3A_579 = arith.constant 480 : index
      %get3A_580 = tpu.vector_load %arg8[%get3A_578, %get3A_579] {strides = array<i32>} : memref<32x1024xf32, #tpu.memory_space<vmem>>, vector<1x16xf32>,
      %get3A_581 = vector.shape_cast %get3A_580 : vector<1x16xf32> to vector<16xf32>
      %get3A_582 = arith.index_cast %scan3A_87 : i32 to index
      %get3A_583 = arith.constant 480 : index
      %get3A_584 = tpu.vector_load %arg9[%get3A_582, %get3A_583] {strides = array<i32>} : memref<32x1024xf32, #tpu.memory_space<vmem>>, vector<1x16xf32>,
      %get3A_585 = vector.shape_cast %get3A_584 : vector<1x16xf32> to vector<16xf32>
      %mul3A_586 = arith.mulf %get3A_581, %get3A_92 : vector<16xf32>
      %mul3A_587 = arith.mulf %get3A_585, %get3A_98 : vector<16xf32>
      %add3A_588 = arith.addf %mul3A_586, %mul3A_587 : vector<16xf32>
      %swap3A_589 = arith.index_cast %scan3A_87 : i32 to index
      %swap3A_590 = arith.constant 480 : index
      %swap3A_591 = tpu.vector_load %arg10[%swap3A_589, %swap3A_590] {strides = array<i32>} : memref<32x1024xf32, #tpu.memory_space<vmem>>, vector<1x16xf32>,
      %swap3A_592 = vector.shape_cast %swap3A_591 : vector<1x16xf32> to vector<16xf32>
      %swap3A_593 = vector.shape_cast %add3A_588 : vector<16xf32> to vector<1x16xf32>
      tpu.vector_store %arg10[%swap3A_589, %swap3A_590], %swap3A_593 {strides = array<i32>} : memref<32x1024xf32, #tpu.memory_space<vmem>>, vector<1x16xf32>,
      %get3A_594 = arith.index_cast %scan3A_87 : i32 to index
      %get3A_595 = arith.constant 496 : index
      %get3A_596 = tpu.vector_load %arg8[%get3A_594, %get3A_595] {strides = array<i32>} : memref<32x1024xf32, #tpu.memory_space<vmem>>, vector<1x16xf32>,
      %get3A_597 = vector.shape_cast %get3A_596 : vector<1x16xf32> to vector<16xf32>
      %get3A_598 = arith.index_cast %scan3A_87 : i32 to index
      %get3A_599 = arith.constant 496 : index
      %get3A_600 = tpu.vector_load %arg9[%get3A_598, %get3A_599] {strides = array<i32>} : memref<32x1024xf32, #tpu.memory_space<vmem>>, vector<1x16xf32>,
      %get3A_601 = vector.shape_cast %get3A_600 : vector<1x16xf32> to vector<16xf32>
      %mul3A_602 = arith.mulf %get3A_597, %get3A_92 : vector<16xf32>
      %mul3A_603 = arith.mulf %get3A_601, %get3A_98 : vector<16xf32>
      %add3A_604 = arith.addf %mul3A_602, %mul3A_603 : vector<16xf32>
      %swap3A_605 = arith.index_cast %scan3A_87 : i32 to index
      %swap3A_606 = arith.constant 496 : index
      %swap3A_607 = tpu.vector_load %arg10[%swap3A_605, %swap3A_606] {strides = array<i32>} : memref<32x1024xf32, #tpu.memory_space<vmem>>, vector<1x16xf32>,
      %swap3A_608 = vector.shape_cast %swap3A_607 : vector<1x16xf32> to vector<16xf32>
      %swap3A_609 = vector.shape_cast %add3A_604 : vector<16xf32> to vector<1x16xf32>
      tpu.vector_store %arg10[%swap3A_605, %swap3A_606], %swap3A_609 {strides = array<i32>} : memref<32x1024xf32, #tpu.memory_space<vmem>>, vector<1x16xf32>,
      %get3A_610 = arith.index_cast %scan3A_87 : i32 to index
      %get3A_611 = arith.constant 512 : index
      %get3A_612 = tpu.vector_load %arg8[%get3A_610, %get3A_611] {strides = array<i32>} : memref<32x1024xf32, #tpu.memory_space<vmem>>, vector<1x16xf32>,
      %get3A_613 = vector.shape_cast %get3A_612 : vector<1x16xf32> to vector<16xf32>
      %get3A_614 = arith.index_cast %scan3A_87 : i32 to index
      %get3A_615 = arith.constant 512 : index
      %get3A_616 = tpu.vector_load %arg9[%get3A_614, %get3A_615] {strides = array<i32>} : memref<32x1024xf32, #tpu.memory_space<vmem>>, vector<1x16xf32>,
      %get3A_617 = vector.shape_cast %get3A_616 : vector<1x16xf32> to vector<16xf32>
      %mul3A_618 = arith.mulf %get3A_613, %get3A_92 : vector<16xf32>
      %mul3A_619 = arith.mulf %get3A_617, %get3A_98 : vector<16xf32>
      %add3A_620 = arith.addf %mul3A_618, %mul3A_619 : vector<16xf32>
      %swap3A_621 = arith.index_cast %scan3A_87 : i32 to index
      %swap3A_622 = arith.constant 512 : index
      %swap3A_623 = tpu.vector_load %arg10[%swap3A_621, %swap3A_622] {strides = array<i32>} : memref<32x1024xf32, #tpu.memory_space<vmem>>, vector<1x16xf32>,
      %swap3A_624 = vector.shape_cast %swap3A_623 : vector<1x16xf32> to vector<16xf32>
      %swap3A_625 = vector.shape_cast %add3A_620 : vector<16xf32> to vector<1x16xf32>
      tpu.vector_store %arg10[%swap3A_621, %swap3A_622], %swap3A_625 {strides = array<i32>} : memref<32x1024xf32, #tpu.memory_space<vmem>>, vector<1x16xf32>,
      %get3A_626 = arith.index_cast %scan3A_87 : i32 to index
      %get3A_627 = arith.constant 528 : index
      %get3A_628 = tpu.vector_load %arg8[%get3A_626, %get3A_627] {strides = array<i32>} : memref<32x1024xf32, #tpu.memory_space<vmem>>, vector<1x16xf32>,
      %get3A_629 = vector.shape_cast %get3A_628 : vector<1x16xf32> to vector<16xf32>
      %get3A_630 = arith.index_cast %scan3A_87 : i32 to index
      %get3A_631 = arith.constant 528 : index
      %get3A_632 = tpu.vector_load %arg9[%get3A_630, %get3A_631] {strides = array<i32>} : memref<32x1024xf32, #tpu.memory_space<vmem>>, vector<1x16xf32>,
      %get3A_633 = vector.shape_cast %get3A_632 : vector<1x16xf32> to vector<16xf32>
      %mul3A_634 = arith.mulf %get3A_629, %get3A_92 : vector<16xf32>
      %mul3A_635 = arith.mulf %get3A_633, %get3A_98 : vector<16xf32>
      %add3A_636 = arith.addf %mul3A_634, %mul3A_635 : vector<16xf32>
      %swap3A_637 = arith.index_cast %scan3A_87 : i32 to index
      %swap3A_638 = arith.constant 528 : index
      %swap3A_639 = tpu.vector_load %arg10[%swap3A_637, %swap3A_638] {strides = array<i32>} : memref<32x1024xf32, #tpu.memory_space<vmem>>, vector<1x16xf32>,
      %swap3A_640 = vector.shape_cast %swap3A_639 : vector<1x16xf32> to vector<16xf32>
      %swap3A_641 = vector.shape_cast %add3A_636 : vector<16xf32> to vector<1x16xf32>
      tpu.vector_store %arg10[%swap3A_637, %swap3A_638], %swap3A_641 {strides = array<i32>} : memref<32x1024xf32, #tpu.memory_space<vmem>>, vector<1x16xf32>,
      %get3A_642 = arith.index_cast %scan3A_87 : i32 to index
      %get3A_643 = arith.constant 544 : index
      %get3A_644 = tpu.vector_load %arg8[%get3A_642, %get3A_643] {strides = array<i32>} : memref<32x1024xf32, #tpu.memory_space<vmem>>, vector<1x16xf32>,
      %get3A_645 = vector.shape_cast %get3A_644 : vector<1x16xf32> to vector<16xf32>
      %get3A_646 = arith.index_cast %scan3A_87 : i32 to index
      %get3A_647 = arith.constant 544 : index
      %get3A_648 = tpu.vector_load %arg9[%get3A_646, %get3A_647] {strides = array<i32>} : memref<32x1024xf32, #tpu.memory_space<vmem>>, vector<1x16xf32>,
      %get3A_649 = vector.shape_cast %get3A_648 : vector<1x16xf32> to vector<16xf32>
      %mul3A_650 = arith.mulf %get3A_645, %get3A_92 : vector<16xf32>
      %mul3A_651 = arith.mulf %get3A_649, %get3A_98 : vector<16xf32>
      %add3A_652 = arith.addf %mul3A_650, %mul3A_651 : vector<16xf32>
      %swap3A_653 = arith.index_cast %scan3A_87 : i32 to index
      %swap3A_654 = arith.constant 544 : index
      %swap3A_655 = tpu.vector_load %arg10[%swap3A_653, %swap3A_654] {strides = array<i32>} : memref<32x1024xf32, #tpu.memory_space<vmem>>, vector<1x16xf32>,
      %swap3A_656 = vector.shape_cast %swap3A_655 : vector<1x16xf32> to vector<16xf32>
      %swap3A_657 = vector.shape_cast %add3A_652 : vector<16xf32> to vector<1x16xf32>
      tpu.vector_store %arg10[%swap3A_653, %swap3A_654], %swap3A_657 {strides = array<i32>} : memref<32x1024xf32, #tpu.memory_space<vmem>>, vector<1x16xf32>,
      %get3A_658 = arith.index_cast %scan3A_87 : i32 to index
      %get3A_659 = arith.constant 560 : index
      %get3A_660 = tpu.vector_load %arg8[%get3A_658, %get3A_659] {strides = array<i32>} : memref<32x1024xf32, #tpu.memory_space<vmem>>, vector<1x16xf32>,
      %get3A_661 = vector.shape_cast %get3A_660 : vector<1x16xf32> to vector<16xf32>
      %get3A_662 = arith.index_cast %scan3A_87 : i32 to index
      %get3A_663 = arith.constant 560 : index
      %get3A_664 = tpu.vector_load %arg9[%get3A_662, %get3A_663] {strides = array<i32>} : memref<32x1024xf32, #tpu.memory_space<vmem>>, vector<1x16xf32>,
      %get3A_665 = vector.shape_cast %get3A_664 : vector<1x16xf32> to vector<16xf32>
      %mul3A_666 = arith.mulf %get3A_661, %get3A_92 : vector<16xf32>
      %mul3A_667 = arith.mulf %get3A_665, %get3A_98 : vector<16xf32>
      %add3A_668 = arith.addf %mul3A_666, %mul3A_667 : vector<16xf32>
      %swap3A_669 = arith.index_cast %scan3A_87 : i32 to index
      %swap3A_670 = arith.constant 560 : index
      %swap3A_671 = tpu.vector_load %arg10[%swap3A_669, %swap3A_670] {strides = array<i32>} : memref<32x1024xf32, #tpu.memory_space<vmem>>, vector<1x16xf32>,
      %swap3A_672 = vector.shape_cast %swap3A_671 : vector<1x16xf32> to vector<16xf32>
      %swap3A_673 = vector.shape_cast %add3A_668 : vector<16xf32> to vector<1x16xf32>
      tpu.vector_store %arg10[%swap3A_669, %swap3A_670], %swap3A_673 {strides = array<i32>} : memref<32x1024xf32, #tpu.memory_space<vmem>>, vector<1x16xf32>,
      %get3A_674 = arith.index_cast %scan3A_87 : i32 to index
      %get3A_675 = arith.constant 576 : index
      %get3A_676 = tpu.vector_load %arg8[%get3A_674, %get3A_675] {strides = array<i32>} : memref<32x1024xf32, #tpu.memory_space<vmem>>, vector<1x16xf32>,
      %get3A_677 = vector.shape_cast %get3A_676 : vector<1x16xf32> to vector<16xf32>
      %get3A_678 = arith.index_cast %scan3A_87 : i32 to index
      %get3A_679 = arith.constant 576 : index
      %get3A_680 = tpu.vector_load %arg9[%get3A_678, %get3A_679] {strides = array<i32>} : memref<32x1024xf32, #tpu.memory_space<vmem>>, vector<1x16xf32>,
      %get3A_681 = vector.shape_cast %get3A_680 : vector<1x16xf32> to vector<16xf32>
      %mul3A_682 = arith.mulf %get3A_677, %get3A_92 : vector<16xf32>
      %mul3A_683 = arith.mulf %get3A_681, %get3A_98 : vector<16xf32>
      %add3A_684 = arith.addf %mul3A_682, %mul3A_683 : vector<16xf32>
      %swap3A_685 = arith.index_cast %scan3A_87 : i32 to index
      %swap3A_686 = arith.constant 576 : index
      %swap3A_687 = tpu.vector_load %arg10[%swap3A_685, %swap3A_686] {strides = array<i32>} : memref<32x1024xf32, #tpu.memory_space<vmem>>, vector<1x16xf32>,
      %swap3A_688 = vector.shape_cast %swap3A_687 : vector<1x16xf32> to vector<16xf32>
      %swap3A_689 = vector.shape_cast %add3A_684 : vector<16xf32> to vector<1x16xf32>
      tpu.vector_store %arg10[%swap3A_685, %swap3A_686], %swap3A_689 {strides = array<i32>} : memref<32x1024xf32, #tpu.memory_space<vmem>>, vector<1x16xf32>,
      %get3A_690 = arith.index_cast %scan3A_87 : i32 to index
      %get3A_691 = arith.constant 592 : index
      %get3A_692 = tpu.vector_load %arg8[%get3A_690, %get3A_691] {strides = array<i32>} : memref<32x1024xf32, #tpu.memory_space<vmem>>, vector<1x16xf32>,
      %get3A_693 = vector.shape_cast %get3A_692 : vector<1x16xf32> to vector<16xf32>
      %get3A_694 = arith.index_cast %scan3A_87 : i32 to index
      %get3A_695 = arith.constant 592 : index
      %get3A_696 = tpu.vector_load %arg9[%get3A_694, %get3A_695] {strides = array<i32>} : memref<32x1024xf32, #tpu.memory_space<vmem>>, vector<1x16xf32>,
      %get3A_697 = vector.shape_cast %get3A_696 : vector<1x16xf32> to vector<16xf32>
      %mul3A_698 = arith.mulf %get3A_693, %get3A_92 : vector<16xf32>
      %mul3A_699 = arith.mulf %get3A_697, %get3A_98 : vector<16xf32>
      %add3A_700 = arith.addf %mul3A_698, %mul3A_699 : vector<16xf32>
      %swap3A_701 = arith.index_cast %scan3A_87 : i32 to index
      %swap3A_702 = arith.constant 592 : index
      %swap3A_703 = tpu.vector_load %arg10[%swap3A_701, %swap3A_702] {strides = array<i32>} : memref<32x1024xf32, #tpu.memory_space<vmem>>, vector<1x16xf32>,
      %swap3A_704 = vector.shape_cast %swap3A_703 : vector<1x16xf32> to vector<16xf32>
      %swap3A_705 = vector.shape_cast %add3A_700 : vector<16xf32> to vector<1x16xf32>
      tpu.vector_store %arg10[%swap3A_701, %swap3A_702], %swap3A_705 {strides = array<i32>} : memref<32x1024xf32, #tpu.memory_space<vmem>>, vector<1x16xf32>,
      %get3A_706 = arith.index_cast %scan3A_87 : i32 to index
      %get3A_707 = arith.constant 608 : index
      %get3A_708 = tpu.vector_load %arg8[%get3A_706, %get3A_707] {strides = array<i32>} : memref<32x1024xf32, #tpu.memory_space<vmem>>, vector<1x16xf32>,
      %get3A_709 = vector.shape_cast %get3A_708 : vector<1x16xf32> to vector<16xf32>
      %get3A_710 = arith.index_cast %scan3A_87 : i32 to index
      %get3A_711 = arith.constant 608 : index
      %get3A_712 = tpu.vector_load %arg9[%get3A_710, %get3A_711] {strides = array<i32>} : memref<32x1024xf32, #tpu.memory_space<vmem>>, vector<1x16xf32>,
      %get3A_713 = vector.shape_cast %get3A_712 : vector<1x16xf32> to vector<16xf32>
      %mul3A_714 = arith.mulf %get3A_709, %get3A_92 : vector<16xf32>
      %mul3A_715 = arith.mulf %get3A_713, %get3A_98 : vector<16xf32>
      %add3A_716 = arith.addf %mul3A_714, %mul3A_715 : vector<16xf32>
      %swap3A_717 = arith.index_cast %scan3A_87 : i32 to index
      %swap3A_718 = arith.constant 608 : index
      %swap3A_719 = tpu.vector_load %arg10[%swap3A_717, %swap3A_718] {strides = array<i32>} : memref<32x1024xf32, #tpu.memory_space<vmem>>, vector<1x16xf32>,
      %swap3A_720 = vector.shape_cast %swap3A_719 : vector<1x16xf32> to vector<16xf32>
      %swap3A_721 = vector.shape_cast %add3A_716 : vector<16xf32> to vector<1x16xf32>
      tpu.vector_store %arg10[%swap3A_717, %swap3A_718], %swap3A_721 {strides = array<i32>} : memref<32x1024xf32, #tpu.memory_space<vmem>>, vector<1x16xf32>,
      %get3A_722 = arith.index_cast %scan3A_87 : i32 to index
      %get3A_723 = arith.constant 624 : index
      %get3A_724 = tpu.vector_load %arg8[%get3A_722, %get3A_723] {strides = array<i32>} : memref<32x1024xf32, #tpu.memory_space<vmem>>, vector<1x16xf32>,
      %get3A_725 = vector.shape_cast %get3A_724 : vector<1x16xf32> to vector<16xf32>
      %get3A_726 = arith.index_cast %scan3A_87 : i32 to index
      %get3A_727 = arith.constant 624 : index
      %get3A_728 = tpu.vector_load %arg9[%get3A_726, %get3A_727] {strides = array<i32>} : memref<32x1024xf32, #tpu.memory_space<vmem>>, vector<1x16xf32>,
      %get3A_729 = vector.shape_cast %get3A_728 : vector<1x16xf32> to vector<16xf32>
      %mul3A_730 = arith.mulf %get3A_725, %get3A_92 : vector<16xf32>
      %mul3A_731 = arith.mulf %get3A_729, %get3A_98 : vector<16xf32>
      %add3A_732 = arith.addf %mul3A_730, %mul3A_731 : vector<16xf32>
      %swap3A_733 = arith.index_cast %scan3A_87 : i32 to index
      %swap3A_734 = arith.constant 624 : index
      %swap3A_735 = tpu.vector_load %arg10[%swap3A_733, %swap3A_734] {strides = array<i32>} : memref<32x1024xf32, #tpu.memory_space<vmem>>, vector<1x16xf32>,
      %swap3A_736 = vector.shape_cast %swap3A_735 : vector<1x16xf32> to vector<16xf32>
      %swap3A_737 = vector.shape_cast %add3A_732 : vector<16xf32> to vector<1x16xf32>
      tpu.vector_store %arg10[%swap3A_733, %swap3A_734], %swap3A_737 {strides = array<i32>} : memref<32x1024xf32, #tpu.memory_space<vmem>>, vector<1x16xf32>,
      %get3A_738 = arith.index_cast %scan3A_87 : i32 to index
      %get3A_739 = arith.constant 640 : index
      %get3A_740 = tpu.vector_load %arg8[%get3A_738, %get3A_739] {strides = array<i32>} : memref<32x1024xf32, #tpu.memory_space<vmem>>, vector<1x16xf32>,
      %get3A_741 = vector.shape_cast %get3A_740 : vector<1x16xf32> to vector<16xf32>
      %get3A_742 = arith.index_cast %scan3A_87 : i32 to index
      %get3A_743 = arith.constant 640 : index
      %get3A_744 = tpu.vector_load %arg9[%get3A_742, %get3A_743] {strides = array<i32>} : memref<32x1024xf32, #tpu.memory_space<vmem>>, vector<1x16xf32>,
      %get3A_745 = vector.shape_cast %get3A_744 : vector<1x16xf32> to vector<16xf32>
      %mul3A_746 = arith.mulf %get3A_741, %get3A_92 : vector<16xf32>
      %mul3A_747 = arith.mulf %get3A_745, %get3A_98 : vector<16xf32>
      %add3A_748 = arith.addf %mul3A_746, %mul3A_747 : vector<16xf32>
      %swap3A_749 = arith.index_cast %scan3A_87 : i32 to index
      %swap3A_750 = arith.constant 640 : index
      %swap3A_751 = tpu.vector_load %arg10[%swap3A_749, %swap3A_750] {strides = array<i32>} : memref<32x1024xf32, #tpu.memory_space<vmem>>, vector<1x16xf32>,
      %swap3A_752 = vector.shape_cast %swap3A_751 : vector<1x16xf32> to vector<16xf32>
      %swap3A_753 = vector.shape_cast %add3A_748 : vector<16xf32> to vector<1x16xf32>
      tpu.vector_store %arg10[%swap3A_749, %swap3A_750], %swap3A_753 {strides = array<i32>} : memref<32x1024xf32, #tpu.memory_space<vmem>>, vector<1x16xf32>,
      %get3A_754 = arith.index_cast %scan3A_87 : i32 to index
      %get3A_755 = arith.constant 656 : index
      %get3A_756 = tpu.vector_load %arg8[%get3A_754, %get3A_755] {strides = array<i32>} : memref<32x1024xf32, #tpu.memory_space<vmem>>, vector<1x16xf32>,
      %get3A_757 = vector.shape_cast %get3A_756 : vector<1x16xf32> to vector<16xf32>
      %get3A_758 = arith.index_cast %scan3A_87 : i32 to index
      %get3A_759 = arith.constant 656 : index
      %get3A_760 = tpu.vector_load %arg9[%get3A_758, %get3A_759] {strides = array<i32>} : memref<32x1024xf32, #tpu.memory_space<vmem>>, vector<1x16xf32>,
      %get3A_761 = vector.shape_cast %get3A_760 : vector<1x16xf32> to vector<16xf32>
      %mul3A_762 = arith.mulf %get3A_757, %get3A_92 : vector<16xf32>
      %mul3A_763 = arith.mulf %get3A_761, %get3A_98 : vector<16xf32>
      %add3A_764 = arith.addf %mul3A_762, %mul3A_763 : vector<16xf32>
      %swap3A_765 = arith.index_cast %scan3A_87 : i32 to index
      %swap3A_766 = arith.constant 656 : index
      %swap3A_767 = tpu.vector_load %arg10[%swap3A_765, %swap3A_766] {strides = array<i32>} : memref<32x1024xf32, #tpu.memory_space<vmem>>, vector<1x16xf32>,
      %swap3A_768 = vector.shape_cast %swap3A_767 : vector<1x16xf32> to vector<16xf32>
      %swap3A_769 = vector.shape_cast %add3A_764 : vector<16xf32> to vector<1x16xf32>
      tpu.vector_store %arg10[%swap3A_765, %swap3A_766], %swap3A_769 {strides = array<i32>} : memref<32x1024xf32, #tpu.memory_space<vmem>>, vector<1x16xf32>,
      %get3A_770 = arith.index_cast %scan3A_87 : i32 to index
      %get3A_771 = arith.constant 672 : index
      %get3A_772 = tpu.vector_load %arg8[%get3A_770, %get3A_771] {strides = array<i32>} : memref<32x1024xf32, #tpu.memory_space<vmem>>, vector<1x16xf32>,
      %get3A_773 = vector.shape_cast %get3A_772 : vector<1x16xf32> to vector<16xf32>
      %get3A_774 = arith.index_cast %scan3A_87 : i32 to index
      %get3A_775 = arith.constant 672 : index
      %get3A_776 = tpu.vector_load %arg9[%get3A_774, %get3A_775] {strides = array<i32>} : memref<32x1024xf32, #tpu.memory_space<vmem>>, vector<1x16xf32>,
      %get3A_777 = vector.shape_cast %get3A_776 : vector<1x16xf32> to vector<16xf32>
      %mul3A_778 = arith.mulf %get3A_773, %get3A_92 : vector<16xf32>
      %mul3A_779 = arith.mulf %get3A_777, %get3A_98 : vector<16xf32>
      %add3A_780 = arith.addf %mul3A_778, %mul3A_779 : vector<16xf32>
      %swap3A_781 = arith.index_cast %scan3A_87 : i32 to index
      %swap3A_782 = arith.constant 672 : index
      %swap3A_783 = tpu.vector_load %arg10[%swap3A_781, %swap3A_782] {strides = array<i32>} : memref<32x1024xf32, #tpu.memory_space<vmem>>, vector<1x16xf32>,
      %swap3A_784 = vector.shape_cast %swap3A_783 : vector<1x16xf32> to vector<16xf32>
      %swap3A_785 = vector.shape_cast %add3A_780 : vector<16xf32> to vector<1x16xf32>
      tpu.vector_store %arg10[%swap3A_781, %swap3A_782], %swap3A_785 {strides = array<i32>} : memref<32x1024xf32, #tpu.memory_space<vmem>>, vector<1x16xf32>,
      %get3A_786 = arith.index_cast %scan3A_87 : i32 to index
      %get3A_787 = arith.constant 688 : index
      %get3A_788 = tpu.vector_load %arg8[%get3A_786, %get3A_787] {strides = array<i32>} : memref<32x1024xf32, #tpu.memory_space<vmem>>, vector<1x16xf32>,
      %get3A_789 = vector.shape_cast %get3A_788 : vector<1x16xf32> to vector<16xf32>
      %get3A_790 = arith.index_cast %scan3A_87 : i32 to index
      %get3A_791 = arith.constant 688 : index
      %get3A_792 = tpu.vector_load %arg9[%get3A_790, %get3A_791] {strides = array<i32>} : memref<32x1024xf32, #tpu.memory_space<vmem>>, vector<1x16xf32>,
      %get3A_793 = vector.shape_cast %get3A_792 : vector<1x16xf32> to vector<16xf32>
      %mul3A_794 = arith.mulf %get3A_789, %get3A_92 : vector<16xf32>
      %mul3A_795 = arith.mulf %get3A_793, %get3A_98 : vector<16xf32>
      %add3A_796 = arith.addf %mul3A_794, %mul3A_795 : vector<16xf32>
      %swap3A_797 = arith.index_cast %scan3A_87 : i32 to index
      %swap3A_798 = arith.constant 688 : index
      %swap3A_799 = tpu.vector_load %arg10[%swap3A_797, %swap3A_798] {strides = array<i32>} : memref<32x1024xf32, #tpu.memory_space<vmem>>, vector<1x16xf32>,
      %swap3A_800 = vector.shape_cast %swap3A_799 : vector<1x16xf32> to vector<16xf32>
      %swap3A_801 = vector.shape_cast %add3A_796 : vector<16xf32> to vector<1x16xf32>
      tpu.vector_store %arg10[%swap3A_797, %swap3A_798], %swap3A_801 {strides = array<i32>} : memref<32x1024xf32, #tpu.memory_space<vmem>>, vector<1x16xf32>,
      %get3A_802 = arith.index_cast %scan3A_87 : i32 to index
      %get3A_803 = arith.constant 704 : index
      %get3A_804 = tpu.vector_load %arg8[%get3A_802, %get3A_803] {strides = array<i32>} : memref<32x1024xf32, #tpu.memory_space<vmem>>, vector<1x16xf32>,
      %get3A_805 = vector.shape_cast %get3A_804 : vector<1x16xf32> to vector<16xf32>
      %get3A_806 = arith.index_cast %scan3A_87 : i32 to index
      %get3A_807 = arith.constant 704 : index
      %get3A_808 = tpu.vector_load %arg9[%get3A_806, %get3A_807] {strides = array<i32>} : memref<32x1024xf32, #tpu.memory_space<vmem>>, vector<1x16xf32>,
      %get3A_809 = vector.shape_cast %get3A_808 : vector<1x16xf32> to vector<16xf32>
      %mul3A_810 = arith.mulf %get3A_805, %get3A_92 : vector<16xf32>
      %mul3A_811 = arith.mulf %get3A_809, %get3A_98 : vector<16xf32>
      %add3A_812 = arith.addf %mul3A_810, %mul3A_811 : vector<16xf32>
      %swap3A_813 = arith.index_cast %scan3A_87 : i32 to index
      %swap3A_814 = arith.constant 704 : index
      %swap3A_815 = tpu.vector_load %arg10[%swap3A_813, %swap3A_814] {strides = array<i32>} : memref<32x1024xf32, #tpu.memory_space<vmem>>, vector<1x16xf32>,
      %swap3A_816 = vector.shape_cast %swap3A_815 : vector<1x16xf32> to vector<16xf32>
      %swap3A_817 = vector.shape_cast %add3A_812 : vector<16xf32> to vector<1x16xf32>
      tpu.vector_store %arg10[%swap3A_813, %swap3A_814], %swap3A_817 {strides = array<i32>} : memref<32x1024xf32, #tpu.memory_space<vmem>>, vector<1x16xf32>,
      %get3A_818 = arith.index_cast %scan3A_87 : i32 to index
      %get3A_819 = arith.constant 720 : index
      %get3A_820 = tpu.vector_load %arg8[%get3A_818, %get3A_819] {strides = array<i32>} : memref<32x1024xf32, #tpu.memory_space<vmem>>, vector<1x16xf32>,
      %get3A_821 = vector.shape_cast %get3A_820 : vector<1x16xf32> to vector<16xf32>
      %get3A_822 = arith.index_cast %scan3A_87 : i32 to index
      %get3A_823 = arith.constant 720 : index
      %get3A_824 = tpu.vector_load %arg9[%get3A_822, %get3A_823] {strides = array<i32>} : memref<32x1024xf32, #tpu.memory_space<vmem>>, vector<1x16xf32>,
      %get3A_825 = vector.shape_cast %get3A_824 : vector<1x16xf32> to vector<16xf32>
      %mul3A_826 = arith.mulf %get3A_821, %get3A_92 : vector<16xf32>
      %mul3A_827 = arith.mulf %get3A_825, %get3A_98 : vector<16xf32>
      %add3A_828 = arith.addf %mul3A_826, %mul3A_827 : vector<16xf32>
      %swap3A_829 = arith.index_cast %scan3A_87 : i32 to index
      %swap3A_830 = arith.constant 720 : index
      %swap3A_831 = tpu.vector_load %arg10[%swap3A_829, %swap3A_830] {strides = array<i32>} : memref<32x1024xf32, #tpu.memory_space<vmem>>, vector<1x16xf32>,
      %swap3A_832 = vector.shape_cast %swap3A_831 : vector<1x16xf32> to vector<16xf32>
      %swap3A_833 = vector.shape_cast %add3A_828 : vector<16xf32> to vector<1x16xf32>
      tpu.vector_store %arg10[%swap3A_829, %swap3A_830], %swap3A_833 {strides = array<i32>} : memref<32x1024xf32, #tpu.memory_space<vmem>>, vector<1x16xf32>,
      %get3A_834 = arith.index_cast %scan3A_87 : i32 to index
      %get3A_835 = arith.constant 736 : index
      %get3A_836 = tpu.vector_load %arg8[%get3A_834, %get3A_835] {strides = array<i32>} : memref<32x1024xf32, #tpu.memory_space<vmem>>, vector<1x16xf32>,
      %get3A_837 = vector.shape_cast %get3A_836 : vector<1x16xf32> to vector<16xf32>
      %get3A_838 = arith.index_cast %scan3A_87 : i32 to index
      %get3A_839 = arith.constant 736 : index
      %get3A_840 = tpu.vector_load %arg9[%get3A_838, %get3A_839] {strides = array<i32>} : memref<32x1024xf32, #tpu.memory_space<vmem>>, vector<1x16xf32>,
      %get3A_841 = vector.shape_cast %get3A_840 : vector<1x16xf32> to vector<16xf32>
      %mul3A_842 = arith.mulf %get3A_837, %get3A_92 : vector<16xf32>
      %mul3A_843 = arith.mulf %get3A_841, %get3A_98 : vector<16xf32>
      %add3A_844 = arith.addf %mul3A_842, %mul3A_843 : vector<16xf32>
      %swap3A_845 = arith.index_cast %scan3A_87 : i32 to index
      %swap3A_846 = arith.constant 736 : index
      %swap3A_847 = tpu.vector_load %arg10[%swap3A_845, %swap3A_846] {strides = array<i32>} : memref<32x1024xf32, #tpu.memory_space<vmem>>, vector<1x16xf32>,
      %swap3A_848 = vector.shape_cast %swap3A_847 : vector<1x16xf32> to vector<16xf32>
      %swap3A_849 = vector.shape_cast %add3A_844 : vector<16xf32> to vector<1x16xf32>
      tpu.vector_store %arg10[%swap3A_845, %swap3A_846], %swap3A_849 {strides = array<i32>} : memref<32x1024xf32, #tpu.memory_space<vmem>>, vector<1x16xf32>,
      %get3A_850 = arith.index_cast %scan3A_87 : i32 to index
      %get3A_851 = arith.constant 752 : index
      %get3A_852 = tpu.vector_load %arg8[%get3A_850, %get3A_851] {strides = array<i32>} : memref<32x1024xf32, #tpu.memory_space<vmem>>, vector<1x16xf32>,
      %get3A_853 = vector.shape_cast %get3A_852 : vector<1x16xf32> to vector<16xf32>
      %get3A_854 = arith.index_cast %scan3A_87 : i32 to index
      %get3A_855 = arith.constant 752 : index
      %get3A_856 = tpu.vector_load %arg9[%get3A_854, %get3A_855] {strides = array<i32>} : memref<32x1024xf32, #tpu.memory_space<vmem>>, vector<1x16xf32>,
      %get3A_857 = vector.shape_cast %get3A_856 : vector<1x16xf32> to vector<16xf32>
      %mul3A_858 = arith.mulf %get3A_853, %get3A_92 : vector<16xf32>
      %mul3A_859 = arith.mulf %get3A_857, %get3A_98 : vector<16xf32>
      %add3A_860 = arith.addf %mul3A_858, %mul3A_859 : vector<16xf32>
      %swap3A_861 = arith.index_cast %scan3A_87 : i32 to index
      %swap3A_862 = arith.constant 752 : index
      %swap3A_863 = tpu.vector_load %arg10[%swap3A_861, %swap3A_862] {strides = array<i32>} : memref<32x1024xf32, #tpu.memory_space<vmem>>, vector<1x16xf32>,
      %swap3A_864 = vector.shape_cast %swap3A_863 : vector<1x16xf32> to vector<16xf32>
      %swap3A_865 = vector.shape_cast %add3A_860 : vector<16xf32> to vector<1x16xf32>
      tpu.vector_store %arg10[%swap3A_861, %swap3A_862], %swap3A_865 {strides = array<i32>} : memref<32x1024xf32, #tpu.memory_space<vmem>>, vector<1x16xf32>,
      %get3A_866 = arith.index_cast %scan3A_87 : i32 to index
      %get3A_867 = arith.constant 768 : index
      %get3A_868 = tpu.vector_load %arg8[%get3A_866, %get3A_867] {strides = array<i32>} : memref<32x1024xf32, #tpu.memory_space<vmem>>, vector<1x16xf32>,
      %get3A_869 = vector.shape_cast %get3A_868 : vector<1x16xf32> to vector<16xf32>
      %get3A_870 = arith.index_cast %scan3A_87 : i32 to index
      %get3A_871 = arith.constant 768 : index
      %get3A_872 = tpu.vector_load %arg9[%get3A_870, %get3A_871] {strides = array<i32>} : memref<32x1024xf32, #tpu.memory_space<vmem>>, vector<1x16xf32>,
      %get3A_873 = vector.shape_cast %get3A_872 : vector<1x16xf32> to vector<16xf32>
      %mul3A_874 = arith.mulf %get3A_869, %get3A_92 : vector<16xf32>
      %mul3A_875 = arith.mulf %get3A_873, %get3A_98 : vector<16xf32>
      %add3A_876 = arith.addf %mul3A_874, %mul3A_875 : vector<16xf32>
      %swap3A_877 = arith.index_cast %scan3A_87 : i32 to index
      %swap3A_878 = arith.constant 768 : index
      %swap3A_879 = tpu.vector_load %arg10[%swap3A_877, %swap3A_878] {strides = array<i32>} : memref<32x1024xf32, #tpu.memory_space<vmem>>, vector<1x16xf32>,
      %swap3A_880 = vector.shape_cast %swap3A_879 : vector<1x16xf32> to vector<16xf32>
      %swap3A_881 = vector.shape_cast %add3A_876 : vector<16xf32> to vector<1x16xf32>
      tpu.vector_store %arg10[%swap3A_877, %swap3A_878], %swap3A_881 {strides = array<i32>} : memref<32x1024xf32, #tpu.memory_space<vmem>>, vector<1x16xf32>,
      %get3A_882 = arith.index_cast %scan3A_87 : i32 to index
      %get3A_883 = arith.constant 784 : index
      %get3A_884 = tpu.vector_load %arg8[%get3A_882, %get3A_883] {strides = array<i32>} : memref<32x1024xf32, #tpu.memory_space<vmem>>, vector<1x16xf32>,
      %get3A_885 = vector.shape_cast %get3A_884 : vector<1x16xf32> to vector<16xf32>
      %get3A_886 = arith.index_cast %scan3A_87 : i32 to index
      %get3A_887 = arith.constant 784 : index
      %get3A_888 = tpu.vector_load %arg9[%get3A_886, %get3A_887] {strides = array<i32>} : memref<32x1024xf32, #tpu.memory_space<vmem>>, vector<1x16xf32>,
      %get3A_889 = vector.shape_cast %get3A_888 : vector<1x16xf32> to vector<16xf32>
      %mul3A_890 = arith.mulf %get3A_885, %get3A_92 : vector<16xf32>
      %mul3A_891 = arith.mulf %get3A_889, %get3A_98 : vector<16xf32>
      %add3A_892 = arith.addf %mul3A_890, %mul3A_891 : vector<16xf32>
      %swap3A_893 = arith.index_cast %scan3A_87 : i32 to index
      %swap3A_894 = arith.constant 784 : index
      %swap3A_895 = tpu.vector_load %arg10[%swap3A_893, %swap3A_894] {strides = array<i32>} : memref<32x1024xf32, #tpu.memory_space<vmem>>, vector<1x16xf32>,
      %swap3A_896 = vector.shape_cast %swap3A_895 : vector<1x16xf32> to vector<16xf32>
      %swap3A_897 = vector.shape_cast %add3A_892 : vector<16xf32> to vector<1x16xf32>
      tpu.vector_store %arg10[%swap3A_893, %swap3A_894], %swap3A_897 {strides = array<i32>} : memref<32x1024xf32, #tpu.memory_space<vmem>>, vector<1x16xf32>,
      %get3A_898 = arith.index_cast %scan3A_87 : i32 to index
      %get3A_899 = arith.constant 800 : index
      %get3A_900 = tpu.vector_load %arg8[%get3A_898, %get3A_899] {strides = array<i32>} : memref<32x1024xf32, #tpu.memory_space<vmem>>, vector<1x16xf32>,
      %get3A_901 = vector.shape_cast %get3A_900 : vector<1x16xf32> to vector<16xf32>
      %get3A_902 = arith.index_cast %scan3A_87 : i32 to index
      %get3A_903 = arith.constant 800 : index
      %get3A_904 = tpu.vector_load %arg9[%get3A_902, %get3A_903] {strides = array<i32>} : memref<32x1024xf32, #tpu.memory_space<vmem>>, vector<1x16xf32>,
      %get3A_905 = vector.shape_cast %get3A_904 : vector<1x16xf32> to vector<16xf32>
      %mul3A_906 = arith.mulf %get3A_901, %get3A_92 : vector<16xf32>
      %mul3A_907 = arith.mulf %get3A_905, %get3A_98 : vector<16xf32>
      %add3A_908 = arith.addf %mul3A_906, %mul3A_907 : vector<16xf32>
      %swap3A_909 = arith.index_cast %scan3A_87 : i32 to index
      %swap3A_910 = arith.constant 800 : index
      %swap3A_911 = tpu.vector_load %arg10[%swap3A_909, %swap3A_910] {strides = array<i32>} : memref<32x1024xf32, #tpu.memory_space<vmem>>, vector<1x16xf32>,
      %swap3A_912 = vector.shape_cast %swap3A_911 : vector<1x16xf32> to vector<16xf32>
      %swap3A_913 = vector.shape_cast %add3A_908 : vector<16xf32> to vector<1x16xf32>
      tpu.vector_store %arg10[%swap3A_909, %swap3A_910], %swap3A_913 {strides = array<i32>} : memref<32x1024xf32, #tpu.memory_space<vmem>>, vector<1x16xf32>,
      %get3A_914 = arith.index_cast %scan3A_87 : i32 to index
      %get3A_915 = arith.constant 816 : index
      %get3A_916 = tpu.vector_load %arg8[%get3A_914, %get3A_915] {strides = array<i32>} : memref<32x1024xf32, #tpu.memory_space<vmem>>, vector<1x16xf32>,
      %get3A_917 = vector.shape_cast %get3A_916 : vector<1x16xf32> to vector<16xf32>
      %get3A_918 = arith.index_cast %scan3A_87 : i32 to index
      %get3A_919 = arith.constant 816 : index
      %get3A_920 = tpu.vector_load %arg9[%get3A_918, %get3A_919] {strides = array<i32>} : memref<32x1024xf32, #tpu.memory_space<vmem>>, vector<1x16xf32>,
      %get3A_921 = vector.shape_cast %get3A_920 : vector<1x16xf32> to vector<16xf32>
      %mul3A_922 = arith.mulf %get3A_917, %get3A_92 : vector<16xf32>
      %mul3A_923 = arith.mulf %get3A_921, %get3A_98 : vector<16xf32>
      %add3A_924 = arith.addf %mul3A_922, %mul3A_923 : vector<16xf32>
      %swap3A_925 = arith.index_cast %scan3A_87 : i32 to index
      %swap3A_926 = arith.constant 816 : index
      %swap3A_927 = tpu.vector_load %arg10[%swap3A_925, %swap3A_926] {strides = array<i32>} : memref<32x1024xf32, #tpu.memory_space<vmem>>, vector<1x16xf32>,
      %swap3A_928 = vector.shape_cast %swap3A_927 : vector<1x16xf32> to vector<16xf32>
      %swap3A_929 = vector.shape_cast %add3A_924 : vector<16xf32> to vector<1x16xf32>
      tpu.vector_store %arg10[%swap3A_925, %swap3A_926], %swap3A_929 {strides = array<i32>} : memref<32x1024xf32, #tpu.memory_space<vmem>>, vector<1x16xf32>,
      %get3A_930 = arith.index_cast %scan3A_87 : i32 to index
      %get3A_931 = arith.constant 832 : index
      %get3A_932 = tpu.vector_load %arg8[%get3A_930, %get3A_931] {strides = array<i32>} : memref<32x1024xf32, #tpu.memory_space<vmem>>, vector<1x16xf32>,
      %get3A_933 = vector.shape_cast %get3A_932 : vector<1x16xf32> to vector<16xf32>
      %get3A_934 = arith.index_cast %scan3A_87 : i32 to index
      %get3A_935 = arith.constant 832 : index
      %get3A_936 = tpu.vector_load %arg9[%get3A_934, %get3A_935] {strides = array<i32>} : memref<32x1024xf32, #tpu.memory_space<vmem>>, vector<1x16xf32>,
      %get3A_937 = vector.shape_cast %get3A_936 : vector<1x16xf32> to vector<16xf32>
      %mul3A_938 = arith.mulf %get3A_933, %get3A_92 : vector<16xf32>
      %mul3A_939 = arith.mulf %get3A_937, %get3A_98 : vector<16xf32>
      %add3A_940 = arith.addf %mul3A_938, %mul3A_939 : vector<16xf32>
      %swap3A_941 = arith.index_cast %scan3A_87 : i32 to index
      %swap3A_942 = arith.constant 832 : index
      %swap3A_943 = tpu.vector_load %arg10[%swap3A_941, %swap3A_942] {strides = array<i32>} : memref<32x1024xf32, #tpu.memory_space<vmem>>, vector<1x16xf32>,
      %swap3A_944 = vector.shape_cast %swap3A_943 : vector<1x16xf32> to vector<16xf32>
      %swap3A_945 = vector.shape_cast %add3A_940 : vector<16xf32> to vector<1x16xf32>
      tpu.vector_store %arg10[%swap3A_941, %swap3A_942], %swap3A_945 {strides = array<i32>} : memref<32x1024xf32, #tpu.memory_space<vmem>>, vector<1x16xf32>,
      %get3A_946 = arith.index_cast %scan3A_87 : i32 to index
      %get3A_947 = arith.constant 848 : index
      %get3A_948 = tpu.vector_load %arg8[%get3A_946, %get3A_947] {strides = array<i32>} : memref<32x1024xf32, #tpu.memory_space<vmem>>, vector<1x16xf32>,
      %get3A_949 = vector.shape_cast %get3A_948 : vector<1x16xf32> to vector<16xf32>
      %get3A_950 = arith.index_cast %scan3A_87 : i32 to index
      %get3A_951 = arith.constant 848 : index
      %get3A_952 = tpu.vector_load %arg9[%get3A_950, %get3A_951] {strides = array<i32>} : memref<32x1024xf32, #tpu.memory_space<vmem>>, vector<1x16xf32>,
      %get3A_953 = vector.shape_cast %get3A_952 : vector<1x16xf32> to vector<16xf32>
      %mul3A_954 = arith.mulf %get3A_949, %get3A_92 : vector<16xf32>
      %mul3A_955 = arith.mulf %get3A_953, %get3A_98 : vector<16xf32>
      %add3A_956 = arith.addf %mul3A_954, %mul3A_955 : vector<16xf32>
      %swap3A_957 = arith.index_cast %scan3A_87 : i32 to index
      %swap3A_958 = arith.constant 848 : index
      %swap3A_959 = tpu.vector_load %arg10[%swap3A_957, %swap3A_958] {strides = array<i32>} : memref<32x1024xf32, #tpu.memory_space<vmem>>, vector<1x16xf32>,
      %swap3A_960 = vector.shape_cast %swap3A_959 : vector<1x16xf32> to vector<16xf32>
      %swap3A_961 = vector.shape_cast %add3A_956 : vector<16xf32> to vector<1x16xf32>
      tpu.vector_store %arg10[%swap3A_957, %swap3A_958], %swap3A_961 {strides = array<i32>} : memref<32x1024xf32, #tpu.memory_space<vmem>>, vector<1x16xf32>,
      %get3A_962 = arith.index_cast %scan3A_87 : i32 to index
      %get3A_963 = arith.constant 864 : index
      %get3A_964 = tpu.vector_load %arg8[%get3A_962, %get3A_963] {strides = array<i32>} : memref<32x1024xf32, #tpu.memory_space<vmem>>, vector<1x16xf32>,
      %get3A_965 = vector.shape_cast %get3A_964 : vector<1x16xf32> to vector<16xf32>
      %get3A_966 = arith.index_cast %scan3A_87 : i32 to index
      %get3A_967 = arith.constant 864 : index
      %get3A_968 = tpu.vector_load %arg9[%get3A_966, %get3A_967] {strides = array<i32>} : memref<32x1024xf32, #tpu.memory_space<vmem>>, vector<1x16xf32>,
      %get3A_969 = vector.shape_cast %get3A_968 : vector<1x16xf32> to vector<16xf32>
      %mul3A_970 = arith.mulf %get3A_965, %get3A_92 : vector<16xf32>
      %mul3A_971 = arith.mulf %get3A_969, %get3A_98 : vector<16xf32>
      %add3A_972 = arith.addf %mul3A_970, %mul3A_971 : vector<16xf32>
      %swap3A_973 = arith.index_cast %scan3A_87 : i32 to index
      %swap3A_974 = arith.constant 864 : index
      %swap3A_975 = tpu.vector_load %arg10[%swap3A_973, %swap3A_974] {strides = array<i32>} : memref<32x1024xf32, #tpu.memory_space<vmem>>, vector<1x16xf32>,
      %swap3A_976 = vector.shape_cast %swap3A_975 : vector<1x16xf32> to vector<16xf32>
      %swap3A_977 = vector.shape_cast %add3A_972 : vector<16xf32> to vector<1x16xf32>
      tpu.vector_store %arg10[%swap3A_973, %swap3A_974], %swap3A_977 {strides = array<i32>} : memref<32x1024xf32, #tpu.memory_space<vmem>>, vector<1x16xf32>,
      %get3A_978 = arith.index_cast %scan3A_87 : i32 to index
      %get3A_979 = arith.constant 880 : index
      %get3A_980 = tpu.vector_load %arg8[%get3A_978, %get3A_979] {strides = array<i32>} : memref<32x1024xf32, #tpu.memory_space<vmem>>, vector<1x16xf32>,
      %get3A_981 = vector.shape_cast %get3A_980 : vector<1x16xf32> to vector<16xf32>
      %get3A_982 = arith.index_cast %scan3A_87 : i32 to index
      %get3A_983 = arith.constant 880 : index
      %get3A_984 = tpu.vector_load %arg9[%get3A_982, %get3A_983] {strides = array<i32>} : memref<32x1024xf32, #tpu.memory_space<vmem>>, vector<1x16xf32>,
      %get3A_985 = vector.shape_cast %get3A_984 : vector<1x16xf32> to vector<16xf32>
      %mul3A_986 = arith.mulf %get3A_981, %get3A_92 : vector<16xf32>
      %mul3A_987 = arith.mulf %get3A_985, %get3A_98 : vector<16xf32>
      %add3A_988 = arith.addf %mul3A_986, %mul3A_987 : vector<16xf32>
      %swap3A_989 = arith.index_cast %scan3A_87 : i32 to index
      %swap3A_990 = arith.constant 880 : index
      %swap3A_991 = tpu.vector_load %arg10[%swap3A_989, %swap3A_990] {strides = array<i32>} : memref<32x1024xf32, #tpu.memory_space<vmem>>, vector<1x16xf32>,
      %swap3A_992 = vector.shape_cast %swap3A_991 : vector<1x16xf32> to vector<16xf32>
      %swap3A_993 = vector.shape_cast %add3A_988 : vector<16xf32> to vector<1x16xf32>
      tpu.vector_store %arg10[%swap3A_989, %swap3A_990], %swap3A_993 {strides = array<i32>} : memref<32x1024xf32, #tpu.memory_space<vmem>>, vector<1x16xf32>,
      %get3A_994 = arith.index_cast %scan3A_87 : i32 to index
      %get3A_995 = arith.constant 896 : index
      %get3A_996 = tpu.vector_load %arg8[%get3A_994, %get3A_995] {strides = array<i32>} : memref<32x1024xf32, #tpu.memory_space<vmem>>, vector<1x16xf32>,
      %get3A_997 = vector.shape_cast %get3A_996 : vector<1x16xf32> to vector<16xf32>
      %get3A_998 = arith.index_cast %scan3A_87 : i32 to index
      %get3A_999 = arith.constant 896 : index
      %get3A_1000 = tpu.vector_load %arg9[%get3A_998, %get3A_999] {strides = array<i32>} : memref<32x1024xf32, #tpu.memory_space<vmem>>, vector<1x16xf32>,
      %get3A_1001 = vector.shape_cast %get3A_1000 : vector<1x16xf32> to vector<16xf32>
      %mul3A_1002 = arith.mulf %get3A_997, %get3A_92 : vector<16xf32>
      %mul3A_1003 = arith.mulf %get3A_1001, %get3A_98 : vector<16xf32>
      %add3A_1004 = arith.addf %mul3A_1002, %mul3A_1003 : vector<16xf32>
      %swap3A_1005 = arith.index_cast %scan3A_87 : i32 to index
      %swap3A_1006 = arith.constant 896 : index
      %swap3A_1007 = tpu.vector_load %arg10[%swap3A_1005, %swap3A_1006] {strides = array<i32>} : memref<32x1024xf32, #tpu.memory_space<vmem>>, vector<1x16xf32>,
      %swap3A_1008 = vector.shape_cast %swap3A_1007 : vector<1x16xf32> to vector<16xf32>
      %swap3A_1009 = vector.shape_cast %add3A_1004 : vector<16xf32> to vector<1x16xf32>
      tpu.vector_store %arg10[%swap3A_1005, %swap3A_1006], %swap3A_1009 {strides = array<i32>} : memref<32x1024xf32, #tpu.memory_space<vmem>>, vector<1x16xf32>,
      %get3A_1010 = arith.index_cast %scan3A_87 : i32 to index
      %get3A_1011 = arith.constant 912 : index
      %get3A_1012 = tpu.vector_load %arg8[%get3A_1010, %get3A_1011] {strides = array<i32>} : memref<32x1024xf32, #tpu.memory_space<vmem>>, vector<1x16xf32>,
      %get3A_1013 = vector.shape_cast %get3A_1012 : vector<1x16xf32> to vector<16xf32>
      %get3A_1014 = arith.index_cast %scan3A_87 : i32 to index
      %get3A_1015 = arith.constant 912 : index
      %get3A_1016 = tpu.vector_load %arg9[%get3A_1014, %get3A_1015] {strides = array<i32>} : memref<32x1024xf32, #tpu.memory_space<vmem>>, vector<1x16xf32>,
      %get3A_1017 = vector.shape_cast %get3A_1016 : vector<1x16xf32> to vector<16xf32>
      %mul3A_1018 = arith.mulf %get3A_1013, %get3A_92 : vector<16xf32>
      %mul3A_1019 = arith.mulf %get3A_1017, %get3A_98 : vector<16xf32>
      %add3A_1020 = arith.addf %mul3A_1018, %mul3A_1019 : vector<16xf32>
      %swap3A_1021 = arith.index_cast %scan3A_87 : i32 to index
      %swap3A_1022 = arith.constant 912 : index
      %swap3A_1023 = tpu.vector_load %arg10[%swap3A_1021, %swap3A_1022] {strides = array<i32>} : memref<32x1024xf32, #tpu.memory_space<vmem>>, vector<1x16xf32>,
      %swap3A_1024 = vector.shape_cast %swap3A_1023 : vector<1x16xf32> to vector<16xf32>
      %swap3A_1025 = vector.shape_cast %add3A_1020 : vector<16xf32> to vector<1x16xf32>
      tpu.vector_store %arg10[%swap3A_1021, %swap3A_1022], %swap3A_1025 {strides = array<i32>} : memref<32x1024xf32, #tpu.memory_space<vmem>>, vector<1x16xf32>,
      %get3A_1026 = arith.index_cast %scan3A_87 : i32 to index
      %get3A_1027 = arith.constant 928 : index
      %get3A_1028 = tpu.vector_load %arg8[%get3A_1026, %get3A_1027] {strides = array<i32>} : memref<32x1024xf32, #tpu.memory_space<vmem>>, vector<1x16xf32>,
      %get3A_1029 = vector.shape_cast %get3A_1028 : vector<1x16xf32> to vector<16xf32>
      %get3A_1030 = arith.index_cast %scan3A_87 : i32 to index
      %get3A_1031 = arith.constant 928 : index
      %get3A_1032 = tpu.vector_load %arg9[%get3A_1030, %get3A_1031] {strides = array<i32>} : memref<32x1024xf32, #tpu.memory_space<vmem>>, vector<1x16xf32>,
      %get3A_1033 = vector.shape_cast %get3A_1032 : vector<1x16xf32> to vector<16xf32>
      %mul3A_1034 = arith.mulf %get3A_1029, %get3A_92 : vector<16xf32>
      %mul3A_1035 = arith.mulf %get3A_1033, %get3A_98 : vector<16xf32>
      %add3A_1036 = arith.addf %mul3A_1034, %mul3A_1035 : vector<16xf32>
      %swap3A_1037 = arith.index_cast %scan3A_87 : i32 to index
      %swap3A_1038 = arith.constant 928 : index
      %swap3A_1039 = tpu.vector_load %arg10[%swap3A_1037, %swap3A_1038] {strides = array<i32>} : memref<32x1024xf32, #tpu.memory_space<vmem>>, vector<1x16xf32>,
      %swap3A_1040 = vector.shape_cast %swap3A_1039 : vector<1x16xf32> to vector<16xf32>
      %swap3A_1041 = vector.shape_cast %add3A_1036 : vector<16xf32> to vector<1x16xf32>
      tpu.vector_store %arg10[%swap3A_1037, %swap3A_1038], %swap3A_1041 {strides = array<i32>} : memref<32x1024xf32, #tpu.memory_space<vmem>>, vector<1x16xf32>,
      %get3A_1042 = arith.index_cast %scan3A_87 : i32 to index
      %get3A_1043 = arith.constant 944 : index
      %get3A_1044 = tpu.vector_load %arg8[%get3A_1042, %get3A_1043] {strides = array<i32>} : memref<32x1024xf32, #tpu.memory_space<vmem>>, vector<1x16xf32>,
      %get3A_1045 = vector.shape_cast %get3A_1044 : vector<1x16xf32> to vector<16xf32>
      %get3A_1046 = arith.index_cast %scan3A_87 : i32 to index
      %get3A_1047 = arith.constant 944 : index
      %get3A_1048 = tpu.vector_load %arg9[%get3A_1046, %get3A_1047] {strides = array<i32>} : memref<32x1024xf32, #tpu.memory_space<vmem>>, vector<1x16xf32>,
      %get3A_1049 = vector.shape_cast %get3A_1048 : vector<1x16xf32> to vector<16xf32>
      %mul3A_1050 = arith.mulf %get3A_1045, %get3A_92 : vector<16xf32>
      %mul3A_1051 = arith.mulf %get3A_1049, %get3A_98 : vector<16xf32>
      %add3A_1052 = arith.addf %mul3A_1050, %mul3A_1051 : vector<16xf32>
      %swap3A_1053 = arith.index_cast %scan3A_87 : i32 to index
      %swap3A_1054 = arith.constant 944 : index
      %swap3A_1055 = tpu.vector_load %arg10[%swap3A_1053, %swap3A_1054] {strides = array<i32>} : memref<32x1024xf32, #tpu.memory_space<vmem>>, vector<1x16xf32>,
      %swap3A_1056 = vector.shape_cast %swap3A_1055 : vector<1x16xf32> to vector<16xf32>
      %swap3A_1057 = vector.shape_cast %add3A_1052 : vector<16xf32> to vector<1x16xf32>
      tpu.vector_store %arg10[%swap3A_1053, %swap3A_1054], %swap3A_1057 {strides = array<i32>} : memref<32x1024xf32, #tpu.memory_space<vmem>>, vector<1x16xf32>,
      %get3A_1058 = arith.index_cast %scan3A_87 : i32 to index
      %get3A_1059 = arith.constant 960 : index
      %get3A_1060 = tpu.vector_load %arg8[%get3A_1058, %get3A_1059] {strides = array<i32>} : memref<32x1024xf32, #tpu.memory_space<vmem>>, vector<1x16xf32>,
      %get3A_1061 = vector.shape_cast %get3A_1060 : vector<1x16xf32> to vector<16xf32>
      %get3A_1062 = arith.index_cast %scan3A_87 : i32 to index
      %get3A_1063 = arith.constant 960 : index
      %get3A_1064 = tpu.vector_load %arg9[%get3A_1062, %get3A_1063] {strides = array<i32>} : memref<32x1024xf32, #tpu.memory_space<vmem>>, vector<1x16xf32>,
      %get3A_1065 = vector.shape_cast %get3A_1064 : vector<1x16xf32> to vector<16xf32>
      %mul3A_1066 = arith.mulf %get3A_1061, %get3A_92 : vector<16xf32>
      %mul3A_1067 = arith.mulf %get3A_1065, %get3A_98 : vector<16xf32>
      %add3A_1068 = arith.addf %mul3A_1066, %mul3A_1067 : vector<16xf32>
      %swap3A_1069 = arith.index_cast %scan3A_87 : i32 to index
      %swap3A_1070 = arith.constant 960 : index
      %swap3A_1071 = tpu.vector_load %arg10[%swap3A_1069, %swap3A_1070] {strides = array<i32>} : memref<32x1024xf32, #tpu.memory_space<vmem>>, vector<1x16xf32>,
      %swap3A_1072 = vector.shape_cast %swap3A_1071 : vector<1x16xf32> to vector<16xf32>
      %swap3A_1073 = vector.shape_cast %add3A_1068 : vector<16xf32> to vector<1x16xf32>
      tpu.vector_store %arg10[%swap3A_1069, %swap3A_1070], %swap3A_1073 {strides = array<i32>} : memref<32x1024xf32, #tpu.memory_space<vmem>>, vector<1x16xf32>,
      %get3A_1074 = arith.index_cast %scan3A_87 : i32 to index
      %get3A_1075 = arith.constant 976 : index
      %get3A_1076 = tpu.vector_load %arg8[%get3A_1074, %get3A_1075] {strides = array<i32>} : memref<32x1024xf32, #tpu.memory_space<vmem>>, vector<1x16xf32>,
      %get3A_1077 = vector.shape_cast %get3A_1076 : vector<1x16xf32> to vector<16xf32>
      %get3A_1078 = arith.index_cast %scan3A_87 : i32 to index
      %get3A_1079 = arith.constant 976 : index
      %get3A_1080 = tpu.vector_load %arg9[%get3A_1078, %get3A_1079] {strides = array<i32>} : memref<32x1024xf32, #tpu.memory_space<vmem>>, vector<1x16xf32>,
      %get3A_1081 = vector.shape_cast %get3A_1080 : vector<1x16xf32> to vector<16xf32>
      %mul3A_1082 = arith.mulf %get3A_1077, %get3A_92 : vector<16xf32>
      %mul3A_1083 = arith.mulf %get3A_1081, %get3A_98 : vector<16xf32>
      %add3A_1084 = arith.addf %mul3A_1082, %mul3A_1083 : vector<16xf32>
      %swap3A_1085 = arith.index_cast %scan3A_87 : i32 to index
      %swap3A_1086 = arith.constant 976 : index
      %swap3A_1087 = tpu.vector_load %arg10[%swap3A_1085, %swap3A_1086] {strides = array<i32>} : memref<32x1024xf32, #tpu.memory_space<vmem>>, vector<1x16xf32>,
      %swap3A_1088 = vector.shape_cast %swap3A_1087 : vector<1x16xf32> to vector<16xf32>
      %swap3A_1089 = vector.shape_cast %add3A_1084 : vector<16xf32> to vector<1x16xf32>
      tpu.vector_store %arg10[%swap3A_1085, %swap3A_1086], %swap3A_1089 {strides = array<i32>} : memref<32x1024xf32, #tpu.memory_space<vmem>>, vector<1x16xf32>,
      %get3A_1090 = arith.index_cast %scan3A_87 : i32 to index
      %get3A_1091 = arith.constant 992 : index
      %get3A_1092 = tpu.vector_load %arg8[%get3A_1090, %get3A_1091] {strides = array<i32>} : memref<32x1024xf32, #tpu.memory_space<vmem>>, vector<1x16xf32>,
      %get3A_1093 = vector.shape_cast %get3A_1092 : vector<1x16xf32> to vector<16xf32>
      %get3A_1094 = arith.index_cast %scan3A_87 : i32 to index
      %get3A_1095 = arith.constant 992 : index
      %get3A_1096 = tpu.vector_load %arg9[%get3A_1094, %get3A_1095] {strides = array<i32>} : memref<32x1024xf32, #tpu.memory_space<vmem>>, vector<1x16xf32>,
      %get3A_1097 = vector.shape_cast %get3A_1096 : vector<1x16xf32> to vector<16xf32>
      %mul3A_1098 = arith.mulf %get3A_1093, %get3A_92 : vector<16xf32>
      %mul3A_1099 = arith.mulf %get3A_1097, %get3A_98 : vector<16xf32>
      %add3A_1100 = arith.addf %mul3A_1098, %mul3A_1099 : vector<16xf32>
      %swap3A_1101 = arith.index_cast %scan3A_87 : i32 to index
      %swap3A_1102 = arith.constant 992 : index
      %swap3A_1103 = tpu.vector_load %arg10[%swap3A_1101, %swap3A_1102] {strides = array<i32>} : memref<32x1024xf32, #tpu.memory_space<vmem>>, vector<1x16xf32>,
      %swap3A_1104 = vector.shape_cast %swap3A_1103 : vector<1x16xf32> to vector<16xf32>
      %swap3A_1105 = vector.shape_cast %add3A_1100 : vector<16xf32> to vector<1x16xf32>
      tpu.vector_store %arg10[%swap3A_1101, %swap3A_1102], %swap3A_1105 {strides = array<i32>} : memref<32x1024xf32, #tpu.memory_space<vmem>>, vector<1x16xf32>,
      %get3A_1106 = arith.index_cast %scan3A_87 : i32 to index
      %get3A_1107 = arith.constant 1008 : index
      %get3A_1108 = tpu.vector_load %arg8[%get3A_1106, %get3A_1107] {strides = array<i32>} : memref<32x1024xf32, #tpu.memory_space<vmem>>, vector<1x16xf32>,
      %get3A_1109 = vector.shape_cast %get3A_1108 : vector<1x16xf32> to vector<16xf32>
      %get3A_1110 = arith.index_cast %scan3A_87 : i32 to index
      %get3A_1111 = arith.constant 1008 : index
      %get3A_1112 = tpu.vector_load %arg9[%get3A_1110, %get3A_1111] {strides = array<i32>} : memref<32x1024xf32, #tpu.memory_space<vmem>>, vector<1x16xf32>,
      %get3A_1113 = vector.shape_cast %get3A_1112 : vector<1x16xf32> to vector<16xf32>
      %mul3A_1114 = arith.mulf %get3A_1109, %get3A_92 : vector<16xf32>
      %mul3A_1115 = arith.mulf %get3A_1113, %get3A_98 : vector<16xf32>
      %add3A_1116 = arith.addf %mul3A_1114, %mul3A_1115 : vector<16xf32>
      %swap3A_1117 = arith.index_cast %scan3A_87 : i32 to index
      %swap3A_1118 = arith.constant 1008 : index
      %swap3A_1119 = tpu.vector_load %arg10[%swap3A_1117, %swap3A_1118] {strides = array<i32>} : memref<32x1024xf32, #tpu.memory_space<vmem>>, vector<1x16xf32>,
      %swap3A_1120 = vector.shape_cast %swap3A_1119 : vector<1x16xf32> to vector<16xf32>
      %swap3A_1121 = vector.shape_cast %add3A_1116 : vector<16xf32> to vector<1x16xf32>
      tpu.vector_store %arg10[%swap3A_1117, %swap3A_1118], %swap3A_1121 {strides = array<i32>} : memref<32x1024xf32, #tpu.memory_space<vmem>>, vector<1x16xf32>,
    }
    %scan3A_48 = arith.constant 32 : i32
    %add3A_49 = arith.constant 0 : i32
    %add3A_50 = arith.addi %mul3A_2, %add3A_49 : i32
    "tpu.region"() ({
      %run_scoped3A_87 = tpu.sem_alloc : memref<!tpu.dma_semaphore, #tpu.memory_space<semaphore_mem>>
      %dma_start3A_88 = arith.constant 0 : i32
      %dma_start3A_89 = tpu.memref_slice %arg6[%add3A_50, %dma_start3A_88] : memref<2048x1024xf32, #tpu.memory_space<hbm>> -> memref<32x1024xf32, #tpu.memory_space<hbm>>
      %dma_start3A_90 = arith.constant 0 : i32
      %dma_start3A_91 = tpu.memref_slice %arg6[%add3A_50, %dma_start3A_90] : memref<2048x1024xf32, #tpu.memory_space<hbm>> -> memref<32x1024xf32, #tpu.memory_space<hbm>>
      tpu.enqueue_dma source(%arg10 : memref<32x1024xf32, #tpu.memory_space<vmem>>) target(%dma_start3A_91 : memref<32x1024xf32, #tpu.memory_space<hbm>>) target_semaphore(%run_scoped3A_87 : memref<!tpu.dma_semaphore, #tpu.memory_space<semaphore_mem>>)
      %dma_wait3A_92 = arith.constant 0 : i32
      %dma_wait3A_93 = tpu.memref_slice %arg6[%add3A_50, %dma_wait3A_92] : memref<2048x1024xf32, #tpu.memory_space<hbm>> -> memref<32x1024xf32, #tpu.memory_space<hbm>>
      %dma_wait3A_94 = arith.constant 0 : i32
      %dma_wait3A_95 = tpu.memref_slice %arg6[%add3A_50, %dma_wait3A_94] : memref<2048x1024xf32, #tpu.memory_space<hbm>> -> memref<32x1024xf32, #tpu.memory_space<hbm>>
      tpu.wait_dma2 semaphore(%run_scoped3A_87 : memref<!tpu.dma_semaphore, #tpu.memory_space<semaphore_mem>>) src(%arg10 : memref<32x1024xf32, #tpu.memory_space<vmem>>) dst(%dma_wait3A_95 : memref<32x1024xf32, #tpu.memory_space<hbm>>)
      tpu.yield
    }) : () -> ()
    %dma_start3A_51 = arith.constant 1 : i32
    %dma_start3A_52 = arith.constant 0 : i32
    %dma_start3A_53 = tpu.memref_slice %arg7[%dma_start3A_51, %dma_start3A_52] : memref<4x32xi32, #tpu.memory_space<vmem>> -> memref<1x32xi32, #tpu.memory_space<vmem>>
    %dma_start3A_54 = tpu.memref_squeeze %dma_start3A_53 : memref<1x32xi32, #tpu.memory_space<vmem>> -> memref<32xi32, #tpu.memory_space<vmem>>
    %dma_start3A_55 = arith.constant 0 : i32
    %dma_start3A_56 = arith.constant 0 : i32
    %dma_start3A_57 = tpu.memref_slice %arg3[%dma_start3A_55, %dma_start3A_56] : memref<8192x1024xf32, #tpu.memory_space<hbm>> -> memref<8192x1024xf32, #tpu.memory_space<hbm>>
    tpu.enqueue_indirect_dma source(%dma_start3A_57 : memref<8192x1024xf32, #tpu.memory_space<hbm>>) target(%arg8 : memref<32x1024xf32, #tpu.memory_space<vmem>>) offsets(%dma_start3A_54 : memref<32xi32, #tpu.memory_space<vmem>>) semaphore(%arg13 : memref<!tpu.dma_semaphore, #tpu.memory_space<semaphore_mem>>)
    %dma_wait3A_58 = arith.constant 1 : i32
    %dma_wait3A_59 = arith.constant 0 : i32
    %dma_wait3A_60 = tpu.memref_slice %arg7[%dma_wait3A_58, %dma_wait3A_59] : memref<4x32xi32, #tpu.memory_space<vmem>> -> memref<1x32xi32, #tpu.memory_space<vmem>>
    %dma_wait3A_61 = tpu.memref_squeeze %dma_wait3A_60 : memref<1x32xi32, #tpu.memory_space<vmem>> -> memref<32xi32, #tpu.memory_space<vmem>>
    %dma_wait3A_62 = arith.constant 0 : i32
    %dma_wait3A_63 = arith.constant 0 : i32
    %dma_wait3A_64 = tpu.memref_slice %arg3[%dma_wait3A_62, %dma_wait3A_63] : memref<8192x1024xf32, #tpu.memory_space<hbm>> -> memref<8192x1024xf32, #tpu.memory_space<hbm>>
    tpu.wait_indirect_dma semaphore(%arg13 : memref<!tpu.dma_semaphore, #tpu.memory_space<semaphore_mem>>) src(%dma_wait3A_64 : memref<8192x1024xf32, #tpu.memory_space<hbm>>) dst(%arg8 : memref<32x1024xf32, #tpu.memory_space<vmem>>)
    %dma_start3A_65 = arith.constant 3 : i32
    %dma_start3A_66 = arith.constant 0 : i32
    %dma_start3A_67 = tpu.memref_slice %arg7[%dma_start3A_65, %dma_start3A_66] : memref<4x32xi32, #tpu.memory_space<vmem>> -> memref<1x32xi32, #tpu.memory_space<vmem>>
    %dma_start3A_68 = tpu.memref_squeeze %dma_start3A_67 : memref<1x32xi32, #tpu.memory_space<vmem>> -> memref<32xi32, #tpu.memory_space<vmem>>
    %dma_start3A_69 = arith.constant 0 : i32
    %dma_start3A_70 = arith.constant 0 : i32
    %dma_start3A_71 = tpu.memref_slice %arg3[%dma_start3A_69, %dma_start3A_70] : memref<8192x1024xf32, #tpu.memory_space<hbm>> -> memref<8192x1024xf32, #tpu.memory_space<hbm>>
    tpu.enqueue_indirect_dma source(%dma_start3A_71 : memref<8192x1024xf32, #tpu.memory_space<hbm>>) target(%arg9 : memref<32x1024xf32, #tpu.memory_space<vmem>>) offsets(%dma_start3A_68 : memref<32xi32, #tpu.memory_space<vmem>>) semaphore(%arg14 : memref<!tpu.dma_semaphore, #tpu.memory_space<semaphore_mem>>)
    %dma_wait3A_72 = arith.constant 3 : i32
    %dma_wait3A_73 = arith.constant 0 : i32
    %dma_wait3A_74 = tpu.memref_slice %arg7[%dma_wait3A_72, %dma_wait3A_73] : memref<4x32xi32, #tpu.memory_space<vmem>> -> memref<1x32xi32, #tpu.memory_space<vmem>>
    %dma_wait3A_75 = tpu.memref_squeeze %dma_wait3A_74 : memref<1x32xi32, #tpu.memory_space<vmem>> -> memref<32xi32, #tpu.memory_space<vmem>>
    %dma_wait3A_76 = arith.constant 0 : i32
    %dma_wait3A_77 = arith.constant 0 : i32
    %dma_wait3A_78 = tpu.memref_slice %arg3[%dma_wait3A_76, %dma_wait3A_77] : memref<8192x1024xf32, #tpu.memory_space<hbm>> -> memref<8192x1024xf32, #tpu.memory_space<hbm>>
    tpu.wait_indirect_dma semaphore(%arg14 : memref<!tpu.dma_semaphore, #tpu.memory_space<semaphore_mem>>) src(%dma_wait3A_78 : memref<8192x1024xf32, #tpu.memory_space<hbm>>) dst(%arg9 : memref<32x1024xf32, #tpu.memory_space<vmem>>)
    %scan3A_79 = arith.constant 0 : i32
    %scan3A_80 = arith.constant 0 : i32
    %scan3A_81 = arith.constant 32 : i32
    %scan3A_82 = arith.addi %scan3A_80, %scan3A_81 : i32
    %scan3A_83 = arith.constant 1 : i32
    scf.for %scan3A_87 = %scan3A_80 to %scan3A_82 step %scan3A_83  : i32 {
      %add3A_88 = arith.constant 32 : i32
      %add3A_89 = arith.addi %add3A_88, %scan3A_87 : i32
      %get3A = arith.index_cast %add3A_89 : i32 to index
      %get3A_90 = arith.constant 0 : index
      %get3A_91 = tpu.vector_load %arg11[%get3A, %get3A_90] {strides = array<i32>} : memref<64x16xf32, #tpu.memory_space<vmem>>, vector<1x16xf32>,
      %get3A_92 = vector.shape_cast %get3A_91 : vector<1x16xf32> to vector<16xf32>
      %add3A_93 = arith.constant 32 : i32
      %add3A_94 = arith.addi %add3A_93, %scan3A_87 : i32
      %get3A_95 = arith.index_cast %add3A_94 : i32 to index
      %get3A_96 = arith.constant 0 : index
      %get3A_97 = tpu.vector_load %arg12[%get3A_95, %get3A_96] {strides = array<i32>} : memref<64x16xf32, #tpu.memory_space<vmem>>, vector<1x16xf32>,
      %get3A_98 = vector.shape_cast %get3A_97 : vector<1x16xf32> to vector<16xf32>
      %get3A_99 = arith.index_cast %scan3A_87 : i32 to index
      %get3A_100 = arith.constant 0 : index
      %get3A_101 = tpu.vector_load %arg8[%get3A_99, %get3A_100] {strides = array<i32>} : memref<32x1024xf32, #tpu.memory_space<vmem>>, vector<1x16xf32>,
      %get3A_102 = vector.shape_cast %get3A_101 : vector<1x16xf32> to vector<16xf32>
      %get3A_103 = arith.index_cast %scan3A_87 : i32 to index
      %get3A_104 = arith.constant 0 : index
      %get3A_105 = tpu.vector_load %arg9[%get3A_103, %get3A_104] {strides = array<i32>} : memref<32x1024xf32, #tpu.memory_space<vmem>>, vector<1x16xf32>,
      %get3A_106 = vector.shape_cast %get3A_105 : vector<1x16xf32> to vector<16xf32>
      %mul3A_107 = arith.mulf %get3A_102, %get3A_92 : vector<16xf32>
      %mul3A_108 = arith.mulf %get3A_106, %get3A_98 : vector<16xf32>
      %add3A_109 = arith.addf %mul3A_107, %mul3A_108 : vector<16xf32>
      %swap3A = arith.index_cast %scan3A_87 : i32 to index
      %swap3A_110 = arith.constant 0 : index
      %swap3A_111 = tpu.vector_load %arg10[%swap3A, %swap3A_110] {strides = array<i32>} : memref<32x1024xf32, #tpu.memory_space<vmem>>, vector<1x16xf32>,
      %swap3A_112 = vector.shape_cast %swap3A_111 : vector<1x16xf32> to vector<16xf32>
      %swap3A_113 = vector.shape_cast %add3A_109 : vector<16xf32> to vector<1x16xf32>
      tpu.vector_store %arg10[%swap3A, %swap3A_110], %swap3A_113 {strides = array<i32>} : memref<32x1024xf32, #tpu.memory_space<vmem>>, vector<1x16xf32>,
      %get3A_114 = arith.index_cast %scan3A_87 : i32 to index
      %get3A_115 = arith.constant 16 : index
      %get3A_116 = tpu.vector_load %arg8[%get3A_114, %get3A_115] {strides = array<i32>} : memref<32x1024xf32, #tpu.memory_space<vmem>>, vector<1x16xf32>,
      %get3A_117 = vector.shape_cast %get3A_116 : vector<1x16xf32> to vector<16xf32>
      %get3A_118 = arith.index_cast %scan3A_87 : i32 to index
      %get3A_119 = arith.constant 16 : index
      %get3A_120 = tpu.vector_load %arg9[%get3A_118, %get3A_119] {strides = array<i32>} : memref<32x1024xf32, #tpu.memory_space<vmem>>, vector<1x16xf32>,
      %get3A_121 = vector.shape_cast %get3A_120 : vector<1x16xf32> to vector<16xf32>
      %mul3A_122 = arith.mulf %get3A_117, %get3A_92 : vector<16xf32>
      %mul3A_123 = arith.mulf %get3A_121, %get3A_98 : vector<16xf32>
      %add3A_124 = arith.addf %mul3A_122, %mul3A_123 : vector<16xf32>
      %swap3A_125 = arith.index_cast %scan3A_87 : i32 to index
      %swap3A_126 = arith.constant 16 : index
      %swap3A_127 = tpu.vector_load %arg10[%swap3A_125, %swap3A_126] {strides = array<i32>} : memref<32x1024xf32, #tpu.memory_space<vmem>>, vector<1x16xf32>,
      %swap3A_128 = vector.shape_cast %swap3A_127 : vector<1x16xf32> to vector<16xf32>
      %swap3A_129 = vector.shape_cast %add3A_124 : vector<16xf32> to vector<1x16xf32>
      tpu.vector_store %arg10[%swap3A_125, %swap3A_126], %swap3A_129 {strides = array<i32>} : memref<32x1024xf32, #tpu.memory_space<vmem>>, vector<1x16xf32>,
      %get3A_130 = arith.index_cast %scan3A_87 : i32 to index
      %get3A_131 = arith.constant 32 : index
      %get3A_132 = tpu.vector_load %arg8[%get3A_130, %get3A_131] {strides = array<i32>} : memref<32x1024xf32, #tpu.memory_space<vmem>>, vector<1x16xf32>,
      %get3A_133 = vector.shape_cast %get3A_132 : vector<1x16xf32> to vector<16xf32>
      %get3A_134 = arith.index_cast %scan3A_87 : i32 to index
      %get3A_135 = arith.constant 32 : index
      %get3A_136 = tpu.vector_load %arg9[%get3A_134, %get3A_135] {strides = array<i32>} : memref<32x1024xf32, #tpu.memory_space<vmem>>, vector<1x16xf32>,
      %get3A_137 = vector.shape_cast %get3A_136 : vector<1x16xf32> to vector<16xf32>
      %mul3A_138 = arith.mulf %get3A_133, %get3A_92 : vector<16xf32>
      %mul3A_139 = arith.mulf %get3A_137, %get3A_98 : vector<16xf32>
      %add3A_140 = arith.addf %mul3A_138, %mul3A_139 : vector<16xf32>
      %swap3A_141 = arith.index_cast %scan3A_87 : i32 to index
      %swap3A_142 = arith.constant 32 : index
      %swap3A_143 = tpu.vector_load %arg10[%swap3A_141, %swap3A_142] {strides = array<i32>} : memref<32x1024xf32, #tpu.memory_space<vmem>>, vector<1x16xf32>,
      %swap3A_144 = vector.shape_cast %swap3A_143 : vector<1x16xf32> to vector<16xf32>
      %swap3A_145 = vector.shape_cast %add3A_140 : vector<16xf32> to vector<1x16xf32>
      tpu.vector_store %arg10[%swap3A_141, %swap3A_142], %swap3A_145 {strides = array<i32>} : memref<32x1024xf32, #tpu.memory_space<vmem>>, vector<1x16xf32>,
      %get3A_146 = arith.index_cast %scan3A_87 : i32 to index
      %get3A_147 = arith.constant 48 : index
      %get3A_148 = tpu.vector_load %arg8[%get3A_146, %get3A_147] {strides = array<i32>} : memref<32x1024xf32, #tpu.memory_space<vmem>>, vector<1x16xf32>,
      %get3A_149 = vector.shape_cast %get3A_148 : vector<1x16xf32> to vector<16xf32>
      %get3A_150 = arith.index_cast %scan3A_87 : i32 to index
      %get3A_151 = arith.constant 48 : index
      %get3A_152 = tpu.vector_load %arg9[%get3A_150, %get3A_151] {strides = array<i32>} : memref<32x1024xf32, #tpu.memory_space<vmem>>, vector<1x16xf32>,
      %get3A_153 = vector.shape_cast %get3A_152 : vector<1x16xf32> to vector<16xf32>
      %mul3A_154 = arith.mulf %get3A_149, %get3A_92 : vector<16xf32>
      %mul3A_155 = arith.mulf %get3A_153, %get3A_98 : vector<16xf32>
      %add3A_156 = arith.addf %mul3A_154, %mul3A_155 : vector<16xf32>
      %swap3A_157 = arith.index_cast %scan3A_87 : i32 to index
      %swap3A_158 = arith.constant 48 : index
      %swap3A_159 = tpu.vector_load %arg10[%swap3A_157, %swap3A_158] {strides = array<i32>} : memref<32x1024xf32, #tpu.memory_space<vmem>>, vector<1x16xf32>,
      %swap3A_160 = vector.shape_cast %swap3A_159 : vector<1x16xf32> to vector<16xf32>
      %swap3A_161 = vector.shape_cast %add3A_156 : vector<16xf32> to vector<1x16xf32>
      tpu.vector_store %arg10[%swap3A_157, %swap3A_158], %swap3A_161 {strides = array<i32>} : memref<32x1024xf32, #tpu.memory_space<vmem>>, vector<1x16xf32>,
      %get3A_162 = arith.index_cast %scan3A_87 : i32 to index
      %get3A_163 = arith.constant 64 : index
      %get3A_164 = tpu.vector_load %arg8[%get3A_162, %get3A_163] {strides = array<i32>} : memref<32x1024xf32, #tpu.memory_space<vmem>>, vector<1x16xf32>,
      %get3A_165 = vector.shape_cast %get3A_164 : vector<1x16xf32> to vector<16xf32>
      %get3A_166 = arith.index_cast %scan3A_87 : i32 to index
      %get3A_167 = arith.constant 64 : index
      %get3A_168 = tpu.vector_load %arg9[%get3A_166, %get3A_167] {strides = array<i32>} : memref<32x1024xf32, #tpu.memory_space<vmem>>, vector<1x16xf32>,
      %get3A_169 = vector.shape_cast %get3A_168 : vector<1x16xf32> to vector<16xf32>
      %mul3A_170 = arith.mulf %get3A_165, %get3A_92 : vector<16xf32>
      %mul3A_171 = arith.mulf %get3A_169, %get3A_98 : vector<16xf32>
      %add3A_172 = arith.addf %mul3A_170, %mul3A_171 : vector<16xf32>
      %swap3A_173 = arith.index_cast %scan3A_87 : i32 to index
      %swap3A_174 = arith.constant 64 : index
      %swap3A_175 = tpu.vector_load %arg10[%swap3A_173, %swap3A_174] {strides = array<i32>} : memref<32x1024xf32, #tpu.memory_space<vmem>>, vector<1x16xf32>,
      %swap3A_176 = vector.shape_cast %swap3A_175 : vector<1x16xf32> to vector<16xf32>
      %swap3A_177 = vector.shape_cast %add3A_172 : vector<16xf32> to vector<1x16xf32>
      tpu.vector_store %arg10[%swap3A_173, %swap3A_174], %swap3A_177 {strides = array<i32>} : memref<32x1024xf32, #tpu.memory_space<vmem>>, vector<1x16xf32>,
      %get3A_178 = arith.index_cast %scan3A_87 : i32 to index
      %get3A_179 = arith.constant 80 : index
      %get3A_180 = tpu.vector_load %arg8[%get3A_178, %get3A_179] {strides = array<i32>} : memref<32x1024xf32, #tpu.memory_space<vmem>>, vector<1x16xf32>,
      %get3A_181 = vector.shape_cast %get3A_180 : vector<1x16xf32> to vector<16xf32>
      %get3A_182 = arith.index_cast %scan3A_87 : i32 to index
      %get3A_183 = arith.constant 80 : index
      %get3A_184 = tpu.vector_load %arg9[%get3A_182, %get3A_183] {strides = array<i32>} : memref<32x1024xf32, #tpu.memory_space<vmem>>, vector<1x16xf32>,
      %get3A_185 = vector.shape_cast %get3A_184 : vector<1x16xf32> to vector<16xf32>
      %mul3A_186 = arith.mulf %get3A_181, %get3A_92 : vector<16xf32>
      %mul3A_187 = arith.mulf %get3A_185, %get3A_98 : vector<16xf32>
      %add3A_188 = arith.addf %mul3A_186, %mul3A_187 : vector<16xf32>
      %swap3A_189 = arith.index_cast %scan3A_87 : i32 to index
      %swap3A_190 = arith.constant 80 : index
      %swap3A_191 = tpu.vector_load %arg10[%swap3A_189, %swap3A_190] {strides = array<i32>} : memref<32x1024xf32, #tpu.memory_space<vmem>>, vector<1x16xf32>,
      %swap3A_192 = vector.shape_cast %swap3A_191 : vector<1x16xf32> to vector<16xf32>
      %swap3A_193 = vector.shape_cast %add3A_188 : vector<16xf32> to vector<1x16xf32>
      tpu.vector_store %arg10[%swap3A_189, %swap3A_190], %swap3A_193 {strides = array<i32>} : memref<32x1024xf32, #tpu.memory_space<vmem>>, vector<1x16xf32>,
      %get3A_194 = arith.index_cast %scan3A_87 : i32 to index
      %get3A_195 = arith.constant 96 : index
      %get3A_196 = tpu.vector_load %arg8[%get3A_194, %get3A_195] {strides = array<i32>} : memref<32x1024xf32, #tpu.memory_space<vmem>>, vector<1x16xf32>,
      %get3A_197 = vector.shape_cast %get3A_196 : vector<1x16xf32> to vector<16xf32>
      %get3A_198 = arith.index_cast %scan3A_87 : i32 to index
      %get3A_199 = arith.constant 96 : index
      %get3A_200 = tpu.vector_load %arg9[%get3A_198, %get3A_199] {strides = array<i32>} : memref<32x1024xf32, #tpu.memory_space<vmem>>, vector<1x16xf32>,
      %get3A_201 = vector.shape_cast %get3A_200 : vector<1x16xf32> to vector<16xf32>
      %mul3A_202 = arith.mulf %get3A_197, %get3A_92 : vector<16xf32>
      %mul3A_203 = arith.mulf %get3A_201, %get3A_98 : vector<16xf32>
      %add3A_204 = arith.addf %mul3A_202, %mul3A_203 : vector<16xf32>
      %swap3A_205 = arith.index_cast %scan3A_87 : i32 to index
      %swap3A_206 = arith.constant 96 : index
      %swap3A_207 = tpu.vector_load %arg10[%swap3A_205, %swap3A_206] {strides = array<i32>} : memref<32x1024xf32, #tpu.memory_space<vmem>>, vector<1x16xf32>,
      %swap3A_208 = vector.shape_cast %swap3A_207 : vector<1x16xf32> to vector<16xf32>
      %swap3A_209 = vector.shape_cast %add3A_204 : vector<16xf32> to vector<1x16xf32>
      tpu.vector_store %arg10[%swap3A_205, %swap3A_206], %swap3A_209 {strides = array<i32>} : memref<32x1024xf32, #tpu.memory_space<vmem>>, vector<1x16xf32>,
      %get3A_210 = arith.index_cast %scan3A_87 : i32 to index
      %get3A_211 = arith.constant 112 : index
      %get3A_212 = tpu.vector_load %arg8[%get3A_210, %get3A_211] {strides = array<i32>} : memref<32x1024xf32, #tpu.memory_space<vmem>>, vector<1x16xf32>,
      %get3A_213 = vector.shape_cast %get3A_212 : vector<1x16xf32> to vector<16xf32>
      %get3A_214 = arith.index_cast %scan3A_87 : i32 to index
      %get3A_215 = arith.constant 112 : index
      %get3A_216 = tpu.vector_load %arg9[%get3A_214, %get3A_215] {strides = array<i32>} : memref<32x1024xf32, #tpu.memory_space<vmem>>, vector<1x16xf32>,
      %get3A_217 = vector.shape_cast %get3A_216 : vector<1x16xf32> to vector<16xf32>
      %mul3A_218 = arith.mulf %get3A_213, %get3A_92 : vector<16xf32>
      %mul3A_219 = arith.mulf %get3A_217, %get3A_98 : vector<16xf32>
      %add3A_220 = arith.addf %mul3A_218, %mul3A_219 : vector<16xf32>
      %swap3A_221 = arith.index_cast %scan3A_87 : i32 to index
      %swap3A_222 = arith.constant 112 : index
      %swap3A_223 = tpu.vector_load %arg10[%swap3A_221, %swap3A_222] {strides = array<i32>} : memref<32x1024xf32, #tpu.memory_space<vmem>>, vector<1x16xf32>,
      %swap3A_224 = vector.shape_cast %swap3A_223 : vector<1x16xf32> to vector<16xf32>
      %swap3A_225 = vector.shape_cast %add3A_220 : vector<16xf32> to vector<1x16xf32>
      tpu.vector_store %arg10[%swap3A_221, %swap3A_222], %swap3A_225 {strides = array<i32>} : memref<32x1024xf32, #tpu.memory_space<vmem>>, vector<1x16xf32>,
      %get3A_226 = arith.index_cast %scan3A_87 : i32 to index
      %get3A_227 = arith.constant 128 : index
      %get3A_228 = tpu.vector_load %arg8[%get3A_226, %get3A_227] {strides = array<i32>} : memref<32x1024xf32, #tpu.memory_space<vmem>>, vector<1x16xf32>,
      %get3A_229 = vector.shape_cast %get3A_228 : vector<1x16xf32> to vector<16xf32>
      %get3A_230 = arith.index_cast %scan3A_87 : i32 to index
      %get3A_231 = arith.constant 128 : index
      %get3A_232 = tpu.vector_load %arg9[%get3A_230, %get3A_231] {strides = array<i32>} : memref<32x1024xf32, #tpu.memory_space<vmem>>, vector<1x16xf32>,
      %get3A_233 = vector.shape_cast %get3A_232 : vector<1x16xf32> to vector<16xf32>
      %mul3A_234 = arith.mulf %get3A_229, %get3A_92 : vector<16xf32>
      %mul3A_235 = arith.mulf %get3A_233, %get3A_98 : vector<16xf32>
      %add3A_236 = arith.addf %mul3A_234, %mul3A_235 : vector<16xf32>
      %swap3A_237 = arith.index_cast %scan3A_87 : i32 to index
      %swap3A_238 = arith.constant 128 : index
      %swap3A_239 = tpu.vector_load %arg10[%swap3A_237, %swap3A_238] {strides = array<i32>} : memref<32x1024xf32, #tpu.memory_space<vmem>>, vector<1x16xf32>,
      %swap3A_240 = vector.shape_cast %swap3A_239 : vector<1x16xf32> to vector<16xf32>
      %swap3A_241 = vector.shape_cast %add3A_236 : vector<16xf32> to vector<1x16xf32>
      tpu.vector_store %arg10[%swap3A_237, %swap3A_238], %swap3A_241 {strides = array<i32>} : memref<32x1024xf32, #tpu.memory_space<vmem>>, vector<1x16xf32>,
      %get3A_242 = arith.index_cast %scan3A_87 : i32 to index
      %get3A_243 = arith.constant 144 : index
      %get3A_244 = tpu.vector_load %arg8[%get3A_242, %get3A_243] {strides = array<i32>} : memref<32x1024xf32, #tpu.memory_space<vmem>>, vector<1x16xf32>,
      %get3A_245 = vector.shape_cast %get3A_244 : vector<1x16xf32> to vector<16xf32>
      %get3A_246 = arith.index_cast %scan3A_87 : i32 to index
      %get3A_247 = arith.constant 144 : index
      %get3A_248 = tpu.vector_load %arg9[%get3A_246, %get3A_247] {strides = array<i32>} : memref<32x1024xf32, #tpu.memory_space<vmem>>, vector<1x16xf32>,
      %get3A_249 = vector.shape_cast %get3A_248 : vector<1x16xf32> to vector<16xf32>
      %mul3A_250 = arith.mulf %get3A_245, %get3A_92 : vector<16xf32>
      %mul3A_251 = arith.mulf %get3A_249, %get3A_98 : vector<16xf32>
      %add3A_252 = arith.addf %mul3A_250, %mul3A_251 : vector<16xf32>
      %swap3A_253 = arith.index_cast %scan3A_87 : i32 to index
      %swap3A_254 = arith.constant 144 : index
      %swap3A_255 = tpu.vector_load %arg10[%swap3A_253, %swap3A_254] {strides = array<i32>} : memref<32x1024xf32, #tpu.memory_space<vmem>>, vector<1x16xf32>,
      %swap3A_256 = vector.shape_cast %swap3A_255 : vector<1x16xf32> to vector<16xf32>
      %swap3A_257 = vector.shape_cast %add3A_252 : vector<16xf32> to vector<1x16xf32>
      tpu.vector_store %arg10[%swap3A_253, %swap3A_254], %swap3A_257 {strides = array<i32>} : memref<32x1024xf32, #tpu.memory_space<vmem>>, vector<1x16xf32>,
      %get3A_258 = arith.index_cast %scan3A_87 : i32 to index
      %get3A_259 = arith.constant 160 : index
      %get3A_260 = tpu.vector_load %arg8[%get3A_258, %get3A_259] {strides = array<i32>} : memref<32x1024xf32, #tpu.memory_space<vmem>>, vector<1x16xf32>,
      %get3A_261 = vector.shape_cast %get3A_260 : vector<1x16xf32> to vector<16xf32>
      %get3A_262 = arith.index_cast %scan3A_87 : i32 to index
      %get3A_263 = arith.constant 160 : index
      %get3A_264 = tpu.vector_load %arg9[%get3A_262, %get3A_263] {strides = array<i32>} : memref<32x1024xf32, #tpu.memory_space<vmem>>, vector<1x16xf32>,
      %get3A_265 = vector.shape_cast %get3A_264 : vector<1x16xf32> to vector<16xf32>
      %mul3A_266 = arith.mulf %get3A_261, %get3A_92 : vector<16xf32>
      %mul3A_267 = arith.mulf %get3A_265, %get3A_98 : vector<16xf32>
      %add3A_268 = arith.addf %mul3A_266, %mul3A_267 : vector<16xf32>
      %swap3A_269 = arith.index_cast %scan3A_87 : i32 to index
      %swap3A_270 = arith.constant 160 : index
      %swap3A_271 = tpu.vector_load %arg10[%swap3A_269, %swap3A_270] {strides = array<i32>} : memref<32x1024xf32, #tpu.memory_space<vmem>>, vector<1x16xf32>,
      %swap3A_272 = vector.shape_cast %swap3A_271 : vector<1x16xf32> to vector<16xf32>
      %swap3A_273 = vector.shape_cast %add3A_268 : vector<16xf32> to vector<1x16xf32>
      tpu.vector_store %arg10[%swap3A_269, %swap3A_270], %swap3A_273 {strides = array<i32>} : memref<32x1024xf32, #tpu.memory_space<vmem>>, vector<1x16xf32>,
      %get3A_274 = arith.index_cast %scan3A_87 : i32 to index
      %get3A_275 = arith.constant 176 : index
      %get3A_276 = tpu.vector_load %arg8[%get3A_274, %get3A_275] {strides = array<i32>} : memref<32x1024xf32, #tpu.memory_space<vmem>>, vector<1x16xf32>,
      %get3A_277 = vector.shape_cast %get3A_276 : vector<1x16xf32> to vector<16xf32>
      %get3A_278 = arith.index_cast %scan3A_87 : i32 to index
      %get3A_279 = arith.constant 176 : index
      %get3A_280 = tpu.vector_load %arg9[%get3A_278, %get3A_279] {strides = array<i32>} : memref<32x1024xf32, #tpu.memory_space<vmem>>, vector<1x16xf32>,
      %get3A_281 = vector.shape_cast %get3A_280 : vector<1x16xf32> to vector<16xf32>
      %mul3A_282 = arith.mulf %get3A_277, %get3A_92 : vector<16xf32>
      %mul3A_283 = arith.mulf %get3A_281, %get3A_98 : vector<16xf32>
      %add3A_284 = arith.addf %mul3A_282, %mul3A_283 : vector<16xf32>
      %swap3A_285 = arith.index_cast %scan3A_87 : i32 to index
      %swap3A_286 = arith.constant 176 : index
      %swap3A_287 = tpu.vector_load %arg10[%swap3A_285, %swap3A_286] {strides = array<i32>} : memref<32x1024xf32, #tpu.memory_space<vmem>>, vector<1x16xf32>,
      %swap3A_288 = vector.shape_cast %swap3A_287 : vector<1x16xf32> to vector<16xf32>
      %swap3A_289 = vector.shape_cast %add3A_284 : vector<16xf32> to vector<1x16xf32>
      tpu.vector_store %arg10[%swap3A_285, %swap3A_286], %swap3A_289 {strides = array<i32>} : memref<32x1024xf32, #tpu.memory_space<vmem>>, vector<1x16xf32>,
      %get3A_290 = arith.index_cast %scan3A_87 : i32 to index
      %get3A_291 = arith.constant 192 : index
      %get3A_292 = tpu.vector_load %arg8[%get3A_290, %get3A_291] {strides = array<i32>} : memref<32x1024xf32, #tpu.memory_space<vmem>>, vector<1x16xf32>,
      %get3A_293 = vector.shape_cast %get3A_292 : vector<1x16xf32> to vector<16xf32>
      %get3A_294 = arith.index_cast %scan3A_87 : i32 to index
      %get3A_295 = arith.constant 192 : index
      %get3A_296 = tpu.vector_load %arg9[%get3A_294, %get3A_295] {strides = array<i32>} : memref<32x1024xf32, #tpu.memory_space<vmem>>, vector<1x16xf32>,
      %get3A_297 = vector.shape_cast %get3A_296 : vector<1x16xf32> to vector<16xf32>
      %mul3A_298 = arith.mulf %get3A_293, %get3A_92 : vector<16xf32>
      %mul3A_299 = arith.mulf %get3A_297, %get3A_98 : vector<16xf32>
      %add3A_300 = arith.addf %mul3A_298, %mul3A_299 : vector<16xf32>
      %swap3A_301 = arith.index_cast %scan3A_87 : i32 to index
      %swap3A_302 = arith.constant 192 : index
      %swap3A_303 = tpu.vector_load %arg10[%swap3A_301, %swap3A_302] {strides = array<i32>} : memref<32x1024xf32, #tpu.memory_space<vmem>>, vector<1x16xf32>,
      %swap3A_304 = vector.shape_cast %swap3A_303 : vector<1x16xf32> to vector<16xf32>
      %swap3A_305 = vector.shape_cast %add3A_300 : vector<16xf32> to vector<1x16xf32>
      tpu.vector_store %arg10[%swap3A_301, %swap3A_302], %swap3A_305 {strides = array<i32>} : memref<32x1024xf32, #tpu.memory_space<vmem>>, vector<1x16xf32>,
      %get3A_306 = arith.index_cast %scan3A_87 : i32 to index
      %get3A_307 = arith.constant 208 : index
      %get3A_308 = tpu.vector_load %arg8[%get3A_306, %get3A_307] {strides = array<i32>} : memref<32x1024xf32, #tpu.memory_space<vmem>>, vector<1x16xf32>,
      %get3A_309 = vector.shape_cast %get3A_308 : vector<1x16xf32> to vector<16xf32>
      %get3A_310 = arith.index_cast %scan3A_87 : i32 to index
      %get3A_311 = arith.constant 208 : index
      %get3A_312 = tpu.vector_load %arg9[%get3A_310, %get3A_311] {strides = array<i32>} : memref<32x1024xf32, #tpu.memory_space<vmem>>, vector<1x16xf32>,
      %get3A_313 = vector.shape_cast %get3A_312 : vector<1x16xf32> to vector<16xf32>
      %mul3A_314 = arith.mulf %get3A_309, %get3A_92 : vector<16xf32>
      %mul3A_315 = arith.mulf %get3A_313, %get3A_98 : vector<16xf32>
      %add3A_316 = arith.addf %mul3A_314, %mul3A_315 : vector<16xf32>
      %swap3A_317 = arith.index_cast %scan3A_87 : i32 to index
      %swap3A_318 = arith.constant 208 : index
      %swap3A_319 = tpu.vector_load %arg10[%swap3A_317, %swap3A_318] {strides = array<i32>} : memref<32x1024xf32, #tpu.memory_space<vmem>>, vector<1x16xf32>,
      %swap3A_320 = vector.shape_cast %swap3A_319 : vector<1x16xf32> to vector<16xf32>
      %swap3A_321 = vector.shape_cast %add3A_316 : vector<16xf32> to vector<1x16xf32>
      tpu.vector_store %arg10[%swap3A_317, %swap3A_318], %swap3A_321 {strides = array<i32>} : memref<32x1024xf32, #tpu.memory_space<vmem>>, vector<1x16xf32>,
      %get3A_322 = arith.index_cast %scan3A_87 : i32 to index
      %get3A_323 = arith.constant 224 : index
      %get3A_324 = tpu.vector_load %arg8[%get3A_322, %get3A_323] {strides = array<i32>} : memref<32x1024xf32, #tpu.memory_space<vmem>>, vector<1x16xf32>,
      %get3A_325 = vector.shape_cast %get3A_324 : vector<1x16xf32> to vector<16xf32>
      %get3A_326 = arith.index_cast %scan3A_87 : i32 to index
      %get3A_327 = arith.constant 224 : index
      %get3A_328 = tpu.vector_load %arg9[%get3A_326, %get3A_327] {strides = array<i32>} : memref<32x1024xf32, #tpu.memory_space<vmem>>, vector<1x16xf32>,
      %get3A_329 = vector.shape_cast %get3A_328 : vector<1x16xf32> to vector<16xf32>
      %mul3A_330 = arith.mulf %get3A_325, %get3A_92 : vector<16xf32>
      %mul3A_331 = arith.mulf %get3A_329, %get3A_98 : vector<16xf32>
      %add3A_332 = arith.addf %mul3A_330, %mul3A_331 : vector<16xf32>
      %swap3A_333 = arith.index_cast %scan3A_87 : i32 to index
      %swap3A_334 = arith.constant 224 : index
      %swap3A_335 = tpu.vector_load %arg10[%swap3A_333, %swap3A_334] {strides = array<i32>} : memref<32x1024xf32, #tpu.memory_space<vmem>>, vector<1x16xf32>,
      %swap3A_336 = vector.shape_cast %swap3A_335 : vector<1x16xf32> to vector<16xf32>
      %swap3A_337 = vector.shape_cast %add3A_332 : vector<16xf32> to vector<1x16xf32>
      tpu.vector_store %arg10[%swap3A_333, %swap3A_334], %swap3A_337 {strides = array<i32>} : memref<32x1024xf32, #tpu.memory_space<vmem>>, vector<1x16xf32>,
      %get3A_338 = arith.index_cast %scan3A_87 : i32 to index
      %get3A_339 = arith.constant 240 : index
      %get3A_340 = tpu.vector_load %arg8[%get3A_338, %get3A_339] {strides = array<i32>} : memref<32x1024xf32, #tpu.memory_space<vmem>>, vector<1x16xf32>,
      %get3A_341 = vector.shape_cast %get3A_340 : vector<1x16xf32> to vector<16xf32>
      %get3A_342 = arith.index_cast %scan3A_87 : i32 to index
      %get3A_343 = arith.constant 240 : index
      %get3A_344 = tpu.vector_load %arg9[%get3A_342, %get3A_343] {strides = array<i32>} : memref<32x1024xf32, #tpu.memory_space<vmem>>, vector<1x16xf32>,
      %get3A_345 = vector.shape_cast %get3A_344 : vector<1x16xf32> to vector<16xf32>
      %mul3A_346 = arith.mulf %get3A_341, %get3A_92 : vector<16xf32>
      %mul3A_347 = arith.mulf %get3A_345, %get3A_98 : vector<16xf32>
      %add3A_348 = arith.addf %mul3A_346, %mul3A_347 : vector<16xf32>
      %swap3A_349 = arith.index_cast %scan3A_87 : i32 to index
      %swap3A_350 = arith.constant 240 : index
      %swap3A_351 = tpu.vector_load %arg10[%swap3A_349, %swap3A_350] {strides = array<i32>} : memref<32x1024xf32, #tpu.memory_space<vmem>>, vector<1x16xf32>,
      %swap3A_352 = vector.shape_cast %swap3A_351 : vector<1x16xf32> to vector<16xf32>
      %swap3A_353 = vector.shape_cast %add3A_348 : vector<16xf32> to vector<1x16xf32>
      tpu.vector_store %arg10[%swap3A_349, %swap3A_350], %swap3A_353 {strides = array<i32>} : memref<32x1024xf32, #tpu.memory_space<vmem>>, vector<1x16xf32>,
      %get3A_354 = arith.index_cast %scan3A_87 : i32 to index
      %get3A_355 = arith.constant 256 : index
      %get3A_356 = tpu.vector_load %arg8[%get3A_354, %get3A_355] {strides = array<i32>} : memref<32x1024xf32, #tpu.memory_space<vmem>>, vector<1x16xf32>,
      %get3A_357 = vector.shape_cast %get3A_356 : vector<1x16xf32> to vector<16xf32>
      %get3A_358 = arith.index_cast %scan3A_87 : i32 to index
      %get3A_359 = arith.constant 256 : index
      %get3A_360 = tpu.vector_load %arg9[%get3A_358, %get3A_359] {strides = array<i32>} : memref<32x1024xf32, #tpu.memory_space<vmem>>, vector<1x16xf32>,
      %get3A_361 = vector.shape_cast %get3A_360 : vector<1x16xf32> to vector<16xf32>
      %mul3A_362 = arith.mulf %get3A_357, %get3A_92 : vector<16xf32>
      %mul3A_363 = arith.mulf %get3A_361, %get3A_98 : vector<16xf32>
      %add3A_364 = arith.addf %mul3A_362, %mul3A_363 : vector<16xf32>
      %swap3A_365 = arith.index_cast %scan3A_87 : i32 to index
      %swap3A_366 = arith.constant 256 : index
      %swap3A_367 = tpu.vector_load %arg10[%swap3A_365, %swap3A_366] {strides = array<i32>} : memref<32x1024xf32, #tpu.memory_space<vmem>>, vector<1x16xf32>,
      %swap3A_368 = vector.shape_cast %swap3A_367 : vector<1x16xf32> to vector<16xf32>
      %swap3A_369 = vector.shape_cast %add3A_364 : vector<16xf32> to vector<1x16xf32>
      tpu.vector_store %arg10[%swap3A_365, %swap3A_366], %swap3A_369 {strides = array<i32>} : memref<32x1024xf32, #tpu.memory_space<vmem>>, vector<1x16xf32>,
      %get3A_370 = arith.index_cast %scan3A_87 : i32 to index
      %get3A_371 = arith.constant 272 : index
      %get3A_372 = tpu.vector_load %arg8[%get3A_370, %get3A_371] {strides = array<i32>} : memref<32x1024xf32, #tpu.memory_space<vmem>>, vector<1x16xf32>,
      %get3A_373 = vector.shape_cast %get3A_372 : vector<1x16xf32> to vector<16xf32>
      %get3A_374 = arith.index_cast %scan3A_87 : i32 to index
      %get3A_375 = arith.constant 272 : index
      %get3A_376 = tpu.vector_load %arg9[%get3A_374, %get3A_375] {strides = array<i32>} : memref<32x1024xf32, #tpu.memory_space<vmem>>, vector<1x16xf32>,
      %get3A_377 = vector.shape_cast %get3A_376 : vector<1x16xf32> to vector<16xf32>
      %mul3A_378 = arith.mulf %get3A_373, %get3A_92 : vector<16xf32>
      %mul3A_379 = arith.mulf %get3A_377, %get3A_98 : vector<16xf32>
      %add3A_380 = arith.addf %mul3A_378, %mul3A_379 : vector<16xf32>
      %swap3A_381 = arith.index_cast %scan3A_87 : i32 to index
      %swap3A_382 = arith.constant 272 : index
      %swap3A_383 = tpu.vector_load %arg10[%swap3A_381, %swap3A_382] {strides = array<i32>} : memref<32x1024xf32, #tpu.memory_space<vmem>>, vector<1x16xf32>,
      %swap3A_384 = vector.shape_cast %swap3A_383 : vector<1x16xf32> to vector<16xf32>
      %swap3A_385 = vector.shape_cast %add3A_380 : vector<16xf32> to vector<1x16xf32>
      tpu.vector_store %arg10[%swap3A_381, %swap3A_382], %swap3A_385 {strides = array<i32>} : memref<32x1024xf32, #tpu.memory_space<vmem>>, vector<1x16xf32>,
      %get3A_386 = arith.index_cast %scan3A_87 : i32 to index
      %get3A_387 = arith.constant 288 : index
      %get3A_388 = tpu.vector_load %arg8[%get3A_386, %get3A_387] {strides = array<i32>} : memref<32x1024xf32, #tpu.memory_space<vmem>>, vector<1x16xf32>,
      %get3A_389 = vector.shape_cast %get3A_388 : vector<1x16xf32> to vector<16xf32>
      %get3A_390 = arith.index_cast %scan3A_87 : i32 to index
      %get3A_391 = arith.constant 288 : index
      %get3A_392 = tpu.vector_load %arg9[%get3A_390, %get3A_391] {strides = array<i32>} : memref<32x1024xf32, #tpu.memory_space<vmem>>, vector<1x16xf32>,
      %get3A_393 = vector.shape_cast %get3A_392 : vector<1x16xf32> to vector<16xf32>
      %mul3A_394 = arith.mulf %get3A_389, %get3A_92 : vector<16xf32>
      %mul3A_395 = arith.mulf %get3A_393, %get3A_98 : vector<16xf32>
      %add3A_396 = arith.addf %mul3A_394, %mul3A_395 : vector<16xf32>
      %swap3A_397 = arith.index_cast %scan3A_87 : i32 to index
      %swap3A_398 = arith.constant 288 : index
      %swap3A_399 = tpu.vector_load %arg10[%swap3A_397, %swap3A_398] {strides = array<i32>} : memref<32x1024xf32, #tpu.memory_space<vmem>>, vector<1x16xf32>,
      %swap3A_400 = vector.shape_cast %swap3A_399 : vector<1x16xf32> to vector<16xf32>
      %swap3A_401 = vector.shape_cast %add3A_396 : vector<16xf32> to vector<1x16xf32>
      tpu.vector_store %arg10[%swap3A_397, %swap3A_398], %swap3A_401 {strides = array<i32>} : memref<32x1024xf32, #tpu.memory_space<vmem>>, vector<1x16xf32>,
      %get3A_402 = arith.index_cast %scan3A_87 : i32 to index
      %get3A_403 = arith.constant 304 : index
      %get3A_404 = tpu.vector_load %arg8[%get3A_402, %get3A_403] {strides = array<i32>} : memref<32x1024xf32, #tpu.memory_space<vmem>>, vector<1x16xf32>,
      %get3A_405 = vector.shape_cast %get3A_404 : vector<1x16xf32> to vector<16xf32>
      %get3A_406 = arith.index_cast %scan3A_87 : i32 to index
      %get3A_407 = arith.constant 304 : index
      %get3A_408 = tpu.vector_load %arg9[%get3A_406, %get3A_407] {strides = array<i32>} : memref<32x1024xf32, #tpu.memory_space<vmem>>, vector<1x16xf32>,
      %get3A_409 = vector.shape_cast %get3A_408 : vector<1x16xf32> to vector<16xf32>
      %mul3A_410 = arith.mulf %get3A_405, %get3A_92 : vector<16xf32>
      %mul3A_411 = arith.mulf %get3A_409, %get3A_98 : vector<16xf32>
      %add3A_412 = arith.addf %mul3A_410, %mul3A_411 : vector<16xf32>
      %swap3A_413 = arith.index_cast %scan3A_87 : i32 to index
      %swap3A_414 = arith.constant 304 : index
      %swap3A_415 = tpu.vector_load %arg10[%swap3A_413, %swap3A_414] {strides = array<i32>} : memref<32x1024xf32, #tpu.memory_space<vmem>>, vector<1x16xf32>,
      %swap3A_416 = vector.shape_cast %swap3A_415 : vector<1x16xf32> to vector<16xf32>
      %swap3A_417 = vector.shape_cast %add3A_412 : vector<16xf32> to vector<1x16xf32>
      tpu.vector_store %arg10[%swap3A_413, %swap3A_414], %swap3A_417 {strides = array<i32>} : memref<32x1024xf32, #tpu.memory_space<vmem>>, vector<1x16xf32>,
      %get3A_418 = arith.index_cast %scan3A_87 : i32 to index
      %get3A_419 = arith.constant 320 : index
      %get3A_420 = tpu.vector_load %arg8[%get3A_418, %get3A_419] {strides = array<i32>} : memref<32x1024xf32, #tpu.memory_space<vmem>>, vector<1x16xf32>,
      %get3A_421 = vector.shape_cast %get3A_420 : vector<1x16xf32> to vector<16xf32>
      %get3A_422 = arith.index_cast %scan3A_87 : i32 to index
      %get3A_423 = arith.constant 320 : index
      %get3A_424 = tpu.vector_load %arg9[%get3A_422, %get3A_423] {strides = array<i32>} : memref<32x1024xf32, #tpu.memory_space<vmem>>, vector<1x16xf32>,
      %get3A_425 = vector.shape_cast %get3A_424 : vector<1x16xf32> to vector<16xf32>
      %mul3A_426 = arith.mulf %get3A_421, %get3A_92 : vector<16xf32>
      %mul3A_427 = arith.mulf %get3A_425, %get3A_98 : vector<16xf32>
      %add3A_428 = arith.addf %mul3A_426, %mul3A_427 : vector<16xf32>
      %swap3A_429 = arith.index_cast %scan3A_87 : i32 to index
      %swap3A_430 = arith.constant 320 : index
      %swap3A_431 = tpu.vector_load %arg10[%swap3A_429, %swap3A_430] {strides = array<i32>} : memref<32x1024xf32, #tpu.memory_space<vmem>>, vector<1x16xf32>,
      %swap3A_432 = vector.shape_cast %swap3A_431 : vector<1x16xf32> to vector<16xf32>
      %swap3A_433 = vector.shape_cast %add3A_428 : vector<16xf32> to vector<1x16xf32>
      tpu.vector_store %arg10[%swap3A_429, %swap3A_430], %swap3A_433 {strides = array<i32>} : memref<32x1024xf32, #tpu.memory_space<vmem>>, vector<1x16xf32>,
      %get3A_434 = arith.index_cast %scan3A_87 : i32 to index
      %get3A_435 = arith.constant 336 : index
      %get3A_436 = tpu.vector_load %arg8[%get3A_434, %get3A_435] {strides = array<i32>} : memref<32x1024xf32, #tpu.memory_space<vmem>>, vector<1x16xf32>,
      %get3A_437 = vector.shape_cast %get3A_436 : vector<1x16xf32> to vector<16xf32>
      %get3A_438 = arith.index_cast %scan3A_87 : i32 to index
      %get3A_439 = arith.constant 336 : index
      %get3A_440 = tpu.vector_load %arg9[%get3A_438, %get3A_439] {strides = array<i32>} : memref<32x1024xf32, #tpu.memory_space<vmem>>, vector<1x16xf32>,
      %get3A_441 = vector.shape_cast %get3A_440 : vector<1x16xf32> to vector<16xf32>
      %mul3A_442 = arith.mulf %get3A_437, %get3A_92 : vector<16xf32>
      %mul3A_443 = arith.mulf %get3A_441, %get3A_98 : vector<16xf32>
      %add3A_444 = arith.addf %mul3A_442, %mul3A_443 : vector<16xf32>
      %swap3A_445 = arith.index_cast %scan3A_87 : i32 to index
      %swap3A_446 = arith.constant 336 : index
      %swap3A_447 = tpu.vector_load %arg10[%swap3A_445, %swap3A_446] {strides = array<i32>} : memref<32x1024xf32, #tpu.memory_space<vmem>>, vector<1x16xf32>,
      %swap3A_448 = vector.shape_cast %swap3A_447 : vector<1x16xf32> to vector<16xf32>
      %swap3A_449 = vector.shape_cast %add3A_444 : vector<16xf32> to vector<1x16xf32>
      tpu.vector_store %arg10[%swap3A_445, %swap3A_446], %swap3A_449 {strides = array<i32>} : memref<32x1024xf32, #tpu.memory_space<vmem>>, vector<1x16xf32>,
      %get3A_450 = arith.index_cast %scan3A_87 : i32 to index
      %get3A_451 = arith.constant 352 : index
      %get3A_452 = tpu.vector_load %arg8[%get3A_450, %get3A_451] {strides = array<i32>} : memref<32x1024xf32, #tpu.memory_space<vmem>>, vector<1x16xf32>,
      %get3A_453 = vector.shape_cast %get3A_452 : vector<1x16xf32> to vector<16xf32>
      %get3A_454 = arith.index_cast %scan3A_87 : i32 to index
      %get3A_455 = arith.constant 352 : index
      %get3A_456 = tpu.vector_load %arg9[%get3A_454, %get3A_455] {strides = array<i32>} : memref<32x1024xf32, #tpu.memory_space<vmem>>, vector<1x16xf32>,
      %get3A_457 = vector.shape_cast %get3A_456 : vector<1x16xf32> to vector<16xf32>
      %mul3A_458 = arith.mulf %get3A_453, %get3A_92 : vector<16xf32>
      %mul3A_459 = arith.mulf %get3A_457, %get3A_98 : vector<16xf32>
      %add3A_460 = arith.addf %mul3A_458, %mul3A_459 : vector<16xf32>
      %swap3A_461 = arith.index_cast %scan3A_87 : i32 to index
      %swap3A_462 = arith.constant 352 : index
      %swap3A_463 = tpu.vector_load %arg10[%swap3A_461, %swap3A_462] {strides = array<i32>} : memref<32x1024xf32, #tpu.memory_space<vmem>>, vector<1x16xf32>,
      %swap3A_464 = vector.shape_cast %swap3A_463 : vector<1x16xf32> to vector<16xf32>
      %swap3A_465 = vector.shape_cast %add3A_460 : vector<16xf32> to vector<1x16xf32>
      tpu.vector_store %arg10[%swap3A_461, %swap3A_462], %swap3A_465 {strides = array<i32>} : memref<32x1024xf32, #tpu.memory_space<vmem>>, vector<1x16xf32>,
      %get3A_466 = arith.index_cast %scan3A_87 : i32 to index
      %get3A_467 = arith.constant 368 : index
      %get3A_468 = tpu.vector_load %arg8[%get3A_466, %get3A_467] {strides = array<i32>} : memref<32x1024xf32, #tpu.memory_space<vmem>>, vector<1x16xf32>,
      %get3A_469 = vector.shape_cast %get3A_468 : vector<1x16xf32> to vector<16xf32>
      %get3A_470 = arith.index_cast %scan3A_87 : i32 to index
      %get3A_471 = arith.constant 368 : index
      %get3A_472 = tpu.vector_load %arg9[%get3A_470, %get3A_471] {strides = array<i32>} : memref<32x1024xf32, #tpu.memory_space<vmem>>, vector<1x16xf32>,
      %get3A_473 = vector.shape_cast %get3A_472 : vector<1x16xf32> to vector<16xf32>
      %mul3A_474 = arith.mulf %get3A_469, %get3A_92 : vector<16xf32>
      %mul3A_475 = arith.mulf %get3A_473, %get3A_98 : vector<16xf32>
      %add3A_476 = arith.addf %mul3A_474, %mul3A_475 : vector<16xf32>
      %swap3A_477 = arith.index_cast %scan3A_87 : i32 to index
      %swap3A_478 = arith.constant 368 : index
      %swap3A_479 = tpu.vector_load %arg10[%swap3A_477, %swap3A_478] {strides = array<i32>} : memref<32x1024xf32, #tpu.memory_space<vmem>>, vector<1x16xf32>,
      %swap3A_480 = vector.shape_cast %swap3A_479 : vector<1x16xf32> to vector<16xf32>
      %swap3A_481 = vector.shape_cast %add3A_476 : vector<16xf32> to vector<1x16xf32>
      tpu.vector_store %arg10[%swap3A_477, %swap3A_478], %swap3A_481 {strides = array<i32>} : memref<32x1024xf32, #tpu.memory_space<vmem>>, vector<1x16xf32>,
      %get3A_482 = arith.index_cast %scan3A_87 : i32 to index
      %get3A_483 = arith.constant 384 : index
      %get3A_484 = tpu.vector_load %arg8[%get3A_482, %get3A_483] {strides = array<i32>} : memref<32x1024xf32, #tpu.memory_space<vmem>>, vector<1x16xf32>,
      %get3A_485 = vector.shape_cast %get3A_484 : vector<1x16xf32> to vector<16xf32>
      %get3A_486 = arith.index_cast %scan3A_87 : i32 to index
      %get3A_487 = arith.constant 384 : index
      %get3A_488 = tpu.vector_load %arg9[%get3A_486, %get3A_487] {strides = array<i32>} : memref<32x1024xf32, #tpu.memory_space<vmem>>, vector<1x16xf32>,
      %get3A_489 = vector.shape_cast %get3A_488 : vector<1x16xf32> to vector<16xf32>
      %mul3A_490 = arith.mulf %get3A_485, %get3A_92 : vector<16xf32>
      %mul3A_491 = arith.mulf %get3A_489, %get3A_98 : vector<16xf32>
      %add3A_492 = arith.addf %mul3A_490, %mul3A_491 : vector<16xf32>
      %swap3A_493 = arith.index_cast %scan3A_87 : i32 to index
      %swap3A_494 = arith.constant 384 : index
      %swap3A_495 = tpu.vector_load %arg10[%swap3A_493, %swap3A_494] {strides = array<i32>} : memref<32x1024xf32, #tpu.memory_space<vmem>>, vector<1x16xf32>,
      %swap3A_496 = vector.shape_cast %swap3A_495 : vector<1x16xf32> to vector<16xf32>
      %swap3A_497 = vector.shape_cast %add3A_492 : vector<16xf32> to vector<1x16xf32>
      tpu.vector_store %arg10[%swap3A_493, %swap3A_494], %swap3A_497 {strides = array<i32>} : memref<32x1024xf32, #tpu.memory_space<vmem>>, vector<1x16xf32>,
      %get3A_498 = arith.index_cast %scan3A_87 : i32 to index
      %get3A_499 = arith.constant 400 : index
      %get3A_500 = tpu.vector_load %arg8[%get3A_498, %get3A_499] {strides = array<i32>} : memref<32x1024xf32, #tpu.memory_space<vmem>>, vector<1x16xf32>,
      %get3A_501 = vector.shape_cast %get3A_500 : vector<1x16xf32> to vector<16xf32>
      %get3A_502 = arith.index_cast %scan3A_87 : i32 to index
      %get3A_503 = arith.constant 400 : index
      %get3A_504 = tpu.vector_load %arg9[%get3A_502, %get3A_503] {strides = array<i32>} : memref<32x1024xf32, #tpu.memory_space<vmem>>, vector<1x16xf32>,
      %get3A_505 = vector.shape_cast %get3A_504 : vector<1x16xf32> to vector<16xf32>
      %mul3A_506 = arith.mulf %get3A_501, %get3A_92 : vector<16xf32>
      %mul3A_507 = arith.mulf %get3A_505, %get3A_98 : vector<16xf32>
      %add3A_508 = arith.addf %mul3A_506, %mul3A_507 : vector<16xf32>
      %swap3A_509 = arith.index_cast %scan3A_87 : i32 to index
      %swap3A_510 = arith.constant 400 : index
      %swap3A_511 = tpu.vector_load %arg10[%swap3A_509, %swap3A_510] {strides = array<i32>} : memref<32x1024xf32, #tpu.memory_space<vmem>>, vector<1x16xf32>,
      %swap3A_512 = vector.shape_cast %swap3A_511 : vector<1x16xf32> to vector<16xf32>
      %swap3A_513 = vector.shape_cast %add3A_508 : vector<16xf32> to vector<1x16xf32>
      tpu.vector_store %arg10[%swap3A_509, %swap3A_510], %swap3A_513 {strides = array<i32>} : memref<32x1024xf32, #tpu.memory_space<vmem>>, vector<1x16xf32>,
      %get3A_514 = arith.index_cast %scan3A_87 : i32 to index
      %get3A_515 = arith.constant 416 : index
      %get3A_516 = tpu.vector_load %arg8[%get3A_514, %get3A_515] {strides = array<i32>} : memref<32x1024xf32, #tpu.memory_space<vmem>>, vector<1x16xf32>,
      %get3A_517 = vector.shape_cast %get3A_516 : vector<1x16xf32> to vector<16xf32>
      %get3A_518 = arith.index_cast %scan3A_87 : i32 to index
      %get3A_519 = arith.constant 416 : index
      %get3A_520 = tpu.vector_load %arg9[%get3A_518, %get3A_519] {strides = array<i32>} : memref<32x1024xf32, #tpu.memory_space<vmem>>, vector<1x16xf32>,
      %get3A_521 = vector.shape_cast %get3A_520 : vector<1x16xf32> to vector<16xf32>
      %mul3A_522 = arith.mulf %get3A_517, %get3A_92 : vector<16xf32>
      %mul3A_523 = arith.mulf %get3A_521, %get3A_98 : vector<16xf32>
      %add3A_524 = arith.addf %mul3A_522, %mul3A_523 : vector<16xf32>
      %swap3A_525 = arith.index_cast %scan3A_87 : i32 to index
      %swap3A_526 = arith.constant 416 : index
      %swap3A_527 = tpu.vector_load %arg10[%swap3A_525, %swap3A_526] {strides = array<i32>} : memref<32x1024xf32, #tpu.memory_space<vmem>>, vector<1x16xf32>,
      %swap3A_528 = vector.shape_cast %swap3A_527 : vector<1x16xf32> to vector<16xf32>
      %swap3A_529 = vector.shape_cast %add3A_524 : vector<16xf32> to vector<1x16xf32>
      tpu.vector_store %arg10[%swap3A_525, %swap3A_526], %swap3A_529 {strides = array<i32>} : memref<32x1024xf32, #tpu.memory_space<vmem>>, vector<1x16xf32>,
      %get3A_530 = arith.index_cast %scan3A_87 : i32 to index
      %get3A_531 = arith.constant 432 : index
      %get3A_532 = tpu.vector_load %arg8[%get3A_530, %get3A_531] {strides = array<i32>} : memref<32x1024xf32, #tpu.memory_space<vmem>>, vector<1x16xf32>,
      %get3A_533 = vector.shape_cast %get3A_532 : vector<1x16xf32> to vector<16xf32>
      %get3A_534 = arith.index_cast %scan3A_87 : i32 to index
      %get3A_535 = arith.constant 432 : index
      %get3A_536 = tpu.vector_load %arg9[%get3A_534, %get3A_535] {strides = array<i32>} : memref<32x1024xf32, #tpu.memory_space<vmem>>, vector<1x16xf32>,
      %get3A_537 = vector.shape_cast %get3A_536 : vector<1x16xf32> to vector<16xf32>
      %mul3A_538 = arith.mulf %get3A_533, %get3A_92 : vector<16xf32>
      %mul3A_539 = arith.mulf %get3A_537, %get3A_98 : vector<16xf32>
      %add3A_540 = arith.addf %mul3A_538, %mul3A_539 : vector<16xf32>
      %swap3A_541 = arith.index_cast %scan3A_87 : i32 to index
      %swap3A_542 = arith.constant 432 : index
      %swap3A_543 = tpu.vector_load %arg10[%swap3A_541, %swap3A_542] {strides = array<i32>} : memref<32x1024xf32, #tpu.memory_space<vmem>>, vector<1x16xf32>,
      %swap3A_544 = vector.shape_cast %swap3A_543 : vector<1x16xf32> to vector<16xf32>
      %swap3A_545 = vector.shape_cast %add3A_540 : vector<16xf32> to vector<1x16xf32>
      tpu.vector_store %arg10[%swap3A_541, %swap3A_542], %swap3A_545 {strides = array<i32>} : memref<32x1024xf32, #tpu.memory_space<vmem>>, vector<1x16xf32>,
      %get3A_546 = arith.index_cast %scan3A_87 : i32 to index
      %get3A_547 = arith.constant 448 : index
      %get3A_548 = tpu.vector_load %arg8[%get3A_546, %get3A_547] {strides = array<i32>} : memref<32x1024xf32, #tpu.memory_space<vmem>>, vector<1x16xf32>,
      %get3A_549 = vector.shape_cast %get3A_548 : vector<1x16xf32> to vector<16xf32>
      %get3A_550 = arith.index_cast %scan3A_87 : i32 to index
      %get3A_551 = arith.constant 448 : index
      %get3A_552 = tpu.vector_load %arg9[%get3A_550, %get3A_551] {strides = array<i32>} : memref<32x1024xf32, #tpu.memory_space<vmem>>, vector<1x16xf32>,
      %get3A_553 = vector.shape_cast %get3A_552 : vector<1x16xf32> to vector<16xf32>
      %mul3A_554 = arith.mulf %get3A_549, %get3A_92 : vector<16xf32>
      %mul3A_555 = arith.mulf %get3A_553, %get3A_98 : vector<16xf32>
      %add3A_556 = arith.addf %mul3A_554, %mul3A_555 : vector<16xf32>
      %swap3A_557 = arith.index_cast %scan3A_87 : i32 to index
      %swap3A_558 = arith.constant 448 : index
      %swap3A_559 = tpu.vector_load %arg10[%swap3A_557, %swap3A_558] {strides = array<i32>} : memref<32x1024xf32, #tpu.memory_space<vmem>>, vector<1x16xf32>,
      %swap3A_560 = vector.shape_cast %swap3A_559 : vector<1x16xf32> to vector<16xf32>
      %swap3A_561 = vector.shape_cast %add3A_556 : vector<16xf32> to vector<1x16xf32>
      tpu.vector_store %arg10[%swap3A_557, %swap3A_558], %swap3A_561 {strides = array<i32>} : memref<32x1024xf32, #tpu.memory_space<vmem>>, vector<1x16xf32>,
      %get3A_562 = arith.index_cast %scan3A_87 : i32 to index
      %get3A_563 = arith.constant 464 : index
      %get3A_564 = tpu.vector_load %arg8[%get3A_562, %get3A_563] {strides = array<i32>} : memref<32x1024xf32, #tpu.memory_space<vmem>>, vector<1x16xf32>,
      %get3A_565 = vector.shape_cast %get3A_564 : vector<1x16xf32> to vector<16xf32>
      %get3A_566 = arith.index_cast %scan3A_87 : i32 to index
      %get3A_567 = arith.constant 464 : index
      %get3A_568 = tpu.vector_load %arg9[%get3A_566, %get3A_567] {strides = array<i32>} : memref<32x1024xf32, #tpu.memory_space<vmem>>, vector<1x16xf32>,
      %get3A_569 = vector.shape_cast %get3A_568 : vector<1x16xf32> to vector<16xf32>
      %mul3A_570 = arith.mulf %get3A_565, %get3A_92 : vector<16xf32>
      %mul3A_571 = arith.mulf %get3A_569, %get3A_98 : vector<16xf32>
      %add3A_572 = arith.addf %mul3A_570, %mul3A_571 : vector<16xf32>
      %swap3A_573 = arith.index_cast %scan3A_87 : i32 to index
      %swap3A_574 = arith.constant 464 : index
      %swap3A_575 = tpu.vector_load %arg10[%swap3A_573, %swap3A_574] {strides = array<i32>} : memref<32x1024xf32, #tpu.memory_space<vmem>>, vector<1x16xf32>,
      %swap3A_576 = vector.shape_cast %swap3A_575 : vector<1x16xf32> to vector<16xf32>
      %swap3A_577 = vector.shape_cast %add3A_572 : vector<16xf32> to vector<1x16xf32>
      tpu.vector_store %arg10[%swap3A_573, %swap3A_574], %swap3A_577 {strides = array<i32>} : memref<32x1024xf32, #tpu.memory_space<vmem>>, vector<1x16xf32>,
      %get3A_578 = arith.index_cast %scan3A_87 : i32 to index
      %get3A_579 = arith.constant 480 : index
      %get3A_580 = tpu.vector_load %arg8[%get3A_578, %get3A_579] {strides = array<i32>} : memref<32x1024xf32, #tpu.memory_space<vmem>>, vector<1x16xf32>,
      %get3A_581 = vector.shape_cast %get3A_580 : vector<1x16xf32> to vector<16xf32>
      %get3A_582 = arith.index_cast %scan3A_87 : i32 to index
      %get3A_583 = arith.constant 480 : index
      %get3A_584 = tpu.vector_load %arg9[%get3A_582, %get3A_583] {strides = array<i32>} : memref<32x1024xf32, #tpu.memory_space<vmem>>, vector<1x16xf32>,
      %get3A_585 = vector.shape_cast %get3A_584 : vector<1x16xf32> to vector<16xf32>
      %mul3A_586 = arith.mulf %get3A_581, %get3A_92 : vector<16xf32>
      %mul3A_587 = arith.mulf %get3A_585, %get3A_98 : vector<16xf32>
      %add3A_588 = arith.addf %mul3A_586, %mul3A_587 : vector<16xf32>
      %swap3A_589 = arith.index_cast %scan3A_87 : i32 to index
      %swap3A_590 = arith.constant 480 : index
      %swap3A_591 = tpu.vector_load %arg10[%swap3A_589, %swap3A_590] {strides = array<i32>} : memref<32x1024xf32, #tpu.memory_space<vmem>>, vector<1x16xf32>,
      %swap3A_592 = vector.shape_cast %swap3A_591 : vector<1x16xf32> to vector<16xf32>
      %swap3A_593 = vector.shape_cast %add3A_588 : vector<16xf32> to vector<1x16xf32>
      tpu.vector_store %arg10[%swap3A_589, %swap3A_590], %swap3A_593 {strides = array<i32>} : memref<32x1024xf32, #tpu.memory_space<vmem>>, vector<1x16xf32>,
      %get3A_594 = arith.index_cast %scan3A_87 : i32 to index
      %get3A_595 = arith.constant 496 : index
      %get3A_596 = tpu.vector_load %arg8[%get3A_594, %get3A_595] {strides = array<i32>} : memref<32x1024xf32, #tpu.memory_space<vmem>>, vector<1x16xf32>,
      %get3A_597 = vector.shape_cast %get3A_596 : vector<1x16xf32> to vector<16xf32>
      %get3A_598 = arith.index_cast %scan3A_87 : i32 to index
      %get3A_599 = arith.constant 496 : index
      %get3A_600 = tpu.vector_load %arg9[%get3A_598, %get3A_599] {strides = array<i32>} : memref<32x1024xf32, #tpu.memory_space<vmem>>, vector<1x16xf32>,
      %get3A_601 = vector.shape_cast %get3A_600 : vector<1x16xf32> to vector<16xf32>
      %mul3A_602 = arith.mulf %get3A_597, %get3A_92 : vector<16xf32>
      %mul3A_603 = arith.mulf %get3A_601, %get3A_98 : vector<16xf32>
      %add3A_604 = arith.addf %mul3A_602, %mul3A_603 : vector<16xf32>
      %swap3A_605 = arith.index_cast %scan3A_87 : i32 to index
      %swap3A_606 = arith.constant 496 : index
      %swap3A_607 = tpu.vector_load %arg10[%swap3A_605, %swap3A_606] {strides = array<i32>} : memref<32x1024xf32, #tpu.memory_space<vmem>>, vector<1x16xf32>,
      %swap3A_608 = vector.shape_cast %swap3A_607 : vector<1x16xf32> to vector<16xf32>
      %swap3A_609 = vector.shape_cast %add3A_604 : vector<16xf32> to vector<1x16xf32>
      tpu.vector_store %arg10[%swap3A_605, %swap3A_606], %swap3A_609 {strides = array<i32>} : memref<32x1024xf32, #tpu.memory_space<vmem>>, vector<1x16xf32>,
      %get3A_610 = arith.index_cast %scan3A_87 : i32 to index
      %get3A_611 = arith.constant 512 : index
      %get3A_612 = tpu.vector_load %arg8[%get3A_610, %get3A_611] {strides = array<i32>} : memref<32x1024xf32, #tpu.memory_space<vmem>>, vector<1x16xf32>,
      %get3A_613 = vector.shape_cast %get3A_612 : vector<1x16xf32> to vector<16xf32>
      %get3A_614 = arith.index_cast %scan3A_87 : i32 to index
      %get3A_615 = arith.constant 512 : index
      %get3A_616 = tpu.vector_load %arg9[%get3A_614, %get3A_615] {strides = array<i32>} : memref<32x1024xf32, #tpu.memory_space<vmem>>, vector<1x16xf32>,
      %get3A_617 = vector.shape_cast %get3A_616 : vector<1x16xf32> to vector<16xf32>
      %mul3A_618 = arith.mulf %get3A_613, %get3A_92 : vector<16xf32>
      %mul3A_619 = arith.mulf %get3A_617, %get3A_98 : vector<16xf32>
      %add3A_620 = arith.addf %mul3A_618, %mul3A_619 : vector<16xf32>
      %swap3A_621 = arith.index_cast %scan3A_87 : i32 to index
      %swap3A_622 = arith.constant 512 : index
      %swap3A_623 = tpu.vector_load %arg10[%swap3A_621, %swap3A_622] {strides = array<i32>} : memref<32x1024xf32, #tpu.memory_space<vmem>>, vector<1x16xf32>,
      %swap3A_624 = vector.shape_cast %swap3A_623 : vector<1x16xf32> to vector<16xf32>
      %swap3A_625 = vector.shape_cast %add3A_620 : vector<16xf32> to vector<1x16xf32>
      tpu.vector_store %arg10[%swap3A_621, %swap3A_622], %swap3A_625 {strides = array<i32>} : memref<32x1024xf32, #tpu.memory_space<vmem>>, vector<1x16xf32>,
      %get3A_626 = arith.index_cast %scan3A_87 : i32 to index
      %get3A_627 = arith.constant 528 : index
      %get3A_628 = tpu.vector_load %arg8[%get3A_626, %get3A_627] {strides = array<i32>} : memref<32x1024xf32, #tpu.memory_space<vmem>>, vector<1x16xf32>,
      %get3A_629 = vector.shape_cast %get3A_628 : vector<1x16xf32> to vector<16xf32>
      %get3A_630 = arith.index_cast %scan3A_87 : i32 to index
      %get3A_631 = arith.constant 528 : index
      %get3A_632 = tpu.vector_load %arg9[%get3A_630, %get3A_631] {strides = array<i32>} : memref<32x1024xf32, #tpu.memory_space<vmem>>, vector<1x16xf32>,
      %get3A_633 = vector.shape_cast %get3A_632 : vector<1x16xf32> to vector<16xf32>
      %mul3A_634 = arith.mulf %get3A_629, %get3A_92 : vector<16xf32>
      %mul3A_635 = arith.mulf %get3A_633, %get3A_98 : vector<16xf32>
      %add3A_636 = arith.addf %mul3A_634, %mul3A_635 : vector<16xf32>
      %swap3A_637 = arith.index_cast %scan3A_87 : i32 to index
      %swap3A_638 = arith.constant 528 : index
      %swap3A_639 = tpu.vector_load %arg10[%swap3A_637, %swap3A_638] {strides = array<i32>} : memref<32x1024xf32, #tpu.memory_space<vmem>>, vector<1x16xf32>,
      %swap3A_640 = vector.shape_cast %swap3A_639 : vector<1x16xf32> to vector<16xf32>
      %swap3A_641 = vector.shape_cast %add3A_636 : vector<16xf32> to vector<1x16xf32>
      tpu.vector_store %arg10[%swap3A_637, %swap3A_638], %swap3A_641 {strides = array<i32>} : memref<32x1024xf32, #tpu.memory_space<vmem>>, vector<1x16xf32>,
      %get3A_642 = arith.index_cast %scan3A_87 : i32 to index
      %get3A_643 = arith.constant 544 : index
      %get3A_644 = tpu.vector_load %arg8[%get3A_642, %get3A_643] {strides = array<i32>} : memref<32x1024xf32, #tpu.memory_space<vmem>>, vector<1x16xf32>,
      %get3A_645 = vector.shape_cast %get3A_644 : vector<1x16xf32> to vector<16xf32>
      %get3A_646 = arith.index_cast %scan3A_87 : i32 to index
      %get3A_647 = arith.constant 544 : index
      %get3A_648 = tpu.vector_load %arg9[%get3A_646, %get3A_647] {strides = array<i32>} : memref<32x1024xf32, #tpu.memory_space<vmem>>, vector<1x16xf32>,
      %get3A_649 = vector.shape_cast %get3A_648 : vector<1x16xf32> to vector<16xf32>
      %mul3A_650 = arith.mulf %get3A_645, %get3A_92 : vector<16xf32>
      %mul3A_651 = arith.mulf %get3A_649, %get3A_98 : vector<16xf32>
      %add3A_652 = arith.addf %mul3A_650, %mul3A_651 : vector<16xf32>
      %swap3A_653 = arith.index_cast %scan3A_87 : i32 to index
      %swap3A_654 = arith.constant 544 : index
      %swap3A_655 = tpu.vector_load %arg10[%swap3A_653, %swap3A_654] {strides = array<i32>} : memref<32x1024xf32, #tpu.memory_space<vmem>>, vector<1x16xf32>,
      %swap3A_656 = vector.shape_cast %swap3A_655 : vector<1x16xf32> to vector<16xf32>
      %swap3A_657 = vector.shape_cast %add3A_652 : vector<16xf32> to vector<1x16xf32>
      tpu.vector_store %arg10[%swap3A_653, %swap3A_654], %swap3A_657 {strides = array<i32>} : memref<32x1024xf32, #tpu.memory_space<vmem>>, vector<1x16xf32>,
      %get3A_658 = arith.index_cast %scan3A_87 : i32 to index
      %get3A_659 = arith.constant 560 : index
      %get3A_660 = tpu.vector_load %arg8[%get3A_658, %get3A_659] {strides = array<i32>} : memref<32x1024xf32, #tpu.memory_space<vmem>>, vector<1x16xf32>,
      %get3A_661 = vector.shape_cast %get3A_660 : vector<1x16xf32> to vector<16xf32>
      %get3A_662 = arith.index_cast %scan3A_87 : i32 to index
      %get3A_663 = arith.constant 560 : index
      %get3A_664 = tpu.vector_load %arg9[%get3A_662, %get3A_663] {strides = array<i32>} : memref<32x1024xf32, #tpu.memory_space<vmem>>, vector<1x16xf32>,
      %get3A_665 = vector.shape_cast %get3A_664 : vector<1x16xf32> to vector<16xf32>
      %mul3A_666 = arith.mulf %get3A_661, %get3A_92 : vector<16xf32>
      %mul3A_667 = arith.mulf %get3A_665, %get3A_98 : vector<16xf32>
      %add3A_668 = arith.addf %mul3A_666, %mul3A_667 : vector<16xf32>
      %swap3A_669 = arith.index_cast %scan3A_87 : i32 to index
      %swap3A_670 = arith.constant 560 : index
      %swap3A_671 = tpu.vector_load %arg10[%swap3A_669, %swap3A_670] {strides = array<i32>} : memref<32x1024xf32, #tpu.memory_space<vmem>>, vector<1x16xf32>,
      %swap3A_672 = vector.shape_cast %swap3A_671 : vector<1x16xf32> to vector<16xf32>
      %swap3A_673 = vector.shape_cast %add3A_668 : vector<16xf32> to vector<1x16xf32>
      tpu.vector_store %arg10[%swap3A_669, %swap3A_670], %swap3A_673 {strides = array<i32>} : memref<32x1024xf32, #tpu.memory_space<vmem>>, vector<1x16xf32>,
      %get3A_674 = arith.index_cast %scan3A_87 : i32 to index
      %get3A_675 = arith.constant 576 : index
      %get3A_676 = tpu.vector_load %arg8[%get3A_674, %get3A_675] {strides = array<i32>} : memref<32x1024xf32, #tpu.memory_space<vmem>>, vector<1x16xf32>,
      %get3A_677 = vector.shape_cast %get3A_676 : vector<1x16xf32> to vector<16xf32>
      %get3A_678 = arith.index_cast %scan3A_87 : i32 to index
      %get3A_679 = arith.constant 576 : index
      %get3A_680 = tpu.vector_load %arg9[%get3A_678, %get3A_679] {strides = array<i32>} : memref<32x1024xf32, #tpu.memory_space<vmem>>, vector<1x16xf32>,
      %get3A_681 = vector.shape_cast %get3A_680 : vector<1x16xf32> to vector<16xf32>
      %mul3A_682 = arith.mulf %get3A_677, %get3A_92 : vector<16xf32>
      %mul3A_683 = arith.mulf %get3A_681, %get3A_98 : vector<16xf32>
      %add3A_684 = arith.addf %mul3A_682, %mul3A_683 : vector<16xf32>
      %swap3A_685 = arith.index_cast %scan3A_87 : i32 to index
      %swap3A_686 = arith.constant 576 : index
      %swap3A_687 = tpu.vector_load %arg10[%swap3A_685, %swap3A_686] {strides = array<i32>} : memref<32x1024xf32, #tpu.memory_space<vmem>>, vector<1x16xf32>,
      %swap3A_688 = vector.shape_cast %swap3A_687 : vector<1x16xf32> to vector<16xf32>
      %swap3A_689 = vector.shape_cast %add3A_684 : vector<16xf32> to vector<1x16xf32>
      tpu.vector_store %arg10[%swap3A_685, %swap3A_686], %swap3A_689 {strides = array<i32>} : memref<32x1024xf32, #tpu.memory_space<vmem>>, vector<1x16xf32>,
      %get3A_690 = arith.index_cast %scan3A_87 : i32 to index
      %get3A_691 = arith.constant 592 : index
      %get3A_692 = tpu.vector_load %arg8[%get3A_690, %get3A_691] {strides = array<i32>} : memref<32x1024xf32, #tpu.memory_space<vmem>>, vector<1x16xf32>,
      %get3A_693 = vector.shape_cast %get3A_692 : vector<1x16xf32> to vector<16xf32>
      %get3A_694 = arith.index_cast %scan3A_87 : i32 to index
      %get3A_695 = arith.constant 592 : index
      %get3A_696 = tpu.vector_load %arg9[%get3A_694, %get3A_695] {strides = array<i32>} : memref<32x1024xf32, #tpu.memory_space<vmem>>, vector<1x16xf32>,
      %get3A_697 = vector.shape_cast %get3A_696 : vector<1x16xf32> to vector<16xf32>
      %mul3A_698 = arith.mulf %get3A_693, %get3A_92 : vector<16xf32>
      %mul3A_699 = arith.mulf %get3A_697, %get3A_98 : vector<16xf32>
      %add3A_700 = arith.addf %mul3A_698, %mul3A_699 : vector<16xf32>
      %swap3A_701 = arith.index_cast %scan3A_87 : i32 to index
      %swap3A_702 = arith.constant 592 : index
      %swap3A_703 = tpu.vector_load %arg10[%swap3A_701, %swap3A_702] {strides = array<i32>} : memref<32x1024xf32, #tpu.memory_space<vmem>>, vector<1x16xf32>,
      %swap3A_704 = vector.shape_cast %swap3A_703 : vector<1x16xf32> to vector<16xf32>
      %swap3A_705 = vector.shape_cast %add3A_700 : vector<16xf32> to vector<1x16xf32>
      tpu.vector_store %arg10[%swap3A_701, %swap3A_702], %swap3A_705 {strides = array<i32>} : memref<32x1024xf32, #tpu.memory_space<vmem>>, vector<1x16xf32>,
      %get3A_706 = arith.index_cast %scan3A_87 : i32 to index
      %get3A_707 = arith.constant 608 : index
      %get3A_708 = tpu.vector_load %arg8[%get3A_706, %get3A_707] {strides = array<i32>} : memref<32x1024xf32, #tpu.memory_space<vmem>>, vector<1x16xf32>,
      %get3A_709 = vector.shape_cast %get3A_708 : vector<1x16xf32> to vector<16xf32>
      %get3A_710 = arith.index_cast %scan3A_87 : i32 to index
      %get3A_711 = arith.constant 608 : index
      %get3A_712 = tpu.vector_load %arg9[%get3A_710, %get3A_711] {strides = array<i32>} : memref<32x1024xf32, #tpu.memory_space<vmem>>, vector<1x16xf32>,
      %get3A_713 = vector.shape_cast %get3A_712 : vector<1x16xf32> to vector<16xf32>
      %mul3A_714 = arith.mulf %get3A_709, %get3A_92 : vector<16xf32>
      %mul3A_715 = arith.mulf %get3A_713, %get3A_98 : vector<16xf32>
      %add3A_716 = arith.addf %mul3A_714, %mul3A_715 : vector<16xf32>
      %swap3A_717 = arith.index_cast %scan3A_87 : i32 to index
      %swap3A_718 = arith.constant 608 : index
      %swap3A_719 = tpu.vector_load %arg10[%swap3A_717, %swap3A_718] {strides = array<i32>} : memref<32x1024xf32, #tpu.memory_space<vmem>>, vector<1x16xf32>,
      %swap3A_720 = vector.shape_cast %swap3A_719 : vector<1x16xf32> to vector<16xf32>
      %swap3A_721 = vector.shape_cast %add3A_716 : vector<16xf32> to vector<1x16xf32>
      tpu.vector_store %arg10[%swap3A_717, %swap3A_718], %swap3A_721 {strides = array<i32>} : memref<32x1024xf32, #tpu.memory_space<vmem>>, vector<1x16xf32>,
      %get3A_722 = arith.index_cast %scan3A_87 : i32 to index
      %get3A_723 = arith.constant 624 : index
      %get3A_724 = tpu.vector_load %arg8[%get3A_722, %get3A_723] {strides = array<i32>} : memref<32x1024xf32, #tpu.memory_space<vmem>>, vector<1x16xf32>,
      %get3A_725 = vector.shape_cast %get3A_724 : vector<1x16xf32> to vector<16xf32>
      %get3A_726 = arith.index_cast %scan3A_87 : i32 to index
      %get3A_727 = arith.constant 624 : index
      %get3A_728 = tpu.vector_load %arg9[%get3A_726, %get3A_727] {strides = array<i32>} : memref<32x1024xf32, #tpu.memory_space<vmem>>, vector<1x16xf32>,
      %get3A_729 = vector.shape_cast %get3A_728 : vector<1x16xf32> to vector<16xf32>
      %mul3A_730 = arith.mulf %get3A_725, %get3A_92 : vector<16xf32>
      %mul3A_731 = arith.mulf %get3A_729, %get3A_98 : vector<16xf32>
      %add3A_732 = arith.addf %mul3A_730, %mul3A_731 : vector<16xf32>
      %swap3A_733 = arith.index_cast %scan3A_87 : i32 to index
      %swap3A_734 = arith.constant 624 : index
      %swap3A_735 = tpu.vector_load %arg10[%swap3A_733, %swap3A_734] {strides = array<i32>} : memref<32x1024xf32, #tpu.memory_space<vmem>>, vector<1x16xf32>,
      %swap3A_736 = vector.shape_cast %swap3A_735 : vector<1x16xf32> to vector<16xf32>
      %swap3A_737 = vector.shape_cast %add3A_732 : vector<16xf32> to vector<1x16xf32>
      tpu.vector_store %arg10[%swap3A_733, %swap3A_734], %swap3A_737 {strides = array<i32>} : memref<32x1024xf32, #tpu.memory_space<vmem>>, vector<1x16xf32>,
      %get3A_738 = arith.index_cast %scan3A_87 : i32 to index
      %get3A_739 = arith.constant 640 : index
      %get3A_740 = tpu.vector_load %arg8[%get3A_738, %get3A_739] {strides = array<i32>} : memref<32x1024xf32, #tpu.memory_space<vmem>>, vector<1x16xf32>,
      %get3A_741 = vector.shape_cast %get3A_740 : vector<1x16xf32> to vector<16xf32>
      %get3A_742 = arith.index_cast %scan3A_87 : i32 to index
      %get3A_743 = arith.constant 640 : index
      %get3A_744 = tpu.vector_load %arg9[%get3A_742, %get3A_743] {strides = array<i32>} : memref<32x1024xf32, #tpu.memory_space<vmem>>, vector<1x16xf32>,
      %get3A_745 = vector.shape_cast %get3A_744 : vector<1x16xf32> to vector<16xf32>
      %mul3A_746 = arith.mulf %get3A_741, %get3A_92 : vector<16xf32>
      %mul3A_747 = arith.mulf %get3A_745, %get3A_98 : vector<16xf32>
      %add3A_748 = arith.addf %mul3A_746, %mul3A_747 : vector<16xf32>
      %swap3A_749 = arith.index_cast %scan3A_87 : i32 to index
      %swap3A_750 = arith.constant 640 : index
      %swap3A_751 = tpu.vector_load %arg10[%swap3A_749, %swap3A_750] {strides = array<i32>} : memref<32x1024xf32, #tpu.memory_space<vmem>>, vector<1x16xf32>,
      %swap3A_752 = vector.shape_cast %swap3A_751 : vector<1x16xf32> to vector<16xf32>
      %swap3A_753 = vector.shape_cast %add3A_748 : vector<16xf32> to vector<1x16xf32>
      tpu.vector_store %arg10[%swap3A_749, %swap3A_750], %swap3A_753 {strides = array<i32>} : memref<32x1024xf32, #tpu.memory_space<vmem>>, vector<1x16xf32>,
      %get3A_754 = arith.index_cast %scan3A_87 : i32 to index
      %get3A_755 = arith.constant 656 : index
      %get3A_756 = tpu.vector_load %arg8[%get3A_754, %get3A_755] {strides = array<i32>} : memref<32x1024xf32, #tpu.memory_space<vmem>>, vector<1x16xf32>,
      %get3A_757 = vector.shape_cast %get3A_756 : vector<1x16xf32> to vector<16xf32>
      %get3A_758 = arith.index_cast %scan3A_87 : i32 to index
      %get3A_759 = arith.constant 656 : index
      %get3A_760 = tpu.vector_load %arg9[%get3A_758, %get3A_759] {strides = array<i32>} : memref<32x1024xf32, #tpu.memory_space<vmem>>, vector<1x16xf32>,
      %get3A_761 = vector.shape_cast %get3A_760 : vector<1x16xf32> to vector<16xf32>
      %mul3A_762 = arith.mulf %get3A_757, %get3A_92 : vector<16xf32>
      %mul3A_763 = arith.mulf %get3A_761, %get3A_98 : vector<16xf32>
      %add3A_764 = arith.addf %mul3A_762, %mul3A_763 : vector<16xf32>
      %swap3A_765 = arith.index_cast %scan3A_87 : i32 to index
      %swap3A_766 = arith.constant 656 : index
      %swap3A_767 = tpu.vector_load %arg10[%swap3A_765, %swap3A_766] {strides = array<i32>} : memref<32x1024xf32, #tpu.memory_space<vmem>>, vector<1x16xf32>,
      %swap3A_768 = vector.shape_cast %swap3A_767 : vector<1x16xf32> to vector<16xf32>
      %swap3A_769 = vector.shape_cast %add3A_764 : vector<16xf32> to vector<1x16xf32>
      tpu.vector_store %arg10[%swap3A_765, %swap3A_766], %swap3A_769 {strides = array<i32>} : memref<32x1024xf32, #tpu.memory_space<vmem>>, vector<1x16xf32>,
      %get3A_770 = arith.index_cast %scan3A_87 : i32 to index
      %get3A_771 = arith.constant 672 : index
      %get3A_772 = tpu.vector_load %arg8[%get3A_770, %get3A_771] {strides = array<i32>} : memref<32x1024xf32, #tpu.memory_space<vmem>>, vector<1x16xf32>,
      %get3A_773 = vector.shape_cast %get3A_772 : vector<1x16xf32> to vector<16xf32>
      %get3A_774 = arith.index_cast %scan3A_87 : i32 to index
      %get3A_775 = arith.constant 672 : index
      %get3A_776 = tpu.vector_load %arg9[%get3A_774, %get3A_775] {strides = array<i32>} : memref<32x1024xf32, #tpu.memory_space<vmem>>, vector<1x16xf32>,
      %get3A_777 = vector.shape_cast %get3A_776 : vector<1x16xf32> to vector<16xf32>
      %mul3A_778 = arith.mulf %get3A_773, %get3A_92 : vector<16xf32>
      %mul3A_779 = arith.mulf %get3A_777, %get3A_98 : vector<16xf32>
      %add3A_780 = arith.addf %mul3A_778, %mul3A_779 : vector<16xf32>
      %swap3A_781 = arith.index_cast %scan3A_87 : i32 to index
      %swap3A_782 = arith.constant 672 : index
      %swap3A_783 = tpu.vector_load %arg10[%swap3A_781, %swap3A_782] {strides = array<i32>} : memref<32x1024xf32, #tpu.memory_space<vmem>>, vector<1x16xf32>,
      %swap3A_784 = vector.shape_cast %swap3A_783 : vector<1x16xf32> to vector<16xf32>
      %swap3A_785 = vector.shape_cast %add3A_780 : vector<16xf32> to vector<1x16xf32>
      tpu.vector_store %arg10[%swap3A_781, %swap3A_782], %swap3A_785 {strides = array<i32>} : memref<32x1024xf32, #tpu.memory_space<vmem>>, vector<1x16xf32>,
      %get3A_786 = arith.index_cast %scan3A_87 : i32 to index
      %get3A_787 = arith.constant 688 : index
      %get3A_788 = tpu.vector_load %arg8[%get3A_786, %get3A_787] {strides = array<i32>} : memref<32x1024xf32, #tpu.memory_space<vmem>>, vector<1x16xf32>,
      %get3A_789 = vector.shape_cast %get3A_788 : vector<1x16xf32> to vector<16xf32>
      %get3A_790 = arith.index_cast %scan3A_87 : i32 to index
      %get3A_791 = arith.constant 688 : index
      %get3A_792 = tpu.vector_load %arg9[%get3A_790, %get3A_791] {strides = array<i32>} : memref<32x1024xf32, #tpu.memory_space<vmem>>, vector<1x16xf32>,
      %get3A_793 = vector.shape_cast %get3A_792 : vector<1x16xf32> to vector<16xf32>
      %mul3A_794 = arith.mulf %get3A_789, %get3A_92 : vector<16xf32>
      %mul3A_795 = arith.mulf %get3A_793, %get3A_98 : vector<16xf32>
      %add3A_796 = arith.addf %mul3A_794, %mul3A_795 : vector<16xf32>
      %swap3A_797 = arith.index_cast %scan3A_87 : i32 to index
      %swap3A_798 = arith.constant 688 : index
      %swap3A_799 = tpu.vector_load %arg10[%swap3A_797, %swap3A_798] {strides = array<i32>} : memref<32x1024xf32, #tpu.memory_space<vmem>>, vector<1x16xf32>,
      %swap3A_800 = vector.shape_cast %swap3A_799 : vector<1x16xf32> to vector<16xf32>
      %swap3A_801 = vector.shape_cast %add3A_796 : vector<16xf32> to vector<1x16xf32>
      tpu.vector_store %arg10[%swap3A_797, %swap3A_798], %swap3A_801 {strides = array<i32>} : memref<32x1024xf32, #tpu.memory_space<vmem>>, vector<1x16xf32>,
      %get3A_802 = arith.index_cast %scan3A_87 : i32 to index
      %get3A_803 = arith.constant 704 : index
      %get3A_804 = tpu.vector_load %arg8[%get3A_802, %get3A_803] {strides = array<i32>} : memref<32x1024xf32, #tpu.memory_space<vmem>>, vector<1x16xf32>,
      %get3A_805 = vector.shape_cast %get3A_804 : vector<1x16xf32> to vector<16xf32>
      %get3A_806 = arith.index_cast %scan3A_87 : i32 to index
      %get3A_807 = arith.constant 704 : index
      %get3A_808 = tpu.vector_load %arg9[%get3A_806, %get3A_807] {strides = array<i32>} : memref<32x1024xf32, #tpu.memory_space<vmem>>, vector<1x16xf32>,
      %get3A_809 = vector.shape_cast %get3A_808 : vector<1x16xf32> to vector<16xf32>
      %mul3A_810 = arith.mulf %get3A_805, %get3A_92 : vector<16xf32>
      %mul3A_811 = arith.mulf %get3A_809, %get3A_98 : vector<16xf32>
      %add3A_812 = arith.addf %mul3A_810, %mul3A_811 : vector<16xf32>
      %swap3A_813 = arith.index_cast %scan3A_87 : i32 to index
      %swap3A_814 = arith.constant 704 : index
      %swap3A_815 = tpu.vector_load %arg10[%swap3A_813, %swap3A_814] {strides = array<i32>} : memref<32x1024xf32, #tpu.memory_space<vmem>>, vector<1x16xf32>,
      %swap3A_816 = vector.shape_cast %swap3A_815 : vector<1x16xf32> to vector<16xf32>
      %swap3A_817 = vector.shape_cast %add3A_812 : vector<16xf32> to vector<1x16xf32>
      tpu.vector_store %arg10[%swap3A_813, %swap3A_814], %swap3A_817 {strides = array<i32>} : memref<32x1024xf32, #tpu.memory_space<vmem>>, vector<1x16xf32>,
      %get3A_818 = arith.index_cast %scan3A_87 : i32 to index
      %get3A_819 = arith.constant 720 : index
      %get3A_820 = tpu.vector_load %arg8[%get3A_818, %get3A_819] {strides = array<i32>} : memref<32x1024xf32, #tpu.memory_space<vmem>>, vector<1x16xf32>,
      %get3A_821 = vector.shape_cast %get3A_820 : vector<1x16xf32> to vector<16xf32>
      %get3A_822 = arith.index_cast %scan3A_87 : i32 to index
      %get3A_823 = arith.constant 720 : index
      %get3A_824 = tpu.vector_load %arg9[%get3A_822, %get3A_823] {strides = array<i32>} : memref<32x1024xf32, #tpu.memory_space<vmem>>, vector<1x16xf32>,
      %get3A_825 = vector.shape_cast %get3A_824 : vector<1x16xf32> to vector<16xf32>
      %mul3A_826 = arith.mulf %get3A_821, %get3A_92 : vector<16xf32>
      %mul3A_827 = arith.mulf %get3A_825, %get3A_98 : vector<16xf32>
      %add3A_828 = arith.addf %mul3A_826, %mul3A_827 : vector<16xf32>
      %swap3A_829 = arith.index_cast %scan3A_87 : i32 to index
      %swap3A_830 = arith.constant 720 : index
      %swap3A_831 = tpu.vector_load %arg10[%swap3A_829, %swap3A_830] {strides = array<i32>} : memref<32x1024xf32, #tpu.memory_space<vmem>>, vector<1x16xf32>,
      %swap3A_832 = vector.shape_cast %swap3A_831 : vector<1x16xf32> to vector<16xf32>
      %swap3A_833 = vector.shape_cast %add3A_828 : vector<16xf32> to vector<1x16xf32>
      tpu.vector_store %arg10[%swap3A_829, %swap3A_830], %swap3A_833 {strides = array<i32>} : memref<32x1024xf32, #tpu.memory_space<vmem>>, vector<1x16xf32>,
      %get3A_834 = arith.index_cast %scan3A_87 : i32 to index
      %get3A_835 = arith.constant 736 : index
      %get3A_836 = tpu.vector_load %arg8[%get3A_834, %get3A_835] {strides = array<i32>} : memref<32x1024xf32, #tpu.memory_space<vmem>>, vector<1x16xf32>,
      %get3A_837 = vector.shape_cast %get3A_836 : vector<1x16xf32> to vector<16xf32>
      %get3A_838 = arith.index_cast %scan3A_87 : i32 to index
      %get3A_839 = arith.constant 736 : index
      %get3A_840 = tpu.vector_load %arg9[%get3A_838, %get3A_839] {strides = array<i32>} : memref<32x1024xf32, #tpu.memory_space<vmem>>, vector<1x16xf32>,
      %get3A_841 = vector.shape_cast %get3A_840 : vector<1x16xf32> to vector<16xf32>
      %mul3A_842 = arith.mulf %get3A_837, %get3A_92 : vector<16xf32>
      %mul3A_843 = arith.mulf %get3A_841, %get3A_98 : vector<16xf32>
      %add3A_844 = arith.addf %mul3A_842, %mul3A_843 : vector<16xf32>
      %swap3A_845 = arith.index_cast %scan3A_87 : i32 to index
      %swap3A_846 = arith.constant 736 : index
      %swap3A_847 = tpu.vector_load %arg10[%swap3A_845, %swap3A_846] {strides = array<i32>} : memref<32x1024xf32, #tpu.memory_space<vmem>>, vector<1x16xf32>,
      %swap3A_848 = vector.shape_cast %swap3A_847 : vector<1x16xf32> to vector<16xf32>
      %swap3A_849 = vector.shape_cast %add3A_844 : vector<16xf32> to vector<1x16xf32>
      tpu.vector_store %arg10[%swap3A_845, %swap3A_846], %swap3A_849 {strides = array<i32>} : memref<32x1024xf32, #tpu.memory_space<vmem>>, vector<1x16xf32>,
      %get3A_850 = arith.index_cast %scan3A_87 : i32 to index
      %get3A_851 = arith.constant 752 : index
      %get3A_852 = tpu.vector_load %arg8[%get3A_850, %get3A_851] {strides = array<i32>} : memref<32x1024xf32, #tpu.memory_space<vmem>>, vector<1x16xf32>,
      %get3A_853 = vector.shape_cast %get3A_852 : vector<1x16xf32> to vector<16xf32>
      %get3A_854 = arith.index_cast %scan3A_87 : i32 to index
      %get3A_855 = arith.constant 752 : index
      %get3A_856 = tpu.vector_load %arg9[%get3A_854, %get3A_855] {strides = array<i32>} : memref<32x1024xf32, #tpu.memory_space<vmem>>, vector<1x16xf32>,
      %get3A_857 = vector.shape_cast %get3A_856 : vector<1x16xf32> to vector<16xf32>
      %mul3A_858 = arith.mulf %get3A_853, %get3A_92 : vector<16xf32>
      %mul3A_859 = arith.mulf %get3A_857, %get3A_98 : vector<16xf32>
      %add3A_860 = arith.addf %mul3A_858, %mul3A_859 : vector<16xf32>
      %swap3A_861 = arith.index_cast %scan3A_87 : i32 to index
      %swap3A_862 = arith.constant 752 : index
      %swap3A_863 = tpu.vector_load %arg10[%swap3A_861, %swap3A_862] {strides = array<i32>} : memref<32x1024xf32, #tpu.memory_space<vmem>>, vector<1x16xf32>,
      %swap3A_864 = vector.shape_cast %swap3A_863 : vector<1x16xf32> to vector<16xf32>
      %swap3A_865 = vector.shape_cast %add3A_860 : vector<16xf32> to vector<1x16xf32>
      tpu.vector_store %arg10[%swap3A_861, %swap3A_862], %swap3A_865 {strides = array<i32>} : memref<32x1024xf32, #tpu.memory_space<vmem>>, vector<1x16xf32>,
      %get3A_866 = arith.index_cast %scan3A_87 : i32 to index
      %get3A_867 = arith.constant 768 : index
      %get3A_868 = tpu.vector_load %arg8[%get3A_866, %get3A_867] {strides = array<i32>} : memref<32x1024xf32, #tpu.memory_space<vmem>>, vector<1x16xf32>,
      %get3A_869 = vector.shape_cast %get3A_868 : vector<1x16xf32> to vector<16xf32>
      %get3A_870 = arith.index_cast %scan3A_87 : i32 to index
      %get3A_871 = arith.constant 768 : index
      %get3A_872 = tpu.vector_load %arg9[%get3A_870, %get3A_871] {strides = array<i32>} : memref<32x1024xf32, #tpu.memory_space<vmem>>, vector<1x16xf32>,
      %get3A_873 = vector.shape_cast %get3A_872 : vector<1x16xf32> to vector<16xf32>
      %mul3A_874 = arith.mulf %get3A_869, %get3A_92 : vector<16xf32>
      %mul3A_875 = arith.mulf %get3A_873, %get3A_98 : vector<16xf32>
      %add3A_876 = arith.addf %mul3A_874, %mul3A_875 : vector<16xf32>
      %swap3A_877 = arith.index_cast %scan3A_87 : i32 to index
      %swap3A_878 = arith.constant 768 : index
      %swap3A_879 = tpu.vector_load %arg10[%swap3A_877, %swap3A_878] {strides = array<i32>} : memref<32x1024xf32, #tpu.memory_space<vmem>>, vector<1x16xf32>,
      %swap3A_880 = vector.shape_cast %swap3A_879 : vector<1x16xf32> to vector<16xf32>
      %swap3A_881 = vector.shape_cast %add3A_876 : vector<16xf32> to vector<1x16xf32>
      tpu.vector_store %arg10[%swap3A_877, %swap3A_878], %swap3A_881 {strides = array<i32>} : memref<32x1024xf32, #tpu.memory_space<vmem>>, vector<1x16xf32>,
      %get3A_882 = arith.index_cast %scan3A_87 : i32 to index
      %get3A_883 = arith.constant 784 : index
      %get3A_884 = tpu.vector_load %arg8[%get3A_882, %get3A_883] {strides = array<i32>} : memref<32x1024xf32, #tpu.memory_space<vmem>>, vector<1x16xf32>,
      %get3A_885 = vector.shape_cast %get3A_884 : vector<1x16xf32> to vector<16xf32>
      %get3A_886 = arith.index_cast %scan3A_87 : i32 to index
      %get3A_887 = arith.constant 784 : index
      %get3A_888 = tpu.vector_load %arg9[%get3A_886, %get3A_887] {strides = array<i32>} : memref<32x1024xf32, #tpu.memory_space<vmem>>, vector<1x16xf32>,
      %get3A_889 = vector.shape_cast %get3A_888 : vector<1x16xf32> to vector<16xf32>
      %mul3A_890 = arith.mulf %get3A_885, %get3A_92 : vector<16xf32>
      %mul3A_891 = arith.mulf %get3A_889, %get3A_98 : vector<16xf32>
      %add3A_892 = arith.addf %mul3A_890, %mul3A_891 : vector<16xf32>
      %swap3A_893 = arith.index_cast %scan3A_87 : i32 to index
      %swap3A_894 = arith.constant 784 : index
      %swap3A_895 = tpu.vector_load %arg10[%swap3A_893, %swap3A_894] {strides = array<i32>} : memref<32x1024xf32, #tpu.memory_space<vmem>>, vector<1x16xf32>,
      %swap3A_896 = vector.shape_cast %swap3A_895 : vector<1x16xf32> to vector<16xf32>
      %swap3A_897 = vector.shape_cast %add3A_892 : vector<16xf32> to vector<1x16xf32>
      tpu.vector_store %arg10[%swap3A_893, %swap3A_894], %swap3A_897 {strides = array<i32>} : memref<32x1024xf32, #tpu.memory_space<vmem>>, vector<1x16xf32>,
      %get3A_898 = arith.index_cast %scan3A_87 : i32 to index
      %get3A_899 = arith.constant 800 : index
      %get3A_900 = tpu.vector_load %arg8[%get3A_898, %get3A_899] {strides = array<i32>} : memref<32x1024xf32, #tpu.memory_space<vmem>>, vector<1x16xf32>,
      %get3A_901 = vector.shape_cast %get3A_900 : vector<1x16xf32> to vector<16xf32>
      %get3A_902 = arith.index_cast %scan3A_87 : i32 to index
      %get3A_903 = arith.constant 800 : index
      %get3A_904 = tpu.vector_load %arg9[%get3A_902, %get3A_903] {strides = array<i32>} : memref<32x1024xf32, #tpu.memory_space<vmem>>, vector<1x16xf32>,
      %get3A_905 = vector.shape_cast %get3A_904 : vector<1x16xf32> to vector<16xf32>
      %mul3A_906 = arith.mulf %get3A_901, %get3A_92 : vector<16xf32>
      %mul3A_907 = arith.mulf %get3A_905, %get3A_98 : vector<16xf32>
      %add3A_908 = arith.addf %mul3A_906, %mul3A_907 : vector<16xf32>
      %swap3A_909 = arith.index_cast %scan3A_87 : i32 to index
      %swap3A_910 = arith.constant 800 : index
      %swap3A_911 = tpu.vector_load %arg10[%swap3A_909, %swap3A_910] {strides = array<i32>} : memref<32x1024xf32, #tpu.memory_space<vmem>>, vector<1x16xf32>,
      %swap3A_912 = vector.shape_cast %swap3A_911 : vector<1x16xf32> to vector<16xf32>
      %swap3A_913 = vector.shape_cast %add3A_908 : vector<16xf32> to vector<1x16xf32>
      tpu.vector_store %arg10[%swap3A_909, %swap3A_910], %swap3A_913 {strides = array<i32>} : memref<32x1024xf32, #tpu.memory_space<vmem>>, vector<1x16xf32>,
      %get3A_914 = arith.index_cast %scan3A_87 : i32 to index
      %get3A_915 = arith.constant 816 : index
      %get3A_916 = tpu.vector_load %arg8[%get3A_914, %get3A_915] {strides = array<i32>} : memref<32x1024xf32, #tpu.memory_space<vmem>>, vector<1x16xf32>,
      %get3A_917 = vector.shape_cast %get3A_916 : vector<1x16xf32> to vector<16xf32>
      %get3A_918 = arith.index_cast %scan3A_87 : i32 to index
      %get3A_919 = arith.constant 816 : index
      %get3A_920 = tpu.vector_load %arg9[%get3A_918, %get3A_919] {strides = array<i32>} : memref<32x1024xf32, #tpu.memory_space<vmem>>, vector<1x16xf32>,
      %get3A_921 = vector.shape_cast %get3A_920 : vector<1x16xf32> to vector<16xf32>
      %mul3A_922 = arith.mulf %get3A_917, %get3A_92 : vector<16xf32>
      %mul3A_923 = arith.mulf %get3A_921, %get3A_98 : vector<16xf32>
      %add3A_924 = arith.addf %mul3A_922, %mul3A_923 : vector<16xf32>
      %swap3A_925 = arith.index_cast %scan3A_87 : i32 to index
      %swap3A_926 = arith.constant 816 : index
      %swap3A_927 = tpu.vector_load %arg10[%swap3A_925, %swap3A_926] {strides = array<i32>} : memref<32x1024xf32, #tpu.memory_space<vmem>>, vector<1x16xf32>,
      %swap3A_928 = vector.shape_cast %swap3A_927 : vector<1x16xf32> to vector<16xf32>
      %swap3A_929 = vector.shape_cast %add3A_924 : vector<16xf32> to vector<1x16xf32>
      tpu.vector_store %arg10[%swap3A_925, %swap3A_926], %swap3A_929 {strides = array<i32>} : memref<32x1024xf32, #tpu.memory_space<vmem>>, vector<1x16xf32>,
      %get3A_930 = arith.index_cast %scan3A_87 : i32 to index
      %get3A_931 = arith.constant 832 : index
      %get3A_932 = tpu.vector_load %arg8[%get3A_930, %get3A_931] {strides = array<i32>} : memref<32x1024xf32, #tpu.memory_space<vmem>>, vector<1x16xf32>,
      %get3A_933 = vector.shape_cast %get3A_932 : vector<1x16xf32> to vector<16xf32>
      %get3A_934 = arith.index_cast %scan3A_87 : i32 to index
      %get3A_935 = arith.constant 832 : index
      %get3A_936 = tpu.vector_load %arg9[%get3A_934, %get3A_935] {strides = array<i32>} : memref<32x1024xf32, #tpu.memory_space<vmem>>, vector<1x16xf32>,
      %get3A_937 = vector.shape_cast %get3A_936 : vector<1x16xf32> to vector<16xf32>
      %mul3A_938 = arith.mulf %get3A_933, %get3A_92 : vector<16xf32>
      %mul3A_939 = arith.mulf %get3A_937, %get3A_98 : vector<16xf32>
      %add3A_940 = arith.addf %mul3A_938, %mul3A_939 : vector<16xf32>
      %swap3A_941 = arith.index_cast %scan3A_87 : i32 to index
      %swap3A_942 = arith.constant 832 : index
      %swap3A_943 = tpu.vector_load %arg10[%swap3A_941, %swap3A_942] {strides = array<i32>} : memref<32x1024xf32, #tpu.memory_space<vmem>>, vector<1x16xf32>,
      %swap3A_944 = vector.shape_cast %swap3A_943 : vector<1x16xf32> to vector<16xf32>
      %swap3A_945 = vector.shape_cast %add3A_940 : vector<16xf32> to vector<1x16xf32>
      tpu.vector_store %arg10[%swap3A_941, %swap3A_942], %swap3A_945 {strides = array<i32>} : memref<32x1024xf32, #tpu.memory_space<vmem>>, vector<1x16xf32>,
      %get3A_946 = arith.index_cast %scan3A_87 : i32 to index
      %get3A_947 = arith.constant 848 : index
      %get3A_948 = tpu.vector_load %arg8[%get3A_946, %get3A_947] {strides = array<i32>} : memref<32x1024xf32, #tpu.memory_space<vmem>>, vector<1x16xf32>,
      %get3A_949 = vector.shape_cast %get3A_948 : vector<1x16xf32> to vector<16xf32>
      %get3A_950 = arith.index_cast %scan3A_87 : i32 to index
      %get3A_951 = arith.constant 848 : index
      %get3A_952 = tpu.vector_load %arg9[%get3A_950, %get3A_951] {strides = array<i32>} : memref<32x1024xf32, #tpu.memory_space<vmem>>, vector<1x16xf32>,
      %get3A_953 = vector.shape_cast %get3A_952 : vector<1x16xf32> to vector<16xf32>
      %mul3A_954 = arith.mulf %get3A_949, %get3A_92 : vector<16xf32>
      %mul3A_955 = arith.mulf %get3A_953, %get3A_98 : vector<16xf32>
      %add3A_956 = arith.addf %mul3A_954, %mul3A_955 : vector<16xf32>
      %swap3A_957 = arith.index_cast %scan3A_87 : i32 to index
      %swap3A_958 = arith.constant 848 : index
      %swap3A_959 = tpu.vector_load %arg10[%swap3A_957, %swap3A_958] {strides = array<i32>} : memref<32x1024xf32, #tpu.memory_space<vmem>>, vector<1x16xf32>,
      %swap3A_960 = vector.shape_cast %swap3A_959 : vector<1x16xf32> to vector<16xf32>
      %swap3A_961 = vector.shape_cast %add3A_956 : vector<16xf32> to vector<1x16xf32>
      tpu.vector_store %arg10[%swap3A_957, %swap3A_958], %swap3A_961 {strides = array<i32>} : memref<32x1024xf32, #tpu.memory_space<vmem>>, vector<1x16xf32>,
      %get3A_962 = arith.index_cast %scan3A_87 : i32 to index
      %get3A_963 = arith.constant 864 : index
      %get3A_964 = tpu.vector_load %arg8[%get3A_962, %get3A_963] {strides = array<i32>} : memref<32x1024xf32, #tpu.memory_space<vmem>>, vector<1x16xf32>,
      %get3A_965 = vector.shape_cast %get3A_964 : vector<1x16xf32> to vector<16xf32>
      %get3A_966 = arith.index_cast %scan3A_87 : i32 to index
      %get3A_967 = arith.constant 864 : index
      %get3A_968 = tpu.vector_load %arg9[%get3A_966, %get3A_967] {strides = array<i32>} : memref<32x1024xf32, #tpu.memory_space<vmem>>, vector<1x16xf32>,
      %get3A_969 = vector.shape_cast %get3A_968 : vector<1x16xf32> to vector<16xf32>
      %mul3A_970 = arith.mulf %get3A_965, %get3A_92 : vector<16xf32>
      %mul3A_971 = arith.mulf %get3A_969, %get3A_98 : vector<16xf32>
      %add3A_972 = arith.addf %mul3A_970, %mul3A_971 : vector<16xf32>
      %swap3A_973 = arith.index_cast %scan3A_87 : i32 to index
      %swap3A_974 = arith.constant 864 : index
      %swap3A_975 = tpu.vector_load %arg10[%swap3A_973, %swap3A_974] {strides = array<i32>} : memref<32x1024xf32, #tpu.memory_space<vmem>>, vector<1x16xf32>,
      %swap3A_976 = vector.shape_cast %swap3A_975 : vector<1x16xf32> to vector<16xf32>
      %swap3A_977 = vector.shape_cast %add3A_972 : vector<16xf32> to vector<1x16xf32>
      tpu.vector_store %arg10[%swap3A_973, %swap3A_974], %swap3A_977 {strides = array<i32>} : memref<32x1024xf32, #tpu.memory_space<vmem>>, vector<1x16xf32>,
      %get3A_978 = arith.index_cast %scan3A_87 : i32 to index
      %get3A_979 = arith.constant 880 : index
      %get3A_980 = tpu.vector_load %arg8[%get3A_978, %get3A_979] {strides = array<i32>} : memref<32x1024xf32, #tpu.memory_space<vmem>>, vector<1x16xf32>,
      %get3A_981 = vector.shape_cast %get3A_980 : vector<1x16xf32> to vector<16xf32>
      %get3A_982 = arith.index_cast %scan3A_87 : i32 to index
      %get3A_983 = arith.constant 880 : index
      %get3A_984 = tpu.vector_load %arg9[%get3A_982, %get3A_983] {strides = array<i32>} : memref<32x1024xf32, #tpu.memory_space<vmem>>, vector<1x16xf32>,
      %get3A_985 = vector.shape_cast %get3A_984 : vector<1x16xf32> to vector<16xf32>
      %mul3A_986 = arith.mulf %get3A_981, %get3A_92 : vector<16xf32>
      %mul3A_987 = arith.mulf %get3A_985, %get3A_98 : vector<16xf32>
      %add3A_988 = arith.addf %mul3A_986, %mul3A_987 : vector<16xf32>
      %swap3A_989 = arith.index_cast %scan3A_87 : i32 to index
      %swap3A_990 = arith.constant 880 : index
      %swap3A_991 = tpu.vector_load %arg10[%swap3A_989, %swap3A_990] {strides = array<i32>} : memref<32x1024xf32, #tpu.memory_space<vmem>>, vector<1x16xf32>,
      %swap3A_992 = vector.shape_cast %swap3A_991 : vector<1x16xf32> to vector<16xf32>
      %swap3A_993 = vector.shape_cast %add3A_988 : vector<16xf32> to vector<1x16xf32>
      tpu.vector_store %arg10[%swap3A_989, %swap3A_990], %swap3A_993 {strides = array<i32>} : memref<32x1024xf32, #tpu.memory_space<vmem>>, vector<1x16xf32>,
      %get3A_994 = arith.index_cast %scan3A_87 : i32 to index
      %get3A_995 = arith.constant 896 : index
      %get3A_996 = tpu.vector_load %arg8[%get3A_994, %get3A_995] {strides = array<i32>} : memref<32x1024xf32, #tpu.memory_space<vmem>>, vector<1x16xf32>,
      %get3A_997 = vector.shape_cast %get3A_996 : vector<1x16xf32> to vector<16xf32>
      %get3A_998 = arith.index_cast %scan3A_87 : i32 to index
      %get3A_999 = arith.constant 896 : index
      %get3A_1000 = tpu.vector_load %arg9[%get3A_998, %get3A_999] {strides = array<i32>} : memref<32x1024xf32, #tpu.memory_space<vmem>>, vector<1x16xf32>,
      %get3A_1001 = vector.shape_cast %get3A_1000 : vector<1x16xf32> to vector<16xf32>
      %mul3A_1002 = arith.mulf %get3A_997, %get3A_92 : vector<16xf32>
      %mul3A_1003 = arith.mulf %get3A_1001, %get3A_98 : vector<16xf32>
      %add3A_1004 = arith.addf %mul3A_1002, %mul3A_1003 : vector<16xf32>
      %swap3A_1005 = arith.index_cast %scan3A_87 : i32 to index
      %swap3A_1006 = arith.constant 896 : index
      %swap3A_1007 = tpu.vector_load %arg10[%swap3A_1005, %swap3A_1006] {strides = array<i32>} : memref<32x1024xf32, #tpu.memory_space<vmem>>, vector<1x16xf32>,
      %swap3A_1008 = vector.shape_cast %swap3A_1007 : vector<1x16xf32> to vector<16xf32>
      %swap3A_1009 = vector.shape_cast %add3A_1004 : vector<16xf32> to vector<1x16xf32>
      tpu.vector_store %arg10[%swap3A_1005, %swap3A_1006], %swap3A_1009 {strides = array<i32>} : memref<32x1024xf32, #tpu.memory_space<vmem>>, vector<1x16xf32>,
      %get3A_1010 = arith.index_cast %scan3A_87 : i32 to index
      %get3A_1011 = arith.constant 912 : index
      %get3A_1012 = tpu.vector_load %arg8[%get3A_1010, %get3A_1011] {strides = array<i32>} : memref<32x1024xf32, #tpu.memory_space<vmem>>, vector<1x16xf32>,
      %get3A_1013 = vector.shape_cast %get3A_1012 : vector<1x16xf32> to vector<16xf32>
      %get3A_1014 = arith.index_cast %scan3A_87 : i32 to index
      %get3A_1015 = arith.constant 912 : index
      %get3A_1016 = tpu.vector_load %arg9[%get3A_1014, %get3A_1015] {strides = array<i32>} : memref<32x1024xf32, #tpu.memory_space<vmem>>, vector<1x16xf32>,
      %get3A_1017 = vector.shape_cast %get3A_1016 : vector<1x16xf32> to vector<16xf32>
      %mul3A_1018 = arith.mulf %get3A_1013, %get3A_92 : vector<16xf32>
      %mul3A_1019 = arith.mulf %get3A_1017, %get3A_98 : vector<16xf32>
      %add3A_1020 = arith.addf %mul3A_1018, %mul3A_1019 : vector<16xf32>
      %swap3A_1021 = arith.index_cast %scan3A_87 : i32 to index
      %swap3A_1022 = arith.constant 912 : index
      %swap3A_1023 = tpu.vector_load %arg10[%swap3A_1021, %swap3A_1022] {strides = array<i32>} : memref<32x1024xf32, #tpu.memory_space<vmem>>, vector<1x16xf32>,
      %swap3A_1024 = vector.shape_cast %swap3A_1023 : vector<1x16xf32> to vector<16xf32>
      %swap3A_1025 = vector.shape_cast %add3A_1020 : vector<16xf32> to vector<1x16xf32>
      tpu.vector_store %arg10[%swap3A_1021, %swap3A_1022], %swap3A_1025 {strides = array<i32>} : memref<32x1024xf32, #tpu.memory_space<vmem>>, vector<1x16xf32>,
      %get3A_1026 = arith.index_cast %scan3A_87 : i32 to index
      %get3A_1027 = arith.constant 928 : index
      %get3A_1028 = tpu.vector_load %arg8[%get3A_1026, %get3A_1027] {strides = array<i32>} : memref<32x1024xf32, #tpu.memory_space<vmem>>, vector<1x16xf32>,
      %get3A_1029 = vector.shape_cast %get3A_1028 : vector<1x16xf32> to vector<16xf32>
      %get3A_1030 = arith.index_cast %scan3A_87 : i32 to index
      %get3A_1031 = arith.constant 928 : index
      %get3A_1032 = tpu.vector_load %arg9[%get3A_1030, %get3A_1031] {strides = array<i32>} : memref<32x1024xf32, #tpu.memory_space<vmem>>, vector<1x16xf32>,
      %get3A_1033 = vector.shape_cast %get3A_1032 : vector<1x16xf32> to vector<16xf32>
      %mul3A_1034 = arith.mulf %get3A_1029, %get3A_92 : vector<16xf32>
      %mul3A_1035 = arith.mulf %get3A_1033, %get3A_98 : vector<16xf32>
      %add3A_1036 = arith.addf %mul3A_1034, %mul3A_1035 : vector<16xf32>
      %swap3A_1037 = arith.index_cast %scan3A_87 : i32 to index
      %swap3A_1038 = arith.constant 928 : index
      %swap3A_1039 = tpu.vector_load %arg10[%swap3A_1037, %swap3A_1038] {strides = array<i32>} : memref<32x1024xf32, #tpu.memory_space<vmem>>, vector<1x16xf32>,
      %swap3A_1040 = vector.shape_cast %swap3A_1039 : vector<1x16xf32> to vector<16xf32>
      %swap3A_1041 = vector.shape_cast %add3A_1036 : vector<16xf32> to vector<1x16xf32>
      tpu.vector_store %arg10[%swap3A_1037, %swap3A_1038], %swap3A_1041 {strides = array<i32>} : memref<32x1024xf32, #tpu.memory_space<vmem>>, vector<1x16xf32>,
      %get3A_1042 = arith.index_cast %scan3A_87 : i32 to index
      %get3A_1043 = arith.constant 944 : index
      %get3A_1044 = tpu.vector_load %arg8[%get3A_1042, %get3A_1043] {strides = array<i32>} : memref<32x1024xf32, #tpu.memory_space<vmem>>, vector<1x16xf32>,
      %get3A_1045 = vector.shape_cast %get3A_1044 : vector<1x16xf32> to vector<16xf32>
      %get3A_1046 = arith.index_cast %scan3A_87 : i32 to index
      %get3A_1047 = arith.constant 944 : index
      %get3A_1048 = tpu.vector_load %arg9[%get3A_1046, %get3A_1047] {strides = array<i32>} : memref<32x1024xf32, #tpu.memory_space<vmem>>, vector<1x16xf32>,
      %get3A_1049 = vector.shape_cast %get3A_1048 : vector<1x16xf32> to vector<16xf32>
      %mul3A_1050 = arith.mulf %get3A_1045, %get3A_92 : vector<16xf32>
      %mul3A_1051 = arith.mulf %get3A_1049, %get3A_98 : vector<16xf32>
      %add3A_1052 = arith.addf %mul3A_1050, %mul3A_1051 : vector<16xf32>
      %swap3A_1053 = arith.index_cast %scan3A_87 : i32 to index
      %swap3A_1054 = arith.constant 944 : index
      %swap3A_1055 = tpu.vector_load %arg10[%swap3A_1053, %swap3A_1054] {strides = array<i32>} : memref<32x1024xf32, #tpu.memory_space<vmem>>, vector<1x16xf32>,
      %swap3A_1056 = vector.shape_cast %swap3A_1055 : vector<1x16xf32> to vector<16xf32>
      %swap3A_1057 = vector.shape_cast %add3A_1052 : vector<16xf32> to vector<1x16xf32>
      tpu.vector_store %arg10[%swap3A_1053, %swap3A_1054], %swap3A_1057 {strides = array<i32>} : memref<32x1024xf32, #tpu.memory_space<vmem>>, vector<1x16xf32>,
      %get3A_1058 = arith.index_cast %scan3A_87 : i32 to index
      %get3A_1059 = arith.constant 960 : index
      %get3A_1060 = tpu.vector_load %arg8[%get3A_1058, %get3A_1059] {strides = array<i32>} : memref<32x1024xf32, #tpu.memory_space<vmem>>, vector<1x16xf32>,
      %get3A_1061 = vector.shape_cast %get3A_1060 : vector<1x16xf32> to vector<16xf32>
      %get3A_1062 = arith.index_cast %scan3A_87 : i32 to index
      %get3A_1063 = arith.constant 960 : index
      %get3A_1064 = tpu.vector_load %arg9[%get3A_1062, %get3A_1063] {strides = array<i32>} : memref<32x1024xf32, #tpu.memory_space<vmem>>, vector<1x16xf32>,
      %get3A_1065 = vector.shape_cast %get3A_1064 : vector<1x16xf32> to vector<16xf32>
      %mul3A_1066 = arith.mulf %get3A_1061, %get3A_92 : vector<16xf32>
      %mul3A_1067 = arith.mulf %get3A_1065, %get3A_98 : vector<16xf32>
      %add3A_1068 = arith.addf %mul3A_1066, %mul3A_1067 : vector<16xf32>
      %swap3A_1069 = arith.index_cast %scan3A_87 : i32 to index
      %swap3A_1070 = arith.constant 960 : index
      %swap3A_1071 = tpu.vector_load %arg10[%swap3A_1069, %swap3A_1070] {strides = array<i32>} : memref<32x1024xf32, #tpu.memory_space<vmem>>, vector<1x16xf32>,
      %swap3A_1072 = vector.shape_cast %swap3A_1071 : vector<1x16xf32> to vector<16xf32>
      %swap3A_1073 = vector.shape_cast %add3A_1068 : vector<16xf32> to vector<1x16xf32>
      tpu.vector_store %arg10[%swap3A_1069, %swap3A_1070], %swap3A_1073 {strides = array<i32>} : memref<32x1024xf32, #tpu.memory_space<vmem>>, vector<1x16xf32>,
      %get3A_1074 = arith.index_cast %scan3A_87 : i32 to index
      %get3A_1075 = arith.constant 976 : index
      %get3A_1076 = tpu.vector_load %arg8[%get3A_1074, %get3A_1075] {strides = array<i32>} : memref<32x1024xf32, #tpu.memory_space<vmem>>, vector<1x16xf32>,
      %get3A_1077 = vector.shape_cast %get3A_1076 : vector<1x16xf32> to vector<16xf32>
      %get3A_1078 = arith.index_cast %scan3A_87 : i32 to index
      %get3A_1079 = arith.constant 976 : index
      %get3A_1080 = tpu.vector_load %arg9[%get3A_1078, %get3A_1079] {strides = array<i32>} : memref<32x1024xf32, #tpu.memory_space<vmem>>, vector<1x16xf32>,
      %get3A_1081 = vector.shape_cast %get3A_1080 : vector<1x16xf32> to vector<16xf32>
      %mul3A_1082 = arith.mulf %get3A_1077, %get3A_92 : vector<16xf32>
      %mul3A_1083 = arith.mulf %get3A_1081, %get3A_98 : vector<16xf32>
      %add3A_1084 = arith.addf %mul3A_1082, %mul3A_1083 : vector<16xf32>
      %swap3A_1085 = arith.index_cast %scan3A_87 : i32 to index
      %swap3A_1086 = arith.constant 976 : index
      %swap3A_1087 = tpu.vector_load %arg10[%swap3A_1085, %swap3A_1086] {strides = array<i32>} : memref<32x1024xf32, #tpu.memory_space<vmem>>, vector<1x16xf32>,
      %swap3A_1088 = vector.shape_cast %swap3A_1087 : vector<1x16xf32> to vector<16xf32>
      %swap3A_1089 = vector.shape_cast %add3A_1084 : vector<16xf32> to vector<1x16xf32>
      tpu.vector_store %arg10[%swap3A_1085, %swap3A_1086], %swap3A_1089 {strides = array<i32>} : memref<32x1024xf32, #tpu.memory_space<vmem>>, vector<1x16xf32>,
      %get3A_1090 = arith.index_cast %scan3A_87 : i32 to index
      %get3A_1091 = arith.constant 992 : index
      %get3A_1092 = tpu.vector_load %arg8[%get3A_1090, %get3A_1091] {strides = array<i32>} : memref<32x1024xf32, #tpu.memory_space<vmem>>, vector<1x16xf32>,
      %get3A_1093 = vector.shape_cast %get3A_1092 : vector<1x16xf32> to vector<16xf32>
      %get3A_1094 = arith.index_cast %scan3A_87 : i32 to index
      %get3A_1095 = arith.constant 992 : index
      %get3A_1096 = tpu.vector_load %arg9[%get3A_1094, %get3A_1095] {strides = array<i32>} : memref<32x1024xf32, #tpu.memory_space<vmem>>, vector<1x16xf32>,
      %get3A_1097 = vector.shape_cast %get3A_1096 : vector<1x16xf32> to vector<16xf32>
      %mul3A_1098 = arith.mulf %get3A_1093, %get3A_92 : vector<16xf32>
      %mul3A_1099 = arith.mulf %get3A_1097, %get3A_98 : vector<16xf32>
      %add3A_1100 = arith.addf %mul3A_1098, %mul3A_1099 : vector<16xf32>
      %swap3A_1101 = arith.index_cast %scan3A_87 : i32 to index
      %swap3A_1102 = arith.constant 992 : index
      %swap3A_1103 = tpu.vector_load %arg10[%swap3A_1101, %swap3A_1102] {strides = array<i32>} : memref<32x1024xf32, #tpu.memory_space<vmem>>, vector<1x16xf32>,
      %swap3A_1104 = vector.shape_cast %swap3A_1103 : vector<1x16xf32> to vector<16xf32>
      %swap3A_1105 = vector.shape_cast %add3A_1100 : vector<16xf32> to vector<1x16xf32>
      tpu.vector_store %arg10[%swap3A_1101, %swap3A_1102], %swap3A_1105 {strides = array<i32>} : memref<32x1024xf32, #tpu.memory_space<vmem>>, vector<1x16xf32>,
      %get3A_1106 = arith.index_cast %scan3A_87 : i32 to index
      %get3A_1107 = arith.constant 1008 : index
      %get3A_1108 = tpu.vector_load %arg8[%get3A_1106, %get3A_1107] {strides = array<i32>} : memref<32x1024xf32, #tpu.memory_space<vmem>>, vector<1x16xf32>,
      %get3A_1109 = vector.shape_cast %get3A_1108 : vector<1x16xf32> to vector<16xf32>
      %get3A_1110 = arith.index_cast %scan3A_87 : i32 to index
      %get3A_1111 = arith.constant 1008 : index
      %get3A_1112 = tpu.vector_load %arg9[%get3A_1110, %get3A_1111] {strides = array<i32>} : memref<32x1024xf32, #tpu.memory_space<vmem>>, vector<1x16xf32>,
      %get3A_1113 = vector.shape_cast %get3A_1112 : vector<1x16xf32> to vector<16xf32>
      %mul3A_1114 = arith.mulf %get3A_1109, %get3A_92 : vector<16xf32>
      %mul3A_1115 = arith.mulf %get3A_1113, %get3A_98 : vector<16xf32>
      %add3A_1116 = arith.addf %mul3A_1114, %mul3A_1115 : vector<16xf32>
      %swap3A_1117 = arith.index_cast %scan3A_87 : i32 to index
      %swap3A_1118 = arith.constant 1008 : index
      %swap3A_1119 = tpu.vector_load %arg10[%swap3A_1117, %swap3A_1118] {strides = array<i32>} : memref<32x1024xf32, #tpu.memory_space<vmem>>, vector<1x16xf32>,
      %swap3A_1120 = vector.shape_cast %swap3A_1119 : vector<1x16xf32> to vector<16xf32>
      %swap3A_1121 = vector.shape_cast %add3A_1116 : vector<16xf32> to vector<1x16xf32>
      tpu.vector_store %arg10[%swap3A_1117, %swap3A_1118], %swap3A_1121 {strides = array<i32>} : memref<32x1024xf32, #tpu.memory_space<vmem>>, vector<1x16xf32>,
    }
    %scan3A_84 = arith.constant 32 : i32
    %add3A_85 = arith.constant 32 : i32
    %add3A_86 = arith.addi %mul3A_2, %add3A_85 : i32
    "tpu.region"() ({
      %run_scoped3A_87 = tpu.sem_alloc : memref<!tpu.dma_semaphore, #tpu.memory_space<semaphore_mem>>
      %dma_start3A_88 = arith.constant 0 : i32
      %dma_start3A_89 = tpu.memref_slice %arg6[%add3A_86, %dma_start3A_88] : memref<2048x1024xf32, #tpu.memory_space<hbm>> -> memref<32x1024xf32, #tpu.memory_space<hbm>>
      %dma_start3A_90 = arith.constant 0 : i32
      %dma_start3A_91 = tpu.memref_slice %arg6[%add3A_86, %dma_start3A_90] : memref<2048x1024xf32, #tpu.memory_space<hbm>> -> memref<32x1024xf32, #tpu.memory_space<hbm>>
      tpu.enqueue_dma source(%arg10 : memref<32x1024xf32, #tpu.memory_space<vmem>>) target(%dma_start3A_91 : memref<32x1024xf32, #tpu.memory_space<hbm>>) target_semaphore(%run_scoped3A_87 : memref<!tpu.dma_semaphore, #tpu.memory_space<semaphore_mem>>)
      %dma_wait3A_92 = arith.constant 0 : i32
      %dma_wait3A_93 = tpu.memref_slice %arg6[%add3A_86, %dma_wait3A_92] : memref<2048x1024xf32, #tpu.memory_space<hbm>> -> memref<32x1024xf32, #tpu.memory_space<hbm>>
      %dma_wait3A_94 = arith.constant 0 : i32
      %dma_wait3A_95 = tpu.memref_slice %arg6[%add3A_86, %dma_wait3A_94] : memref<2048x1024xf32, #tpu.memory_space<hbm>> -> memref<32x1024xf32, #tpu.memory_space<hbm>>
      tpu.wait_dma2 semaphore(%run_scoped3A_87 : memref<!tpu.dma_semaphore, #tpu.memory_space<semaphore_mem>>) src(%arg10 : memref<32x1024xf32, #tpu.memory_space<vmem>>) dst(%dma_wait3A_95 : memref<32x1024xf32, #tpu.memory_space<hbm>>)
      tpu.yield
    }) : () -> ()
    return
  }
}

#map = affine_map<(d0, d1) -> (0)>
#map1 = affine_map<(d0, d1) -> (0, 0)>
module attributes {stable_mosaic.version = 14 : i64} {
  func.func @_dispatch_body(%arg0: i32, %arg1: i32, %arg2: memref<4096xi32, #tpu.memory_space<hbm>>, %arg3: memref<2048x1024xf32, #tpu.memory_space<hbm>>, %arg4: memref<8192x1024xf32, #tpu.memory_space<hbm>>, %arg5: memref<4x32xi32, #tpu.memory_space<vmem>>, %arg6: memref<4x32xi32, #tpu.memory_space<vmem>>, %arg7: memref<2x32x1024xf32, #tpu.memory_space<vmem>>, %arg8: memref<!tpu.dma_semaphore, #tpu.memory_space<semaphore_mem>>, %arg9: memref<!tpu.dma_semaphore, #tpu.memory_space<semaphore_mem>>, %arg10: memref<!tpu.dma_semaphore, #tpu.memory_space<semaphore_mem>>, %arg11: memref<!tpu.dma_semaphore, #tpu.memory_space<semaphore_mem>>) attributes {dimension_semantics = [#tpu.dimension_semantics<core_parallel>, #tpu.dimension_semantics<subcore_parallel>], iteration_bounds = array<i64: 2, 16>, scalar_prefetch = 0 : i64, scratch_operands = 7 : i64, tpu.core_type = #tpu.core_type<sc_vector_subcore>, window_params = [{transform_indices = #map}, {transform_indices = #map1}, {transform_indices = #map1}]} {
    %iota3A = tpu.iota {dimensions = array<i32: 0>} : vector<16xi32>
    %broadcast_in_dim3A = arith.constant 0 : i32
    %broadcast_in_dim3A_0 = vector.broadcast %broadcast_in_dim3A : i32 to vector<16xi32>
    %mul3A = arith.constant 2 : i32
    %mul3A_1 = arith.muli %arg1, %mul3A : i32
    %add3A = arith.addi %mul3A_1, %arg0 : i32
    %mul3A_2 = arith.constant 128 : i32
    %mul3A_3 = arith.muli %add3A, %mul3A_2 : i32
    %broadcast_in_dim3A_4 = vector.broadcast %mul3A_3 : i32 to vector<16xi32>
    %add3A_5 = arith.constant 0 : i32
    %add3A_6 = vector.broadcast %add3A_5 : i32 to vector<16xi32>
    %add3A_7 = arith.addi %broadcast_in_dim3A_4, %add3A_6 : vector<16xi32>
    %add3A_8 = arith.addi %add3A_7, %iota3A : vector<16xi32>
    %ge3A = arith.constant 2048 : i32
    %ge3A_9 = vector.broadcast %ge3A : i32 to vector<16xi32>
    %ge3A_10 = arith.cmpi sge, %add3A_8, %ge3A_9 : vector<16xi32>
    %broadcast_in_dim3A_11 = arith.constant 2048 : i32
    %broadcast_in_dim3A_12 = vector.broadcast %broadcast_in_dim3A_11 : i32 to vector<16xi32>
    %select_n3A = arith.select %ge3A_10, %broadcast_in_dim3A_12, %broadcast_in_dim3A_0 : vector<16xi1>, vector<16xi32>
    %sub3A = arith.subi %add3A_8, %select_n3A : vector<16xi32>
    %swap3A = arith.constant 0 : i32
    %swap3A_13 = arith.index_cast %swap3A : i32 to index
    %swap3A_14 = arith.constant 0 : index
    %swap3A_15 = tpu.vector_load %arg5[%swap3A_13, %swap3A_14] {strides = array<i32>} : memref<4x32xi32, #tpu.memory_space<vmem>>, vector<1x16xi32>,
    %swap3A_16 = vector.shape_cast %swap3A_15 : vector<1x16xi32> to vector<16xi32>
    %swap3A_17 = vector.shape_cast %sub3A : vector<16xi32> to vector<1x16xi32>
    tpu.vector_store %arg5[%swap3A_13, %swap3A_14], %swap3A_17 {strides = array<i32>} : memref<4x32xi32, #tpu.memory_space<vmem>>, vector<1x16xi32>,
    %add3A_18 = arith.constant 16 : i32
    %add3A_19 = vector.broadcast %add3A_18 : i32 to vector<16xi32>
    %add3A_20 = arith.addi %broadcast_in_dim3A_4, %add3A_19 : vector<16xi32>
    %add3A_21 = arith.addi %add3A_20, %iota3A : vector<16xi32>
    %ge3A_22 = arith.constant 2048 : i32
    %ge3A_23 = vector.broadcast %ge3A_22 : i32 to vector<16xi32>
    %ge3A_24 = arith.cmpi sge, %add3A_21, %ge3A_23 : vector<16xi32>
    %broadcast_in_dim3A_25 = arith.constant 2048 : i32
    %broadcast_in_dim3A_26 = vector.broadcast %broadcast_in_dim3A_25 : i32 to vector<16xi32>
    %select_n3A_27 = arith.select %ge3A_24, %broadcast_in_dim3A_26, %broadcast_in_dim3A_0 : vector<16xi1>, vector<16xi32>
    %sub3A_28 = arith.subi %add3A_21, %select_n3A_27 : vector<16xi32>
    %swap3A_29 = arith.constant 0 : i32
    %swap3A_30 = arith.index_cast %swap3A_29 : i32 to index
    %swap3A_31 = arith.constant 16 : index
    %swap3A_32 = tpu.vector_load %arg5[%swap3A_30, %swap3A_31] {strides = array<i32>} : memref<4x32xi32, #tpu.memory_space<vmem>>, vector<1x16xi32>,
    %swap3A_33 = vector.shape_cast %swap3A_32 : vector<1x16xi32> to vector<16xi32>
    %swap3A_34 = vector.shape_cast %sub3A_28 : vector<16xi32> to vector<1x16xi32>
    tpu.vector_store %arg5[%swap3A_30, %swap3A_31], %swap3A_34 {strides = array<i32>} : memref<4x32xi32, #tpu.memory_space<vmem>>, vector<1x16xi32>,
    %add3A_35 = arith.constant 32 : i32
    %add3A_36 = vector.broadcast %add3A_35 : i32 to vector<16xi32>
    %add3A_37 = arith.addi %broadcast_in_dim3A_4, %add3A_36 : vector<16xi32>
    %add3A_38 = arith.addi %add3A_37, %iota3A : vector<16xi32>
    %ge3A_39 = arith.constant 2048 : i32
    %ge3A_40 = vector.broadcast %ge3A_39 : i32 to vector<16xi32>
    %ge3A_41 = arith.cmpi sge, %add3A_38, %ge3A_40 : vector<16xi32>
    %broadcast_in_dim3A_42 = arith.constant 2048 : i32
    %broadcast_in_dim3A_43 = vector.broadcast %broadcast_in_dim3A_42 : i32 to vector<16xi32>
    %select_n3A_44 = arith.select %ge3A_41, %broadcast_in_dim3A_43, %broadcast_in_dim3A_0 : vector<16xi1>, vector<16xi32>
    %sub3A_45 = arith.subi %add3A_38, %select_n3A_44 : vector<16xi32>
    %swap3A_46 = arith.constant 1 : i32
    %swap3A_47 = arith.index_cast %swap3A_46 : i32 to index
    %swap3A_48 = arith.constant 0 : index
    %swap3A_49 = tpu.vector_load %arg5[%swap3A_47, %swap3A_48] {strides = array<i32>} : memref<4x32xi32, #tpu.memory_space<vmem>>, vector<1x16xi32>,
    %swap3A_50 = vector.shape_cast %swap3A_49 : vector<1x16xi32> to vector<16xi32>
    %swap3A_51 = vector.shape_cast %sub3A_45 : vector<16xi32> to vector<1x16xi32>
    tpu.vector_store %arg5[%swap3A_47, %swap3A_48], %swap3A_51 {strides = array<i32>} : memref<4x32xi32, #tpu.memory_space<vmem>>, vector<1x16xi32>,
    %add3A_52 = arith.constant 48 : i32
    %add3A_53 = vector.broadcast %add3A_52 : i32 to vector<16xi32>
    %add3A_54 = arith.addi %broadcast_in_dim3A_4, %add3A_53 : vector<16xi32>
    %add3A_55 = arith.addi %add3A_54, %iota3A : vector<16xi32>
    %ge3A_56 = arith.constant 2048 : i32
    %ge3A_57 = vector.broadcast %ge3A_56 : i32 to vector<16xi32>
    %ge3A_58 = arith.cmpi sge, %add3A_55, %ge3A_57 : vector<16xi32>
    %broadcast_in_dim3A_59 = arith.constant 2048 : i32
    %broadcast_in_dim3A_60 = vector.broadcast %broadcast_in_dim3A_59 : i32 to vector<16xi32>
    %select_n3A_61 = arith.select %ge3A_58, %broadcast_in_dim3A_60, %broadcast_in_dim3A_0 : vector<16xi1>, vector<16xi32>
    %sub3A_62 = arith.subi %add3A_55, %select_n3A_61 : vector<16xi32>
    %swap3A_63 = arith.constant 1 : i32
    %swap3A_64 = arith.index_cast %swap3A_63 : i32 to index
    %swap3A_65 = arith.constant 16 : index
    %swap3A_66 = tpu.vector_load %arg5[%swap3A_64, %swap3A_65] {strides = array<i32>} : memref<4x32xi32, #tpu.memory_space<vmem>>, vector<1x16xi32>,
    %swap3A_67 = vector.shape_cast %swap3A_66 : vector<1x16xi32> to vector<16xi32>
    %swap3A_68 = vector.shape_cast %sub3A_62 : vector<16xi32> to vector<1x16xi32>
    tpu.vector_store %arg5[%swap3A_64, %swap3A_65], %swap3A_68 {strides = array<i32>} : memref<4x32xi32, #tpu.memory_space<vmem>>, vector<1x16xi32>,
    %add3A_69 = arith.constant 64 : i32
    %add3A_70 = vector.broadcast %add3A_69 : i32 to vector<16xi32>
    %add3A_71 = arith.addi %broadcast_in_dim3A_4, %add3A_70 : vector<16xi32>
    %add3A_72 = arith.addi %add3A_71, %iota3A : vector<16xi32>
    %ge3A_73 = arith.constant 2048 : i32
    %ge3A_74 = vector.broadcast %ge3A_73 : i32 to vector<16xi32>
    %ge3A_75 = arith.cmpi sge, %add3A_72, %ge3A_74 : vector<16xi32>
    %broadcast_in_dim3A_76 = arith.constant 2048 : i32
    %broadcast_in_dim3A_77 = vector.broadcast %broadcast_in_dim3A_76 : i32 to vector<16xi32>
    %select_n3A_78 = arith.select %ge3A_75, %broadcast_in_dim3A_77, %broadcast_in_dim3A_0 : vector<16xi1>, vector<16xi32>
    %sub3A_79 = arith.subi %add3A_72, %select_n3A_78 : vector<16xi32>
    %swap3A_80 = arith.constant 2 : i32
    %swap3A_81 = arith.index_cast %swap3A_80 : i32 to index
    %swap3A_82 = arith.constant 0 : index
    %swap3A_83 = tpu.vector_load %arg5[%swap3A_81, %swap3A_82] {strides = array<i32>} : memref<4x32xi32, #tpu.memory_space<vmem>>, vector<1x16xi32>,
    %swap3A_84 = vector.shape_cast %swap3A_83 : vector<1x16xi32> to vector<16xi32>
    %swap3A_85 = vector.shape_cast %sub3A_79 : vector<16xi32> to vector<1x16xi32>
    tpu.vector_store %arg5[%swap3A_81, %swap3A_82], %swap3A_85 {strides = array<i32>} : memref<4x32xi32, #tpu.memory_space<vmem>>, vector<1x16xi32>,
    %add3A_86 = arith.constant 80 : i32
    %add3A_87 = vector.broadcast %add3A_86 : i32 to vector<16xi32>
    %add3A_88 = arith.addi %broadcast_in_dim3A_4, %add3A_87 : vector<16xi32>
    %add3A_89 = arith.addi %add3A_88, %iota3A : vector<16xi32>
    %ge3A_90 = arith.constant 2048 : i32
    %ge3A_91 = vector.broadcast %ge3A_90 : i32 to vector<16xi32>
    %ge3A_92 = arith.cmpi sge, %add3A_89, %ge3A_91 : vector<16xi32>
    %broadcast_in_dim3A_93 = arith.constant 2048 : i32
    %broadcast_in_dim3A_94 = vector.broadcast %broadcast_in_dim3A_93 : i32 to vector<16xi32>
    %select_n3A_95 = arith.select %ge3A_92, %broadcast_in_dim3A_94, %broadcast_in_dim3A_0 : vector<16xi1>, vector<16xi32>
    %sub3A_96 = arith.subi %add3A_89, %select_n3A_95 : vector<16xi32>
    %swap3A_97 = arith.constant 2 : i32
    %swap3A_98 = arith.index_cast %swap3A_97 : i32 to index
    %swap3A_99 = arith.constant 16 : index
    %swap3A_100 = tpu.vector_load %arg5[%swap3A_98, %swap3A_99] {strides = array<i32>} : memref<4x32xi32, #tpu.memory_space<vmem>>, vector<1x16xi32>,
    %swap3A_101 = vector.shape_cast %swap3A_100 : vector<1x16xi32> to vector<16xi32>
    %swap3A_102 = vector.shape_cast %sub3A_96 : vector<16xi32> to vector<1x16xi32>
    tpu.vector_store %arg5[%swap3A_98, %swap3A_99], %swap3A_102 {strides = array<i32>} : memref<4x32xi32, #tpu.memory_space<vmem>>, vector<1x16xi32>,
    %add3A_103 = arith.constant 96 : i32
    %add3A_104 = vector.broadcast %add3A_103 : i32 to vector<16xi32>
    %add3A_105 = arith.addi %broadcast_in_dim3A_4, %add3A_104 : vector<16xi32>
    %add3A_106 = arith.addi %add3A_105, %iota3A : vector<16xi32>
    %ge3A_107 = arith.constant 2048 : i32
    %ge3A_108 = vector.broadcast %ge3A_107 : i32 to vector<16xi32>
    %ge3A_109 = arith.cmpi sge, %add3A_106, %ge3A_108 : vector<16xi32>
    %broadcast_in_dim3A_110 = arith.constant 2048 : i32
    %broadcast_in_dim3A_111 = vector.broadcast %broadcast_in_dim3A_110 : i32 to vector<16xi32>
    %select_n3A_112 = arith.select %ge3A_109, %broadcast_in_dim3A_111, %broadcast_in_dim3A_0 : vector<16xi1>, vector<16xi32>
    %sub3A_113 = arith.subi %add3A_106, %select_n3A_112 : vector<16xi32>
    %swap3A_114 = arith.constant 3 : i32
    %swap3A_115 = arith.index_cast %swap3A_114 : i32 to index
    %swap3A_116 = arith.constant 0 : index
    %swap3A_117 = tpu.vector_load %arg5[%swap3A_115, %swap3A_116] {strides = array<i32>} : memref<4x32xi32, #tpu.memory_space<vmem>>, vector<1x16xi32>,
    %swap3A_118 = vector.shape_cast %swap3A_117 : vector<1x16xi32> to vector<16xi32>
    %swap3A_119 = vector.shape_cast %sub3A_113 : vector<16xi32> to vector<1x16xi32>
    tpu.vector_store %arg5[%swap3A_115, %swap3A_116], %swap3A_119 {strides = array<i32>} : memref<4x32xi32, #tpu.memory_space<vmem>>, vector<1x16xi32>,
    %add3A_120 = arith.constant 112 : i32
    %add3A_121 = vector.broadcast %add3A_120 : i32 to vector<16xi32>
    %add3A_122 = arith.addi %broadcast_in_dim3A_4, %add3A_121 : vector<16xi32>
    %add3A_123 = arith.addi %add3A_122, %iota3A : vector<16xi32>
    %ge3A_124 = arith.constant 2048 : i32
    %ge3A_125 = vector.broadcast %ge3A_124 : i32 to vector<16xi32>
    %ge3A_126 = arith.cmpi sge, %add3A_123, %ge3A_125 : vector<16xi32>
    %broadcast_in_dim3A_127 = arith.constant 2048 : i32
    %broadcast_in_dim3A_128 = vector.broadcast %broadcast_in_dim3A_127 : i32 to vector<16xi32>
    %select_n3A_129 = arith.select %ge3A_126, %broadcast_in_dim3A_128, %broadcast_in_dim3A_0 : vector<16xi1>, vector<16xi32>
    %sub3A_130 = arith.subi %add3A_123, %select_n3A_129 : vector<16xi32>
    %swap3A_131 = arith.constant 3 : i32
    %swap3A_132 = arith.index_cast %swap3A_131 : i32 to index
    %swap3A_133 = arith.constant 16 : index
    %swap3A_134 = tpu.vector_load %arg5[%swap3A_132, %swap3A_133] {strides = array<i32>} : memref<4x32xi32, #tpu.memory_space<vmem>>, vector<1x16xi32>,
    %swap3A_135 = vector.shape_cast %swap3A_134 : vector<1x16xi32> to vector<16xi32>
    %swap3A_136 = vector.shape_cast %sub3A_130 : vector<16xi32> to vector<1x16xi32>
    tpu.vector_store %arg5[%swap3A_132, %swap3A_133], %swap3A_136 {strides = array<i32>} : memref<4x32xi32, #tpu.memory_space<vmem>>, vector<1x16xi32>,
    %add3A_137 = arith.constant 0 : i32
    %add3A_138 = arith.addi %mul3A_3, %add3A_137 : i32
    %run_scoped3A = arith.constant 0 : i32
    "tpu.region"() ({
      %run_scoped3A_338 = tpu.sem_alloc : memref<!tpu.dma_semaphore, #tpu.memory_space<semaphore_mem>>
      %dma_start3A_339 = arith.constant 0 : i32
      %dma_start3A_340 = tpu.memref_slice %arg6[%run_scoped3A, %dma_start3A_339] : memref<4x32xi32, #tpu.memory_space<vmem>> -> memref<1x32xi32, #tpu.memory_space<vmem>>
      %dma_start3A_341 = tpu.memref_squeeze %dma_start3A_340 : memref<1x32xi32, #tpu.memory_space<vmem>> -> memref<32xi32, #tpu.memory_space<vmem>>
      %dma_start3A_342 = tpu.memref_slice %arg2[%add3A_138] : memref<4096xi32, #tpu.memory_space<hbm>> -> memref<32xi32, #tpu.memory_space<hbm>>
      %dma_start3A_343 = arith.constant 0 : i32
      %dma_start3A_344 = tpu.memref_slice %arg6[%run_scoped3A, %dma_start3A_343] : memref<4x32xi32, #tpu.memory_space<vmem>> -> memref<1x32xi32, #tpu.memory_space<vmem>>
      %dma_start3A_345 = tpu.memref_squeeze %dma_start3A_344 : memref<1x32xi32, #tpu.memory_space<vmem>> -> memref<32xi32, #tpu.memory_space<vmem>>
      %dma_start3A_346 = tpu.memref_slice %arg2[%add3A_138] : memref<4096xi32, #tpu.memory_space<hbm>> -> memref<32xi32, #tpu.memory_space<hbm>>
      tpu.enqueue_dma source(%dma_start3A_346 : memref<32xi32, #tpu.memory_space<hbm>>) target(%dma_start3A_345 : memref<32xi32, #tpu.memory_space<vmem>>) target_semaphore(%run_scoped3A_338 : memref<!tpu.dma_semaphore, #tpu.memory_space<semaphore_mem>>)
      %dma_wait3A_347 = arith.constant 0 : i32
      %dma_wait3A_348 = tpu.memref_slice %arg6[%run_scoped3A, %dma_wait3A_347] : memref<4x32xi32, #tpu.memory_space<vmem>> -> memref<1x32xi32, #tpu.memory_space<vmem>>
      %dma_wait3A_349 = tpu.memref_squeeze %dma_wait3A_348 : memref<1x32xi32, #tpu.memory_space<vmem>> -> memref<32xi32, #tpu.memory_space<vmem>>
      %dma_wait3A_350 = tpu.memref_slice %arg2[%add3A_138] : memref<4096xi32, #tpu.memory_space<hbm>> -> memref<32xi32, #tpu.memory_space<hbm>>
      %dma_wait3A_351 = arith.constant 0 : i32
      %dma_wait3A_352 = tpu.memref_slice %arg6[%run_scoped3A, %dma_wait3A_351] : memref<4x32xi32, #tpu.memory_space<vmem>> -> memref<1x32xi32, #tpu.memory_space<vmem>>
      %dma_wait3A_353 = tpu.memref_squeeze %dma_wait3A_352 : memref<1x32xi32, #tpu.memory_space<vmem>> -> memref<32xi32, #tpu.memory_space<vmem>>
      %dma_wait3A_354 = tpu.memref_slice %arg2[%add3A_138] : memref<4096xi32, #tpu.memory_space<hbm>> -> memref<32xi32, #tpu.memory_space<hbm>>
      tpu.wait_dma2 semaphore(%run_scoped3A_338 : memref<!tpu.dma_semaphore, #tpu.memory_space<semaphore_mem>>) src(%dma_wait3A_354 : memref<32xi32, #tpu.memory_space<hbm>>) dst(%dma_wait3A_353 : memref<32xi32, #tpu.memory_space<vmem>>)
      tpu.yield
    }) : () -> ()
    %add3A_139 = arith.constant 32 : i32
    %add3A_140 = arith.addi %mul3A_3, %add3A_139 : i32
    %run_scoped3A_141 = arith.constant 1 : i32
    "tpu.region"() ({
      %run_scoped3A_338 = tpu.sem_alloc : memref<!tpu.dma_semaphore, #tpu.memory_space<semaphore_mem>>
      %dma_start3A_339 = arith.constant 0 : i32
      %dma_start3A_340 = tpu.memref_slice %arg6[%run_scoped3A_141, %dma_start3A_339] : memref<4x32xi32, #tpu.memory_space<vmem>> -> memref<1x32xi32, #tpu.memory_space<vmem>>
      %dma_start3A_341 = tpu.memref_squeeze %dma_start3A_340 : memref<1x32xi32, #tpu.memory_space<vmem>> -> memref<32xi32, #tpu.memory_space<vmem>>
      %dma_start3A_342 = tpu.memref_slice %arg2[%add3A_140] : memref<4096xi32, #tpu.memory_space<hbm>> -> memref<32xi32, #tpu.memory_space<hbm>>
      %dma_start3A_343 = arith.constant 0 : i32
      %dma_start3A_344 = tpu.memref_slice %arg6[%run_scoped3A_141, %dma_start3A_343] : memref<4x32xi32, #tpu.memory_space<vmem>> -> memref<1x32xi32, #tpu.memory_space<vmem>>
      %dma_start3A_345 = tpu.memref_squeeze %dma_start3A_344 : memref<1x32xi32, #tpu.memory_space<vmem>> -> memref<32xi32, #tpu.memory_space<vmem>>
      %dma_start3A_346 = tpu.memref_slice %arg2[%add3A_140] : memref<4096xi32, #tpu.memory_space<hbm>> -> memref<32xi32, #tpu.memory_space<hbm>>
      tpu.enqueue_dma source(%dma_start3A_346 : memref<32xi32, #tpu.memory_space<hbm>>) target(%dma_start3A_345 : memref<32xi32, #tpu.memory_space<vmem>>) target_semaphore(%run_scoped3A_338 : memref<!tpu.dma_semaphore, #tpu.memory_space<semaphore_mem>>)
      %dma_wait3A_347 = arith.constant 0 : i32
      %dma_wait3A_348 = tpu.memref_slice %arg6[%run_scoped3A_141, %dma_wait3A_347] : memref<4x32xi32, #tpu.memory_space<vmem>> -> memref<1x32xi32, #tpu.memory_space<vmem>>
      %dma_wait3A_349 = tpu.memref_squeeze %dma_wait3A_348 : memref<1x32xi32, #tpu.memory_space<vmem>> -> memref<32xi32, #tpu.memory_space<vmem>>
      %dma_wait3A_350 = tpu.memref_slice %arg2[%add3A_140] : memref<4096xi32, #tpu.memory_space<hbm>> -> memref<32xi32, #tpu.memory_space<hbm>>
      %dma_wait3A_351 = arith.constant 0 : i32
      %dma_wait3A_352 = tpu.memref_slice %arg6[%run_scoped3A_141, %dma_wait3A_351] : memref<4x32xi32, #tpu.memory_space<vmem>> -> memref<1x32xi32, #tpu.memory_space<vmem>>
      %dma_wait3A_353 = tpu.memref_squeeze %dma_wait3A_352 : memref<1x32xi32, #tpu.memory_space<vmem>> -> memref<32xi32, #tpu.memory_space<vmem>>
      %dma_wait3A_354 = tpu.memref_slice %arg2[%add3A_140] : memref<4096xi32, #tpu.memory_space<hbm>> -> memref<32xi32, #tpu.memory_space<hbm>>
      tpu.wait_dma2 semaphore(%run_scoped3A_338 : memref<!tpu.dma_semaphore, #tpu.memory_space<semaphore_mem>>) src(%dma_wait3A_354 : memref<32xi32, #tpu.memory_space<hbm>>) dst(%dma_wait3A_353 : memref<32xi32, #tpu.memory_space<vmem>>)
      tpu.yield
    }) : () -> ()
    %add3A_142 = arith.constant 64 : i32
    %add3A_143 = arith.addi %mul3A_3, %add3A_142 : i32
    %run_scoped3A_144 = arith.constant 2 : i32
    "tpu.region"() ({
      %run_scoped3A_338 = tpu.sem_alloc : memref<!tpu.dma_semaphore, #tpu.memory_space<semaphore_mem>>
      %dma_start3A_339 = arith.constant 0 : i32
      %dma_start3A_340 = tpu.memref_slice %arg6[%run_scoped3A_144, %dma_start3A_339] : memref<4x32xi32, #tpu.memory_space<vmem>> -> memref<1x32xi32, #tpu.memory_space<vmem>>
      %dma_start3A_341 = tpu.memref_squeeze %dma_start3A_340 : memref<1x32xi32, #tpu.memory_space<vmem>> -> memref<32xi32, #tpu.memory_space<vmem>>
      %dma_start3A_342 = tpu.memref_slice %arg2[%add3A_143] : memref<4096xi32, #tpu.memory_space<hbm>> -> memref<32xi32, #tpu.memory_space<hbm>>
      %dma_start3A_343 = arith.constant 0 : i32
      %dma_start3A_344 = tpu.memref_slice %arg6[%run_scoped3A_144, %dma_start3A_343] : memref<4x32xi32, #tpu.memory_space<vmem>> -> memref<1x32xi32, #tpu.memory_space<vmem>>
      %dma_start3A_345 = tpu.memref_squeeze %dma_start3A_344 : memref<1x32xi32, #tpu.memory_space<vmem>> -> memref<32xi32, #tpu.memory_space<vmem>>
      %dma_start3A_346 = tpu.memref_slice %arg2[%add3A_143] : memref<4096xi32, #tpu.memory_space<hbm>> -> memref<32xi32, #tpu.memory_space<hbm>>
      tpu.enqueue_dma source(%dma_start3A_346 : memref<32xi32, #tpu.memory_space<hbm>>) target(%dma_start3A_345 : memref<32xi32, #tpu.memory_space<vmem>>) target_semaphore(%run_scoped3A_338 : memref<!tpu.dma_semaphore, #tpu.memory_space<semaphore_mem>>)
      %dma_wait3A_347 = arith.constant 0 : i32
      %dma_wait3A_348 = tpu.memref_slice %arg6[%run_scoped3A_144, %dma_wait3A_347] : memref<4x32xi32, #tpu.memory_space<vmem>> -> memref<1x32xi32, #tpu.memory_space<vmem>>
      %dma_wait3A_349 = tpu.memref_squeeze %dma_wait3A_348 : memref<1x32xi32, #tpu.memory_space<vmem>> -> memref<32xi32, #tpu.memory_space<vmem>>
      %dma_wait3A_350 = tpu.memref_slice %arg2[%add3A_143] : memref<4096xi32, #tpu.memory_space<hbm>> -> memref<32xi32, #tpu.memory_space<hbm>>
      %dma_wait3A_351 = arith.constant 0 : i32
      %dma_wait3A_352 = tpu.memref_slice %arg6[%run_scoped3A_144, %dma_wait3A_351] : memref<4x32xi32, #tpu.memory_space<vmem>> -> memref<1x32xi32, #tpu.memory_space<vmem>>
      %dma_wait3A_353 = tpu.memref_squeeze %dma_wait3A_352 : memref<1x32xi32, #tpu.memory_space<vmem>> -> memref<32xi32, #tpu.memory_space<vmem>>
      %dma_wait3A_354 = tpu.memref_slice %arg2[%add3A_143] : memref<4096xi32, #tpu.memory_space<hbm>> -> memref<32xi32, #tpu.memory_space<hbm>>
      tpu.wait_dma2 semaphore(%run_scoped3A_338 : memref<!tpu.dma_semaphore, #tpu.memory_space<semaphore_mem>>) src(%dma_wait3A_354 : memref<32xi32, #tpu.memory_space<hbm>>) dst(%dma_wait3A_353 : memref<32xi32, #tpu.memory_space<vmem>>)
      tpu.yield
    }) : () -> ()
    %add3A_145 = arith.constant 96 : i32
    %add3A_146 = arith.addi %mul3A_3, %add3A_145 : i32
    %run_scoped3A_147 = arith.constant 3 : i32
    "tpu.region"() ({
      %run_scoped3A_338 = tpu.sem_alloc : memref<!tpu.dma_semaphore, #tpu.memory_space<semaphore_mem>>
      %dma_start3A_339 = arith.constant 0 : i32
      %dma_start3A_340 = tpu.memref_slice %arg6[%run_scoped3A_147, %dma_start3A_339] : memref<4x32xi32, #tpu.memory_space<vmem>> -> memref<1x32xi32, #tpu.memory_space<vmem>>
      %dma_start3A_341 = tpu.memref_squeeze %dma_start3A_340 : memref<1x32xi32, #tpu.memory_space<vmem>> -> memref<32xi32, #tpu.memory_space<vmem>>
      %dma_start3A_342 = tpu.memref_slice %arg2[%add3A_146] : memref<4096xi32, #tpu.memory_space<hbm>> -> memref<32xi32, #tpu.memory_space<hbm>>
      %dma_start3A_343 = arith.constant 0 : i32
      %dma_start3A_344 = tpu.memref_slice %arg6[%run_scoped3A_147, %dma_start3A_343] : memref<4x32xi32, #tpu.memory_space<vmem>> -> memref<1x32xi32, #tpu.memory_space<vmem>>
      %dma_start3A_345 = tpu.memref_squeeze %dma_start3A_344 : memref<1x32xi32, #tpu.memory_space<vmem>> -> memref<32xi32, #tpu.memory_space<vmem>>
      %dma_start3A_346 = tpu.memref_slice %arg2[%add3A_146] : memref<4096xi32, #tpu.memory_space<hbm>> -> memref<32xi32, #tpu.memory_space<hbm>>
      tpu.enqueue_dma source(%dma_start3A_346 : memref<32xi32, #tpu.memory_space<hbm>>) target(%dma_start3A_345 : memref<32xi32, #tpu.memory_space<vmem>>) target_semaphore(%run_scoped3A_338 : memref<!tpu.dma_semaphore, #tpu.memory_space<semaphore_mem>>)
      %dma_wait3A_347 = arith.constant 0 : i32
      %dma_wait3A_348 = tpu.memref_slice %arg6[%run_scoped3A_147, %dma_wait3A_347] : memref<4x32xi32, #tpu.memory_space<vmem>> -> memref<1x32xi32, #tpu.memory_space<vmem>>
      %dma_wait3A_349 = tpu.memref_squeeze %dma_wait3A_348 : memref<1x32xi32, #tpu.memory_space<vmem>> -> memref<32xi32, #tpu.memory_space<vmem>>
      %dma_wait3A_350 = tpu.memref_slice %arg2[%add3A_146] : memref<4096xi32, #tpu.memory_space<hbm>> -> memref<32xi32, #tpu.memory_space<hbm>>
      %dma_wait3A_351 = arith.constant 0 : i32
      %dma_wait3A_352 = tpu.memref_slice %arg6[%run_scoped3A_147, %dma_wait3A_351] : memref<4x32xi32, #tpu.memory_space<vmem>> -> memref<1x32xi32, #tpu.memory_space<vmem>>
      %dma_wait3A_353 = tpu.memref_squeeze %dma_wait3A_352 : memref<1x32xi32, #tpu.memory_space<vmem>> -> memref<32xi32, #tpu.memory_space<vmem>>
      %dma_wait3A_354 = tpu.memref_slice %arg2[%add3A_146] : memref<4096xi32, #tpu.memory_space<hbm>> -> memref<32xi32, #tpu.memory_space<hbm>>
      tpu.wait_dma2 semaphore(%run_scoped3A_338 : memref<!tpu.dma_semaphore, #tpu.memory_space<semaphore_mem>>) src(%dma_wait3A_354 : memref<32xi32, #tpu.memory_space<hbm>>) dst(%dma_wait3A_353 : memref<32xi32, #tpu.memory_space<vmem>>)
      tpu.yield
    }) : () -> ()
    %dma_start3A = arith.constant 0 : i32
    %dma_start3A_148 = arith.constant 0 : i32
    %dma_start3A_149 = arith.constant 0 : i32
    %dma_start3A_150 = arith.constant 0 : i32
    %dma_start3A_151 = tpu.memref_slice %arg7[%dma_start3A_148, %dma_start3A_149, %dma_start3A_150] : memref<2x32x1024xf32, #tpu.memory_space<vmem>> -> memref<1x32x1024xf32, #tpu.memory_space<vmem>>
    %dma_start3A_152 = tpu.memref_squeeze %dma_start3A_151 : memref<1x32x1024xf32, #tpu.memory_space<vmem>> -> memref<32x1024xf32, #tpu.memory_space<vmem>>
    %dma_start3A_153 = arith.constant 0 : i32
    %dma_start3A_154 = tpu.memref_slice %arg5[%dma_start3A, %dma_start3A_153] : memref<4x32xi32, #tpu.memory_space<vmem>> -> memref<1x32xi32, #tpu.memory_space<vmem>>
    %dma_start3A_155 = tpu.memref_squeeze %dma_start3A_154 : memref<1x32xi32, #tpu.memory_space<vmem>> -> memref<32xi32, #tpu.memory_space<vmem>>
    %dma_start3A_156 = arith.constant 0 : i32
    %dma_start3A_157 = arith.constant 0 : i32
    %dma_start3A_158 = tpu.memref_slice %arg3[%dma_start3A_156, %dma_start3A_157] : memref<2048x1024xf32, #tpu.memory_space<hbm>> -> memref<2048x1024xf32, #tpu.memory_space<hbm>>
    tpu.enqueue_indirect_dma source(%dma_start3A_158 : memref<2048x1024xf32, #tpu.memory_space<hbm>>) target(%dma_start3A_152 : memref<32x1024xf32, #tpu.memory_space<vmem>>) offsets(%dma_start3A_155 : memref<32xi32, #tpu.memory_space<vmem>>) semaphore(%arg8 : memref<!tpu.dma_semaphore, #tpu.memory_space<semaphore_mem>>)
    %dma_wait3A = arith.constant 0 : i32
    %dma_wait3A_159 = arith.constant 0 : i32
    %dma_wait3A_160 = arith.constant 0 : i32
    %dma_wait3A_161 = arith.constant 0 : i32
    %dma_wait3A_162 = tpu.memref_slice %arg7[%dma_wait3A_159, %dma_wait3A_160, %dma_wait3A_161] : memref<2x32x1024xf32, #tpu.memory_space<vmem>> -> memref<1x32x1024xf32, #tpu.memory_space<vmem>>
    %dma_wait3A_163 = tpu.memref_squeeze %dma_wait3A_162 : memref<1x32x1024xf32, #tpu.memory_space<vmem>> -> memref<32x1024xf32, #tpu.memory_space<vmem>>
    %dma_wait3A_164 = arith.constant 0 : i32
    %dma_wait3A_165 = tpu.memref_slice %arg5[%dma_wait3A, %dma_wait3A_164] : memref<4x32xi32, #tpu.memory_space<vmem>> -> memref<1x32xi32, #tpu.memory_space<vmem>>
    %dma_wait3A_166 = tpu.memref_squeeze %dma_wait3A_165 : memref<1x32xi32, #tpu.memory_space<vmem>> -> memref<32xi32, #tpu.memory_space<vmem>>
    %dma_wait3A_167 = arith.constant 0 : i32
    %dma_wait3A_168 = arith.constant 0 : i32
    %dma_wait3A_169 = tpu.memref_slice %arg3[%dma_wait3A_167, %dma_wait3A_168] : memref<2048x1024xf32, #tpu.memory_space<hbm>> -> memref<2048x1024xf32, #tpu.memory_space<hbm>>
    tpu.wait_indirect_dma semaphore(%arg8 : memref<!tpu.dma_semaphore, #tpu.memory_space<semaphore_mem>>) src(%dma_wait3A_169 : memref<2048x1024xf32, #tpu.memory_space<hbm>>) dst(%dma_wait3A_163 : memref<32x1024xf32, #tpu.memory_space<vmem>>)
    %dma_start3A_170 = arith.constant 0 : i32
    %dma_start3A_171 = arith.constant 0 : i32
    %dma_start3A_172 = arith.constant 0 : i32
    %dma_start3A_173 = arith.constant 0 : i32
    %dma_start3A_174 = tpu.memref_slice %arg7[%dma_start3A_170, %dma_start3A_172, %dma_start3A_173] : memref<2x32x1024xf32, #tpu.memory_space<vmem>> -> memref<1x32x1024xf32, #tpu.memory_space<vmem>>
    %dma_start3A_175 = tpu.memref_squeeze %dma_start3A_174 : memref<1x32x1024xf32, #tpu.memory_space<vmem>> -> memref<32x1024xf32, #tpu.memory_space<vmem>>
    %dma_start3A_176 = arith.constant 0 : i32
    %dma_start3A_177 = tpu.memref_slice %arg6[%dma_start3A_171, %dma_start3A_176] : memref<4x32xi32, #tpu.memory_space<vmem>> -> memref<1x32xi32, #tpu.memory_space<vmem>>
    %dma_start3A_178 = tpu.memref_squeeze %dma_start3A_177 : memref<1x32xi32, #tpu.memory_space<vmem>> -> memref<32xi32, #tpu.memory_space<vmem>>
    %dma_start3A_179 = arith.constant 0 : i32
    %dma_start3A_180 = arith.constant 0 : i32
    %dma_start3A_181 = tpu.memref_slice %arg4[%dma_start3A_179, %dma_start3A_180] : memref<8192x1024xf32, #tpu.memory_space<hbm>> -> memref<8192x1024xf32, #tpu.memory_space<hbm>>
    tpu.enqueue_indirect_dma source(%dma_start3A_175 : memref<32x1024xf32, #tpu.memory_space<vmem>>) target(%dma_start3A_181 : memref<8192x1024xf32, #tpu.memory_space<hbm>>) offsets(%dma_start3A_178 : memref<32xi32, #tpu.memory_space<vmem>>) semaphore(%arg10 : memref<!tpu.dma_semaphore, #tpu.memory_space<semaphore_mem>>)
    %dma_start3A_182 = arith.constant 1 : i32
    %dma_start3A_183 = arith.constant 1 : i32
    %dma_start3A_184 = arith.constant 0 : i32
    %dma_start3A_185 = arith.constant 0 : i32
    %dma_start3A_186 = tpu.memref_slice %arg7[%dma_start3A_183, %dma_start3A_184, %dma_start3A_185] : memref<2x32x1024xf32, #tpu.memory_space<vmem>> -> memref<1x32x1024xf32, #tpu.memory_space<vmem>>
    %dma_start3A_187 = tpu.memref_squeeze %dma_start3A_186 : memref<1x32x1024xf32, #tpu.memory_space<vmem>> -> memref<32x1024xf32, #tpu.memory_space<vmem>>
    %dma_start3A_188 = arith.constant 0 : i32
    %dma_start3A_189 = tpu.memref_slice %arg5[%dma_start3A_182, %dma_start3A_188] : memref<4x32xi32, #tpu.memory_space<vmem>> -> memref<1x32xi32, #tpu.memory_space<vmem>>
    %dma_start3A_190 = tpu.memref_squeeze %dma_start3A_189 : memref<1x32xi32, #tpu.memory_space<vmem>> -> memref<32xi32, #tpu.memory_space<vmem>>
    %dma_start3A_191 = arith.constant 0 : i32
    %dma_start3A_192 = arith.constant 0 : i32
    %dma_start3A_193 = tpu.memref_slice %arg3[%dma_start3A_191, %dma_start3A_192] : memref<2048x1024xf32, #tpu.memory_space<hbm>> -> memref<2048x1024xf32, #tpu.memory_space<hbm>>
    tpu.enqueue_indirect_dma source(%dma_start3A_193 : memref<2048x1024xf32, #tpu.memory_space<hbm>>) target(%dma_start3A_187 : memref<32x1024xf32, #tpu.memory_space<vmem>>) offsets(%dma_start3A_190 : memref<32xi32, #tpu.memory_space<vmem>>) semaphore(%arg9 : memref<!tpu.dma_semaphore, #tpu.memory_space<semaphore_mem>>)
    %dma_wait3A_194 = arith.constant 1 : i32
    %dma_wait3A_195 = arith.constant 1 : i32
    %dma_wait3A_196 = arith.constant 0 : i32
    %dma_wait3A_197 = arith.constant 0 : i32
    %dma_wait3A_198 = tpu.memref_slice %arg7[%dma_wait3A_195, %dma_wait3A_196, %dma_wait3A_197] : memref<2x32x1024xf32, #tpu.memory_space<vmem>> -> memref<1x32x1024xf32, #tpu.memory_space<vmem>>
    %dma_wait3A_199 = tpu.memref_squeeze %dma_wait3A_198 : memref<1x32x1024xf32, #tpu.memory_space<vmem>> -> memref<32x1024xf32, #tpu.memory_space<vmem>>
    %dma_wait3A_200 = arith.constant 0 : i32
    %dma_wait3A_201 = tpu.memref_slice %arg5[%dma_wait3A_194, %dma_wait3A_200] : memref<4x32xi32, #tpu.memory_space<vmem>> -> memref<1x32xi32, #tpu.memory_space<vmem>>
    %dma_wait3A_202 = tpu.memref_squeeze %dma_wait3A_201 : memref<1x32xi32, #tpu.memory_space<vmem>> -> memref<32xi32, #tpu.memory_space<vmem>>
    %dma_wait3A_203 = arith.constant 0 : i32
    %dma_wait3A_204 = arith.constant 0 : i32
    %dma_wait3A_205 = tpu.memref_slice %arg3[%dma_wait3A_203, %dma_wait3A_204] : memref<2048x1024xf32, #tpu.memory_space<hbm>> -> memref<2048x1024xf32, #tpu.memory_space<hbm>>
    tpu.wait_indirect_dma semaphore(%arg9 : memref<!tpu.dma_semaphore, #tpu.memory_space<semaphore_mem>>) src(%dma_wait3A_205 : memref<2048x1024xf32, #tpu.memory_space<hbm>>) dst(%dma_wait3A_199 : memref<32x1024xf32, #tpu.memory_space<vmem>>)
    %dma_start3A_206 = arith.constant 1 : i32
    %dma_start3A_207 = arith.constant 1 : i32
    %dma_start3A_208 = arith.constant 0 : i32
    %dma_start3A_209 = arith.constant 0 : i32
    %dma_start3A_210 = tpu.memref_slice %arg7[%dma_start3A_206, %dma_start3A_208, %dma_start3A_209] : memref<2x32x1024xf32, #tpu.memory_space<vmem>> -> memref<1x32x1024xf32, #tpu.memory_space<vmem>>
    %dma_start3A_211 = tpu.memref_squeeze %dma_start3A_210 : memref<1x32x1024xf32, #tpu.memory_space<vmem>> -> memref<32x1024xf32, #tpu.memory_space<vmem>>
    %dma_start3A_212 = arith.constant 0 : i32
    %dma_start3A_213 = tpu.memref_slice %arg6[%dma_start3A_207, %dma_start3A_212] : memref<4x32xi32, #tpu.memory_space<vmem>> -> memref<1x32xi32, #tpu.memory_space<vmem>>
    %dma_start3A_214 = tpu.memref_squeeze %dma_start3A_213 : memref<1x32xi32, #tpu.memory_space<vmem>> -> memref<32xi32, #tpu.memory_space<vmem>>
    %dma_start3A_215 = arith.constant 0 : i32
    %dma_start3A_216 = arith.constant 0 : i32
    %dma_start3A_217 = tpu.memref_slice %arg4[%dma_start3A_215, %dma_start3A_216] : memref<8192x1024xf32, #tpu.memory_space<hbm>> -> memref<8192x1024xf32, #tpu.memory_space<hbm>>
    tpu.enqueue_indirect_dma source(%dma_start3A_211 : memref<32x1024xf32, #tpu.memory_space<vmem>>) target(%dma_start3A_217 : memref<8192x1024xf32, #tpu.memory_space<hbm>>) offsets(%dma_start3A_214 : memref<32xi32, #tpu.memory_space<vmem>>) semaphore(%arg11 : memref<!tpu.dma_semaphore, #tpu.memory_space<semaphore_mem>>)
    %dma_wait3A_218 = arith.constant 0 : i32
    %dma_wait3A_219 = arith.constant 0 : i32
    %dma_wait3A_220 = arith.constant 0 : i32
    %dma_wait3A_221 = arith.constant 0 : i32
    %dma_wait3A_222 = tpu.memref_slice %arg7[%dma_wait3A_218, %dma_wait3A_220, %dma_wait3A_221] : memref<2x32x1024xf32, #tpu.memory_space<vmem>> -> memref<1x32x1024xf32, #tpu.memory_space<vmem>>
    %dma_wait3A_223 = tpu.memref_squeeze %dma_wait3A_222 : memref<1x32x1024xf32, #tpu.memory_space<vmem>> -> memref<32x1024xf32, #tpu.memory_space<vmem>>
    %dma_wait3A_224 = arith.constant 0 : i32
    %dma_wait3A_225 = tpu.memref_slice %arg6[%dma_wait3A_219, %dma_wait3A_224] : memref<4x32xi32, #tpu.memory_space<vmem>> -> memref<1x32xi32, #tpu.memory_space<vmem>>
    %dma_wait3A_226 = tpu.memref_squeeze %dma_wait3A_225 : memref<1x32xi32, #tpu.memory_space<vmem>> -> memref<32xi32, #tpu.memory_space<vmem>>
    %dma_wait3A_227 = arith.constant 0 : i32
    %dma_wait3A_228 = arith.constant 0 : i32
    %dma_wait3A_229 = tpu.memref_slice %arg4[%dma_wait3A_227, %dma_wait3A_228] : memref<8192x1024xf32, #tpu.memory_space<hbm>> -> memref<8192x1024xf32, #tpu.memory_space<hbm>>
    tpu.wait_indirect_dma semaphore(%arg10 : memref<!tpu.dma_semaphore, #tpu.memory_space<semaphore_mem>>) src(%dma_wait3A_223 : memref<32x1024xf32, #tpu.memory_space<vmem>>) dst(%dma_wait3A_229 : memref<8192x1024xf32, #tpu.memory_space<hbm>>)
    %dma_start3A_230 = arith.constant 2 : i32
    %dma_start3A_231 = arith.constant 0 : i32
    %dma_start3A_232 = arith.constant 0 : i32
    %dma_start3A_233 = arith.constant 0 : i32
    %dma_start3A_234 = tpu.memref_slice %arg7[%dma_start3A_231, %dma_start3A_232, %dma_start3A_233] : memref<2x32x1024xf32, #tpu.memory_space<vmem>> -> memref<1x32x1024xf32, #tpu.memory_space<vmem>>
    %dma_start3A_235 = tpu.memref_squeeze %dma_start3A_234 : memref<1x32x1024xf32, #tpu.memory_space<vmem>> -> memref<32x1024xf32, #tpu.memory_space<vmem>>
    %dma_start3A_236 = arith.constant 0 : i32
    %dma_start3A_237 = tpu.memref_slice %arg5[%dma_start3A_230, %dma_start3A_236] : memref<4x32xi32, #tpu.memory_space<vmem>> -> memref<1x32xi32, #tpu.memory_space<vmem>>
    %dma_start3A_238 = tpu.memref_squeeze %dma_start3A_237 : memref<1x32xi32, #tpu.memory_space<vmem>> -> memref<32xi32, #tpu.memory_space<vmem>>
    %dma_start3A_239 = arith.constant 0 : i32
    %dma_start3A_240 = arith.constant 0 : i32
    %dma_start3A_241 = tpu.memref_slice %arg3[%dma_start3A_239, %dma_start3A_240] : memref<2048x1024xf32, #tpu.memory_space<hbm>> -> memref<2048x1024xf32, #tpu.memory_space<hbm>>
    tpu.enqueue_indirect_dma source(%dma_start3A_241 : memref<2048x1024xf32, #tpu.memory_space<hbm>>) target(%dma_start3A_235 : memref<32x1024xf32, #tpu.memory_space<vmem>>) offsets(%dma_start3A_238 : memref<32xi32, #tpu.memory_space<vmem>>) semaphore(%arg8 : memref<!tpu.dma_semaphore, #tpu.memory_space<semaphore_mem>>)
    %dma_wait3A_242 = arith.constant 2 : i32
    %dma_wait3A_243 = arith.constant 0 : i32
    %dma_wait3A_244 = arith.constant 0 : i32
    %dma_wait3A_245 = arith.constant 0 : i32
    %dma_wait3A_246 = tpu.memref_slice %arg7[%dma_wait3A_243, %dma_wait3A_244, %dma_wait3A_245] : memref<2x32x1024xf32, #tpu.memory_space<vmem>> -> memref<1x32x1024xf32, #tpu.memory_space<vmem>>
    %dma_wait3A_247 = tpu.memref_squeeze %dma_wait3A_246 : memref<1x32x1024xf32, #tpu.memory_space<vmem>> -> memref<32x1024xf32, #tpu.memory_space<vmem>>
    %dma_wait3A_248 = arith.constant 0 : i32
    %dma_wait3A_249 = tpu.memref_slice %arg5[%dma_wait3A_242, %dma_wait3A_248] : memref<4x32xi32, #tpu.memory_space<vmem>> -> memref<1x32xi32, #tpu.memory_space<vmem>>
    %dma_wait3A_250 = tpu.memref_squeeze %dma_wait3A_249 : memref<1x32xi32, #tpu.memory_space<vmem>> -> memref<32xi32, #tpu.memory_space<vmem>>
    %dma_wait3A_251 = arith.constant 0 : i32
    %dma_wait3A_252 = arith.constant 0 : i32
    %dma_wait3A_253 = tpu.memref_slice %arg3[%dma_wait3A_251, %dma_wait3A_252] : memref<2048x1024xf32, #tpu.memory_space<hbm>> -> memref<2048x1024xf32, #tpu.memory_space<hbm>>
    tpu.wait_indirect_dma semaphore(%arg8 : memref<!tpu.dma_semaphore, #tpu.memory_space<semaphore_mem>>) src(%dma_wait3A_253 : memref<2048x1024xf32, #tpu.memory_space<hbm>>) dst(%dma_wait3A_247 : memref<32x1024xf32, #tpu.memory_space<vmem>>)
    %dma_start3A_254 = arith.constant 0 : i32
    %dma_start3A_255 = arith.constant 2 : i32
    %dma_start3A_256 = arith.constant 0 : i32
    %dma_start3A_257 = arith.constant 0 : i32
    %dma_start3A_258 = tpu.memref_slice %arg7[%dma_start3A_254, %dma_start3A_256, %dma_start3A_257] : memref<2x32x1024xf32, #tpu.memory_space<vmem>> -> memref<1x32x1024xf32, #tpu.memory_space<vmem>>
    %dma_start3A_259 = tpu.memref_squeeze %dma_start3A_258 : memref<1x32x1024xf32, #tpu.memory_space<vmem>> -> memref<32x1024xf32, #tpu.memory_space<vmem>>
    %dma_start3A_260 = arith.constant 0 : i32
    %dma_start3A_261 = tpu.memref_slice %arg6[%dma_start3A_255, %dma_start3A_260] : memref<4x32xi32, #tpu.memory_space<vmem>> -> memref<1x32xi32, #tpu.memory_space<vmem>>
    %dma_start3A_262 = tpu.memref_squeeze %dma_start3A_261 : memref<1x32xi32, #tpu.memory_space<vmem>> -> memref<32xi32, #tpu.memory_space<vmem>>
    %dma_start3A_263 = arith.constant 0 : i32
    %dma_start3A_264 = arith.constant 0 : i32
    %dma_start3A_265 = tpu.memref_slice %arg4[%dma_start3A_263, %dma_start3A_264] : memref<8192x1024xf32, #tpu.memory_space<hbm>> -> memref<8192x1024xf32, #tpu.memory_space<hbm>>
    tpu.enqueue_indirect_dma source(%dma_start3A_259 : memref<32x1024xf32, #tpu.memory_space<vmem>>) target(%dma_start3A_265 : memref<8192x1024xf32, #tpu.memory_space<hbm>>) offsets(%dma_start3A_262 : memref<32xi32, #tpu.memory_space<vmem>>) semaphore(%arg10 : memref<!tpu.dma_semaphore, #tpu.memory_space<semaphore_mem>>)
    %dma_wait3A_266 = arith.constant 1 : i32
    %dma_wait3A_267 = arith.constant 1 : i32
    %dma_wait3A_268 = arith.constant 0 : i32
    %dma_wait3A_269 = arith.constant 0 : i32
    %dma_wait3A_270 = tpu.memref_slice %arg7[%dma_wait3A_266, %dma_wait3A_268, %dma_wait3A_269] : memref<2x32x1024xf32, #tpu.memory_space<vmem>> -> memref<1x32x1024xf32, #tpu.memory_space<vmem>>
    %dma_wait3A_271 = tpu.memref_squeeze %dma_wait3A_270 : memref<1x32x1024xf32, #tpu.memory_space<vmem>> -> memref<32x1024xf32, #tpu.memory_space<vmem>>
    %dma_wait3A_272 = arith.constant 0 : i32
    %dma_wait3A_273 = tpu.memref_slice %arg6[%dma_wait3A_267, %dma_wait3A_272] : memref<4x32xi32, #tpu.memory_space<vmem>> -> memref<1x32xi32, #tpu.memory_space<vmem>>
    %dma_wait3A_274 = tpu.memref_squeeze %dma_wait3A_273 : memref<1x32xi32, #tpu.memory_space<vmem>> -> memref<32xi32, #tpu.memory_space<vmem>>
    %dma_wait3A_275 = arith.constant 0 : i32
    %dma_wait3A_276 = arith.constant 0 : i32
    %dma_wait3A_277 = tpu.memref_slice %arg4[%dma_wait3A_275, %dma_wait3A_276] : memref<8192x1024xf32, #tpu.memory_space<hbm>> -> memref<8192x1024xf32, #tpu.memory_space<hbm>>
    tpu.wait_indirect_dma semaphore(%arg11 : memref<!tpu.dma_semaphore, #tpu.memory_space<semaphore_mem>>) src(%dma_wait3A_271 : memref<32x1024xf32, #tpu.memory_space<vmem>>) dst(%dma_wait3A_277 : memref<8192x1024xf32, #tpu.memory_space<hbm>>)
    %dma_start3A_278 = arith.constant 3 : i32
    %dma_start3A_279 = arith.constant 1 : i32
    %dma_start3A_280 = arith.constant 0 : i32
    %dma_start3A_281 = arith.constant 0 : i32
    %dma_start3A_282 = tpu.memref_slice %arg7[%dma_start3A_279, %dma_start3A_280, %dma_start3A_281] : memref<2x32x1024xf32, #tpu.memory_space<vmem>> -> memref<1x32x1024xf32, #tpu.memory_space<vmem>>
    %dma_start3A_283 = tpu.memref_squeeze %dma_start3A_282 : memref<1x32x1024xf32, #tpu.memory_space<vmem>> -> memref<32x1024xf32, #tpu.memory_space<vmem>>
    %dma_start3A_284 = arith.constant 0 : i32
    %dma_start3A_285 = tpu.memref_slice %arg5[%dma_start3A_278, %dma_start3A_284] : memref<4x32xi32, #tpu.memory_space<vmem>> -> memref<1x32xi32, #tpu.memory_space<vmem>>
    %dma_start3A_286 = tpu.memref_squeeze %dma_start3A_285 : memref<1x32xi32, #tpu.memory_space<vmem>> -> memref<32xi32, #tpu.memory_space<vmem>>
    %dma_start3A_287 = arith.constant 0 : i32
    %dma_start3A_288 = arith.constant 0 : i32
    %dma_start3A_289 = tpu.memref_slice %arg3[%dma_start3A_287, %dma_start3A_288] : memref<2048x1024xf32, #tpu.memory_space<hbm>> -> memref<2048x1024xf32, #tpu.memory_space<hbm>>
    tpu.enqueue_indirect_dma source(%dma_start3A_289 : memref<2048x1024xf32, #tpu.memory_space<hbm>>) target(%dma_start3A_283 : memref<32x1024xf32, #tpu.memory_space<vmem>>) offsets(%dma_start3A_286 : memref<32xi32, #tpu.memory_space<vmem>>) semaphore(%arg9 : memref<!tpu.dma_semaphore, #tpu.memory_space<semaphore_mem>>)
    %dma_wait3A_290 = arith.constant 3 : i32
    %dma_wait3A_291 = arith.constant 1 : i32
    %dma_wait3A_292 = arith.constant 0 : i32
    %dma_wait3A_293 = arith.constant 0 : i32
    %dma_wait3A_294 = tpu.memref_slice %arg7[%dma_wait3A_291, %dma_wait3A_292, %dma_wait3A_293] : memref<2x32x1024xf32, #tpu.memory_space<vmem>> -> memref<1x32x1024xf32, #tpu.memory_space<vmem>>
    %dma_wait3A_295 = tpu.memref_squeeze %dma_wait3A_294 : memref<1x32x1024xf32, #tpu.memory_space<vmem>> -> memref<32x1024xf32, #tpu.memory_space<vmem>>
    %dma_wait3A_296 = arith.constant 0 : i32
    %dma_wait3A_297 = tpu.memref_slice %arg5[%dma_wait3A_290, %dma_wait3A_296] : memref<4x32xi32, #tpu.memory_space<vmem>> -> memref<1x32xi32, #tpu.memory_space<vmem>>
    %dma_wait3A_298 = tpu.memref_squeeze %dma_wait3A_297 : memref<1x32xi32, #tpu.memory_space<vmem>> -> memref<32xi32, #tpu.memory_space<vmem>>
    %dma_wait3A_299 = arith.constant 0 : i32
    %dma_wait3A_300 = arith.constant 0 : i32
    %dma_wait3A_301 = tpu.memref_slice %arg3[%dma_wait3A_299, %dma_wait3A_300] : memref<2048x1024xf32, #tpu.memory_space<hbm>> -> memref<2048x1024xf32, #tpu.memory_space<hbm>>
    tpu.wait_indirect_dma semaphore(%arg9 : memref<!tpu.dma_semaphore, #tpu.memory_space<semaphore_mem>>) src(%dma_wait3A_301 : memref<2048x1024xf32, #tpu.memory_space<hbm>>) dst(%dma_wait3A_295 : memref<32x1024xf32, #tpu.memory_space<vmem>>)
    %dma_start3A_302 = arith.constant 1 : i32
    %dma_start3A_303 = arith.constant 3 : i32
    %dma_start3A_304 = arith.constant 0 : i32
    %dma_start3A_305 = arith.constant 0 : i32
    %dma_start3A_306 = tpu.memref_slice %arg7[%dma_start3A_302, %dma_start3A_304, %dma_start3A_305] : memref<2x32x1024xf32, #tpu.memory_space<vmem>> -> memref<1x32x1024xf32, #tpu.memory_space<vmem>>
    %dma_start3A_307 = tpu.memref_squeeze %dma_start3A_306 : memref<1x32x1024xf32, #tpu.memory_space<vmem>> -> memref<32x1024xf32, #tpu.memory_space<vmem>>
    %dma_start3A_308 = arith.constant 0 : i32
    %dma_start3A_309 = tpu.memref_slice %arg6[%dma_start3A_303, %dma_start3A_308] : memref<4x32xi32, #tpu.memory_space<vmem>> -> memref<1x32xi32, #tpu.memory_space<vmem>>
    %dma_start3A_310 = tpu.memref_squeeze %dma_start3A_309 : memref<1x32xi32, #tpu.memory_space<vmem>> -> memref<32xi32, #tpu.memory_space<vmem>>
    %dma_start3A_311 = arith.constant 0 : i32
    %dma_start3A_312 = arith.constant 0 : i32
    %dma_start3A_313 = tpu.memref_slice %arg4[%dma_start3A_311, %dma_start3A_312] : memref<8192x1024xf32, #tpu.memory_space<hbm>> -> memref<8192x1024xf32, #tpu.memory_space<hbm>>
    tpu.enqueue_indirect_dma source(%dma_start3A_307 : memref<32x1024xf32, #tpu.memory_space<vmem>>) target(%dma_start3A_313 : memref<8192x1024xf32, #tpu.memory_space<hbm>>) offsets(%dma_start3A_310 : memref<32xi32, #tpu.memory_space<vmem>>) semaphore(%arg11 : memref<!tpu.dma_semaphore, #tpu.memory_space<semaphore_mem>>)
    %dma_wait3A_314 = arith.constant 0 : i32
    %dma_wait3A_315 = arith.constant 2 : i32
    %dma_wait3A_316 = arith.constant 0 : i32
    %dma_wait3A_317 = arith.constant 0 : i32
    %dma_wait3A_318 = tpu.memref_slice %arg7[%dma_wait3A_314, %dma_wait3A_316, %dma_wait3A_317] : memref<2x32x1024xf32, #tpu.memory_space<vmem>> -> memref<1x32x1024xf32, #tpu.memory_space<vmem>>
    %dma_wait3A_319 = tpu.memref_squeeze %dma_wait3A_318 : memref<1x32x1024xf32, #tpu.memory_space<vmem>> -> memref<32x1024xf32, #tpu.memory_space<vmem>>
    %dma_wait3A_320 = arith.constant 0 : i32
    %dma_wait3A_321 = tpu.memref_slice %arg6[%dma_wait3A_315, %dma_wait3A_320] : memref<4x32xi32, #tpu.memory_space<vmem>> -> memref<1x32xi32, #tpu.memory_space<vmem>>
    %dma_wait3A_322 = tpu.memref_squeeze %dma_wait3A_321 : memref<1x32xi32, #tpu.memory_space<vmem>> -> memref<32xi32, #tpu.memory_space<vmem>>
    %dma_wait3A_323 = arith.constant 0 : i32
    %dma_wait3A_324 = arith.constant 0 : i32
    %dma_wait3A_325 = tpu.memref_slice %arg4[%dma_wait3A_323, %dma_wait3A_324] : memref<8192x1024xf32, #tpu.memory_space<hbm>> -> memref<8192x1024xf32, #tpu.memory_space<hbm>>
    tpu.wait_indirect_dma semaphore(%arg10 : memref<!tpu.dma_semaphore, #tpu.memory_space<semaphore_mem>>) src(%dma_wait3A_319 : memref<32x1024xf32, #tpu.memory_space<vmem>>) dst(%dma_wait3A_325 : memref<8192x1024xf32, #tpu.memory_space<hbm>>)
    %dma_wait3A_326 = arith.constant 1 : i32
    %dma_wait3A_327 = arith.constant 3 : i32
    %dma_wait3A_328 = arith.constant 0 : i32
    %dma_wait3A_329 = arith.constant 0 : i32
    %dma_wait3A_330 = tpu.memref_slice %arg7[%dma_wait3A_326, %dma_wait3A_328, %dma_wait3A_329] : memref<2x32x1024xf32, #tpu.memory_space<vmem>> -> memref<1x32x1024xf32, #tpu.memory_space<vmem>>
    %dma_wait3A_331 = tpu.memref_squeeze %dma_wait3A_330 : memref<1x32x1024xf32, #tpu.memory_space<vmem>> -> memref<32x1024xf32, #tpu.memory_space<vmem>>
    %dma_wait3A_332 = arith.constant 0 : i32
    %dma_wait3A_333 = tpu.memref_slice %arg6[%dma_wait3A_327, %dma_wait3A_332] : memref<4x32xi32, #tpu.memory_space<vmem>> -> memref<1x32xi32, #tpu.memory_space<vmem>>
    %dma_wait3A_334 = tpu.memref_squeeze %dma_wait3A_333 : memref<1x32xi32, #tpu.memory_space<vmem>> -> memref<32xi32, #tpu.memory_space<vmem>>
    %dma_wait3A_335 = arith.constant 0 : i32
    %dma_wait3A_336 = arith.constant 0 : i32
    %dma_wait3A_337 = tpu.memref_slice %arg4[%dma_wait3A_335, %dma_wait3A_336] : memref<8192x1024xf32, #tpu.memory_space<hbm>> -> memref<8192x1024xf32, #tpu.memory_space<hbm>>
    tpu.wait_indirect_dma semaphore(%arg11 : memref<!tpu.dma_semaphore, #tpu.memory_space<semaphore_mem>>) src(%dma_wait3A_331 : memref<32x1024xf32, #tpu.memory_space<vmem>>) dst(%dma_wait3A_337 : memref<8192x1024xf32, #tpu.memory_space<hbm>>)
    return
  }
}

module attributes {stable_mosaic.version = 14 : i64} {
  func.func @_router_plan_kernel(%arg0: memref<2048x1024xf32, #tpu.memory_space<vmem>>, %arg1: memref<1024x8xf32, #tpu.memory_space<vmem>>, %arg2: memref<2048x8xf32, #tpu.memory_space<vmem>>, %arg3: memref<2048x16xf32, #tpu.memory_space<vmem>>, %arg4: memref<2048x16xf32, #tpu.memory_space<vmem>>, %arg5: memref<4096x1xi32, #tpu.memory_space<vmem>>, %arg6: memref<48x1xi32, #tpu.memory_space<vmem>>) attributes {dimension_semantics = [], scalar_prefetch = 0 : i64, scratch_operands = 0 : i64, tpu.core_type = #tpu.core_type<tc>} {
    %get3A = arith.constant 0 : index
    %get3A_0 = arith.constant 0 : index
    %get3A_1 = vector.load %arg0[%get3A, %get3A_0] : memref<2048x1024xf32, #tpu.memory_space<vmem>>, vector<2048x1024xf32>
    %get3A_2 = arith.constant 0 : index
    %get3A_3 = arith.constant 0 : index
    %get3A_4 = vector.load %arg1[%get3A_2, %get3A_3] : memref<1024x8xf32, #tpu.memory_space<vmem>>, vector<1024x8xf32>
    %dot_general3A = arith.constant dense<0.000000e+00> : vector<2048x8xf32>
    %dot_general3A_5 = tpu.matmul %get3A_1, %get3A_4, %dot_general3A {dimension_numbers = #tpu.dot_dimension_numbers<[1], [0], [0], [1], [0, 0, 1, 1], [], []>, transpose_lhs_hint = false} : vector<2048x1024xf32>, vector<1024x8xf32>, vector<2048x8xf32> -> vector<2048x8xf32>
    %swap3A = arith.constant 0 : index
    %swap3A_6 = arith.constant 0 : index
    %swap3A_7 = vector.load %arg2[%swap3A, %swap3A_6] : memref<2048x8xf32, #tpu.memory_space<vmem>>, vector<2048x8xf32>
    tpu.vector_store %arg2[%swap3A, %swap3A_6], %dot_general3A_5 {strides = array<i32>} : memref<2048x8xf32, #tpu.memory_space<vmem>>, vector<2048x8xf32>,
    %reduce_max3A = arith.constant dense<0xFF800000> : vector<2048xf32>
    %reduce_max3A_8 = vector.multi_reduction <maximumf>, %dot_general3A_5, %reduce_max3A [1] : vector<2048x8xf32> to vector<2048xf32>
    %broadcast_in_dim3A = vector.shape_cast %reduce_max3A_8 : vector<2048xf32> to vector<2048x1xf32>
    %sub3A = vector.broadcast %broadcast_in_dim3A : vector<2048x1xf32> to vector<2048x8xf32>
    %sub3A_9 = arith.subf %dot_general3A_5, %sub3A : vector<2048x8xf32>
    %exp3A = math.exp %sub3A_9 : vector<2048x8xf32>
    %reduce_sum3A = arith.constant dense<0.000000e+00> : vector<2048xf32>
    %reduce_sum3A_10 = vector.multi_reduction <add>, %exp3A, %reduce_sum3A [1] : vector<2048x8xf32> to vector<2048xf32>
    %broadcast_in_dim3A_11 = vector.shape_cast %reduce_sum3A_10 : vector<2048xf32> to vector<2048x1xf32>
    %div3A = vector.broadcast %broadcast_in_dim3A_11 : vector<2048x1xf32> to vector<2048x8xf32>
    %div3A_12 = arith.divf %exp3A, %div3A : vector<2048x8xf32>
    %iota3A = tpu.iota {dimensions = array<i32: 1>} : vector<2048x8xi32>
    %reduce_max3A_13 = arith.constant dense<0xFF800000> : vector<2048xf32>
    %reduce_max3A_14 = vector.multi_reduction <maximumf>, %div3A_12, %reduce_max3A_13 [1] : vector<2048x8xf32> to vector<2048xf32>
    %broadcast_in_dim3A_15 = vector.shape_cast %reduce_max3A_14 : vector<2048xf32> to vector<2048x1xf32>
    %eq3A = vector.broadcast %broadcast_in_dim3A_15 : vector<2048x1xf32> to vector<2048x8xf32>
    %eq3A_16 = arith.cmpf oeq, %div3A_12, %eq3A : vector<2048x8xf32>
    %jit3A = arith.constant -1 : i32
    %broadcast_in_dim3A_17 = vector.broadcast %jit3A : i32 to vector<2048x8xi32>
    %select_n3A = arith.select %eq3A_16, %iota3A, %broadcast_in_dim3A_17 : vector<2048x8xi1>, vector<2048x8xi32>
    %reduce_max3A_18 = arith.constant dense<-2147483648> : vector<2048xi32>
    %reduce_max3A_19 = vector.multi_reduction <maxsi>, %select_n3A, %reduce_max3A_18 [1] : vector<2048x8xi32> to vector<2048xi32>
    %broadcast_in_dim3A_20 = vector.shape_cast %reduce_max3A_19 : vector<2048xi32> to vector<2048x1xi32>
    %eq3A_21 = vector.broadcast %broadcast_in_dim3A_15 : vector<2048x1xf32> to vector<2048x8xf32>
    %eq3A_22 = arith.cmpf oeq, %div3A_12, %eq3A_21 : vector<2048x8xf32>
    %jit3A_23 = arith.constant 0xFF800000 : f32
    %broadcast_in_dim3A_24 = vector.broadcast %jit3A_23 : f32 to vector<2048x8xf32>
    %select_n3A_25 = arith.select %eq3A_22, %broadcast_in_dim3A_24, %div3A_12 : vector<2048x8xi1>, vector<2048x8xf32>
    %reduce_max3A_26 = arith.constant dense<0xFF800000> : vector<2048xf32>
    %reduce_max3A_27 = vector.multi_reduction <maximumf>, %select_n3A_25, %reduce_max3A_26 [1] : vector<2048x8xf32> to vector<2048xf32>
    %broadcast_in_dim3A_28 = vector.shape_cast %reduce_max3A_27 : vector<2048xf32> to vector<2048x1xf32>
    %eq3A_29 = vector.broadcast %broadcast_in_dim3A_28 : vector<2048x1xf32> to vector<2048x8xf32>
    %eq3A_30 = arith.cmpf oeq, %select_n3A_25, %eq3A_29 : vector<2048x8xf32>
    %jit3A_31 = arith.constant -1 : i32
    %broadcast_in_dim3A_32 = vector.broadcast %jit3A_31 : i32 to vector<2048x8xi32>
    %select_n3A_33 = arith.select %eq3A_30, %iota3A, %broadcast_in_dim3A_32 : vector<2048x8xi1>, vector<2048x8xi32>
    %reduce_max3A_34 = arith.constant dense<-2147483648> : vector<2048xi32>
    %reduce_max3A_35 = vector.multi_reduction <maxsi>, %select_n3A_33, %reduce_max3A_34 [1] : vector<2048x8xi32> to vector<2048xi32>
    %broadcast_in_dim3A_36 = vector.shape_cast %reduce_max3A_35 : vector<2048xi32> to vector<2048x1xi32>
    %add3A = arith.addf %broadcast_in_dim3A_15, %broadcast_in_dim3A_28 : vector<2048x1xf32>
    %div3A_37 = arith.divf %broadcast_in_dim3A_15, %add3A : vector<2048x1xf32>
    %broadcast_in_dim3A_38 = vector.shape_cast %div3A_37 : vector<2048x1xf32> to vector<2048x1xf32>
    %broadcast_in_dim3A_39 = vector.broadcast %broadcast_in_dim3A_38 : vector<2048x1xf32> to vector<2048x16xf32>
    %swap3A_40 = arith.constant 0 : index
    %swap3A_41 = arith.constant 0 : index
    %swap3A_42 = vector.load %arg3[%swap3A_40, %swap3A_41] : memref<2048x16xf32, #tpu.memory_space<vmem>>, vector<2048x16xf32>
    tpu.vector_store %arg3[%swap3A_40, %swap3A_41], %broadcast_in_dim3A_39 {strides = array<i32>} : memref<2048x16xf32, #tpu.memory_space<vmem>>, vector<2048x16xf32>,
    %div3A_43 = arith.divf %broadcast_in_dim3A_28, %add3A : vector<2048x1xf32>
    %broadcast_in_dim3A_44 = vector.shape_cast %div3A_43 : vector<2048x1xf32> to vector<2048x1xf32>
    %broadcast_in_dim3A_45 = vector.broadcast %broadcast_in_dim3A_44 : vector<2048x1xf32> to vector<2048x16xf32>
    %swap3A_46 = arith.constant 0 : index
    %swap3A_47 = arith.constant 0 : index
    %swap3A_48 = vector.load %arg4[%swap3A_46, %swap3A_47] : memref<2048x16xf32, #tpu.memory_space<vmem>>, vector<2048x16xf32>
    tpu.vector_store %arg4[%swap3A_46, %swap3A_47], %broadcast_in_dim3A_45 {strides = array<i32>} : memref<2048x16xf32, #tpu.memory_space<vmem>>, vector<2048x16xf32>,
    %eq3A_49 = vector.broadcast %broadcast_in_dim3A_20 : vector<2048x1xi32> to vector<2048x8xi32>
    %eq3A_50 = arith.cmpi eq, %iota3A, %eq3A_49 : vector<2048x8xi32>
    %jit3A_51 = arith.constant 1.000000e+00 : f32
    %jit3A_52 = arith.constant 0.000000e+00 : f32
    %broadcast_in_dim3A_53 = vector.broadcast %jit3A_51 : f32 to vector<2048x8xf32>
    %broadcast_in_dim3A_54 = vector.broadcast %jit3A_52 : f32 to vector<2048x8xf32>
    %select_n3A_55 = arith.select %eq3A_50, %broadcast_in_dim3A_53, %broadcast_in_dim3A_54 : vector<2048x8xi1>, vector<2048x8xf32>
    %eq3A_56 = vector.broadcast %broadcast_in_dim3A_36 : vector<2048x1xi32> to vector<2048x8xi32>
    %eq3A_57 = arith.cmpi eq, %iota3A, %eq3A_56 : vector<2048x8xi32>
    %jit3A_58 = arith.constant 1.000000e+00 : f32
    %jit3A_59 = arith.constant 0.000000e+00 : f32
    %broadcast_in_dim3A_60 = vector.broadcast %jit3A_58 : f32 to vector<2048x8xf32>
    %broadcast_in_dim3A_61 = vector.broadcast %jit3A_59 : f32 to vector<2048x8xf32>
    %select_n3A_62 = arith.select %eq3A_57, %broadcast_in_dim3A_60, %broadcast_in_dim3A_61 : vector<2048x8xi1>, vector<2048x8xf32>
    %reduce_sum3A_63 = arith.constant dense<0.000000e+00> : vector<8xf32>
    %reduce_sum3A_64 = vector.multi_reduction <add>, %select_n3A_55, %reduce_sum3A_63 [0] : vector<2048x8xf32> to vector<8xf32>
    %broadcast_in_dim3A_65 = vector.shape_cast %reduce_sum3A_64 : vector<8xf32> to vector<1x8xf32>
    %reduce_sum3A_66 = arith.constant dense<0.000000e+00> : vector<8xf32>
    %reduce_sum3A_67 = vector.multi_reduction <add>, %select_n3A_62, %reduce_sum3A_66 [0] : vector<2048x8xf32> to vector<8xf32>
    %broadcast_in_dim3A_68 = vector.shape_cast %reduce_sum3A_67 : vector<8xf32> to vector<1x8xf32>
    %add3A_69 = arith.addf %broadcast_in_dim3A_65, %broadcast_in_dim3A_68 : vector<1x8xf32>
    %add3A_70 = arith.constant 5.110000e+02 : f32
    %add3A_71 = vector.broadcast %add3A_70 : f32 to vector<1x8xf32>
    %add3A_72 = arith.addf %add3A_69, %add3A_71 : vector<1x8xf32>
    %mul3A = arith.constant 0.001953125 : f32
    %mul3A_73 = vector.broadcast %mul3A : f32 to vector<1x8xf32>
    %mul3A_74 = arith.mulf %add3A_72, %mul3A_73 : vector<1x8xf32>
    %floor3A = math.floor %mul3A_74 : vector<1x8xf32>
    %mul3A_75 = arith.constant 5.120000e+02 : f32
    %mul3A_76 = vector.broadcast %mul3A_75 : f32 to vector<1x8xf32>
    %mul3A_77 = arith.mulf %floor3A, %mul3A_76 : vector<1x8xf32>
    %iota3A_78 = tpu.iota {dimensions = array<i32: 0>} : vector<8x8xi32>
    %iota3A_79 = tpu.iota {dimensions = array<i32: 1>} : vector<8x8xi32>
    %lt3A = arith.cmpi slt, %iota3A_78, %iota3A_79 : vector<8x8xi32>
    %jit3A_80 = arith.constant 1.000000e+00 : f32
    %jit3A_81 = arith.constant 0.000000e+00 : f32
    %broadcast_in_dim3A_82 = vector.broadcast %jit3A_80 : f32 to vector<8x8xf32>
    %broadcast_in_dim3A_83 = vector.broadcast %jit3A_81 : f32 to vector<8x8xf32>
    %select_n3A_84 = arith.select %lt3A, %broadcast_in_dim3A_82, %broadcast_in_dim3A_83 : vector<8x8xi1>, vector<8x8xf32>
    %dot_general3A_85 = arith.constant dense<0.000000e+00> : vector<1x8xf32>
    %dot_general3A_86 = tpu.matmul %mul3A_77, %select_n3A_84, %dot_general3A_85 {dimension_numbers = #tpu.dot_dimension_numbers<[1], [0], [0], [1], [0, 0, 1, 1], [], []>, transpose_lhs_hint = false} : vector<1x8xf32>, vector<8x8xf32>, vector<1x8xf32> -> vector<1x8xf32>
    %iota3A_87 = tpu.iota {dimensions = array<i32: 0>} : vector<512x512xi32>
    %iota3A_88 = tpu.iota {dimensions = array<i32: 1>} : vector<512x512xi32>
    %ge3A = arith.cmpi sge, %iota3A_87, %iota3A_88 : vector<512x512xi32>
    %jit3A_89 = arith.constant 1.000000e+00 : f32
    %jit3A_90 = arith.constant 0.000000e+00 : f32
    %broadcast_in_dim3A_91 = vector.broadcast %jit3A_89 : f32 to vector<512x512xf32>
    %broadcast_in_dim3A_92 = vector.broadcast %jit3A_90 : f32 to vector<512x512xf32>
    %select_n3A_93 = arith.select %ge3A, %broadcast_in_dim3A_91, %broadcast_in_dim3A_92 : vector<512x512xi1>, vector<512x512xf32>
    %broadcast_in_dim3A_94 = arith.constant 0.000000e+00 : f32
    %broadcast_in_dim3A_95 = vector.broadcast %broadcast_in_dim3A_94 : f32 to vector<1x8xf32>
    %slice3A = vector.extract_strided_slice %select_n3A_55 {offsets = [0, 0], sizes = [512, 8], strides = [1, 1]} : vector<2048x8xf32> to vector<512x8xf32>
    %slice3A_96 = vector.extract_strided_slice %broadcast_in_dim3A_20 {offsets = [0, 0], sizes = [512, 1], strides = [1, 1]} : vector<2048x1xi32> to vector<512x1xi32>
    %dot_general3A_97 = arith.constant dense<0.000000e+00> : vector<512x8xf32>
    %dot_general3A_98 = tpu.matmul %select_n3A_93, %slice3A, %dot_general3A_97 {dimension_numbers = #tpu.dot_dimension_numbers<[1], [0], [0], [1], [0, 0, 1, 1], [], []>, transpose_lhs_hint = false} : vector<512x512xf32>, vector<512x8xf32>, vector<512x8xf32> -> vector<512x8xf32>
    %add3A_99 = vector.broadcast %broadcast_in_dim3A_95 : vector<1x8xf32> to vector<512x8xf32>
    %add3A_100 = arith.addf %dot_general3A_98, %add3A_99 : vector<512x8xf32>
    %reduce_sum3A_101 = arith.constant dense<0.000000e+00> : vector<8xf32>
    %reduce_sum3A_102 = vector.multi_reduction <add>, %slice3A, %reduce_sum3A_101 [0] : vector<512x8xf32> to vector<8xf32>
    %broadcast_in_dim3A_103 = vector.shape_cast %reduce_sum3A_102 : vector<8xf32> to vector<1x8xf32>
    %add3A_104 = arith.addf %broadcast_in_dim3A_95, %broadcast_in_dim3A_103 : vector<1x8xf32>
    %iota3A_105 = tpu.iota {dimensions = array<i32: 1>} : vector<512x8xi32>
    %eq3A_106 = vector.broadcast %slice3A_96 : vector<512x1xi32> to vector<512x8xi32>
    %eq3A_107 = arith.cmpi eq, %iota3A_105, %eq3A_106 : vector<512x8xi32>
    %jit3A_108 = arith.constant 0.000000e+00 : f32
    %broadcast_in_dim3A_109 = vector.broadcast %jit3A_108 : f32 to vector<512x8xf32>
    %select_n3A_110 = arith.select %eq3A_107, %add3A_100, %broadcast_in_dim3A_109 : vector<512x8xi1>, vector<512x8xf32>
    %reduce_sum3A_111 = arith.constant dense<0.000000e+00> : vector<512xf32>
    %reduce_sum3A_112 = vector.multi_reduction <add>, %select_n3A_110, %reduce_sum3A_111 [1] : vector<512x8xf32> to vector<512xf32>
    %broadcast_in_dim3A_113 = vector.shape_cast %reduce_sum3A_112 : vector<512xf32> to vector<512x1xf32>
    %broadcast_in_dim3A_114 = vector.shape_cast %dot_general3A_86 : vector<1x8xf32> to vector<1x8xf32>
    %broadcast_in_dim3A_115 = vector.broadcast %broadcast_in_dim3A_114 : vector<1x8xf32> to vector<512x8xf32>
    %jit3A_116 = arith.constant 0.000000e+00 : f32
    %broadcast_in_dim3A_117 = vector.broadcast %jit3A_116 : f32 to vector<512x8xf32>
    %select_n3A_118 = arith.select %eq3A_107, %broadcast_in_dim3A_115, %broadcast_in_dim3A_117 : vector<512x8xi1>, vector<512x8xf32>
    %reduce_sum3A_119 = arith.constant dense<0.000000e+00> : vector<512xf32>
    %reduce_sum3A_120 = vector.multi_reduction <add>, %select_n3A_118, %reduce_sum3A_119 [1] : vector<512x8xf32> to vector<512xf32>
    %broadcast_in_dim3A_121 = vector.shape_cast %reduce_sum3A_120 : vector<512xf32> to vector<512x1xf32>
    %add3A_122 = arith.addf %broadcast_in_dim3A_121, %broadcast_in_dim3A_113 : vector<512x1xf32>
    %sub3A_123 = arith.constant 1.000000e+00 : f32
    %sub3A_124 = vector.broadcast %sub3A_123 : f32 to vector<512x1xf32>
    %sub3A_125 = arith.subf %add3A_122, %sub3A_124 : vector<512x1xf32>
    %convert_element_type3A = arith.fptosi %sub3A_125 : vector<512x1xf32> to vector<512x1xi32>
    %swap3A_126 = arith.constant 0 : index
    %swap3A_127 = arith.constant 0 : index
    %swap3A_128 = vector.load %arg5[%swap3A_126, %swap3A_127] : memref<4096x1xi32, #tpu.memory_space<vmem>>, vector<512x1xi32>
    tpu.vector_store %arg5[%swap3A_126, %swap3A_127], %convert_element_type3A {strides = array<i32>} : memref<4096x1xi32, #tpu.memory_space<vmem>>, vector<512x1xi32>,
    %slice3A_129 = vector.extract_strided_slice %select_n3A_55 {offsets = [512, 0], sizes = [512, 8], strides = [1, 1]} : vector<2048x8xf32> to vector<512x8xf32>
    %slice3A_130 = vector.extract_strided_slice %broadcast_in_dim3A_20 {offsets = [512, 0], sizes = [512, 1], strides = [1, 1]} : vector<2048x1xi32> to vector<512x1xi32>
    %dot_general3A_131 = arith.constant dense<0.000000e+00> : vector<512x8xf32>
    %dot_general3A_132 = tpu.matmul %select_n3A_93, %slice3A_129, %dot_general3A_131 {dimension_numbers = #tpu.dot_dimension_numbers<[1], [0], [0], [1], [0, 0, 1, 1], [], []>, transpose_lhs_hint = false} : vector<512x512xf32>, vector<512x8xf32>, vector<512x8xf32> -> vector<512x8xf32>
    %add3A_133 = vector.broadcast %add3A_104 : vector<1x8xf32> to vector<512x8xf32>
    %add3A_134 = arith.addf %dot_general3A_132, %add3A_133 : vector<512x8xf32>
    %reduce_sum3A_135 = arith.constant dense<0.000000e+00> : vector<8xf32>
    %reduce_sum3A_136 = vector.multi_reduction <add>, %slice3A_129, %reduce_sum3A_135 [0] : vector<512x8xf32> to vector<8xf32>
    %broadcast_in_dim3A_137 = vector.shape_cast %reduce_sum3A_136 : vector<8xf32> to vector<1x8xf32>
    %add3A_138 = arith.addf %add3A_104, %broadcast_in_dim3A_137 : vector<1x8xf32>
    %iota3A_139 = tpu.iota {dimensions = array<i32: 1>} : vector<512x8xi32>
    %eq3A_140 = vector.broadcast %slice3A_130 : vector<512x1xi32> to vector<512x8xi32>
    %eq3A_141 = arith.cmpi eq, %iota3A_139, %eq3A_140 : vector<512x8xi32>
    %jit3A_142 = arith.constant 0.000000e+00 : f32
    %broadcast_in_dim3A_143 = vector.broadcast %jit3A_142 : f32 to vector<512x8xf32>
    %select_n3A_144 = arith.select %eq3A_141, %add3A_134, %broadcast_in_dim3A_143 : vector<512x8xi1>, vector<512x8xf32>
    %reduce_sum3A_145 = arith.constant dense<0.000000e+00> : vector<512xf32>
    %reduce_sum3A_146 = vector.multi_reduction <add>, %select_n3A_144, %reduce_sum3A_145 [1] : vector<512x8xf32> to vector<512xf32>
    %broadcast_in_dim3A_147 = vector.shape_cast %reduce_sum3A_146 : vector<512xf32> to vector<512x1xf32>
    %broadcast_in_dim3A_148 = vector.shape_cast %dot_general3A_86 : vector<1x8xf32> to vector<1x8xf32>
    %broadcast_in_dim3A_149 = vector.broadcast %broadcast_in_dim3A_148 : vector<1x8xf32> to vector<512x8xf32>
    %jit3A_150 = arith.constant 0.000000e+00 : f32
    %broadcast_in_dim3A_151 = vector.broadcast %jit3A_150 : f32 to vector<512x8xf32>
    %select_n3A_152 = arith.select %eq3A_141, %broadcast_in_dim3A_149, %broadcast_in_dim3A_151 : vector<512x8xi1>, vector<512x8xf32>
    %reduce_sum3A_153 = arith.constant dense<0.000000e+00> : vector<512xf32>
    %reduce_sum3A_154 = vector.multi_reduction <add>, %select_n3A_152, %reduce_sum3A_153 [1] : vector<512x8xf32> to vector<512xf32>
    %broadcast_in_dim3A_155 = vector.shape_cast %reduce_sum3A_154 : vector<512xf32> to vector<512x1xf32>
    %add3A_156 = arith.addf %broadcast_in_dim3A_155, %broadcast_in_dim3A_147 : vector<512x1xf32>
    %sub3A_157 = arith.constant 1.000000e+00 : f32
    %sub3A_158 = vector.broadcast %sub3A_157 : f32 to vector<512x1xf32>
    %sub3A_159 = arith.subf %add3A_156, %sub3A_158 : vector<512x1xf32>
    %convert_element_type3A_160 = arith.fptosi %sub3A_159 : vector<512x1xf32> to vector<512x1xi32>
    %swap3A_161 = arith.constant 512 : index
    %swap3A_162 = arith.constant 0 : index
    %swap3A_163 = vector.load %arg5[%swap3A_161, %swap3A_162] : memref<4096x1xi32, #tpu.memory_space<vmem>>, vector<512x1xi32>
    tpu.vector_store %arg5[%swap3A_161, %swap3A_162], %convert_element_type3A_160 {strides = array<i32>} : memref<4096x1xi32, #tpu.memory_space<vmem>>, vector<512x1xi32>,
    %slice3A_164 = vector.extract_strided_slice %select_n3A_55 {offsets = [1024, 0], sizes = [512, 8], strides = [1, 1]} : vector<2048x8xf32> to vector<512x8xf32>
    %slice3A_165 = vector.extract_strided_slice %broadcast_in_dim3A_20 {offsets = [1024, 0], sizes = [512, 1], strides = [1, 1]} : vector<2048x1xi32> to vector<512x1xi32>
    %dot_general3A_166 = arith.constant dense<0.000000e+00> : vector<512x8xf32>
    %dot_general3A_167 = tpu.matmul %select_n3A_93, %slice3A_164, %dot_general3A_166 {dimension_numbers = #tpu.dot_dimension_numbers<[1], [0], [0], [1], [0, 0, 1, 1], [], []>, transpose_lhs_hint = false} : vector<512x512xf32>, vector<512x8xf32>, vector<512x8xf32> -> vector<512x8xf32>
    %add3A_168 = vector.broadcast %add3A_138 : vector<1x8xf32> to vector<512x8xf32>
    %add3A_169 = arith.addf %dot_general3A_167, %add3A_168 : vector<512x8xf32>
    %reduce_sum3A_170 = arith.constant dense<0.000000e+00> : vector<8xf32>
    %reduce_sum3A_171 = vector.multi_reduction <add>, %slice3A_164, %reduce_sum3A_170 [0] : vector<512x8xf32> to vector<8xf32>
    %broadcast_in_dim3A_172 = vector.shape_cast %reduce_sum3A_171 : vector<8xf32> to vector<1x8xf32>
    %add3A_173 = arith.addf %add3A_138, %broadcast_in_dim3A_172 : vector<1x8xf32>
    %iota3A_174 = tpu.iota {dimensions = array<i32: 1>} : vector<512x8xi32>
    %eq3A_175 = vector.broadcast %slice3A_165 : vector<512x1xi32> to vector<512x8xi32>
    %eq3A_176 = arith.cmpi eq, %iota3A_174, %eq3A_175 : vector<512x8xi32>
    %jit3A_177 = arith.constant 0.000000e+00 : f32
    %broadcast_in_dim3A_178 = vector.broadcast %jit3A_177 : f32 to vector<512x8xf32>
    %select_n3A_179 = arith.select %eq3A_176, %add3A_169, %broadcast_in_dim3A_178 : vector<512x8xi1>, vector<512x8xf32>
    %reduce_sum3A_180 = arith.constant dense<0.000000e+00> : vector<512xf32>
    %reduce_sum3A_181 = vector.multi_reduction <add>, %select_n3A_179, %reduce_sum3A_180 [1] : vector<512x8xf32> to vector<512xf32>
    %broadcast_in_dim3A_182 = vector.shape_cast %reduce_sum3A_181 : vector<512xf32> to vector<512x1xf32>
    %broadcast_in_dim3A_183 = vector.shape_cast %dot_general3A_86 : vector<1x8xf32> to vector<1x8xf32>
    %broadcast_in_dim3A_184 = vector.broadcast %broadcast_in_dim3A_183 : vector<1x8xf32> to vector<512x8xf32>
    %jit3A_185 = arith.constant 0.000000e+00 : f32
    %broadcast_in_dim3A_186 = vector.broadcast %jit3A_185 : f32 to vector<512x8xf32>
    %select_n3A_187 = arith.select %eq3A_176, %broadcast_in_dim3A_184, %broadcast_in_dim3A_186 : vector<512x8xi1>, vector<512x8xf32>
    %reduce_sum3A_188 = arith.constant dense<0.000000e+00> : vector<512xf32>
    %reduce_sum3A_189 = vector.multi_reduction <add>, %select_n3A_187, %reduce_sum3A_188 [1] : vector<512x8xf32> to vector<512xf32>
    %broadcast_in_dim3A_190 = vector.shape_cast %reduce_sum3A_189 : vector<512xf32> to vector<512x1xf32>
    %add3A_191 = arith.addf %broadcast_in_dim3A_190, %broadcast_in_dim3A_182 : vector<512x1xf32>
    %sub3A_192 = arith.constant 1.000000e+00 : f32
    %sub3A_193 = vector.broadcast %sub3A_192 : f32 to vector<512x1xf32>
    %sub3A_194 = arith.subf %add3A_191, %sub3A_193 : vector<512x1xf32>
    %convert_element_type3A_195 = arith.fptosi %sub3A_194 : vector<512x1xf32> to vector<512x1xi32>
    %swap3A_196 = arith.constant 1024 : index
    %swap3A_197 = arith.constant 0 : index
    %swap3A_198 = vector.load %arg5[%swap3A_196, %swap3A_197] : memref<4096x1xi32, #tpu.memory_space<vmem>>, vector<512x1xi32>
    tpu.vector_store %arg5[%swap3A_196, %swap3A_197], %convert_element_type3A_195 {strides = array<i32>} : memref<4096x1xi32, #tpu.memory_space<vmem>>, vector<512x1xi32>,
    %slice3A_199 = vector.extract_strided_slice %select_n3A_55 {offsets = [1536, 0], sizes = [512, 8], strides = [1, 1]} : vector<2048x8xf32> to vector<512x8xf32>
    %slice3A_200 = vector.extract_strided_slice %broadcast_in_dim3A_20 {offsets = [1536, 0], sizes = [512, 1], strides = [1, 1]} : vector<2048x1xi32> to vector<512x1xi32>
    %dot_general3A_201 = arith.constant dense<0.000000e+00> : vector<512x8xf32>
    %dot_general3A_202 = tpu.matmul %select_n3A_93, %slice3A_199, %dot_general3A_201 {dimension_numbers = #tpu.dot_dimension_numbers<[1], [0], [0], [1], [0, 0, 1, 1], [], []>, transpose_lhs_hint = false} : vector<512x512xf32>, vector<512x8xf32>, vector<512x8xf32> -> vector<512x8xf32>
    %add3A_203 = vector.broadcast %add3A_173 : vector<1x8xf32> to vector<512x8xf32>
    %add3A_204 = arith.addf %dot_general3A_202, %add3A_203 : vector<512x8xf32>
    %reduce_sum3A_205 = arith.constant dense<0.000000e+00> : vector<8xf32>
    %reduce_sum3A_206 = vector.multi_reduction <add>, %slice3A_199, %reduce_sum3A_205 [0] : vector<512x8xf32> to vector<8xf32>
    %broadcast_in_dim3A_207 = vector.shape_cast %reduce_sum3A_206 : vector<8xf32> to vector<1x8xf32>
    %add3A_208 = arith.addf %add3A_173, %broadcast_in_dim3A_207 : vector<1x8xf32>
    %iota3A_209 = tpu.iota {dimensions = array<i32: 1>} : vector<512x8xi32>
    %eq3A_210 = vector.broadcast %slice3A_200 : vector<512x1xi32> to vector<512x8xi32>
    %eq3A_211 = arith.cmpi eq, %iota3A_209, %eq3A_210 : vector<512x8xi32>
    %jit3A_212 = arith.constant 0.000000e+00 : f32
    %broadcast_in_dim3A_213 = vector.broadcast %jit3A_212 : f32 to vector<512x8xf32>
    %select_n3A_214 = arith.select %eq3A_211, %add3A_204, %broadcast_in_dim3A_213 : vector<512x8xi1>, vector<512x8xf32>
    %reduce_sum3A_215 = arith.constant dense<0.000000e+00> : vector<512xf32>
    %reduce_sum3A_216 = vector.multi_reduction <add>, %select_n3A_214, %reduce_sum3A_215 [1] : vector<512x8xf32> to vector<512xf32>
    %broadcast_in_dim3A_217 = vector.shape_cast %reduce_sum3A_216 : vector<512xf32> to vector<512x1xf32>
    %broadcast_in_dim3A_218 = vector.shape_cast %dot_general3A_86 : vector<1x8xf32> to vector<1x8xf32>
    %broadcast_in_dim3A_219 = vector.broadcast %broadcast_in_dim3A_218 : vector<1x8xf32> to vector<512x8xf32>
    %jit3A_220 = arith.constant 0.000000e+00 : f32
    %broadcast_in_dim3A_221 = vector.broadcast %jit3A_220 : f32 to vector<512x8xf32>
    %select_n3A_222 = arith.select %eq3A_211, %broadcast_in_dim3A_219, %broadcast_in_dim3A_221 : vector<512x8xi1>, vector<512x8xf32>
    %reduce_sum3A_223 = arith.constant dense<0.000000e+00> : vector<512xf32>
    %reduce_sum3A_224 = vector.multi_reduction <add>, %select_n3A_222, %reduce_sum3A_223 [1] : vector<512x8xf32> to vector<512xf32>
    %broadcast_in_dim3A_225 = vector.shape_cast %reduce_sum3A_224 : vector<512xf32> to vector<512x1xf32>
    %add3A_226 = arith.addf %broadcast_in_dim3A_225, %broadcast_in_dim3A_217 : vector<512x1xf32>
    %sub3A_227 = arith.constant 1.000000e+00 : f32
    %sub3A_228 = vector.broadcast %sub3A_227 : f32 to vector<512x1xf32>
    %sub3A_229 = arith.subf %add3A_226, %sub3A_228 : vector<512x1xf32>
    %convert_element_type3A_230 = arith.fptosi %sub3A_229 : vector<512x1xf32> to vector<512x1xi32>
    %swap3A_231 = arith.constant 1536 : index
    %swap3A_232 = arith.constant 0 : index
    %swap3A_233 = vector.load %arg5[%swap3A_231, %swap3A_232] : memref<4096x1xi32, #tpu.memory_space<vmem>>, vector<512x1xi32>
    tpu.vector_store %arg5[%swap3A_231, %swap3A_232], %convert_element_type3A_230 {strides = array<i32>} : memref<4096x1xi32, #tpu.memory_space<vmem>>, vector<512x1xi32>,
    %slice3A_234 = vector.extract_strided_slice %select_n3A_62 {offsets = [0, 0], sizes = [512, 8], strides = [1, 1]} : vector<2048x8xf32> to vector<512x8xf32>
    %slice3A_235 = vector.extract_strided_slice %broadcast_in_dim3A_36 {offsets = [0, 0], sizes = [512, 1], strides = [1, 1]} : vector<2048x1xi32> to vector<512x1xi32>
    %dot_general3A_236 = arith.constant dense<0.000000e+00> : vector<512x8xf32>
    %dot_general3A_237 = tpu.matmul %select_n3A_93, %slice3A_234, %dot_general3A_236 {dimension_numbers = #tpu.dot_dimension_numbers<[1], [0], [0], [1], [0, 0, 1, 1], [], []>, transpose_lhs_hint = false} : vector<512x512xf32>, vector<512x8xf32>, vector<512x8xf32> -> vector<512x8xf32>
    %add3A_238 = vector.broadcast %add3A_208 : vector<1x8xf32> to vector<512x8xf32>
    %add3A_239 = arith.addf %dot_general3A_237, %add3A_238 : vector<512x8xf32>
    %reduce_sum3A_240 = arith.constant dense<0.000000e+00> : vector<8xf32>
    %reduce_sum3A_241 = vector.multi_reduction <add>, %slice3A_234, %reduce_sum3A_240 [0] : vector<512x8xf32> to vector<8xf32>
    %broadcast_in_dim3A_242 = vector.shape_cast %reduce_sum3A_241 : vector<8xf32> to vector<1x8xf32>
    %add3A_243 = arith.addf %add3A_208, %broadcast_in_dim3A_242 : vector<1x8xf32>
    %iota3A_244 = tpu.iota {dimensions = array<i32: 1>} : vector<512x8xi32>
    %eq3A_245 = vector.broadcast %slice3A_235 : vector<512x1xi32> to vector<512x8xi32>
    %eq3A_246 = arith.cmpi eq, %iota3A_244, %eq3A_245 : vector<512x8xi32>
    %jit3A_247 = arith.constant 0.000000e+00 : f32
    %broadcast_in_dim3A_248 = vector.broadcast %jit3A_247 : f32 to vector<512x8xf32>
    %select_n3A_249 = arith.select %eq3A_246, %add3A_239, %broadcast_in_dim3A_248 : vector<512x8xi1>, vector<512x8xf32>
    %reduce_sum3A_250 = arith.constant dense<0.000000e+00> : vector<512xf32>
    %reduce_sum3A_251 = vector.multi_reduction <add>, %select_n3A_249, %reduce_sum3A_250 [1] : vector<512x8xf32> to vector<512xf32>
    %broadcast_in_dim3A_252 = vector.shape_cast %reduce_sum3A_251 : vector<512xf32> to vector<512x1xf32>
    %broadcast_in_dim3A_253 = vector.shape_cast %dot_general3A_86 : vector<1x8xf32> to vector<1x8xf32>
    %broadcast_in_dim3A_254 = vector.broadcast %broadcast_in_dim3A_253 : vector<1x8xf32> to vector<512x8xf32>
    %jit3A_255 = arith.constant 0.000000e+00 : f32
    %broadcast_in_dim3A_256 = vector.broadcast %jit3A_255 : f32 to vector<512x8xf32>
    %select_n3A_257 = arith.select %eq3A_246, %broadcast_in_dim3A_254, %broadcast_in_dim3A_256 : vector<512x8xi1>, vector<512x8xf32>
    %reduce_sum3A_258 = arith.constant dense<0.000000e+00> : vector<512xf32>
    %reduce_sum3A_259 = vector.multi_reduction <add>, %select_n3A_257, %reduce_sum3A_258 [1] : vector<512x8xf32> to vector<512xf32>
    %broadcast_in_dim3A_260 = vector.shape_cast %reduce_sum3A_259 : vector<512xf32> to vector<512x1xf32>
    %add3A_261 = arith.addf %broadcast_in_dim3A_260, %broadcast_in_dim3A_252 : vector<512x1xf32>
    %sub3A_262 = arith.constant 1.000000e+00 : f32
    %sub3A_263 = vector.broadcast %sub3A_262 : f32 to vector<512x1xf32>
    %sub3A_264 = arith.subf %add3A_261, %sub3A_263 : vector<512x1xf32>
    %convert_element_type3A_265 = arith.fptosi %sub3A_264 : vector<512x1xf32> to vector<512x1xi32>
    %swap3A_266 = arith.constant 2048 : index
    %swap3A_267 = arith.constant 0 : index
    %swap3A_268 = vector.load %arg5[%swap3A_266, %swap3A_267] : memref<4096x1xi32, #tpu.memory_space<vmem>>, vector<512x1xi32>
    tpu.vector_store %arg5[%swap3A_266, %swap3A_267], %convert_element_type3A_265 {strides = array<i32>} : memref<4096x1xi32, #tpu.memory_space<vmem>>, vector<512x1xi32>,
    %slice3A_269 = vector.extract_strided_slice %select_n3A_62 {offsets = [512, 0], sizes = [512, 8], strides = [1, 1]} : vector<2048x8xf32> to vector<512x8xf32>
    %slice3A_270 = vector.extract_strided_slice %broadcast_in_dim3A_36 {offsets = [512, 0], sizes = [512, 1], strides = [1, 1]} : vector<2048x1xi32> to vector<512x1xi32>
    %dot_general3A_271 = arith.constant dense<0.000000e+00> : vector<512x8xf32>
    %dot_general3A_272 = tpu.matmul %select_n3A_93, %slice3A_269, %dot_general3A_271 {dimension_numbers = #tpu.dot_dimension_numbers<[1], [0], [0], [1], [0, 0, 1, 1], [], []>, transpose_lhs_hint = false} : vector<512x512xf32>, vector<512x8xf32>, vector<512x8xf32> -> vector<512x8xf32>
    %add3A_273 = vector.broadcast %add3A_243 : vector<1x8xf32> to vector<512x8xf32>
    %add3A_274 = arith.addf %dot_general3A_272, %add3A_273 : vector<512x8xf32>
    %reduce_sum3A_275 = arith.constant dense<0.000000e+00> : vector<8xf32>
    %reduce_sum3A_276 = vector.multi_reduction <add>, %slice3A_269, %reduce_sum3A_275 [0] : vector<512x8xf32> to vector<8xf32>
    %broadcast_in_dim3A_277 = vector.shape_cast %reduce_sum3A_276 : vector<8xf32> to vector<1x8xf32>
    %add3A_278 = arith.addf %add3A_243, %broadcast_in_dim3A_277 : vector<1x8xf32>
    %iota3A_279 = tpu.iota {dimensions = array<i32: 1>} : vector<512x8xi32>
    %eq3A_280 = vector.broadcast %slice3A_270 : vector<512x1xi32> to vector<512x8xi32>
    %eq3A_281 = arith.cmpi eq, %iota3A_279, %eq3A_280 : vector<512x8xi32>
    %jit3A_282 = arith.constant 0.000000e+00 : f32
    %broadcast_in_dim3A_283 = vector.broadcast %jit3A_282 : f32 to vector<512x8xf32>
    %select_n3A_284 = arith.select %eq3A_281, %add3A_274, %broadcast_in_dim3A_283 : vector<512x8xi1>, vector<512x8xf32>
    %reduce_sum3A_285 = arith.constant dense<0.000000e+00> : vector<512xf32>
    %reduce_sum3A_286 = vector.multi_reduction <add>, %select_n3A_284, %reduce_sum3A_285 [1] : vector<512x8xf32> to vector<512xf32>
    %broadcast_in_dim3A_287 = vector.shape_cast %reduce_sum3A_286 : vector<512xf32> to vector<512x1xf32>
    %broadcast_in_dim3A_288 = vector.shape_cast %dot_general3A_86 : vector<1x8xf32> to vector<1x8xf32>
    %broadcast_in_dim3A_289 = vector.broadcast %broadcast_in_dim3A_288 : vector<1x8xf32> to vector<512x8xf32>
    %jit3A_290 = arith.constant 0.000000e+00 : f32
    %broadcast_in_dim3A_291 = vector.broadcast %jit3A_290 : f32 to vector<512x8xf32>
    %select_n3A_292 = arith.select %eq3A_281, %broadcast_in_dim3A_289, %broadcast_in_dim3A_291 : vector<512x8xi1>, vector<512x8xf32>
    %reduce_sum3A_293 = arith.constant dense<0.000000e+00> : vector<512xf32>
    %reduce_sum3A_294 = vector.multi_reduction <add>, %select_n3A_292, %reduce_sum3A_293 [1] : vector<512x8xf32> to vector<512xf32>
    %broadcast_in_dim3A_295 = vector.shape_cast %reduce_sum3A_294 : vector<512xf32> to vector<512x1xf32>
    %add3A_296 = arith.addf %broadcast_in_dim3A_295, %broadcast_in_dim3A_287 : vector<512x1xf32>
    %sub3A_297 = arith.constant 1.000000e+00 : f32
    %sub3A_298 = vector.broadcast %sub3A_297 : f32 to vector<512x1xf32>
    %sub3A_299 = arith.subf %add3A_296, %sub3A_298 : vector<512x1xf32>
    %convert_element_type3A_300 = arith.fptosi %sub3A_299 : vector<512x1xf32> to vector<512x1xi32>
    %swap3A_301 = arith.constant 2560 : index
    %swap3A_302 = arith.constant 0 : index
    %swap3A_303 = vector.load %arg5[%swap3A_301, %swap3A_302] : memref<4096x1xi32, #tpu.memory_space<vmem>>, vector<512x1xi32>
    tpu.vector_store %arg5[%swap3A_301, %swap3A_302], %convert_element_type3A_300 {strides = array<i32>} : memref<4096x1xi32, #tpu.memory_space<vmem>>, vector<512x1xi32>,
    %slice3A_304 = vector.extract_strided_slice %select_n3A_62 {offsets = [1024, 0], sizes = [512, 8], strides = [1, 1]} : vector<2048x8xf32> to vector<512x8xf32>
    %slice3A_305 = vector.extract_strided_slice %broadcast_in_dim3A_36 {offsets = [1024, 0], sizes = [512, 1], strides = [1, 1]} : vector<2048x1xi32> to vector<512x1xi32>
    %dot_general3A_306 = arith.constant dense<0.000000e+00> : vector<512x8xf32>
    %dot_general3A_307 = tpu.matmul %select_n3A_93, %slice3A_304, %dot_general3A_306 {dimension_numbers = #tpu.dot_dimension_numbers<[1], [0], [0], [1], [0, 0, 1, 1], [], []>, transpose_lhs_hint = false} : vector<512x512xf32>, vector<512x8xf32>, vector<512x8xf32> -> vector<512x8xf32>
    %add3A_308 = vector.broadcast %add3A_278 : vector<1x8xf32> to vector<512x8xf32>
    %add3A_309 = arith.addf %dot_general3A_307, %add3A_308 : vector<512x8xf32>
    %reduce_sum3A_310 = arith.constant dense<0.000000e+00> : vector<8xf32>
    %reduce_sum3A_311 = vector.multi_reduction <add>, %slice3A_304, %reduce_sum3A_310 [0] : vector<512x8xf32> to vector<8xf32>
    %broadcast_in_dim3A_312 = vector.shape_cast %reduce_sum3A_311 : vector<8xf32> to vector<1x8xf32>
    %add3A_313 = arith.addf %add3A_278, %broadcast_in_dim3A_312 : vector<1x8xf32>
    %iota3A_314 = tpu.iota {dimensions = array<i32: 1>} : vector<512x8xi32>
    %eq3A_315 = vector.broadcast %slice3A_305 : vector<512x1xi32> to vector<512x8xi32>
    %eq3A_316 = arith.cmpi eq, %iota3A_314, %eq3A_315 : vector<512x8xi32>
    %jit3A_317 = arith.constant 0.000000e+00 : f32
    %broadcast_in_dim3A_318 = vector.broadcast %jit3A_317 : f32 to vector<512x8xf32>
    %select_n3A_319 = arith.select %eq3A_316, %add3A_309, %broadcast_in_dim3A_318 : vector<512x8xi1>, vector<512x8xf32>
    %reduce_sum3A_320 = arith.constant dense<0.000000e+00> : vector<512xf32>
    %reduce_sum3A_321 = vector.multi_reduction <add>, %select_n3A_319, %reduce_sum3A_320 [1] : vector<512x8xf32> to vector<512xf32>
    %broadcast_in_dim3A_322 = vector.shape_cast %reduce_sum3A_321 : vector<512xf32> to vector<512x1xf32>
    %broadcast_in_dim3A_323 = vector.shape_cast %dot_general3A_86 : vector<1x8xf32> to vector<1x8xf32>
    %broadcast_in_dim3A_324 = vector.broadcast %broadcast_in_dim3A_323 : vector<1x8xf32> to vector<512x8xf32>
    %jit3A_325 = arith.constant 0.000000e+00 : f32
    %broadcast_in_dim3A_326 = vector.broadcast %jit3A_325 : f32 to vector<512x8xf32>
    %select_n3A_327 = arith.select %eq3A_316, %broadcast_in_dim3A_324, %broadcast_in_dim3A_326 : vector<512x8xi1>, vector<512x8xf32>
    %reduce_sum3A_328 = arith.constant dense<0.000000e+00> : vector<512xf32>
    %reduce_sum3A_329 = vector.multi_reduction <add>, %select_n3A_327, %reduce_sum3A_328 [1] : vector<512x8xf32> to vector<512xf32>
    %broadcast_in_dim3A_330 = vector.shape_cast %reduce_sum3A_329 : vector<512xf32> to vector<512x1xf32>
    %add3A_331 = arith.addf %broadcast_in_dim3A_330, %broadcast_in_dim3A_322 : vector<512x1xf32>
    %sub3A_332 = arith.constant 1.000000e+00 : f32
    %sub3A_333 = vector.broadcast %sub3A_332 : f32 to vector<512x1xf32>
    %sub3A_334 = arith.subf %add3A_331, %sub3A_333 : vector<512x1xf32>
    %convert_element_type3A_335 = arith.fptosi %sub3A_334 : vector<512x1xf32> to vector<512x1xi32>
    %swap3A_336 = arith.constant 3072 : index
    %swap3A_337 = arith.constant 0 : index
    %swap3A_338 = vector.load %arg5[%swap3A_336, %swap3A_337] : memref<4096x1xi32, #tpu.memory_space<vmem>>, vector<512x1xi32>
    tpu.vector_store %arg5[%swap3A_336, %swap3A_337], %convert_element_type3A_335 {strides = array<i32>} : memref<4096x1xi32, #tpu.memory_space<vmem>>, vector<512x1xi32>,
    %slice3A_339 = vector.extract_strided_slice %select_n3A_62 {offsets = [1536, 0], sizes = [512, 8], strides = [1, 1]} : vector<2048x8xf32> to vector<512x8xf32>
    %slice3A_340 = vector.extract_strided_slice %broadcast_in_dim3A_36 {offsets = [1536, 0], sizes = [512, 1], strides = [1, 1]} : vector<2048x1xi32> to vector<512x1xi32>
    %dot_general3A_341 = arith.constant dense<0.000000e+00> : vector<512x8xf32>
    %dot_general3A_342 = tpu.matmul %select_n3A_93, %slice3A_339, %dot_general3A_341 {dimension_numbers = #tpu.dot_dimension_numbers<[1], [0], [0], [1], [0, 0, 1, 1], [], []>, transpose_lhs_hint = false} : vector<512x512xf32>, vector<512x8xf32>, vector<512x8xf32> -> vector<512x8xf32>
    %add3A_343 = vector.broadcast %add3A_313 : vector<1x8xf32> to vector<512x8xf32>
    %add3A_344 = arith.addf %dot_general3A_342, %add3A_343 : vector<512x8xf32>
    %iota3A_345 = tpu.iota {dimensions = array<i32: 1>} : vector<512x8xi32>
    %eq3A_346 = vector.broadcast %slice3A_340 : vector<512x1xi32> to vector<512x8xi32>
    %eq3A_347 = arith.cmpi eq, %iota3A_345, %eq3A_346 : vector<512x8xi32>
    %jit3A_348 = arith.constant 0.000000e+00 : f32
    %broadcast_in_dim3A_349 = vector.broadcast %jit3A_348 : f32 to vector<512x8xf32>
    %select_n3A_350 = arith.select %eq3A_347, %add3A_344, %broadcast_in_dim3A_349 : vector<512x8xi1>, vector<512x8xf32>
    %reduce_sum3A_351 = arith.constant dense<0.000000e+00> : vector<512xf32>
    %reduce_sum3A_352 = vector.multi_reduction <add>, %select_n3A_350, %reduce_sum3A_351 [1] : vector<512x8xf32> to vector<512xf32>
    %broadcast_in_dim3A_353 = vector.shape_cast %reduce_sum3A_352 : vector<512xf32> to vector<512x1xf32>
    %broadcast_in_dim3A_354 = vector.shape_cast %dot_general3A_86 : vector<1x8xf32> to vector<1x8xf32>
    %broadcast_in_dim3A_355 = vector.broadcast %broadcast_in_dim3A_354 : vector<1x8xf32> to vector<512x8xf32>
    %jit3A_356 = arith.constant 0.000000e+00 : f32
    %broadcast_in_dim3A_357 = vector.broadcast %jit3A_356 : f32 to vector<512x8xf32>
    %select_n3A_358 = arith.select %eq3A_347, %broadcast_in_dim3A_355, %broadcast_in_dim3A_357 : vector<512x8xi1>, vector<512x8xf32>
    %reduce_sum3A_359 = arith.constant dense<0.000000e+00> : vector<512xf32>
    %reduce_sum3A_360 = vector.multi_reduction <add>, %select_n3A_358, %reduce_sum3A_359 [1] : vector<512x8xf32> to vector<512xf32>
    %broadcast_in_dim3A_361 = vector.shape_cast %reduce_sum3A_360 : vector<512xf32> to vector<512x1xf32>
    %add3A_362 = arith.addf %broadcast_in_dim3A_361, %broadcast_in_dim3A_353 : vector<512x1xf32>
    %sub3A_363 = arith.constant 1.000000e+00 : f32
    %sub3A_364 = vector.broadcast %sub3A_363 : f32 to vector<512x1xf32>
    %sub3A_365 = arith.subf %add3A_362, %sub3A_364 : vector<512x1xf32>
    %convert_element_type3A_366 = arith.fptosi %sub3A_365 : vector<512x1xf32> to vector<512x1xi32>
    %swap3A_367 = arith.constant 3584 : index
    %swap3A_368 = arith.constant 0 : index
    %swap3A_369 = vector.load %arg5[%swap3A_367, %swap3A_368] : memref<4096x1xi32, #tpu.memory_space<vmem>>, vector<512x1xi32>
    tpu.vector_store %arg5[%swap3A_367, %swap3A_368], %convert_element_type3A_366 {strides = array<i32>} : memref<4096x1xi32, #tpu.memory_space<vmem>>, vector<512x1xi32>,
    %add3A_370 = arith.addf %dot_general3A_86, %mul3A_77 : vector<1x8xf32>
    %iota3A_371 = tpu.iota {dimensions = array<i32: 0>} : vector<48x8xi32>
    %convert_element_type3A_372 = arith.sitofp %iota3A_371 : vector<48x8xi32> to vector<48x8xf32>
    %mul3A_373 = arith.constant 5.120000e+02 : f32
    %mul3A_374 = vector.broadcast %mul3A_373 : f32 to vector<48x8xf32>
    %mul3A_375 = arith.mulf %convert_element_type3A_372, %mul3A_374 : vector<48x8xf32>
    %broadcast_in_dim3A_376 = vector.shape_cast %add3A_370 : vector<1x8xf32> to vector<1x8xf32>
    %broadcast_in_dim3A_377 = vector.broadcast %broadcast_in_dim3A_376 : vector<1x8xf32> to vector<48x8xf32>
    %ge3A_378 = arith.cmpf oge, %mul3A_375, %broadcast_in_dim3A_377 : vector<48x8xf32>
    %jit3A_379 = arith.constant 1 : i32
    %jit3A_380 = arith.constant 0 : i32
    %broadcast_in_dim3A_381 = vector.broadcast %jit3A_379 : i32 to vector<48x8xi32>
    %broadcast_in_dim3A_382 = vector.broadcast %jit3A_380 : i32 to vector<48x8xi32>
    %select_n3A_383 = arith.select %ge3A_378, %broadcast_in_dim3A_381, %broadcast_in_dim3A_382 : vector<48x8xi1>, vector<48x8xi32>
    %reduce_sum3A_384 = arith.constant dense<0> : vector<48xi32>
    %reduce_sum3A_385 = vector.multi_reduction <add>, %select_n3A_383, %reduce_sum3A_384 [1] : vector<48x8xi32> to vector<48xi32>
    %broadcast_in_dim3A_386 = vector.shape_cast %reduce_sum3A_385 : vector<48xi32> to vector<48x1xi32>
    %min3A = arith.constant 7 : i32
    %min3A_387 = vector.broadcast %min3A : i32 to vector<48x1xi32>
    %min3A_388 = arith.minsi %broadcast_in_dim3A_386, %min3A_387 : vector<48x1xi32>
    %swap3A_389 = arith.constant 0 : index
    %swap3A_390 = arith.constant 0 : index
    %swap3A_391 = vector.load %arg6[%swap3A_389, %swap3A_390] : memref<48x1xi32, #tpu.memory_space<vmem>>, vector<48x1xi32>
    tpu.vector_store %arg6[%swap3A_389, %swap3A_390], %min3A_388 {strides = array<i32>} : memref<48x1xi32, #tpu.memory_space<vmem>>, vector<48x1xi32>,
    %reduce_sum3A_392 = arith.constant dense<0.000000e+00> : vector<1xf32>
    %reduce_sum3A_393 = vector.multi_reduction <add>, %mul3A_77, %reduce_sum3A_392 [1] : vector<1x8xf32> to vector<1xf32>
    %broadcast_in_dim3A_394 = vector.shape_cast %reduce_sum3A_393 : vector<1xf32> to vector<1x1xf32>
    %mul3A_395 = arith.constant 0.001953125 : f32
    %mul3A_396 = vector.broadcast %mul3A_395 : f32 to vector<1x1xf32>
    %mul3A_397 = arith.mulf %broadcast_in_dim3A_394, %mul3A_396 : vector<1x1xf32>
    %sub3A_398 = arith.constant 1.000000e+00 : f32
    %sub3A_399 = vector.broadcast %sub3A_398 : f32 to vector<1x1xf32>
    %sub3A_400 = arith.subf %mul3A_397, %sub3A_399 : vector<1x1xf32>
    %convert_element_type3A_401 = arith.fptosi %sub3A_400 : vector<1x1xf32> to vector<1x1xi32>
    %swap3A_402 = arith.constant 16 : index
    %swap3A_403 = arith.constant 0 : index
    %swap3A_404 = vector.load %arg6[%swap3A_402, %swap3A_403] : memref<48x1xi32, #tpu.memory_space<vmem>>, vector<1x1xi32>
    tpu.vector_store %arg6[%swap3A_402, %swap3A_403], %convert_element_type3A_401 {strides = array<i32>} : memref<48x1xi32, #tpu.memory_space<vmem>>, vector<1x1xi32>,
    return
  }
}

module attributes {stable_mosaic.version = 14 : i64} {
  func.func @_grouped_mlp_kernel(%arg0: i32, %arg1: memref<48xi32, #tpu.memory_space<smem>>, %arg2: memref<512x1024xf32, #tpu.memory_space<vmem>>, %arg3: memref<1x1024x512xf32, #tpu.memory_space<vmem>>, %arg4: memref<1x1024x512xf32, #tpu.memory_space<vmem>>, %arg5: memref<1x512x1024xf32, #tpu.memory_space<vmem>>, %arg6: memref<512x1024xf32, #tpu.memory_space<vmem>>) attributes {dimension_semantics = [#tpu.dimension_semantics<arbitrary>], iteration_bounds = array<i64: 16>, scalar_prefetch = 1 : i64, scratch_operands = 0 : i64, tpu.core_type = #tpu.core_type<tc>, window_params = [{transform_indices = @transform_0, window_bounds = array<i64: 512, 1024>}, {transform_indices = @transform_1, window_bounds = array<i64: 1, 1024, 512>}, {transform_indices = @transform_2, window_bounds = array<i64: 1, 1024, 512>}, {transform_indices = @transform_3, window_bounds = array<i64: 1, 512, 1024>}, {transform_indices = @transform_4, window_bounds = array<i64: 512, 1024>}]} {
    %get3A = arith.constant 0 : index
    %get3A_0 = arith.constant 0 : index
    %get3A_1 = vector.load %arg2[%get3A, %get3A_0] : memref<512x1024xf32, #tpu.memory_space<vmem>>, vector<512x1024xf32>
    %convert_element_type3A = arith.truncf %get3A_1 : vector<512x1024xf32> to vector<512x1024xbf16>
    %get3A_2 = arith.constant 0 : index
    %get3A_3 = arith.constant 0 : index
    %get3A_4 = arith.constant 0 : index
    %get3A_5 = vector.load %arg3[%get3A_2, %get3A_3, %get3A_4] : memref<1x1024x512xf32, #tpu.memory_space<vmem>>, vector<1x1024x512xf32>
    %get3A_6 = vector.shape_cast %get3A_5 : vector<1x1024x512xf32> to vector<1024x512xf32>
    %convert_element_type3A_7 = arith.truncf %get3A_6 : vector<1024x512xf32> to vector<1024x512xbf16>
    %get3A_8 = arith.constant 0 : index
    %get3A_9 = arith.constant 0 : index
    %get3A_10 = arith.constant 0 : index
    %get3A_11 = vector.load %arg4[%get3A_8, %get3A_9, %get3A_10] : memref<1x1024x512xf32, #tpu.memory_space<vmem>>, vector<1x1024x512xf32>
    %get3A_12 = vector.shape_cast %get3A_11 : vector<1x1024x512xf32> to vector<1024x512xf32>
    %convert_element_type3A_13 = arith.truncf %get3A_12 : vector<1024x512xf32> to vector<1024x512xbf16>
    %get3A_14 = arith.constant 0 : index
    %get3A_15 = arith.constant 0 : index
    %get3A_16 = arith.constant 0 : index
    %get3A_17 = vector.load %arg5[%get3A_14, %get3A_15, %get3A_16] : memref<1x512x1024xf32, #tpu.memory_space<vmem>>, vector<1x512x1024xf32>
    %get3A_18 = vector.shape_cast %get3A_17 : vector<1x512x1024xf32> to vector<512x1024xf32>
    %convert_element_type3A_19 = arith.truncf %get3A_18 : vector<512x1024xf32> to vector<512x1024xbf16>
    %dot_general3A = arith.constant dense<0.000000e+00> : vector<512x512xf32>
    %dot_general3A_20 = tpu.matmul %convert_element_type3A, %convert_element_type3A_7, %dot_general3A {dimension_numbers = #tpu.dot_dimension_numbers<[1], [0], [0], [1], [0, 0, 1, 1], [], []>, transpose_lhs_hint = false} : vector<512x1024xbf16>, vector<1024x512xbf16>, vector<512x512xf32> -> vector<512x512xf32>
    %dot_general3A_21 = arith.constant dense<0.000000e+00> : vector<512x512xf32>
    %dot_general3A_22 = tpu.matmul %convert_element_type3A, %convert_element_type3A_13, %dot_general3A_21 {dimension_numbers = #tpu.dot_dimension_numbers<[1], [0], [0], [1], [0, 0, 1, 1], [], []>, transpose_lhs_hint = false} : vector<512x1024xbf16>, vector<1024x512xbf16>, vector<512x512xf32> -> vector<512x512xf32>
    %logistic3A = arith.negf %dot_general3A_20 : vector<512x512xf32>
    %logistic3A_23 = math.exp %logistic3A : vector<512x512xf32>
    %logistic3A_24 = arith.constant 1.000000e+00 : f32
    %logistic3A_25 = vector.broadcast %logistic3A_24 : f32 to vector<512x512xf32>
    %logistic3A_26 = arith.addf %logistic3A_25, %logistic3A_23 : vector<512x512xf32>
    %logistic3A_27 = arith.divf %logistic3A_25, %logistic3A_26 : vector<512x512xf32>
    %mul3A = arith.mulf %dot_general3A_20, %logistic3A_27 : vector<512x512xf32>
    %mul3A_28 = arith.mulf %mul3A, %dot_general3A_22 : vector<512x512xf32>
    %convert_element_type3A_29 = arith.truncf %mul3A_28 : vector<512x512xf32> to vector<512x512xbf16>
    %dot_general3A_30 = arith.constant dense<0.000000e+00> : vector<512x1024xf32>
    %dot_general3A_31 = tpu.matmul %convert_element_type3A_29, %convert_element_type3A_19, %dot_general3A_30 {dimension_numbers = #tpu.dot_dimension_numbers<[1], [0], [0], [1], [0, 0, 1, 1], [], []>, transpose_lhs_hint = false} : vector<512x512xbf16>, vector<512x1024xbf16>, vector<512x1024xf32> -> vector<512x1024xf32>
    %swap3A = arith.constant 0 : index
    %swap3A_32 = arith.constant 0 : index
    %swap3A_33 = vector.load %arg6[%swap3A, %swap3A_32] : memref<512x1024xf32, #tpu.memory_space<vmem>>, vector<512x1024xf32>
    tpu.vector_store %arg6[%swap3A, %swap3A_32], %dot_general3A_31 {strides = array<i32>} : memref<512x1024xf32, #tpu.memory_space<vmem>>, vector<512x1024xf32>,
    return
  }
  func.func @transform_0(%arg0: i32, %arg1: memref<48xi32, #tpu.memory_space<smem>>) -> (i32, i32) {
    %get3A = arith.constant 16 : index
    %get3A_0 = memref.load %arg1[%get3A] : memref<48xi32, #tpu.memory_space<smem>>
    %min3A = arith.minsi %arg0, %get3A_0 : i32
    %c0_i32 = arith.constant 0 : i32
    %c0_i32_1 = arith.constant 0 : i32
    return %min3A, %c0_i32 : i32, i32
  }
  func.func @transform_1(%arg0: i32, %arg1: memref<48xi32, #tpu.memory_space<smem>>) -> (i32, i32, i32) {
    %get3A = arith.constant 16 : index
    %get3A_0 = memref.load %arg1[%get3A] : memref<48xi32, #tpu.memory_space<smem>>
    %min3A = arith.minsi %arg0, %get3A_0 : i32
    %get3A_1 = arith.index_cast %min3A : i32 to index
    %get3A_2 = memref.load %arg1[%get3A_1] : memref<48xi32, #tpu.memory_space<smem>>
    %c0_i32 = arith.constant 0 : i32
    %c0_i32_3 = arith.constant 0 : i32
    %c0_i32_4 = arith.constant 0 : i32
    return %get3A_2, %c0_i32, %c0_i32_3 : i32, i32, i32
  }
  func.func @transform_2(%arg0: i32, %arg1: memref<48xi32, #tpu.memory_space<smem>>) -> (i32, i32, i32) {
    %get3A = arith.constant 16 : index
    %get3A_0 = memref.load %arg1[%get3A] : memref<48xi32, #tpu.memory_space<smem>>
    %min3A = arith.minsi %arg0, %get3A_0 : i32
    %get3A_1 = arith.index_cast %min3A : i32 to index
    %get3A_2 = memref.load %arg1[%get3A_1] : memref<48xi32, #tpu.memory_space<smem>>
    %c0_i32 = arith.constant 0 : i32
    %c0_i32_3 = arith.constant 0 : i32
    %c0_i32_4 = arith.constant 0 : i32
    return %get3A_2, %c0_i32, %c0_i32_3 : i32, i32, i32
  }
  func.func @transform_3(%arg0: i32, %arg1: memref<48xi32, #tpu.memory_space<smem>>) -> (i32, i32, i32) {
    %get3A = arith.constant 16 : index
    %get3A_0 = memref.load %arg1[%get3A] : memref<48xi32, #tpu.memory_space<smem>>
    %min3A = arith.minsi %arg0, %get3A_0 : i32
    %get3A_1 = arith.index_cast %min3A : i32 to index
    %get3A_2 = memref.load %arg1[%get3A_1] : memref<48xi32, #tpu.memory_space<smem>>
    %c0_i32 = arith.constant 0 : i32
    %c0_i32_3 = arith.constant 0 : i32
    %c0_i32_4 = arith.constant 0 : i32
    return %get3A_2, %c0_i32, %c0_i32_3 : i32, i32, i32
  }
  func.func @transform_4(%arg0: i32, %arg1: memref<48xi32, #tpu.memory_space<smem>>) -> (i32, i32) {
    %get3A = arith.constant 16 : index
    %get3A_0 = memref.load %arg1[%get3A] : memref<48xi32, #tpu.memory_space<smem>>
    %min3A = arith.minsi %arg0, %get3A_0 : i32
    %c0_i32 = arith.constant 0 : i32
    %c0_i32_1 = arith.constant 0 : i32
    return %min3A, %c0_i32 : i32, i32
  }
}

</mosaic_0001>

<sc_bundles>
// kernel: kernel.6.cloned.1.call-start
scs
__scs_entry_jumppad:
0x0: {  	(pc) =	sbr.rel $0x88, $3  }
0x1: {  	(tag) =	ssettag $0x0;
	lr =	simm.s32 $0x1  }
0x2: {  	[smem:$0x3F9C] =	sst lr;
	_ =	strace $0xD0000000  }
0x3: {  	_ = 	snop  }
0x4: {  	_ = 	snop  }
0x5: {  	_ = 	snop  }
0x6: {  	_ = 	snop  }
0x7: {  	_ = 	snop  }
__scs_overlays_trampoline_lowered:
0x8: {  	[smem:$0x3FAB] =	sst s0  }
0x9: {  	[smem:$0x3FAC] =	sst s1  }
0xa: {  	[smem:$0x3FAD] =	sst s2  }
0xb: {  	[smem:$0x3FAE] =	sst s3  }
0xc: {  	[smem:$0x3FAF] =	sst s4  }
0xd: {  	[smem:$0x3FB0] =	sst s5  }
0xe: {  	[smem:$0x3FB1] =	sst s6  }
0xf: {  	[smem:$0x3FB2] =	sst s7  }
0x10: {  	[smem:$0x3FB3] =	sst s8  }
0x11: {  	[smem:$0x3FB4] =	sst s9;
	s0 =	simm.s32 @!p0 $0x0  }
0x12: {  	s1 =	sld [smem:$0x3F9A];
	s0 =	simm.s32 @p0 $0x1  }
0x13: {  	[smem:$0x3FB5] =	sst s0;
	s0 =	simm.s32 @!p1 $0x0  }
0x14: {  	s2 =	sld [smem:$0x3F99];
	s0 =	simm.s32 @p1 $0x1  }
0x15: {  	[smem:$0x3FB6] =	sst s0;
	s0 =	simm.s32 @!p2 $0x0  }
0x16: {  	s3 =	sld [smem:$0x3FDB];
	s0 =	simm.s32 @p2 $0x1  }
0x17: {  	s4 =	simm.s32 $0x1BF5;
	[smem:$0x3FB8] =	sst s0  }
0x18: {  	s0 =	sld [smem:$0x3F9B];
	_ =	swait.ge [sflag:s4], $0x0  }
0x19: {  	s7 =	sld [smem:$0x3F9C]  }
0x1a: {  	s8 =	sadd.s32 $0xFFFFE003, lr  }
0x1b: {  	s9 =	sadd.s32 $0xFFFFFEF7, lr;
	s5 =	simm.s32 $0xFFFFFFFF;
	p2 =	slt.u32 s8, $0xFFFFF086  }
0x1c: {  	p1 =	slt.u32 s9, $0xF7A;
	s5 =	simm.s32 @!p2 $0x0  }
0x1d: {  	s5 =	simm.s32 @p1 $0x1;
	p0 =	seq.s32 s7, s2  }
0x1e: {  	s7 =	smul.u32 @!p0 $0xF7A, s2;
	p2 =	seq.s32 @!p0 s5, $0x0  }
0x1f: {  	s9 =	smul.u32 $0xF7A, s1;
	s8 =	simm.s32 @!p0 $0x1BF5;
	p2 =	por !p2, p0  }
0x20: {  	[sflag:s8] =	ssyncset.s32 @!p0 $0xFFFFF086;
	s6 =	sadd.s32 @!p0 s3, s7;
	s7 =	simm.s32 @!p0 $0x108  }
0x21: {  	s3 =	sadd.s32 s3, s9;
	s6 =	sadd.s32 @!p0 $0x88, s6;
	s7 =	simm.s32 @p2 $0x1082  }
0x22: {  	[simem:s7], [sflag:s8] =	dma.local @!p0 [hbm:s6], $0xF7A  }
0x23: {  	s9 =	sor.u32 $0xD0000000, s2;
	s6 =	simm.s32 $0x108;
	_ =	swait.ge @!p0 [sflag:s8], $0x0  }
0x24: {  	s3 =	sadd.s32 $0x88, s3;
	s6 =	simm.s32 @!p1 $0x1082;
	[sflag:s4] =	ssyncset.s32 $0xFFFFF086  }
0x25: {  	[simem:s6], [sflag:s4] =	dma.local [hbm:s3], $0xF7A  }
0x26: {  	[smem:$0x3F9C] =	sst s1;
	(tag) =	ssettag s2;
	_ =	strace s9  }
0x27: {  	s1 =	sld [smem:$0x3FAC]  }
0x28: {  	s2 =	sld [smem:$0x3FAD]  }
0x29: {  	s4 =	sld [smem:$0x3FAF]  }
0x2a: {  	p0 =	seq.s32 s5, $0x0;
	s5 =	sld [smem:$0x3FB0]  }
0x2b: {  	s6 =	sld [smem:$0x3FB1]  }
0x2c: {  	s7 =	sld [smem:$0x3FB2]  }
0x2d: {  	s3 =	simm.s32 $0x108;
	s8 =	sld [smem:$0x3FB3]  }
0x2e: {  	s3 =	simm.s32 @!p0 $0x1082;
	s9 =	sld [smem:$0x3FB4]  }
0x2f: {  	lr =	sadd.s32 s0, s3;
	s0 =	sld [smem:$0x3FAB]  }
0x30: {  	s3 =	sld [smem:$0x3FAE]  }
0x31: {  	[smem:$0x3FB7] =	sst s10  }
0x32: {  	s10 =	sld [smem:$0x3FB5];
	_ =	sdelay $0x3  }
0x33: {  	p0 =	seq.s32 s10, $0x1;
	s10 =	sld [smem:$0x3FB7];
	_ =	sdelay $0x3  }
0x34: {  	[smem:$0x3FB7] =	sst s10  }
0x35: {  	s10 =	sld [smem:$0x3FB6];
	_ =	sdelay $0x3  }
0x36: {  	p1 =	seq.s32 s10, $0x1;
	s10 =	sld [smem:$0x3FB7];
	_ =	sdelay $0x3  }
0x37: {  	[smem:$0x3FB7] =	sst s10  }
0x38: {  	s10 =	sld [smem:$0x3FB8]  }
0x39: {  	_ = 	snop;
	(pc) =	sbr.ind lr, $3  }
0x3a: {  	_ = 	snop  }
0x3b: {  	_ = 	snop  }
0x3c: {  	p2 =	seq.s32 s10, $0x1;
	s10 =	sld [smem:$0x3FB7]  }
0x3d: {  	_ =	shalt  }
0x3e: {  	_ =	shalt  }
0x3f: {  	_ =	shalt  }
0x40: {  	_ =	shalt  }
0x41: {  	_ =	shalt  }
0x42: {  	_ =	shalt  }
0x43: {  	_ =	shalt  }
0x44: {  	_ =	shalt  }
0x45: {  	_ =	shalt  }
0x46: {  	_ =	shalt  }
0x47: {  	_ =	shalt  }
0x48: {  	_ =	shalt  }
0x49: {  	_ =	shalt  }
0x4a: {  	_ =	shalt  }
0x4b: {  	_ =	shalt  }
0x4c: {  	_ =	shalt  }
0x4d: {  	_ =	shalt  }
0x4e: {  	_ =	shalt  }
0x4f: {  	_ =	shalt  }
0x50: {  	_ =	shalt  }
0x51: {  	_ =	shalt  }
0x52: {  	_ =	shalt  }
0x53: {  	_ =	shalt  }
0x54: {  	_ =	shalt  }
0x55: {  	_ =	shalt  }
0x56: {  	_ =	shalt  }
0x57: {  	_ =	shalt  }
0x58: {  	_ =	shalt  }
0x59: {  	_ =	shalt  }
0x5a: {  	_ =	shalt  }
0x5b: {  	_ =	shalt  }
0x5c: {  	_ =	shalt  }
0x5d: {  	_ =	shalt  }
0x5e: {  	_ =	shalt  }
0x5f: {  	_ =	shalt  }
0x60: {  	_ =	shalt  }
0x61: {  	_ =	shalt  }
0x62: {  	_ =	shalt  }
0x63: {  	_ =	shalt  }
0x64: {  	_ =	shalt  }
0x65: {  	_ =	shalt  }
0x66: {  	_ =	shalt  }
0x67: {  	_ =	shalt  }
0x68: {  	_ =	shalt  }
0x69: {  	_ =	shalt  }
0x6a: {  	_ =	shalt  }
0x6b: {  	_ =	shalt  }
0x6c: {  	_ =	shalt  }
0x6d: {  	_ =	shalt  }
0x6e: {  	_ =	shalt  }
0x6f: {  	_ =	shalt  }
0x70: {  	_ =	shalt  }
0x71: {  	_ =	shalt  }
0x72: {  	_ =	shalt  }
0x73: {  	_ =	shalt  }
0x74: {  	_ =	shalt  }
0x75: {  	_ =	shalt  }
0x76: {  	_ =	shalt  }
0x77: {  	_ =	shalt  }
0x78: {  	_ =	shalt  }
0x79: {  	_ =	shalt  }
0x7a: {  	_ =	shalt  }
0x7b: {  	_ =	shalt  }
0x7c: {  	_ =	shalt  }
0x7d: {  	_ =	shalt  }
0x7e: {  	_ =	shalt  }
0x7f: {  	_ =	shalt  }
0x80: {  	_ =	shalt  }
0x81: {  	_ =	shalt  }
0x82: {  	_ =	shalt  }
0x83: {  	_ =	shalt  }
0x84: {  	_ =	shalt  }
0x85: {  	_ =	shalt  }
0x86: {  	_ =	shalt  }
0x87: {  	_ =	shalt  }
.Lfunc_end0:
.L_simem_size_0:
called_computation_lowered:
.L_overlay_start_0:
0x88: {  	s2 =	sld [smem:$0x3FD9]  }
0x89: {  	s3 =	sld [smem:$0x3FFE];
	_ =	sdelay $0x1  }
0x8a: {  	s1 =	srdreg.scid  }
0x8b: {  	s0 =	sand.u32 $0x1, s1  }
0x8c: {  	s17 =	sshll.u32 s0, $0xA;
	s2 =	sadd.s32 s3, s2  }
0x8d: {  	s2 =	sadd.s32 s2, s17  }
0x8e: {  	[smem:$0x3FC3] =	sst s2  }
0x8f: {  	_ = 	snop  }
0x90: {  	s2 =	sld [smem:$0x3FC9];
	(tm) =	ssettm $0x1  }
0x91: {  	s18 =	sld [smem:$0x3FFB];
	_ =	sdelay $0x3  }
0x92: {  	_ =	strace s18  }
0x93: {  	s3 =	sld [smem:$0x3FFC];
	_ =	sdelay $0x3  }
0x94: {  	_ =	strace s3  }
0x95: {  	s3 =	sld [smem:$0x3FFD];
	_ =	sdelay $0x3  }
0x96: {  	_ =	strace s3  }
0x97: {  	_ =	strace $0x8FFFFFFF  }
0x98: {  	s19 =	sld [smem:$0x3FDB];
	_ =	sdelay $0x1  }
0x99: {  	s4 =	simm.s32 $_scs_section_size  }
0x9a: {  	s5 =	simm.s32 $_size__tile_overlayer_lowered;
	s6 =	simm.s32 $_tile_overlayer_lowered  }
0x9b: {  	s22 =	simm.s32 $0x1BFF;
	s21 =	sshll.u32 s6, $0x1;
	s3 =	sadd.s32 s4, s19  }
0x9c: {  	s7 =	simm.s32 $0x0;
	s20 =	sshll.u32 s5, $0x1;
	s5 =	sadd.s32 s21, s3  }
0x9d: {  	[timem:s7], [sflag:s22] =	dma.local [hbm:s5], s20  }
0x9e: {  	_ =	swait.ge [sflag:s22], s20  }
0x9f: {  	s4 =	ssub.s32 $0x0, s20;
	[sflag:s22] =	ssyncset.done $0x0  }
0xa0: {  	[sflag:s22] =	ssyncadd.s32 s4;
	_ =	sdelay $0x1  }
0xa1: {  	s23 =	simm.s32 $0x1B8B  }
0xa2: {  	_ =	swait.ge [sflag:s23], $0x1  }
0xa3: {  	[sflag:s23] =	ssyncset.done $0x0  }
0xa4: {  	s25 =	simm.s32 $0x1B8E;
	s24 =	sld [smem:$0x3FFE];
	[sflag:s23] =	ssyncadd.s32 $0xFFFFFFFF  }
0xa5: {  	s26 =	simm.s32 $execute0_lowered;
	[smem:$0x3FD2] =	sst s25  }
0xa6: {  	s5 =	sshll.u32 s26, $0x1;
	_ =	strace $0x80000046;
	[dreg:$0x1] =	wrdreg $0xFFFFFFFF  }
0xa7: {  	s28 =	simm.s32 $_size_execute0_lowered;
	s3 =	sadd.s32 s3, s5;
	[dreg:$0x0] =	wrdreg $0x0  }
0xa8: {  	s5 =	sshll.u32 s28, $0x1;
	[dreg:$0x2] =	wrdreg s3  }
0xa9: {  	[dreg:$0x3] =	wrdreg s5  }
0xaa: {  	[dreg:$0x4] =	wrdreg $0xC0  }
0xab: {  	_ =	task [dreg:s7], $0x5FFFF  }
0xac: {  	[dreg:$0x1] =	wrdreg $0xFFFFFFFF  }
0xad: {  	[dreg:$0x0] =	wrdreg $0x60  }
0xae: {  	[dreg:$0x2] =	wrdreg s24  }
0xaf: {  	[dreg:$0x3] =	wrdreg s2  }
0xb0: {  	[dreg:$0x4] =	wrdreg $0x9  }
0xb1: {  	_ =	task.clear_ibuf [dreg:s7], $0x5FFFF;
	_ =	strace $0x90000046  }
0xb2: {  	s29 =	simm.s32 $0x9;
	_ =	strace $0x80000048  }
0xb3: {  	_ =	swait.ge [sflag:s29], $0x1  }
0xb4: {  	[sflag:s29] =	ssyncadd.s32 $0xFFFFFFFF  }
0xb5: {  	_ =	strace $0x90000048  }
0xb6: {  	_ =	sfence  }
0xb7: {  	s30 =	sld [smem:$0x0];
	_ =	sdelay $0x2  }
0xb8: {  	s31 =	sshll.u32 s1, $0xD;
	s1 =	sshrl.u32 s1, $0x2  }
0xb9: {  	s3 =	sand.u32 $0x4000, s31;
	s1 =	sadd.s32 s1, s30  }
0xba: {  	s0 =	sor.u32 s3, s0;
	s1 =	sshll.u32 s1, $0x11  }
0xbb: {  	s0 =	sor.u32 s1, s0  }
0xbc: {  	s0 =	sadd.s32 $0x8F2B, s0  }
0xbd: {  	[sflag:s0] =	ssyncadd.remote.s32 $0x1  }
0xbe: {  	_ =	sfence.sel $0xFFFF  }
0xbf: {  	[dreg:$0x0] =	wrdreg $0xFFFFFFFF;
	(pc) =	sbr.abs _section_cstart, $3  }
0xc0: {  	[dreg:$0x1] =	wrdreg $0xFFFFFFFF  }
0xc1: {  	_ =	task.clear_ibuf [dreg:s7], $0x2FFFF;
	_ =	strace $0x9FFFFFFF  }
0xc2: {  	(tm) =	ssettm $0x7FFFFFFF  }
0xc3: {  	_ =	shalt  }
tec
execute0_lowered:
.L_overlay_start_1:
0x0: {  	(tag) =	ssettag $0x1  }
0x1: {  	s0 =	srdreg.scid;
	s2 =	stileid.u32  }
0x2: {  	s1 =	rddreg [dreg:$0x0];
	s9 =	simm.s32 $0x200;
	s10 =	simm.s32 $0x280  }
0x3: {  	s11 =	simm.s32 $0x300;
	s31 =	simm.s32 $0x380;
	s0 =	sand.u32 $0x1, s0  }
0x4: {  	s28 =	simm.s32 $0x2C00;
	s3 =	sshll.u32 s2, $0x8;
	s4 =	sshll.u32 s0, $0x7  }
0x5: {  	v10 =	vlaneseq.u32;
	s2 =	rddreg [dreg:$0x1];
	s13 =	sor.u32 s4, s3;
	s3 =	simm.s32 $0x0  }
0x6: {  	s8 =	sadd.s32 $0x11900, s1;
	v1 =	vor.u32 $0x10, v10;
	s0 =	ssub.s32 $0x2, s0;
	[smem:$0x7FF] =	sst s3  }
0x7: {  	v2 =	vor.u32 $0x20, v10;
	v3 =	vor.u32 $0x30, v10;
	s7 =	sshrl.u32 s0, $0x1;
	v0 =	vmov s13;
	_ =	strace $0x80000047;
	[dreg:$0x7] =	wrdreg s9  }
0x8: {  	v4 =	vor.u32 $0x40, v10;
	s4 =	sshrl.u32 s13, $0x3;
	s0 =	ssub.s32 s0, s7;
	[dreg:$0x8] =	wrdreg s10;
	vm0 =	vlt.u32 v0, $0x800;
	v0 =	vimm.s32 $0xFFFFF800  }
0x9: {  	v5 =	vor.u32 $0x50, v10;
	v6 =	vor.u32 $0x60, v10;
	s7 =	sadd.s32 $0x300, s2;
	s5 =	sadd.s32 s4, s1;
	[dreg:$0x9] =	wrdreg s11;
	v0 =	vsel vm0, $0x0, v0  }
0xa: {  	v8 =	vor.u32 $0x70, v10;
	v9 =	vshrl.u32 v10, $0x3;
	s4 =	sadd.s32 $0x11800, s1;
	[dreg:$0xa] =	wrdreg s31;
	s6 =	sadd.s32 $0x11600, s5;
	v7 =	vadd.s32 s13, v0  }
0xb: {  	v9 =	vmul.u32 $0x8, v9;
	s9 =	sadd.s32 $0x11A00, s1;
	s29 =	sadd.s32 $0x11604, s5;
	vm0 =	vmmov $0xffff;
	[dreg:$0x3] =	wrdreg s6;
	v0 =	vor.u32 v10, v7  }
0xc: {  	s10 =	sadd.s32 $0x11B00, s1;
	s30 =	sadd.s32 $0x11608, s5;
	[dreg:$0x4] =	wrdreg s29;
	v1 =	vor.u32 v1, v7;
	v2 =	vor.u32 v2, v7;
	v3 =	vor.u32 v3, v7  }
0xd: {  	s23 =	smax.u32 s0, $0x1;
	s5 =	sadd.s32 $0x1160C, s5;
	[dreg:$0x5] =	wrdreg s30;
	v4 =	vor.u32 v4, v7;
	v5 =	vor.u32 v5, v7;
	v6 =	vor.u32 v6, v7  }
0xe: {  	[dreg:$0x6] =	wrdreg s5;
	s5 =	sadd.s32 $0x100, s2;
	s6 =	sadd.s32 $0x200, s2;
	v7 =	vor.u32 v8, v7;
	v8 =	vand.u32 $0x7, v10;
	v10 =	vor.u32 $0x8, v10  }
.LBB2_1:
0xf: {  	[tilespmem:$0x0] =	vst v0  }
0x10: {  	[tilespmem:$0x10] =	vst v1  }
0x11: {  	[tilespmem:$0x80] =	vst v2  }
0x12: {  	[tilespmem:$0x90] =	vst v3  }
0x13: {  	[tilespmem:$0x100] =	vst v4  }
0x14: {  	[tilespmem:$0x110] =	vst v5  }
0x15: {  	s31 =	rddreg [dreg:$0x3];
	[tilespmem:$0x180] =	vst v6  }
0x16: {  	s1 =	rddreg [dreg:$0x7];
	[tilespmem:$0x190] =	vst v7;
	s0 =	simm.s32 $0x5  }
0x17: {  	[tilespmem:s1], [sflag:$0x5] =	stream.linear.gather [hbm4b:s31+s3], $0x20, $0x38;
	[tilespmem:$0x10400] =	vst v63  }
0x18: {  	_ =	swait.ge [sflag:s0], $0x20  }
0x19: {  	s15 =	rddreg [dreg:$0x4];
	[sflag:s0] =	ssyncset.done $0x0  }
0x1a: {  	s16 =	rddreg [dreg:$0x8];
	[sflag:s0] =	ssyncadd.s32 $0xFFFFFFE0  }
0x1b: {  	[tilespmem:s16], [sflag:$0x5] =	stream.linear.gather [hbm4b:s15+s3], $0x20, $0x38;
	[tilespmem:$0x10400] =	vst v63  }
0x1c: {  	_ =	swait.ge [sflag:s0], $0x20  }
0x1d: {  	s17 =	rddreg [dreg:$0x5];
	[sflag:s0] =	ssyncset.done $0x0  }
0x1e: {  	s18 =	rddreg [dreg:$0x9];
	[sflag:s0] =	ssyncadd.s32 $0xFFFFFFE0  }
0x1f: {  	[tilespmem:s18], [sflag:$0x5] =	stream.linear.gather [hbm4b:s17+s3], $0x20, $0x38;
	[tilespmem:$0x10400] =	vst v63  }
0x20: {  	_ =	swait.ge [sflag:s0], $0x20  }
0x21: {  	s19 =	rddreg [dreg:$0x6];
	[sflag:s0] =	ssyncset.done $0x0  }
0x22: {  	s20 =	rddreg [dreg:$0xa];
	[sflag:s0] =	ssyncadd.s32 $0xFFFFFFE0  }
0x23: {  	[tilespmem:s20], [sflag:$0x5] =	stream.linear.gather [hbm4b:s19+s3], $0x20, $0x38;
	[tilespmem:$0x10400] =	vst v63  }
0x24: {  	_ =	swait.ge [sflag:s0], $0x20  }
0x25: {  	[sflag:s0] =	ssyncset.done $0x0  }
0x26: {  	[sflag:s0] =	ssyncadd.s32 $0xFFFFFFE0  }
0x27: {  	v11 =	vld [tilespmem:$0x0];
	_ =	sdelay $0x4  }
0x28: {  	v12 =	vshll.u32 v11, $0x3  }
0x29: {  	v11 =	vand.u32 $0x7, v11;
	v12 =	vand.u32 $0xFFFFFFC0, v12  }
0x2a: {  	v11 =	vor.u32 v11, v12  }
0x2b: {  	v12 =	vperm.xlane v11, v8;
	_ =	sdelay $0x1  }
0x2c: {  	v12 =	vadd.s32 v9, v12;
	_ =	sdelay $0x3  }
0x2d: {  	s29 =	simm.s32 $0x400  }
0x2e: {  	[tilespmem:s29], [sflag:$0x1] =	stream.indirect_vreg.gather [hbm4b:s2+s3], $0x80, v12, vm0, $0xb8;
	[tilespmem:$0x10400] =	vst v63  }
0x2f: {  	s31 =	simm.s32 $0xC00;
	v11 =	vperm.xlane v11, v10  }
0x30: {  	[tilespmem:s31], [sflag:$0x1] =	stream.indirect_vreg.gather [hbm4b:s5+s3], $0x80, v12, vm0, $0xb8;
	[tilespmem:$0x10400] =	vst v63  }
0x31: {  	s21 =	simm.s32 $0x1400;
	v11 =	vadd.s32 v9, v11  }
0x32: {  	[tilespmem:s21], [sflag:$0x1] =	stream.indirect_vreg.gather [hbm4b:s6+s3], $0x80, v12, vm0, $0xb8;
	[tilespmem:$0x10400] =	vst v63  }
0x33: {  	s22 =	simm.s32 $0x1C00  }
0x34: {  	[tilespmem:s22], [sflag:$0x1] =	stream.indirect_vreg.gather [hbm4b:s7+s3], $0x80, v12, vm0, $0xb8;
	[tilespmem:$0x10400] =	vst v63  }
0x35: {  	s24 =	simm.s32 $0x2400  }
0x36: {  	[tilespmem:s24], [sflag:$0x1] =	stream.indirect_vreg.gather [hbm4b:s2+s3], $0x80, v11, vm0, $0xb8;
	[tilespmem:$0x10400] =	vst v63  }
0x37: {  	s25 =	simm.s32 $0x2C00  }
0x38: {  	[tilespmem:s25], [sflag:$0x1] =	stream.indirect_vreg.gather [hbm4b:s5+s3], $0x80, v11, vm0, $0xb8;
	[tilespmem:$0x10400] =	vst v63  }
0x39: {  	s26 =	simm.s32 $0x3400  }
0x3a: {  	[tilespmem:s26], [sflag:$0x1] =	stream.indirect_vreg.gather [hbm4b:s6+s3], $0x80, v11, vm0, $0xb8;
	[tilespmem:$0x10400] =	vst v63  }
0x3b: {  	s30 =	simm.s32 $0x3C00  }
0x3c: {  	[tilespmem:s30], [sflag:$0x1] =	stream.indirect_vreg.gather [hbm4b:s7+s3], $0x80, v11, vm0, $0xb8;
	[tilespmem:$0x10400] =	vst v63  }
0x3d: {  	v11 =	vld [tilespmem:$0x10];
	_ =	sdelay $0x4  }
0x3e: {  	v49 =	vshll.u32 v11, $0x3  }
0x3f: {  	v11 =	vand.u32 $0x7, v11;
	v12 =	vand.u32 $0xFFFFFFC0, v49  }
0x40: {  	v11 =	vor.u32 v11, v12  }
0x41: {  	v12 =	vperm.xlane v11, v8;
	_ =	sdelay $0x1  }
0x42: {  	v12 =	vadd.s32 v9, v12;
	_ =	sdelay $0x3  }
0x43: {  	s15 =	simm.s32 $0x4400  }
0x44: {  	[tilespmem:s15], [sflag:$0x1] =	stream.indirect_vreg.gather [hbm4b:s2+s3], $0x80, v12, vm0, $0xb8;
	[tilespmem:$0x10400] =	vst v63  }
0x45: {  	s16 =	simm.s32 $0x4C00;
	v11 =	vperm.xlane v11, v10  }
0x46: {  	[tilespmem:s16], [sflag:$0x1] =	stream.indirect_vreg.gather [hbm4b:s5+s3], $0x80, v12, vm0, $0xb8;
	[tilespmem:$0x10400] =	vst v63  }
0x47: {  	s17 =	simm.s32 $0x5400;
	v11 =	vadd.s32 v9, v11  }
0x48: {  	[tilespmem:s17], [sflag:$0x1] =	stream.indirect_vreg.gather [hbm4b:s6+s3], $0x80, v12, vm0, $0xb8;
	[tilespmem:$0x10400] =	vst v63  }
0x49: {  	s18 =	simm.s32 $0x5C00  }
0x4a: {  	[tilespmem:s18], [sflag:$0x1] =	stream.indirect_vreg.gather [hbm4b:s7+s3], $0x80, v12, vm0, $0xb8;
	[tilespmem:$0x10400] =	vst v63  }
0x4b: {  	s19 =	simm.s32 $0x6400  }
0x4c: {  	[tilespmem:s19], [sflag:$0x1] =	stream.indirect_vreg.gather [hbm4b:s2+s3], $0x80, v11, vm0, $0xb8;
	[tilespmem:$0x10400] =	vst v63  }
0x4d: {  	s24 =	simm.s32 $0x6C00  }
0x4e: {  	[tilespmem:s24], [sflag:$0x1] =	stream.indirect_vreg.gather [hbm4b:s5+s3], $0x80, v11, vm0, $0xb8;
	[tilespmem:$0x10400] =	vst v63  }
0x4f: {  	s25 =	simm.s32 $0x7400  }
0x50: {  	[tilespmem:s25], [sflag:$0x1] =	stream.indirect_vreg.gather [hbm4b:s6+s3], $0x80, v11, vm0, $0xb8;
	[tilespmem:$0x10400] =	vst v63  }
0x51: {  	s26 =	simm.s32 $0x7C00  }
0x52: {  	[tilespmem:s26], [sflag:$0x1] =	stream.indirect_vreg.gather [hbm4b:s7+s3], $0x80, v11, vm0, $0xb8;
	[tilespmem:$0x10400] =	vst v63  }
0x53: {  	s26 =	simm.s32 $0x1  }
0x54: {  	_ =	swait.ge [sflag:s26], $0x8000  }
0x55: {  	[sflag:s26] =	ssyncset.done $0x0  }
0x56: {  	[sflag:s26] =	ssyncadd.s32 $0xFFFF8000  }
0x57: {  	v11 =	vld [tilespmem:$0x200];
	_ =	sdelay $0x4  }
0x58: {  	v50 =	vshll.u32 v11, $0x3  }
0x59: {  	v11 =	vand.u32 $0x7, v11;
	v12 =	vand.u32 $0xFFFFFFC0, v50  }
0x5a: {  	v11 =	vor.u32 v11, v12  }
0x5b: {  	v12 =	vperm.xlane v11, v8;
	_ =	sdelay $0x1  }
0x5c: {  	v12 =	vadd.s32 v9, v12;
	_ =	sdelay $0x4  }
0x5d: {  	[hbm4b:s4+s3] =	stream.indirect_vreg.scatter [tilespmem:s29], [sflag:$0x3], $0x80, v12, vm0, $0xb8;
	[tilespmem:$0x10400] =	vst v63  }
0x5e: {  	v11 =	vperm.xlane v11, v10  }
0x5f: {  	[hbm4b:s8+s3] =	stream.indirect_vreg.scatter [tilespmem:s31], [sflag:$0x3], $0x80, v12, vm0, $0xb8;
	[tilespmem:$0x10400] =	vst v63  }
0x60: {  	s1 =	simm.s32 $0x1400;
	v11 =	vadd.s32 v9, v11  }
0x61: {  	[hbm4b:s9+s3] =	stream.indirect_vreg.scatter [tilespmem:s1], [sflag:$0x3], $0x80, v12, vm0, $0xb8;
	[tilespmem:$0x10400] =	vst v63  }
0x62: {  	s11 =	simm.s32 $0x1C00  }
0x63: {  	[hbm4b:s10+s3] =	stream.indirect_vreg.scatter [tilespmem:s11], [sflag:$0x3], $0x80, v12, vm0, $0xb8;
	[tilespmem:$0x10400] =	vst v63  }
0x64: {  	s13 =	simm.s32 $0x2400  }
0x65: {  	[hbm4b:s4+s3] =	stream.indirect_vreg.scatter [tilespmem:s13], [sflag:$0x3], $0x80, v11, vm0, $0xb8;
	[tilespmem:$0x10400] =	vst v63  }
0x66: {  	s12 =	simm.s32 $0x2C00  }
0x67: {  	[hbm4b:s8+s3] =	stream.indirect_vreg.scatter [tilespmem:s12], [sflag:$0x3], $0x80, v11, vm0, $0xb8;
	[tilespmem:$0x10400] =	vst v63  }
0x68: {  	s14 =	simm.s32 $0x3400  }
0x69: {  	[hbm4b:s9+s3] =	stream.indirect_vreg.scatter [tilespmem:s14], [sflag:$0x3], $0x80, v11, vm0, $0xb8;
	[tilespmem:$0x10400] =	vst v63  }
0x6a: {  	s21 =	simm.s32 $0x3C00  }
0x6b: {  	[hbm4b:s10+s3] =	stream.indirect_vreg.scatter [tilespmem:s21], [sflag:$0x3], $0x80, v11, vm0, $0xb8;
	[tilespmem:$0x10400] =	vst v63  }
0x6c: {  	v11 =	vld [tilespmem:$0x210];
	_ =	sdelay $0x4  }
0x6d: {  	v51 =	vshll.u32 v11, $0x3  }
0x6e: {  	v11 =	vand.u32 $0x7, v11;
	v12 =	vand.u32 $0xFFFFFFC0, v51  }
0x6f: {  	v11 =	vor.u32 v11, v12  }
0x70: {  	v12 =	vperm.xlane v11, v8;
	_ =	sdelay $0x1  }
0x71: {  	v12 =	vadd.s32 v9, v12;
	_ =	sdelay $0x3  }
0x72: {  	s20 =	simm.s32 $0x4400  }
0x73: {  	[hbm4b:s4+s3] =	stream.indirect_vreg.scatter [tilespmem:s20], [sflag:$0x3], $0x80, v12, vm0, $0xb8;
	[tilespmem:$0x10400] =	vst v63  }
0x74: {  	s22 =	simm.s32 $0x4C00;
	v11 =	vperm.xlane v11, v10  }
0x75: {  	[hbm4b:s8+s3] =	stream.indirect_vreg.scatter [tilespmem:s22], [sflag:$0x3], $0x80, v12, vm0, $0xb8;
	[tilespmem:$0x10400] =	vst v63  }
0x76: {  	s15 =	simm.s32 $0x5400;
	v11 =	vadd.s32 v9, v11  }
0x77: {  	[hbm4b:s9+s3] =	stream.indirect_vreg.scatter [tilespmem:s15], [sflag:$0x3], $0x80, v12, vm0, $0xb8;
	[tilespmem:$0x10400] =	vst v63  }
0x78: {  	s16 =	simm.s32 $0x5C00  }
0x79: {  	[hbm4b:s10+s3] =	stream.indirect_vreg.scatter [tilespmem:s16], [sflag:$0x3], $0x80, v12, vm0, $0xb8;
	[tilespmem:$0x10400] =	vst v63  }
0x7a: {  	s17 =	simm.s32 $0x6400  }
0x7b: {  	[hbm4b:s4+s3] =	stream.indirect_vreg.scatter [tilespmem:s17], [sflag:$0x3], $0x80, v11, vm0, $0xb8;
	[tilespmem:$0x10400] =	vst v63  }
0x7c: {  	s18 =	simm.s32 $0x6C00  }
0x7d: {  	[hbm4b:s8+s3] =	stream.indirect_vreg.scatter [tilespmem:s18], [sflag:$0x3], $0x80, v11, vm0, $0xb8;
	[tilespmem:$0x10400] =	vst v63  }
0x7e: {  	s19 =	simm.s32 $0x7400  }
0x7f: {  	[hbm4b:s9+s3] =	stream.indirect_vreg.scatter [tilespmem:s19], [sflag:$0x3], $0x80, v11, vm0, $0xb8;
	[tilespmem:$0x10400] =	vst v63  }
0x80: {  	s30 =	simm.s32 $0x7C00  }
0x81: {  	[hbm4b:s10+s3] =	stream.indirect_vreg.scatter [tilespmem:s30], [sflag:$0x3], $0x80, v11, vm0, $0xb8;
	[tilespmem:$0x10400] =	vst v63  }
0x82: {  	v11 =	vld [tilespmem:$0x80];
	_ =	sdelay $0x4  }
0x83: {  	v52 =	vshll.u32 v11, $0x3  }
0x84: {  	v11 =	vand.u32 $0x7, v11;
	v12 =	vand.u32 $0xFFFFFFC0, v52  }
0x85: {  	v11 =	vor.u32 v11, v12  }
0x86: {  	v12 =	vperm.xlane v11, v8;
	_ =	sdelay $0x1  }
0x87: {  	v12 =	vadd.s32 v9, v12;
	_ =	sdelay $0x3  }
0x88: {  	s14 =	simm.s32 $0x8400  }
0x89: {  	[tilespmem:s14], [sflag:$0x2] =	stream.indirect_vreg.gather [hbm4b:s2+s3], $0x80, v12, vm0, $0xb8;
	[tilespmem:$0x10400] =	vst v63  }
0x8a: {  	s15 =	simm.s32 $0x8C00;
	v11 =	vperm.xlane v11, v10  }
0x8b: {  	[tilespmem:s15], [sflag:$0x2] =	stream.indirect_vreg.gather [hbm4b:s5+s3], $0x80, v12, vm0, $0xb8;
	[tilespmem:$0x10400] =	vst v63  }
0x8c: {  	s16 =	simm.s32 $0x9400;
	v11 =	vadd.s32 v9, v11  }
0x8d: {  	[tilespmem:s16], [sflag:$0x2] =	stream.indirect_vreg.gather [hbm4b:s6+s3], $0x80, v12, vm0, $0xb8;
	[tilespmem:$0x10400] =	vst v63  }
0x8e: {  	s17 =	simm.s32 $0x9C00  }
0x8f: {  	[tilespmem:s17], [sflag:$0x2] =	stream.indirect_vreg.gather [hbm4b:s7+s3], $0x80, v12, vm0, $0xb8;
	[tilespmem:$0x10400] =	vst v63  }
0x90: {  	s18 =	simm.s32 $0xA400  }
0x91: {  	[tilespmem:s18], [sflag:$0x2] =	stream.indirect_vreg.gather [hbm4b:s2+s3], $0x80, v11, vm0, $0xb8;
	[tilespmem:$0x10400] =	vst v63  }
0x92: {  	s19 =	simm.s32 $0xAC00  }
0x93: {  	[tilespmem:s19], [sflag:$0x2] =	stream.indirect_vreg.gather [hbm4b:s5+s3], $0x80, v11, vm0, $0xb8;
	[tilespmem:$0x10400] =	vst v63  }
0x94: {  	s20 =	simm.s32 $0xB400  }
0x95: {  	[tilespmem:s20], [sflag:$0x2] =	stream.indirect_vreg.gather [hbm4b:s6+s3], $0x80, v11, vm0, $0xb8;
	[tilespmem:$0x10400] =	vst v63  }
0x96: {  	s21 =	simm.s32 $0xBC00  }
0x97: {  	[tilespmem:s21], [sflag:$0x2] =	stream.indirect_vreg.gather [hbm4b:s7+s3], $0x80, v11, vm0, $0xb8;
	[tilespmem:$0x10400] =	vst v63  }
0x98: {  	v11 =	vld [tilespmem:$0x90];
	_ =	sdelay $0x4  }
0x99: {  	v53 =	vshll.u32 v11, $0x3  }
0x9a: {  	v11 =	vand.u32 $0x7, v11;
	v12 =	vand.u32 $0xFFFFFFC0, v53  }
0x9b: {  	v11 =	vor.u32 v11, v12  }
0x9c: {  	v12 =	vperm.xlane v11, v8;
	_ =	sdelay $0x1  }
0x9d: {  	v12 =	vadd.s32 v9, v12;
	_ =	sdelay $0x3  }
0x9e: {  	s22 =	simm.s32 $0xC400  }
0x9f: {  	[tilespmem:s22], [sflag:$0x2] =	stream.indirect_vreg.gather [hbm4b:s2+s3], $0x80, v12, vm0, $0xb8;
	[tilespmem:$0x10400] =	vst v63  }
0xa0: {  	s24 =	simm.s32 $0xCC00;
	v11 =	vperm.xlane v11, v10  }
0xa1: {  	[tilespmem:s24], [sflag:$0x2] =	stream.indirect_vreg.gather [hbm4b:s5+s3], $0x80, v12, vm0, $0xb8;
	[tilespmem:$0x10400] =	vst v63  }
0xa2: {  	s15 =	simm.s32 $0xD400;
	v11 =	vadd.s32 v9, v11  }
0xa3: {  	[tilespmem:s15], [sflag:$0x2] =	stream.indirect_vreg.gather [hbm4b:s6+s3], $0x80, v12, vm0, $0xb8;
	[tilespmem:$0x10400] =	vst v63  }
0xa4: {  	s16 =	simm.s32 $0xDC00  }
0xa5: {  	[tilespmem:s16], [sflag:$0x2] =	stream.indirect_vreg.gather [hbm4b:s7+s3], $0x80, v12, vm0, $0xb8;
	[tilespmem:$0x10400] =	vst v63  }
0xa6: {  	s17 =	simm.s32 $0xE400  }
0xa7: {  	[tilespmem:s17], [sflag:$0x2] =	stream.indirect_vreg.gather [hbm4b:s2+s3], $0x80, v11, vm0, $0xb8;
	[tilespmem:$0x10400] =	vst v63  }
0xa8: {  	s18 =	simm.s32 $0xEC00  }
0xa9: {  	[tilespmem:s18], [sflag:$0x2] =	stream.indirect_vreg.gather [hbm4b:s5+s3], $0x80, v11, vm0, $0xb8;
	[tilespmem:$0x10400] =	vst v63  }
0xaa: {  	s19 =	simm.s32 $0xF400  }
0xab: {  	[tilespmem:s19], [sflag:$0x2] =	stream.indirect_vreg.gather [hbm4b:s6+s3], $0x80, v11, vm0, $0xb8;
	[tilespmem:$0x10400] =	vst v63  }
0xac: {  	s0 =	simm.s32 $0x2;
	s21 =	simm.s32 $0xFC00  }
0xad: {  	[tilespmem:s21], [sflag:$0x2] =	stream.indirect_vreg.gather [hbm4b:s7+s3], $0x80, v11, vm0, $0xb8;
	[tilespmem:$0x10400] =	vst v63  }
0xae: {  	_ =	swait.ge [sflag:s0], $0x8000  }
0xaf: {  	[sflag:s0] =	ssyncset.done $0x0  }
0xb0: {  	[sflag:s0] =	ssyncadd.s32 $0xFFFF8000  }
0xb1: {  	v11 =	vld [tilespmem:$0x280];
	_ =	sdelay $0x4  }
0xb2: {  	v54 =	vshll.u32 v11, $0x3  }
0xb3: {  	v11 =	vand.u32 $0x7, v11;
	v12 =	vand.u32 $0xFFFFFFC0, v54  }
0xb4: {  	v11 =	vor.u32 v11, v12  }
0xb5: {  	v12 =	vperm.xlane v11, v8;
	_ =	sdelay $0x1  }
0xb6: {  	v12 =	vadd.s32 v9, v12;
	_ =	sdelay $0x3  }
0xb7: {  	s25 =	simm.s32 $0x8400  }
0xb8: {  	[hbm4b:s4+s3] =	stream.indirect_vreg.scatter [tilespmem:s25], [sflag:$0x4], $0x80, v12, vm0, $0xb8;
	[tilespmem:$0x10400] =	vst v63  }
0xb9: {  	s30 =	simm.s32 $0x8C00;
	v11 =	vperm.xlane v11, v10  }
0xba: {  	[hbm4b:s8+s3] =	stream.indirect_vreg.scatter [tilespmem:s30], [sflag:$0x4], $0x80, v12, vm0, $0xb8;
	[tilespmem:$0x10400] =	vst v63  }
0xbb: {  	s1 =	simm.s32 $0x9400;
	v11 =	vadd.s32 v9, v11  }
0xbc: {  	[hbm4b:s9+s3] =	stream.indirect_vreg.scatter [tilespmem:s1], [sflag:$0x4], $0x80, v12, vm0, $0xb8;
	[tilespmem:$0x10400] =	vst v63  }
0xbd: {  	s11 =	simm.s32 $0x9C00  }
0xbe: {  	[hbm4b:s10+s3] =	stream.indirect_vreg.scatter [tilespmem:s11], [sflag:$0x4], $0x80, v12, vm0, $0xb8;
	[tilespmem:$0x10400] =	vst v63  }
0xbf: {  	s13 =	simm.s32 $0xA400  }
0xc0: {  	[hbm4b:s4+s3] =	stream.indirect_vreg.scatter [tilespmem:s13], [sflag:$0x4], $0x80, v11, vm0, $0xb8;
	[tilespmem:$0x10400] =	vst v63  }
0xc1: {  	s12 =	simm.s32 $0xAC00  }
0xc2: {  	[hbm4b:s8+s3] =	stream.indirect_vreg.scatter [tilespmem:s12], [sflag:$0x4], $0x80, v11, vm0, $0xb8;
	[tilespmem:$0x10400] =	vst v63  }
0xc3: {  	s14 =	simm.s32 $0xB400  }
0xc4: {  	[hbm4b:s9+s3] =	stream.indirect_vreg.scatter [tilespmem:s14], [sflag:$0x4], $0x80, v11, vm0, $0xb8;
	[tilespmem:$0x10400] =	vst v63  }
0xc5: {  	s20 =	simm.s32 $0xBC00  }
0xc6: {  	[hbm4b:s10+s3] =	stream.indirect_vreg.scatter [tilespmem:s20], [sflag:$0x4], $0x80, v11, vm0, $0xb8;
	[tilespmem:$0x10400] =	vst v63  }
0xc7: {  	v11 =	vld [tilespmem:$0x290];
	_ =	sdelay $0x4  }
0xc8: {  	v55 =	vshll.u32 v11, $0x3  }
0xc9: {  	v11 =	vand.u32 $0x7, v11;
	v12 =	vand.u32 $0xFFFFFFC0, v55  }
0xca: {  	v11 =	vor.u32 v11, v12  }
0xcb: {  	v12 =	vperm.xlane v11, v8;
	_ =	sdelay $0x1  }
0xcc: {  	v12 =	vadd.s32 v9, v12;
	_ =	sdelay $0x3  }
0xcd: {  	s22 =	simm.s32 $0xC400  }
0xce: {  	[hbm4b:s4+s3] =	stream.indirect_vreg.scatter [tilespmem:s22], [sflag:$0x4], $0x80, v12, vm0, $0xb8;
	[tilespmem:$0x10400] =	vst v63  }
0xcf: {  	s24 =	simm.s32 $0xCC00;
	v11 =	vperm.xlane v11, v10  }
0xd0: {  	[hbm4b:s8+s3] =	stream.indirect_vreg.scatter [tilespmem:s24], [sflag:$0x4], $0x80, v12, vm0, $0xb8;
	[tilespmem:$0x10400] =	vst v63  }
0xd1: {  	s15 =	simm.s32 $0xD400;
	v11 =	vadd.s32 v9, v11  }
0xd2: {  	[hbm4b:s9+s3] =	stream.indirect_vreg.scatter [tilespmem:s15], [sflag:$0x4], $0x80, v12, vm0, $0xb8;
	[tilespmem:$0x10400] =	vst v63  }
0xd3: {  	s16 =	simm.s32 $0xDC00  }
0xd4: {  	[hbm4b:s10+s3] =	stream.indirect_vreg.scatter [tilespmem:s16], [sflag:$0x4], $0x80, v12, vm0, $0xb8;
	[tilespmem:$0x10400] =	vst v63  }
0xd5: {  	s17 =	simm.s32 $0xE400  }
0xd6: {  	[hbm4b:s4+s3] =	stream.indirect_vreg.scatter [tilespmem:s17], [sflag:$0x4], $0x80, v11, vm0, $0xb8;
	[tilespmem:$0x10400] =	vst v63  }
0xd7: {  	s18 =	simm.s32 $0xEC00  }
0xd8: {  	[hbm4b:s8+s3] =	stream.indirect_vreg.scatter [tilespmem:s18], [sflag:$0x4], $0x80, v11, vm0, $0xb8;
	[tilespmem:$0x10400] =	vst v63  }
0xd9: {  	s19 =	simm.s32 $0xF400  }
0xda: {  	[hbm4b:s9+s3] =	stream.indirect_vreg.scatter [tilespmem:s19], [sflag:$0x4], $0x80, v11, vm0, $0xb8;
	[tilespmem:$0x10400] =	vst v63  }
0xdb: {  	s21 =	simm.s32 $0xFC00;
	s1 =	simm.s32 $0x3  }
0xdc: {  	[hbm4b:s10+s3] =	stream.indirect_vreg.scatter [tilespmem:s21], [sflag:$0x4], $0x80, v11, vm0, $0xb8;
	[tilespmem:$0x10400] =	vst v63  }
0xdd: {  	_ =	swait.ge [sflag:s1], $0x8000  }
0xde: {  	[sflag:s1] =	ssyncset.done $0x0  }
0xdf: {  	[sflag:s1] =	ssyncadd.s32 $0xFFFF8000  }
0xe0: {  	v11 =	vld [tilespmem:$0x100];
	_ =	sdelay $0x4  }
0xe1: {  	v56 =	vshll.u32 v11, $0x3  }
0xe2: {  	v11 =	vand.u32 $0x7, v11;
	v12 =	vand.u32 $0xFFFFFFC0, v56  }
0xe3: {  	v11 =	vor.u32 v11, v12  }
0xe4: {  	v12 =	vperm.xlane v11, v8;
	_ =	sdelay $0x1  }
0xe5: {  	v12 =	vadd.s32 v9, v12;
	_ =	sdelay $0x4  }
0xe6: {  	[tilespmem:s29], [sflag:$0x1] =	stream.indirect_vreg.gather [hbm4b:s2+s3], $0x80, v12, vm0, $0xb8;
	[tilespmem:$0x10400] =	vst v63  }
0xe7: {  	v11 =	vperm.xlane v11, v10  }
0xe8: {  	[tilespmem:s31], [sflag:$0x1] =	stream.indirect_vreg.gather [hbm4b:s5+s3], $0x80, v12, vm0, $0xb8;
	[tilespmem:$0x10400] =	vst v63  }
0xe9: {  	s13 =	simm.s32 $0x1400;
	v11 =	vadd.s32 v9, v11  }
0xea: {  	[tilespmem:s13], [sflag:$0x1] =	stream.indirect_vreg.gather [hbm4b:s6+s3], $0x80, v12, vm0, $0xb8;
	[tilespmem:$0x10400] =	vst v63  }
0xeb: {  	s21 =	simm.s32 $0x1C00  }
0xec: {  	[tilespmem:s21], [sflag:$0x1] =	stream.indirect_vreg.gather [hbm4b:s7+s3], $0x80, v12, vm0, $0xb8;
	[tilespmem:$0x10400] =	vst v63  }
0xed: {  	s24 =	simm.s32 $0x2400  }
0xee: {  	[tilespmem:s24], [sflag:$0x1] =	stream.indirect_vreg.gather [hbm4b:s2+s3], $0x80, v11, vm0, $0xb8;
	[tilespmem:$0x10400] =	vst v63  }
0xef: {  	_ = 	snop  }
0xf0: {  	[tilespmem:s28], [sflag:$0x1] =	stream.indirect_vreg.gather [hbm4b:s5+s3], $0x80, v11, vm0, $0xb8;
	[tilespmem:$0x10400] =	vst v63  }
0xf1: {  	s11 =	simm.s32 $0x3400  }
0xf2: {  	[tilespmem:s11], [sflag:$0x1] =	stream.indirect_vreg.gather [hbm4b:s6+s3], $0x80, v11, vm0, $0xb8;
	[tilespmem:$0x10400] =	vst v63  }
0xf3: {  	s19 =	simm.s32 $0x3C00  }
0xf4: {  	[tilespmem:s19], [sflag:$0x1] =	stream.indirect_vreg.gather [hbm4b:s7+s3], $0x80, v11, vm0, $0xb8;
	[tilespmem:$0x10400] =	vst v63  }
0xf5: {  	v11 =	vld [tilespmem:$0x110];
	_ =	sdelay $0x4  }
0xf6: {  	v57 =	vshll.u32 v11, $0x3  }
0xf7: {  	v11 =	vand.u32 $0x7, v11;
	v12 =	vand.u32 $0xFFFFFFC0, v57  }
0xf8: {  	v11 =	vor.u32 v11, v12  }
0xf9: {  	v12 =	vperm.xlane v11, v8;
	_ =	sdelay $0x1  }
0xfa: {  	v12 =	vadd.s32 v9, v12;
	_ =	sdelay $0x3  }
0xfb: {  	s20 =	simm.s32 $0x4400  }
0xfc: {  	[tilespmem:s20], [sflag:$0x1] =	stream.indirect_vreg.gather [hbm4b:s2+s3], $0x80, v12, vm0, $0xb8;
	[tilespmem:$0x10400] =	vst v63  }
0xfd: {  	s22 =	simm.s32 $0x4C00;
	v11 =	vperm.xlane v11, v10  }
0xfe: {  	[tilespmem:s22], [sflag:$0x1] =	stream.indirect_vreg.gather [hbm4b:s5+s3], $0x80, v12, vm0, $0xb8;
	[tilespmem:$0x10400] =	vst v63  }
0xff: {  	s12 =	simm.s32 $0x5400;
	v11 =	vadd.s32 v9, v11  }
0x100: {  	[tilespmem:s12], [sflag:$0x1] =	stream.indirect_vreg.gather [hbm4b:s6+s3], $0x80, v12, vm0, $0xb8;
	[tilespmem:$0x10400] =	vst v63  }
0x101: {  	s14 =	simm.s32 $0x5C00  }
0x102: {  	[tilespmem:s14], [sflag:$0x1] =	stream.indirect_vreg.gather [hbm4b:s7+s3], $0x80, v12, vm0, $0xb8;
	[tilespmem:$0x10400] =	vst v63  }
0x103: {  	s15 =	simm.s32 $0x6400  }
0x104: {  	[tilespmem:s15], [sflag:$0x1] =	stream.indirect_vreg.gather [hbm4b:s2+s3], $0x80, v11, vm0, $0xb8;
	[tilespmem:$0x10400] =	vst v63  }
0x105: {  	s16 =	simm.s32 $0x6C00  }
0x106: {  	[tilespmem:s16], [sflag:$0x1] =	stream.indirect_vreg.gather [hbm4b:s5+s3], $0x80, v11, vm0, $0xb8;
	[tilespmem:$0x10400] =	vst v63  }
0x107: {  	s17 =	simm.s32 $0x7400  }
0x108: {  	[tilespmem:s17], [sflag:$0x1] =	stream.indirect_vreg.gather [hbm4b:s6+s3], $0x80, v11, vm0, $0xb8;
	[tilespmem:$0x10400] =	vst v63  }
0x109: {  	s18 =	simm.s32 $0x7C00  }
0x10a: {  	[tilespmem:s18], [sflag:$0x1] =	stream.indirect_vreg.gather [hbm4b:s7+s3], $0x80, v11, vm0, $0xb8;
	[tilespmem:$0x10400] =	vst v63  }
0x10b: {  	_ =	swait.ge [sflag:s26], $0x8000  }
0x10c: {  	[sflag:s26] =	ssyncset.done $0x0  }
0x10d: {  	[sflag:s26] =	ssyncadd.s32 $0xFFFF8000  }
0x10e: {  	v11 =	vld [tilespmem:$0x300];
	_ =	sdelay $0x4  }
0x10f: {  	v58 =	vshll.u32 v11, $0x3  }
0x110: {  	v11 =	vand.u32 $0x7, v11;
	v12 =	vand.u32 $0xFFFFFFC0, v58  }
0x111: {  	v11 =	vor.u32 v11, v12  }
0x112: {  	v12 =	vperm.xlane v11, v8;
	_ =	sdelay $0x1  }
0x113: {  	v12 =	vadd.s32 v9, v12;
	_ =	sdelay $0x4  }
0x114: {  	[hbm4b:s4+s3] =	stream.indirect_vreg.scatter [tilespmem:s29], [sflag:$0x3], $0x80, v12, vm0, $0xb8;
	[tilespmem:$0x10400] =	vst v63  }
0x115: {  	v11 =	vperm.xlane v11, v10  }
0x116: {  	[hbm4b:s8+s3] =	stream.indirect_vreg.scatter [tilespmem:s31], [sflag:$0x3], $0x80, v12, vm0, $0xb8;
	[tilespmem:$0x10400] =	vst v63  }
0x117: {  	v11 =	vadd.s32 v9, v11  }
0x118: {  	[hbm4b:s9+s3] =	stream.indirect_vreg.scatter [tilespmem:s13], [sflag:$0x3], $0x80, v12, vm0, $0xb8;
	[tilespmem:$0x10400] =	vst v63  }
0x119: {  	_ = 	snop  }
0x11a: {  	[hbm4b:s10+s3] =	stream.indirect_vreg.scatter [tilespmem:s21], [sflag:$0x3], $0x80, v12, vm0, $0xb8;
	[tilespmem:$0x10400] =	vst v63  }
0x11b: {  	_ = 	snop  }
0x11c: {  	[hbm4b:s4+s3] =	stream.indirect_vreg.scatter [tilespmem:s24], [sflag:$0x3], $0x80, v11, vm0, $0xb8;
	[tilespmem:$0x10400] =	vst v63  }
0x11d: {  	_ = 	snop  }
0x11e: {  	[hbm4b:s8+s3] =	stream.indirect_vreg.scatter [tilespmem:s28], [sflag:$0x3], $0x80, v11, vm0, $0xb8;
	[tilespmem:$0x10400] =	vst v63  }
0x11f: {  	_ = 	snop  }
0x120: {  	[hbm4b:s9+s3] =	stream.indirect_vreg.scatter [tilespmem:s11], [sflag:$0x3], $0x80, v11, vm0, $0xb8;
	[tilespmem:$0x10400] =	vst v63  }
0x121: {  	_ = 	snop  }
0x122: {  	[hbm4b:s10+s3] =	stream.indirect_vreg.scatter [tilespmem:s19], [sflag:$0x3], $0x80, v11, vm0, $0xb8;
	[tilespmem:$0x10400] =	vst v63  }
0x123: {  	v11 =	vld [tilespmem:$0x310];
	_ =	sdelay $0x4  }
0x124: {  	v59 =	vshll.u32 v11, $0x3  }
0x125: {  	v11 =	vand.u32 $0x7, v11;
	v12 =	vand.u32 $0xFFFFFFC0, v59  }
0x126: {  	v11 =	vor.u32 v11, v12  }
0x127: {  	v12 =	vperm.xlane v11, v8;
	_ =	sdelay $0x1  }
0x128: {  	v12 =	vadd.s32 v9, v12;
	_ =	sdelay $0x4  }
0x129: {  	[hbm4b:s4+s3] =	stream.indirect_vreg.scatter [tilespmem:s20], [sflag:$0x3], $0x80, v12, vm0, $0xb8;
	[tilespmem:$0x10400] =	vst v63  }
0x12a: {  	v11 =	vperm.xlane v11, v10  }
0x12b: {  	[hbm4b:s8+s3] =	stream.indirect_vreg.scatter [tilespmem:s22], [sflag:$0x3], $0x80, v12, vm0, $0xb8;
	[tilespmem:$0x10400] =	vst v63  }
0x12c: {  	v11 =	vadd.s32 v9, v11  }
0x12d: {  	[hbm4b:s9+s3] =	stream.indirect_vreg.scatter [tilespmem:s12], [sflag:$0x3], $0x80, v12, vm0, $0xb8;
	[tilespmem:$0x10400] =	vst v63  }
0x12e: {  	_ = 	snop  }
0x12f: {  	[hbm4b:s10+s3] =	stream.indirect_vreg.scatter [tilespmem:s14], [sflag:$0x3], $0x80, v12, vm0, $0xb8;
	[tilespmem:$0x10400] =	vst v63  }
0x130: {  	_ = 	snop  }
0x131: {  	[hbm4b:s4+s3] =	stream.indirect_vreg.scatter [tilespmem:s15], [sflag:$0x3], $0x80, v11, vm0, $0xb8;
	[tilespmem:$0x10400] =	vst v63  }
0x132: {  	_ = 	snop  }
0x133: {  	[hbm4b:s8+s3] =	stream.indirect_vreg.scatter [tilespmem:s16], [sflag:$0x3], $0x80, v11, vm0, $0xb8;
	[tilespmem:$0x10400] =	vst v63  }
0x134: {  	_ = 	snop  }
0x135: {  	[hbm4b:s9+s3] =	stream.indirect_vreg.scatter [tilespmem:s17], [sflag:$0x3], $0x80, v11, vm0, $0xb8;
	[tilespmem:$0x10400] =	vst v63  }
0x136: {  	s13 =	simm.s32 $0x4  }
0x137: {  	[hbm4b:s10+s3] =	stream.indirect_vreg.scatter [tilespmem:s18], [sflag:$0x3], $0x80, v11, vm0, $0xb8;
	[tilespmem:$0x10400] =	vst v63  }
0x138: {  	_ =	swait.ge [sflag:s13], $0x8000  }
0x139: {  	[sflag:s13] =	ssyncset.done $0x0  }
0x13a: {  	[sflag:s13] =	ssyncadd.s32 $0xFFFF8000  }
0x13b: {  	v11 =	vld [tilespmem:$0x180];
	_ =	sdelay $0x4  }
0x13c: {  	v60 =	vshll.u32 v11, $0x3  }
0x13d: {  	v11 =	vand.u32 $0x7, v11;
	v12 =	vand.u32 $0xFFFFFFC0, v60  }
0x13e: {  	v11 =	vor.u32 v11, v12  }
0x13f: {  	v12 =	vperm.xlane v11, v8;
	_ =	sdelay $0x1  }
0x140: {  	v12 =	vadd.s32 v9, v12;
	_ =	sdelay $0x3  }
0x141: {  	s26 =	simm.s32 $0x8400  }
0x142: {  	[tilespmem:s26], [sflag:$0x2] =	stream.indirect_vreg.gather [hbm4b:s2+s3], $0x80, v12, vm0, $0xb8;
	[tilespmem:$0x10400] =	vst v63  }
0x143: {  	s21 =	simm.s32 $0x8C00;
	v11 =	vperm.xlane v11, v10  }
0x144: {  	[tilespmem:s21], [sflag:$0x2] =	stream.indirect_vreg.gather [hbm4b:s5+s3], $0x80, v12, vm0, $0xb8;
	[tilespmem:$0x10400] =	vst v63  }
0x145: {  	s25 =	simm.s32 $0x9400;
	v11 =	vadd.s32 v9, v11  }
0x146: {  	[tilespmem:s25], [sflag:$0x2] =	stream.indirect_vreg.gather [hbm4b:s6+s3], $0x80, v12, vm0, $0xb8;
	[tilespmem:$0x10400] =	vst v63  }
0x147: {  	s11 =	simm.s32 $0x9C00  }
0x148: {  	[tilespmem:s11], [sflag:$0x2] =	stream.indirect_vreg.gather [hbm4b:s7+s3], $0x80, v12, vm0, $0xb8;
	[tilespmem:$0x10400] =	vst v63  }
0x149: {  	s24 =	simm.s32 $0xA400  }
0x14a: {  	[tilespmem:s24], [sflag:$0x2] =	stream.indirect_vreg.gather [hbm4b:s2+s3], $0x80, v11, vm0, $0xb8;
	[tilespmem:$0x10400] =	vst v63  }
0x14b: {  	s12 =	simm.s32 $0xAC00  }
0x14c: {  	[tilespmem:s12], [sflag:$0x2] =	stream.indirect_vreg.gather [hbm4b:s5+s3], $0x80, v11, vm0, $0xb8;
	[tilespmem:$0x10400] =	vst v63  }
0x14d: {  	s20 =	simm.s32 $0xB400  }
0x14e: {  	[tilespmem:s20], [sflag:$0x2] =	stream.indirect_vreg.gather [hbm4b:s6+s3], $0x80, v11, vm0, $0xb8;
	[tilespmem:$0x10400] =	vst v63  }
0x14f: {  	s30 =	simm.s32 $0xBC00  }
0x150: {  	[tilespmem:s30], [sflag:$0x2] =	stream.indirect_vreg.gather [hbm4b:s7+s3], $0x80, v11, vm0, $0xb8;
	[tilespmem:$0x10400] =	vst v63  }
0x151: {  	v11 =	vld [tilespmem:$0x190];
	_ =	sdelay $0x4  }
0x152: {  	v61 =	vshll.u32 v11, $0x3  }
0x153: {  	v11 =	vand.u32 $0x7, v11;
	v12 =	vand.u32 $0xFFFFFFC0, v61  }
0x154: {  	v11 =	vor.u32 v11, v12  }
0x155: {  	v12 =	vperm.xlane v11, v8;
	_ =	sdelay $0x1  }
0x156: {  	v12 =	vadd.s32 v9, v12;
	_ =	sdelay $0x3  }
0x157: {  	s22 =	simm.s32 $0xC400  }
0x158: {  	[tilespmem:s22], [sflag:$0x2] =	stream.indirect_vreg.gather [hbm4b:s2+s3], $0x80, v12, vm0, $0xb8;
	[tilespmem:$0x10400] =	vst v63  }
0x159: {  	s14 =	simm.s32 $0xCC00;
	v11 =	vperm.xlane v11, v10  }
0x15a: {  	[tilespmem:s14], [sflag:$0x2] =	stream.indirect_vreg.gather [hbm4b:s5+s3], $0x80, v12, vm0, $0xb8;
	[tilespmem:$0x10400] =	vst v63  }
0x15b: {  	s15 =	simm.s32 $0xD400;
	v11 =	vadd.s32 v9, v11  }
0x15c: {  	[tilespmem:s15], [sflag:$0x2] =	stream.indirect_vreg.gather [hbm4b:s6+s3], $0x80, v12, vm0, $0xb8;
	[tilespmem:$0x10400] =	vst v63  }
0x15d: {  	s16 =	simm.s32 $0xDC00  }
0x15e: {  	[tilespmem:s16], [sflag:$0x2] =	stream.indirect_vreg.gather [hbm4b:s7+s3], $0x80, v12, vm0, $0xb8;
	[tilespmem:$0x10400] =	vst v63  }
0x15f: {  	s17 =	simm.s32 $0xE400  }
0x160: {  	[tilespmem:s17], [sflag:$0x2] =	stream.indirect_vreg.gather [hbm4b:s2+s3], $0x80, v11, vm0, $0xb8;
	[tilespmem:$0x10400] =	vst v63  }
0x161: {  	s19 =	simm.s32 $0xEC00  }
0x162: {  	[tilespmem:s19], [sflag:$0x2] =	stream.indirect_vreg.gather [hbm4b:s5+s3], $0x80, v11, vm0, $0xb8;
	[tilespmem:$0x10400] =	vst v63  }
0x163: {  	s18 =	simm.s32 $0xF400  }
0x164: {  	[tilespmem:s18], [sflag:$0x2] =	stream.indirect_vreg.gather [hbm4b:s6+s3], $0x80, v11, vm0, $0xb8;
	[tilespmem:$0x10400] =	vst v63  }
0x165: {  	s31 =	simm.s32 $0xFC00  }
0x166: {  	[tilespmem:s31], [sflag:$0x2] =	stream.indirect_vreg.gather [hbm4b:s7+s3], $0x80, v11, vm0, $0xb8;
	[tilespmem:$0x10400] =	vst v63  }
0x167: {  	_ =	swait.ge [sflag:s0], $0x8000  }
0x168: {  	[sflag:s0] =	ssyncset.done $0x0  }
0x169: {  	[sflag:s0] =	ssyncadd.s32 $0xFFFF8000  }
0x16a: {  	v11 =	vld [tilespmem:$0x380];
	_ =	sdelay $0x4  }
0x16b: {  	v62 =	vshll.u32 v11, $0x3  }
0x16c: {  	v11 =	vand.u32 $0x7, v11;
	v12 =	vand.u32 $0xFFFFFFC0, v62  }
0x16d: {  	v11 =	vor.u32 v11, v12  }
0x16e: {  	v12 =	vperm.xlane v11, v8;
	_ =	sdelay $0x1  }
0x16f: {  	v12 =	vadd.s32 v9, v12;
	_ =	sdelay $0x4  }
0x170: {  	[hbm4b:s4+s3] =	stream.indirect_vreg.scatter [tilespmem:s26], [sflag:$0x4], $0x80, v12, vm0, $0xb8;
	[tilespmem:$0x10400] =	vst v63  }
0x171: {  	v11 =	vperm.xlane v11, v10  }
0x172: {  	[hbm4b:s8+s3] =	stream.indirect_vreg.scatter [tilespmem:s21], [sflag:$0x4], $0x80, v12, vm0, $0xb8;
	[tilespmem:$0x10400] =	vst v63  }
0x173: {  	v11 =	vadd.s32 v9, v11  }
0x174: {  	[hbm4b:s9+s3] =	stream.indirect_vreg.scatter [tilespmem:s25], [sflag:$0x4], $0x80, v12, vm0, $0xb8;
	[tilespmem:$0x10400] =	vst v63  }
0x175: {  	_ = 	snop  }
0x176: {  	[hbm4b:s10+s3] =	stream.indirect_vreg.scatter [tilespmem:s11], [sflag:$0x4], $0x80, v12, vm0, $0xb8;
	[tilespmem:$0x10400] =	vst v63  }
0x177: {  	_ = 	snop  }
0x178: {  	[hbm4b:s4+s3] =	stream.indirect_vreg.scatter [tilespmem:s24], [sflag:$0x4], $0x80, v11, vm0, $0xb8;
	[tilespmem:$0x10400] =	vst v63  }
0x179: {  	_ = 	snop  }
0x17a: {  	[hbm4b:s8+s3] =	stream.indirect_vreg.scatter [tilespmem:s12], [sflag:$0x4], $0x80, v11, vm0, $0xb8;
	[tilespmem:$0x10400] =	vst v63  }
0x17b: {  	_ = 	snop  }
0x17c: {  	[hbm4b:s9+s3] =	stream.indirect_vreg.scatter [tilespmem:s20], [sflag:$0x4], $0x80, v11, vm0, $0xb8;
	[tilespmem:$0x10400] =	vst v63  }
0x17d: {  	_ = 	snop  }
0x17e: {  	[hbm4b:s10+s3] =	stream.indirect_vreg.scatter [tilespmem:s30], [sflag:$0x4], $0x80, v11, vm0, $0xb8;
	[tilespmem:$0x10400] =	vst v63  }
0x17f: {  	v11 =	vld [tilespmem:$0x390];
	_ =	sdelay $0x4  }
0x180: {  	v63 =	vshll.u32 v11, $0x3  }
0x181: {  	v11 =	vand.u32 $0x7, v11;
	v12 =	vand.u32 $0xFFFFFFC0, v63  }
0x182: {  	v11 =	vor.u32 v11, v12  }
0x183: {  	v12 =	vperm.xlane v11, v8;
	_ =	sdelay $0x1  }
0x184: {  	v12 =	vadd.s32 v9, v12;
	_ =	sdelay $0x4  }
0x185: {  	[hbm4b:s4+s3] =	stream.indirect_vreg.scatter [tilespmem:s22], [sflag:$0x4], $0x80, v12, vm0, $0xb8;
	[tilespmem:$0x10400] =	vst v63  }
0x186: {  	v11 =	vperm.xlane v11, v10  }
0x187: {  	[hbm4b:s8+s3] =	stream.indirect_vreg.scatter [tilespmem:s14], [sflag:$0x4], $0x80, v12, vm0, $0xb8;
	[tilespmem:$0x10400] =	vst v63  }
0x188: {  	v11 =	vadd.s32 v9, v11  }
0x189: {  	[hbm4b:s9+s3] =	stream.indirect_vreg.scatter [tilespmem:s15], [sflag:$0x4], $0x80, v12, vm0, $0xb8;
	[tilespmem:$0x10400] =	vst v63  }
0x18a: {  	_ = 	snop  }
0x18b: {  	[hbm4b:s10+s3] =	stream.indirect_vreg.scatter [tilespmem:s16], [sflag:$0x4], $0x80, v12, vm0, $0xb8;
	[tilespmem:$0x10400] =	vst v63  }
0x18c: {  	_ = 	snop  }
0x18d: {  	[hbm4b:s4+s3] =	stream.indirect_vreg.scatter [tilespmem:s17], [sflag:$0x4], $0x80, v11, vm0, $0xb8;
	[tilespmem:$0x10400] =	vst v63  }
0x18e: {  	_ = 	snop  }
0x18f: {  	[hbm4b:s8+s3] =	stream.indirect_vreg.scatter [tilespmem:s19], [sflag:$0x4], $0x80, v11, vm0, $0xb8;
	[tilespmem:$0x10400] =	vst v63  }
0x190: {  	_ = 	snop  }
0x191: {  	[hbm4b:s9+s3] =	stream.indirect_vreg.scatter [tilespmem:s18], [sflag:$0x4], $0x80, v11, vm0, $0xb8;
	[tilespmem:$0x10400] =	vst v63  }
0x192: {  	_ = 	snop  }
0x193: {  	[hbm4b:s10+s3] =	stream.indirect_vreg.scatter [tilespmem:s31], [sflag:$0x4], $0x80, v11, vm0, $0xb8;
	[tilespmem:$0x10400] =	vst v63  }
0x194: {  	p0 =	sne.s32 s23, $0x1;
	_ =	swait.ge [sflag:s1], $0x8000  }
.Ltmp0:
0x195: {  	[sflag:s1] =	ssyncset.done $0x0;
	(pc) =	sbr.rel @p0 .LBB2_1-.Ltmp0, $4  }
0x196: {  	[sflag:s1] =	ssyncadd.s32 $0xFFFF8000  }
0x197: {  	_ =	swait.ge [sflag:s13], $0x8000  }
0x198: {  	[sflag:s13] =	ssyncset.done $0x0  }
0x199: {  	s23 =	sadd.s32 $0xFFFFFFFF, s23;
	[sflag:s13] =	ssyncadd.s32 $0xFFFF8000  }
0x19a: {  	_ =	sfence.sel $0x180000  }
0x19b: {  	[bflag:$0x0] =	sbarrier.arrive $0xFFFF  }
0x19c: {  	_ =	strace $0x90000047  }
0x19d: {  	s0 =	stileid.u32;
	[bflag:$0x2] =	sbarrier.arrive $0xFFFF  }
0x19e: {  	p0 =	sne.s32 s0, $0x0;
	s0 =	rddreg [dreg:$0x2]  }
0x19f: {  	s0 =	sadd.s32 @!p0 $0x100000, s0  }
0x1a0: {  	[sflag:s0] =	ssyncadd.tile.s32 @!p0 $0x1;
	_ =	shalt  }
.Lfunc_end2:
_tile_overlayer_lowered:
.L_overlay_start_2:
0x1a1: {  	(tag) =	ssettag $0x2  }
0x1a2: {  	s0 =	rddreg [dreg:$0x0];
	s2 =	stileid.u32  }
0x1a3: {  	s1 =	rddreg [dreg:$0x1];
	p0 =	sne.s32 s2, $0x0  }
0x1a4: {  	s3 =	rddreg [dreg:$0x2];
	[bflag:$0x3] =	sbarrier.arrive $0xFFFF;
	s2 =	simm.s32 @!p0 $0x1C05  }
0x1a5: {  	[timem:s3], [sflag:s2] =	dma.local @!p0 [hbm:s0], s1  }
0x1a6: {  	s0 =	simm.s32 @!p0 $0x5  }
0x1a7: {  	_ =	swait.ge @!p0 [sflag:s0], s1  }
0x1a8: {  	s1 =	ssub.s32 @!p0 $0x0, s1;
	[sflag:s0] =	ssyncset.done @!p0 $0x0  }
0x1a9: {  	[sflag:s0] =	ssyncadd.s32 @!p0 s1  }
0x1aa: {  	[bflag:$0x3] =	sbarrier.arrive $0xFFFF  }
0x1ab: {  	_ =	shalt  }

// kernel: kernel.9.cloned.1.call-start
scs
__scs_entry_jumppad:
0x0: {  	(pc) =	sbr.rel $0x88, $3  }
0x1: {  	(tag) =	ssettag $0x0;
	lr =	simm.s32 $0x1  }
0x2: {  	[smem:$0x3F9C] =	sst lr;
	_ =	strace $0xD0000000  }
0x3: {  	_ = 	snop  }
0x4: {  	_ = 	snop  }
0x5: {  	_ = 	snop  }
0x6: {  	_ = 	snop  }
0x7: {  	_ = 	snop  }
__scs_overlays_trampoline_lowered:
0x8: {  	[smem:$0x3FAB] =	sst s0  }
0x9: {  	[smem:$0x3FAC] =	sst s1  }
0xa: {  	[smem:$0x3FAD] =	sst s2  }
0xb: {  	[smem:$0x3FAE] =	sst s3  }
0xc: {  	[smem:$0x3FAF] =	sst s4  }
0xd: {  	[smem:$0x3FB0] =	sst s5  }
0xe: {  	[smem:$0x3FB1] =	sst s6  }
0xf: {  	[smem:$0x3FB2] =	sst s7  }
0x10: {  	[smem:$0x3FB3] =	sst s8  }
0x11: {  	[smem:$0x3FB4] =	sst s9;
	s0 =	simm.s32 @!p0 $0x0  }
0x12: {  	s1 =	sld [smem:$0x3F9A];
	s0 =	simm.s32 @p0 $0x1  }
0x13: {  	[smem:$0x3FB5] =	sst s0;
	s0 =	simm.s32 @!p1 $0x0  }
0x14: {  	s2 =	sld [smem:$0x3F99];
	s0 =	simm.s32 @p1 $0x1  }
0x15: {  	[smem:$0x3FB6] =	sst s0;
	s0 =	simm.s32 @!p2 $0x0  }
0x16: {  	s3 =	sld [smem:$0x3FDB];
	s0 =	simm.s32 @p2 $0x1  }
0x17: {  	s4 =	simm.s32 $0x1BF5;
	[smem:$0x3FB8] =	sst s0  }
0x18: {  	s0 =	sld [smem:$0x3F9B];
	_ =	swait.ge [sflag:s4], $0x0  }
0x19: {  	s7 =	sld [smem:$0x3F9C]  }
0x1a: {  	s8 =	sadd.s32 $0xFFFFE003, lr  }
0x1b: {  	s9 =	sadd.s32 $0xFFFFFEF7, lr;
	s5 =	simm.s32 $0xFFFFFFFF;
	p2 =	slt.u32 s8, $0xFFFFF086  }
0x1c: {  	p1 =	slt.u32 s9, $0xF7A;
	s5 =	simm.s32 @!p2 $0x0  }
0x1d: {  	s5 =	simm.s32 @p1 $0x1;
	p0 =	seq.s32 s7, s2  }
0x1e: {  	s7 =	smul.u32 @!p0 $0xF7A, s2;
	p2 =	seq.s32 @!p0 s5, $0x0  }
0x1f: {  	s9 =	smul.u32 $0xF7A, s1;
	s8 =	simm.s32 @!p0 $0x1BF5;
	p2 =	por !p2, p0  }
0x20: {  	[sflag:s8] =	ssyncset.s32 @!p0 $0xFFFFF086;
	s6 =	sadd.s32 @!p0 s3, s7;
	s7 =	simm.s32 @!p0 $0x108  }
0x21: {  	s3 =	sadd.s32 s3, s9;
	s6 =	sadd.s32 @!p0 $0x88, s6;
	s7 =	simm.s32 @p2 $0x1082  }
0x22: {  	[simem:s7], [sflag:s8] =	dma.local @!p0 [hbm:s6], $0xF7A  }
0x23: {  	s9 =	sor.u32 $0xD0000000, s2;
	s6 =	simm.s32 $0x108;
	_ =	swait.ge @!p0 [sflag:s8], $0x0  }
0x24: {  	s3 =	sadd.s32 $0x88, s3;
	s6 =	simm.s32 @!p1 $0x1082;
	[sflag:s4] =	ssyncset.s32 $0xFFFFF086  }
0x25: {  	[simem:s6], [sflag:s4] =	dma.local [hbm:s3], $0xF7A  }
0x26: {  	[smem:$0x3F9C] =	sst s1;
	(tag) =	ssettag s2;
	_ =	strace s9  }
0x27: {  	s1 =	sld [smem:$0x3FAC]  }
0x28: {  	s2 =	sld [smem:$0x3FAD]  }
0x29: {  	s4 =	sld [smem:$0x3FAF]  }
0x2a: {  	p0 =	seq.s32 s5, $0x0;
	s5 =	sld [smem:$0x3FB0]  }
0x2b: {  	s6 =	sld [smem:$0x3FB1]  }
0x2c: {  	s7 =	sld [smem:$0x3FB2]  }
0x2d: {  	s3 =	simm.s32 $0x108;
	s8 =	sld [smem:$0x3FB3]  }
0x2e: {  	s3 =	simm.s32 @!p0 $0x1082;
	s9 =	sld [smem:$0x3FB4]  }
0x2f: {  	lr =	sadd.s32 s0, s3;
	s0 =	sld [smem:$0x3FAB]  }
0x30: {  	s3 =	sld [smem:$0x3FAE]  }
0x31: {  	[smem:$0x3FB7] =	sst s10  }
0x32: {  	s10 =	sld [smem:$0x3FB5];
	_ =	sdelay $0x3  }
0x33: {  	p0 =	seq.s32 s10, $0x1;
	s10 =	sld [smem:$0x3FB7];
	_ =	sdelay $0x3  }
0x34: {  	[smem:$0x3FB7] =	sst s10  }
0x35: {  	s10 =	sld [smem:$0x3FB6];
	_ =	sdelay $0x3  }
0x36: {  	p1 =	seq.s32 s10, $0x1;
	s10 =	sld [smem:$0x3FB7];
	_ =	sdelay $0x3  }
0x37: {  	[smem:$0x3FB7] =	sst s10  }
0x38: {  	s10 =	sld [smem:$0x3FB8]  }
0x39: {  	_ = 	snop;
	(pc) =	sbr.ind lr, $3  }
0x3a: {  	_ = 	snop  }
0x3b: {  	_ = 	snop  }
0x3c: {  	p2 =	seq.s32 s10, $0x1;
	s10 =	sld [smem:$0x3FB7]  }
0x3d: {  	_ =	shalt  }
0x3e: {  	_ =	shalt  }
0x3f: {  	_ =	shalt  }
0x40: {  	_ =	shalt  }
0x41: {  	_ =	shalt  }
0x42: {  	_ =	shalt  }
0x43: {  	_ =	shalt  }
0x44: {  	_ =	shalt  }
0x45: {  	_ =	shalt  }
0x46: {  	_ =	shalt  }
0x47: {  	_ =	shalt  }
0x48: {  	_ =	shalt  }
0x49: {  	_ =	shalt  }
0x4a: {  	_ =	shalt  }
0x4b: {  	_ =	shalt  }
0x4c: {  	_ =	shalt  }
0x4d: {  	_ =	shalt  }
0x4e: {  	_ =	shalt  }
0x4f: {  	_ =	shalt  }
0x50: {  	_ =	shalt  }
0x51: {  	_ =	shalt  }
0x52: {  	_ =	shalt  }
0x53: {  	_ =	shalt  }
0x54: {  	_ =	shalt  }
0x55: {  	_ =	shalt  }
0x56: {  	_ =	shalt  }
0x57: {  	_ =	shalt  }
0x58: {  	_ =	shalt  }
0x59: {  	_ =	shalt  }
0x5a: {  	_ =	shalt  }
0x5b: {  	_ =	shalt  }
0x5c: {  	_ =	shalt  }
0x5d: {  	_ =	shalt  }
0x5e: {  	_ =	shalt  }
0x5f: {  	_ =	shalt  }
0x60: {  	_ =	shalt  }
0x61: {  	_ =	shalt  }
0x62: {  	_ =	shalt  }
0x63: {  	_ =	shalt  }
0x64: {  	_ =	shalt  }
0x65: {  	_ =	shalt  }
0x66: {  	_ =	shalt  }
0x67: {  	_ =	shalt  }
0x68: {  	_ =	shalt  }
0x69: {  	_ =	shalt  }
0x6a: {  	_ =	shalt  }
0x6b: {  	_ =	shalt  }
0x6c: {  	_ =	shalt  }
0x6d: {  	_ =	shalt  }
0x6e: {  	_ =	shalt  }
0x6f: {  	_ =	shalt  }
0x70: {  	_ =	shalt  }
0x71: {  	_ =	shalt  }
0x72: {  	_ =	shalt  }
0x73: {  	_ =	shalt  }
0x74: {  	_ =	shalt  }
0x75: {  	_ =	shalt  }
0x76: {  	_ =	shalt  }
0x77: {  	_ =	shalt  }
0x78: {  	_ =	shalt  }
0x79: {  	_ =	shalt  }
0x7a: {  	_ =	shalt  }
0x7b: {  	_ =	shalt  }
0x7c: {  	_ =	shalt  }
0x7d: {  	_ =	shalt  }
0x7e: {  	_ =	shalt  }
0x7f: {  	_ =	shalt  }
0x80: {  	_ =	shalt  }
0x81: {  	_ =	shalt  }
0x82: {  	_ =	shalt  }
0x83: {  	_ =	shalt  }
0x84: {  	_ =	shalt  }
0x85: {  	_ =	shalt  }
0x86: {  	_ =	shalt  }
0x87: {  	_ =	shalt  }
.Lfunc_end0:
.L_simem_size_0:
called_computation.1_lowered:
.L_overlay_start_0:
0x88: {  	s2 =	sld [smem:$0x3FD9]  }
0x89: {  	s3 =	sld [smem:$0x3FFE];
	_ =	sdelay $0x1  }
0x8a: {  	s1 =	srdreg.scid  }
0x8b: {  	s0 =	sand.u32 $0x1, s1  }
0x8c: {  	s14 =	sshll.u32 s0, $0xA;
	s2 =	sadd.s32 s3, s2  }
0x8d: {  	s2 =	sadd.s32 s2, s14  }
0x8e: {  	[smem:$0x3FC3] =	sst s2  }
0x8f: {  	_ = 	snop  }
0x90: {  	s2 =	sld [smem:$0x3FD0];
	_ =	sdelay $0x2  }
0x91: {  	s15 =	simm.s32 $0xA;
	s4 =	simm.s32 $0x10  }
0x92: {  	[smem:s4], [sflag:s15] =	dma.local [hbm:s2], $0x1  }
0x93: {  	_ =	swait.eq [sflag:s15], $0x1  }
0x94: {  	[sflag:s15] =	ssyncset.done $0x0  }
0x95: {  	[sflag:s15] =	ssyncadd.s32 $0xFFFFFFFF  }
0x96: {  	s16 =	sld [smem:$0x10];
	(tm) =	ssettm $0x1  }
0x97: {  	s17 =	sld [smem:$0x3FFB];
	_ =	sdelay $0x3  }
0x98: {  	_ =	strace s17  }
0x99: {  	s3 =	sld [smem:$0x3FFC];
	_ =	sdelay $0x3  }
0x9a: {  	_ =	strace s3  }
0x9b: {  	s3 =	sld [smem:$0x3FFD];
	_ =	sdelay $0x3  }
0x9c: {  	_ =	strace s3  }
0x9d: {  	_ =	strace $0x8FFFFFFF  }
0x9e: {  	s18 =	sld [smem:$0x3FDB];
	_ =	sdelay $0x1  }
0x9f: {  	s19 =	simm.s32 $_scs_section_size  }
0xa0: {  	s5 =	simm.s32 $_size__tile_overlayer_lowered;
	s6 =	simm.s32 $_tile_overlayer_lowered  }
0xa1: {  	s22 =	simm.s32 $0x1BFF;
	s21 =	sshll.u32 s6, $0x1;
	s3 =	sadd.s32 s19, s18  }
0xa2: {  	s7 =	simm.s32 $0x0;
	s20 =	sshll.u32 s5, $0x1;
	s5 =	sadd.s32 s21, s3  }
0xa3: {  	[timem:s7], [sflag:s22] =	dma.local [hbm:s5], s20  }
0xa4: {  	_ =	swait.ge [sflag:s22], s20  }
0xa5: {  	s4 =	ssub.s32 $0x0, s20;
	[sflag:s22] =	ssyncset.done $0x0  }
0xa6: {  	[sflag:s22] =	ssyncadd.s32 s4;
	_ =	sdelay $0x1  }
0xa7: {  	s23 =	simm.s32 $0x1B8B  }
0xa8: {  	_ =	swait.ge [sflag:s23], $0x1  }
0xa9: {  	[sflag:s23] =	ssyncset.done $0x0  }
0xaa: {  	s25 =	simm.s32 $0x1B8E;
	s24 =	sld [smem:$0x3FFE];
	[sflag:s23] =	ssyncadd.s32 $0xFFFFFFFF  }
0xab: {  	s26 =	simm.s32 $execute0_lowered;
	[smem:$0x3FD2] =	sst s25  }
0xac: {  	s5 =	sshll.u32 s26, $0x1;
	_ =	strace $0x80000049;
	[dreg:$0x1] =	wrdreg $0xFFFFFFFF  }
0xad: {  	s28 =	simm.s32 $_size_execute0_lowered;
	s3 =	sadd.s32 s3, s5;
	[dreg:$0x0] =	wrdreg $0x0  }
0xae: {  	s5 =	sshll.u32 s28, $0x1;
	[dreg:$0x2] =	wrdreg s3  }
0xaf: {  	[dreg:$0x3] =	wrdreg s5  }
0xb0: {  	[dreg:$0x4] =	wrdreg $0xC0  }
0xb1: {  	_ =	task [dreg:s7], $0x5FFFF  }
0xb2: {  	[dreg:$0x1] =	wrdreg $0xFFFFFFFF  }
0xb3: {  	[dreg:$0x0] =	wrdreg $0x60  }
0xb4: {  	[dreg:$0x2] =	wrdreg s24  }
0xb5: {  	[dreg:$0x3] =	wrdreg s16  }
0xb6: {  	[dreg:$0x4] =	wrdreg $0x9  }
0xb7: {  	_ =	task.clear_ibuf [dreg:s7], $0x5FFFF;
	_ =	strace $0x90000049  }
0xb8: {  	s29 =	simm.s32 $0x9;
	_ =	strace $0x8000004B  }
0xb9: {  	_ =	swait.ge [sflag:s29], $0x1  }
0xba: {  	[sflag:s29] =	ssyncadd.s32 $0xFFFFFFFF  }
0xbb: {  	_ =	strace $0x9000004B  }
0xbc: {  	_ =	sfence  }
0xbd: {  	s30 =	sld [smem:$0x0];
	_ =	sdelay $0x2  }
0xbe: {  	s31 =	sshll.u32 s1, $0xD;
	s1 =	sshrl.u32 s1, $0x2  }
0xbf: {  	s3 =	sand.u32 $0x4000, s31;
	s1 =	sadd.s32 s1, s30  }
0xc0: {  	s0 =	sor.u32 s3, s0;
	s1 =	sshll.u32 s1, $0x11  }
0xc1: {  	s0 =	sor.u32 s1, s0  }
0xc2: {  	s0 =	sadd.s32 $0x8F2B, s0  }
0xc3: {  	[sflag:s0] =	ssyncadd.remote.s32 $0x1  }
0xc4: {  	_ =	sfence.sel $0xFFFF  }
0xc5: {  	[dreg:$0x0] =	wrdreg $0xFFFFFFFF;
	(pc) =	sbr.abs _section_cstart, $3  }
0xc6: {  	[dreg:$0x1] =	wrdreg $0xFFFFFFFF  }
0xc7: {  	_ =	task.clear_ibuf [dreg:s7], $0x2FFFF;
	_ =	strace $0x9FFFFFFF  }
0xc8: {  	(tm) =	ssettm $0x7FFFFFFF  }
0xc9: {  	_ =	shalt  }
tec
execute0_lowered:
.L_overlay_start_1:
0x0: {  	(tag) =	ssettag $0x1  }
0x1: {  	s0 =	rddreg [dreg:$0x0]  }
0x2: {  	s1 =	rddreg [dreg:$0x1]  }
0x3: {  	s2 =	srdreg.scid;
	s3 =	stileid.u32  }
0x4: {  	s16 =	simm.s32 $0x3;
	s28 =	simm.s32 $0xDA00;
	s29 =	simm.s32 $0xE200  }
0x5: {  	s13 =	simm.s32 $0xEA00;
	s30 =	simm.s32 $0xF200;
	s31 =	simm.s32 $0xFA00  }
0x6: {  	s14 =	simm.s32 $0x2;
	s15 =	simm.s32 $0x0;
	s4 =	sand.u32 $0x1, s2  }
0x7: {  	s2 =	simm.s32 $0x0;
	s3 =	sshll.u32 s3, $0x7;
	s7 =	sadd.s32 $0x11600, s0  }
0x8: {  	s12 =	sadd.s32 $0x111B00, s0;
	s5 =	sshll.u32 s4, $0x6;
	[smem:$0x7FF] =	sst s2  }
0x9: {  	s8 =	ssub.s32 $0x2, s4;
	s5 =	sor.u32 s5, s3;
	_ =	strace $0x8000004A  }
0xa: {  	s3 =	sadd.s32 $0x111800, s0;
	s10 =	sshrl.u32 s8, $0x1;
	s6 =	sshll.u32 s5, $0x4  }
0xb: {  	s20 =	sshrl.u32 s5, $0x3;
	s9 =	sor.u32 $0x20, s5;
	s8 =	ssub.s32 s8, s10  }
0xc: {  	s10 =	sadd.s32 $0x111900, s0;
	s5 =	sshll.u32 s5, $0x7;
	s6 =	sadd.s32 s6, s0  }
0xd: {  	s4 =	sadd.s32 s7, s20;
	s11 =	sshrl.u32 s9, $0x3;
	s24 =	sadd.s32 s1, s5  }
0xe: {  	s25 =	sshll.u32 s9, $0x7;
	s26 =	smax.u32 s8, $0x1;
	[dreg:$0x8] =	wrdreg s24  }
0xf: {  	s5 =	simm.s32 $0x1;
	s21 =	sadd.s32 $0x100, s4;
	[dreg:$0xa] =	wrdreg s26  }
0x10: {  	s8 =	simm.s32 $0xAA00;
	s7 =	sadd.s32 s7, s11;
	[dreg:$0x3] =	wrdreg s21  }
0x11: {  	s9 =	simm.s32 $0xBA00;
	s22 =	sadd.s32 $0x104, s4;
	[dreg:$0x4] =	wrdreg s7  }
0x12: {  	v2 =	vlaneseq.u32;
	s23 =	sadd.s32 $0x1600, s6;
	s6 =	sadd.s32 $0x9600, s6;
	[dreg:$0x5] =	wrdreg s22  }
0x13: {  	v0 =	vand.u32 $0x7, v2;
	v1 =	vshrl.u32 v2, $0x3;
	s11 =	sadd.s32 $0x111A00, s0;
	s0 =	sadd.s32 s1, s25;
	[dreg:$0x6] =	wrdreg s23  }
0x14: {  	v63 =	vor.u32 $0x8, v2;
	v62 =	vmul.u32 $0x8, v1;
	[tilespmem:$0x1FFD0] =	vst v0;
	s24 =	simm.s32 $0xC200;
	s25 =	simm.s32 $0xCA00;
	[dreg:$0x7] =	wrdreg s6  }
0x15: {  	[tilespmem:$0x1FFF0] =	vst v63;
	s26 =	simm.s32 $0xD200;
	[dreg:$0x9] =	wrdreg s0;
	s7 =	simm.s32 $0x9A00  }
0x16: {  	vm0 =	vmmov $0xffff;
	[tilespmem:$0x1FFE0] =	vst v62;
	s22 =	simm.s32 $0xA200;
	s23 =	simm.s32 $0xB200;
	s0 =	simm.s32 $0x10200  }
.LBB2_1:
0x17: {  	[tilespmem:s2], [sflag:$0x3] =	stream.linear.gather [hbm4b:s4+s2], $0x20, $0x38;
	[tilespmem:$0x1C200] =	vst v63  }
0x18: {  	_ =	swait.ge [sflag:s16], $0x20  }
0x19: {  	[sflag:s16] =	ssyncset.done $0x0  }
0x1a: {  	s6 =	simm.s32 $0x100;
	s1 =	rddreg [dreg:$0x3];
	[sflag:s16] =	ssyncadd.s32 $0xFFFFFFE0  }
0x1b: {  	[tilespmem:s6], [sflag:$0x3] =	stream.linear.gather [hbm4b:s1+s2], $0x20, $0x38;
	[tilespmem:$0x1C200] =	vst v63  }
0x1c: {  	_ =	swait.ge [sflag:s16], $0x20  }
0x1d: {  	[sflag:s16] =	ssyncset.done $0x0  }
0x1e: {  	s19 =	simm.s32 $0x80;
	s18 =	rddreg [dreg:$0x4];
	[sflag:s16] =	ssyncadd.s32 $0xFFFFFFE0  }
0x1f: {  	[tilespmem:s19], [sflag:$0x3] =	stream.linear.gather [hbm4b:s18+s2], $0x20, $0x38;
	[tilespmem:$0x1C200] =	vst v63  }
0x20: {  	_ =	swait.ge [sflag:s16], $0x20  }
0x21: {  	[sflag:s16] =	ssyncset.done $0x0  }
0x22: {  	s21 =	simm.s32 $0x180;
	s20 =	rddreg [dreg:$0x5];
	[sflag:s16] =	ssyncadd.s32 $0xFFFFFFE0  }
0x23: {  	[tilespmem:s21], [sflag:$0x3] =	stream.linear.gather [hbm4b:s20+s2], $0x20, $0x38;
	[tilespmem:$0x1C200] =	vst v63  }
0x24: {  	_ =	swait.ge [sflag:s16], $0x20  }
0x25: {  	[sflag:s16] =	ssyncset.done $0x0  }
0x26: {  	s1 =	simm.s32 $0x18200;
	s17 =	rddreg [dreg:$0x6];
	[sflag:s16] =	ssyncadd.s32 $0xFFFFFFE0  }
0x27: {  	[tilespmem:s1], [sflag:$0x3] =	stream.linear.gather [hbm4b:s17+s2], $0x2000, $0x38;
	[tilespmem:$0x1C200] =	vst v63  }
0x28: {  	_ =	swait.ge [sflag:s16], $0x2000  }
0x29: {  	[sflag:s16] =	ssyncset.done $0x0  }
0x2a: {  	s17 =	simm.s32 $0x1A200;
	s18 =	rddreg [dreg:$0x7];
	[sflag:s16] =	ssyncadd.s32 $0xFFFFE000  }
0x2b: {  	[tilespmem:s17], [sflag:$0x3] =	stream.linear.gather [hbm4b:s18+s2], $0x2000, $0x38;
	[tilespmem:$0x1C200] =	vst v63  }
0x2c: {  	_ =	swait.ge [sflag:s16], $0x2000  }
0x2d: {  	[sflag:s16] =	ssyncset.done $0x0  }
0x2e: {  	[sflag:s16] =	ssyncadd.s32 $0xFFFFE000  }
0x2f: {  	v3 =	vld [tilespmem:$0x0];
	_ =	sdelay $0x2  }
0x30: {  	v0 =	vld [tilespmem:$0x1FFD0];
	_ =	sdelay $0x1  }
0x31: {  	v1 =	vld [tilespmem:$0x1FFE0];
	v4 =	vshll.u32 v3, $0x3  }
0x32: {  	v3 =	vand.u32 $0x7, v3;
	v4 =	vand.u32 $0xFFFFFFC0, v4  }
0x33: {  	v3 =	vor.u32 v3, v4  }
0x34: {  	v4 =	vperm.xlane v3, v0;
	_ =	sdelay $0x1  }
0x35: {  	v4 =	vadd.s32 v1, v4  }
0x36: {  	v2 =	vld [tilespmem:$0x1FFF0];
	_ =	sdelay $0x2  }
0x37: {  	s19 =	simm.s32 $0x200  }
0x38: {  	[tilespmem:s19], [sflag:$0x1] =	stream.indirect_vreg.gather [hbm4b:s3+s2], $0x80, v4, vm0, $0xb8;
	[tilespmem:$0x1C200] =	vst v63  }
0x39: {  	s20 =	simm.s32 $0xA00;
	v3 =	vperm.xlane v3, v2  }
0x3a: {  	[tilespmem:s20], [sflag:$0x1] =	stream.indirect_vreg.gather [hbm4b:s10+s2], $0x80, v4, vm0, $0xb8;
	[tilespmem:$0x1C200] =	vst v63  }
0x3b: {  	s21 =	simm.s32 $0x1200;
	v3 =	vadd.s32 v1, v3  }
0x3c: {  	[tilespmem:s21], [sflag:$0x1] =	stream.indirect_vreg.gather [hbm4b:s11+s2], $0x80, v4, vm0, $0xb8;
	[tilespmem:$0x1C200] =	vst v63  }
0x3d: {  	s18 =	simm.s32 $0x1A00  }
0x3e: {  	[tilespmem:s18], [sflag:$0x1] =	stream.indirect_vreg.gather [hbm4b:s12+s2], $0x80, v4, vm0, $0xb8;
	[tilespmem:$0x1C200] =	vst v63  }
0x3f: {  	s19 =	simm.s32 $0x2200  }
0x40: {  	[tilespmem:s19], [sflag:$0x1] =	stream.indirect_vreg.gather [hbm4b:s3+s2], $0x80, v3, vm0, $0xb8;
	[tilespmem:$0x1C200] =	vst v63  }
0x41: {  	s20 =	simm.s32 $0x2A00  }
0x42: {  	[tilespmem:s20], [sflag:$0x1] =	stream.indirect_vreg.gather [hbm4b:s10+s2], $0x80, v3, vm0, $0xb8;
	[tilespmem:$0x1C200] =	vst v63  }
0x43: {  	s21 =	simm.s32 $0x3200  }
0x44: {  	[tilespmem:s21], [sflag:$0x1] =	stream.indirect_vreg.gather [hbm4b:s11+s2], $0x80, v3, vm0, $0xb8;
	[tilespmem:$0x1C200] =	vst v63  }
0x45: {  	s18 =	simm.s32 $0x3A00  }
0x46: {  	[tilespmem:s18], [sflag:$0x1] =	stream.indirect_vreg.gather [hbm4b:s12+s2], $0x80, v3, vm0, $0xb8;
	[tilespmem:$0x1C200] =	vst v63  }
0x47: {  	v3 =	vld [tilespmem:$0x10];
	_ =	sdelay $0x4  }
0x48: {  	v60 =	vshll.u32 v3, $0x3  }
0x49: {  	v3 =	vand.u32 $0x7, v3;
	v4 =	vand.u32 $0xFFFFFFC0, v60  }
0x4a: {  	v3 =	vor.u32 v3, v4  }
0x4b: {  	v4 =	vperm.xlane v3, v0;
	_ =	sdelay $0x1  }
0x4c: {  	v4 =	vadd.s32 v1, v4;
	_ =	sdelay $0x3  }
0x4d: {  	s19 =	simm.s32 $0x4200  }
0x4e: {  	[tilespmem:s19], [sflag:$0x1] =	stream.indirect_vreg.gather [hbm4b:s3+s2], $0x80, v4, vm0, $0xb8;
	[tilespmem:$0x1C200] =	vst v63  }
0x4f: {  	s20 =	simm.s32 $0x4A00;
	v3 =	vperm.xlane v3, v2  }
0x50: {  	[tilespmem:s20], [sflag:$0x1] =	stream.indirect_vreg.gather [hbm4b:s10+s2], $0x80, v4, vm0, $0xb8;
	[tilespmem:$0x1C200] =	vst v63  }
0x51: {  	s21 =	simm.s32 $0x5200;
	v3 =	vadd.s32 v1, v3  }
0x52: {  	[tilespmem:s21], [sflag:$0x1] =	stream.indirect_vreg.gather [hbm4b:s11+s2], $0x80, v4, vm0, $0xb8;
	[tilespmem:$0x1C200] =	vst v63  }
0x53: {  	s18 =	simm.s32 $0x5A00  }
0x54: {  	[tilespmem:s18], [sflag:$0x1] =	stream.indirect_vreg.gather [hbm4b:s12+s2], $0x80, v4, vm0, $0xb8;
	[tilespmem:$0x1C200] =	vst v63  }
0x55: {  	s19 =	simm.s32 $0x6200  }
0x56: {  	[tilespmem:s19], [sflag:$0x1] =	stream.indirect_vreg.gather [hbm4b:s3+s2], $0x80, v3, vm0, $0xb8;
	[tilespmem:$0x1C200] =	vst v63  }
0x57: {  	s20 =	simm.s32 $0x6A00  }
0x58: {  	[tilespmem:s20], [sflag:$0x1] =	stream.indirect_vreg.gather [hbm4b:s10+s2], $0x80, v3, vm0, $0xb8;
	[tilespmem:$0x1C200] =	vst v63  }
0x59: {  	s21 =	simm.s32 $0x7200  }
0x5a: {  	[tilespmem:s21], [sflag:$0x1] =	stream.indirect_vreg.gather [hbm4b:s11+s2], $0x80, v3, vm0, $0xb8;
	[tilespmem:$0x1C200] =	vst v63  }
0x5b: {  	s18 =	simm.s32 $0x7A00  }
0x5c: {  	[tilespmem:s18], [sflag:$0x1] =	stream.indirect_vreg.gather [hbm4b:s12+s2], $0x80, v3, vm0, $0xb8;
	[tilespmem:$0x1C200] =	vst v63  }
0x5d: {  	_ =	swait.ge [sflag:s5], $0x8000  }
0x5e: {  	[sflag:s5] =	ssyncset.done $0x0  }
0x5f: {  	[sflag:s5] =	ssyncadd.s32 $0xFFFF8000  }
0x60: {  	v61 =	vld [tilespmem:$0x100];
	_ =	sdelay $0x4  }
0x61: {  	v62 =	vshll.u32 v61, $0x3  }
0x62: {  	v3 =	vand.u32 $0x7, v61;
	v4 =	vand.u32 $0xFFFFFFC0, v62  }
0x63: {  	v3 =	vor.u32 v3, v4  }
0x64: {  	v4 =	vperm.xlane v3, v0;
	_ =	sdelay $0x1  }
0x65: {  	v4 =	vadd.s32 v1, v4;
	_ =	sdelay $0x3  }
0x66: {  	s19 =	simm.s32 $0x8200  }
0x67: {  	[tilespmem:s19], [sflag:$0x2] =	stream.indirect_vreg.gather [hbm4b:s3+s2], $0x80, v4, vm0, $0xb8;
	[tilespmem:$0x1C200] =	vst v63  }
0x68: {  	s20 =	simm.s32 $0x8A00;
	v3 =	vperm.xlane v3, v2  }
0x69: {  	[tilespmem:s20], [sflag:$0x2] =	stream.indirect_vreg.gather [hbm4b:s10+s2], $0x80, v4, vm0, $0xb8;
	[tilespmem:$0x1C200] =	vst v63  }
0x6a: {  	s21 =	simm.s32 $0x9200;
	v3 =	vadd.s32 v1, v3  }
0x6b: {  	[tilespmem:s21], [sflag:$0x2] =	stream.indirect_vreg.gather [hbm4b:s11+s2], $0x80, v4, vm0, $0xb8;
	[tilespmem:$0x1C200] =	vst v63  }
0x6c: {  	_ = 	snop  }
0x6d: {  	[tilespmem:s7], [sflag:$0x2] =	stream.indirect_vreg.gather [hbm4b:s12+s2], $0x80, v4, vm0, $0xb8;
	[tilespmem:$0x1C200] =	vst v63  }
0x6e: {  	_ = 	snop  }
0x6f: {  	[tilespmem:s22], [sflag:$0x2] =	stream.indirect_vreg.gather [hbm4b:s3+s2], $0x80, v3, vm0, $0xb8;
	[tilespmem:$0x1C200] =	vst v63  }
0x70: {  	_ = 	snop  }
0x71: {  	[tilespmem:s8], [sflag:$0x2] =	stream.indirect_vreg.gather [hbm4b:s10+s2], $0x80, v3, vm0, $0xb8;
	[tilespmem:$0x1C200] =	vst v63  }
0x72: {  	_ = 	snop  }
0x73: {  	[tilespmem:s23], [sflag:$0x2] =	stream.indirect_vreg.gather [hbm4b:s11+s2], $0x80, v3, vm0, $0xb8;
	[tilespmem:$0x1C200] =	vst v63  }
0x74: {  	_ = 	snop  }
0x75: {  	[tilespmem:s9], [sflag:$0x2] =	stream.indirect_vreg.gather [hbm4b:s12+s2], $0x80, v3, vm0, $0xb8;
	[tilespmem:$0x1C200] =	vst v63  }
0x76: {  	v3 =	vld [tilespmem:$0x110];
	_ =	sdelay $0x4  }
0x77: {  	v63 =	vshll.u32 v3, $0x3  }
0x78: {  	v3 =	vand.u32 $0x7, v3;
	v4 =	vand.u32 $0xFFFFFFC0, v63  }
0x79: {  	v3 =	vor.u32 v3, v4  }
0x7a: {  	v4 =	vperm.xlane v3, v0;
	_ =	sdelay $0x1  }
0x7b: {  	v4 =	vadd.s32 v1, v4;
	_ =	sdelay $0x4  }
0x7c: {  	[tilespmem:s24], [sflag:$0x2] =	stream.indirect_vreg.gather [hbm4b:s3+s2], $0x80, v4, vm0, $0xb8;
	[tilespmem:$0x1C200] =	vst v63  }
0x7d: {  	v3 =	vperm.xlane v3, v2  }
0x7e: {  	[tilespmem:s25], [sflag:$0x2] =	stream.indirect_vreg.gather [hbm4b:s10+s2], $0x80, v4, vm0, $0xb8;
	[tilespmem:$0x1C200] =	vst v63  }
0x7f: {  	v3 =	vadd.s32 v1, v3  }
0x80: {  	[tilespmem:s26], [sflag:$0x2] =	stream.indirect_vreg.gather [hbm4b:s11+s2], $0x80, v4, vm0, $0xb8;
	[tilespmem:$0x1C200] =	vst v63  }
0x81: {  	_ = 	snop  }
0x82: {  	[tilespmem:s28], [sflag:$0x2] =	stream.indirect_vreg.gather [hbm4b:s12+s2], $0x80, v4, vm0, $0xb8;
	[tilespmem:$0x1C200] =	vst v63  }
0x83: {  	_ = 	snop  }
0x84: {  	[tilespmem:s29], [sflag:$0x2] =	stream.indirect_vreg.gather [hbm4b:s3+s2], $0x80, v3, vm0, $0xb8;
	[tilespmem:$0x1C200] =	vst v63  }
0x85: {  	_ = 	snop  }
0x86: {  	[tilespmem:s13], [sflag:$0x2] =	stream.indirect_vreg.gather [hbm4b:s10+s2], $0x80, v3, vm0, $0xb8;
	[tilespmem:$0x1C200] =	vst v63  }
0x87: {  	_ = 	snop  }
0x88: {  	[tilespmem:s30], [sflag:$0x2] =	stream.indirect_vreg.gather [hbm4b:s11+s2], $0x80, v3, vm0, $0xb8;
	[tilespmem:$0x1C200] =	vst v63  }
0x89: {  	_ = 	snop  }
0x8a: {  	[tilespmem:s31], [sflag:$0x2] =	stream.indirect_vreg.gather [hbm4b:s12+s2], $0x80, v3, vm0, $0xb8;
	[tilespmem:$0x1C200] =	vst v63  }
0x8b: {  	_ =	swait.ge [sflag:s14], $0x8000  }
0x8c: {  	s18 =	simm.s32 $0x0;
	[sflag:s14] =	ssyncset.done $0x0  }
0x8d: {  	s19 =	simm.s32 $0x0;
	s20 =	simm.s32 $0x0;
	[sflag:s14] =	ssyncadd.s32 $0xFFFF8000  }
.LBB2_2:
0x8e: {  	v3 =	vld [tilespmem:s1+$0x0];
	s6 =	sand.u32 $0x6000, s19;
	s21 =	sand.u32 $0x380, s20  }
0x8f: {  	v4 =	vld [tilespmem:s17+$0x0];
	s6 =	sor.u32 s21, s6  }
0x90: {  	v6 =	vld [tilespmem:s6+$0x200]  }
0x91: {  	v7 =	vld [tilespmem:s6+$0x8200]  }
0x92: {  	v10 =	vld [tilespmem:s6+$0x210]  }
0x93: {  	v11 =	vld [tilespmem:s6+$0x8210]  }
0x94: {  	v14 =	vld [tilespmem:s6+$0x220]  }
0x95: {  	v17 =	vld [tilespmem:s6+$0x8220]  }
0x96: {  	v20 =	vld [tilespmem:s6+$0x230]  }
0x97: {  	v21 =	vld [tilespmem:s6+$0x8230]  }
0x98: {  	v26 =	vld [tilespmem:s6+$0x240]  }
0x99: {  	v27 =	vld [tilespmem:s6+$0x8240]  }
0x9a: {  	v28 =	vld [tilespmem:s6+$0x250]  }
0x9b: {  	v29 =	vld [tilespmem:s6+$0x8250]  }
0x9c: {  	v30 =	vld [tilespmem:s6+$0x260]  }
0x9d: {  	v31 =	vld [tilespmem:s6+$0x8260]  }
0x9e: {  	v32 =	vld [tilespmem:s6+$0x270]  }
0x9f: {  	v33 =	vld [tilespmem:s6+$0x8270]  }
0xa0: {  	v34 =	vld [tilespmem:s6+$0x600]  }
0xa1: {  	v35 =	vld [tilespmem:s6+$0x8600]  }
0xa2: {  	v36 =	vld [tilespmem:s6+$0x610]  }
0xa3: {  	v37 =	vld [tilespmem:s6+$0x8610]  }
0xa4: {  	v38 =	vld [tilespmem:s6+$0x620]  }
0xa5: {  	v39 =	vld [tilespmem:s6+$0x8620]  }
0xa6: {  	v40 =	vld [tilespmem:s6+$0x630]  }
0xa7: {  	v41 =	vld [tilespmem:s6+$0x8630]  }
0xa8: {  	v42 =	vld [tilespmem:s6+$0x640]  }
0xa9: {  	v43 =	vld [tilespmem:s6+$0x8640]  }
0xaa: {  	v44 =	vld [tilespmem:s6+$0x650]  }
0xab: {  	v45 =	vld [tilespmem:s6+$0x8650]  }
0xac: {  	v46 =	vld [tilespmem:s6+$0x660]  }
0xad: {  	v47 =	vld [tilespmem:s6+$0x8660]  }
0xae: {  	v48 =	vld [tilespmem:s6+$0x670]  }
0xaf: {  	v49 =	vld [tilespmem:s6+$0x8670]  }
0xb0: {  	v50 =	vld [tilespmem:s6+$0xA00]  }
0xb1: {  	v51 =	vld [tilespmem:s6+$0x8A00]  }
0xb2: {  	v52 =	vld [tilespmem:s6+$0xA10]  }
0xb3: {  	v53 =	vld [tilespmem:s6+$0x8A10]  }
0xb4: {  	v54 =	vld [tilespmem:s6+$0xA20]  }
0xb5: {  	v55 =	vld [tilespmem:s6+$0x8A20]  }
0xb6: {  	v56 =	vld [tilespmem:s6+$0xA30]  }
0xb7: {  	v57 =	vld [tilespmem:s6+$0x8A30]  }
0xb8: {  	v58 =	vld [tilespmem:s6+$0xA40]  }
0xb9: {  	v59 =	vld [tilespmem:s6+$0x8A40]  }
0xba: {  	v60 =	vld [tilespmem:s6+$0xA50]  }
0xbb: {  	v61 =	vld [tilespmem:s6+$0x8A50]  }
0xbc: {  	v62 =	vld [tilespmem:s6+$0xA60]  }
0xbd: {  	v63 =	vld [tilespmem:s6+$0x8A60]  }
0xbe: {  	v5 =	vld [tilespmem:s6+$0xA70]  }
0xbf: {  	v2 =	vld [tilespmem:s6+$0x8A70]  }
0xc0: {  	v24 =	vld [tilespmem:s6+$0xE00]  }
0xc1: {  	v25 =	vld [tilespmem:s6+$0x8E00]  }
0xc2: {  	v22 =	vld [tilespmem:s6+$0xE10]  }
0xc3: {  	v23 =	vld [tilespmem:s6+$0x8E10]  }
0xc4: {  	v18 =	vld [tilespmem:s6+$0xE20]  }
0xc5: {  	v19 =	vld [tilespmem:s6+$0x8E20]  }
0xc6: {  	v15 =	vld [tilespmem:s6+$0xE30]  }
0xc7: {  	v0 =	vld [tilespmem:s6+$0xE60]  }
0xc8: {  	v16 =	vld [tilespmem:s6+$0x8E30]  }
0xc9: {  	v12 =	vld [tilespmem:s6+$0xE40]  }
0xca: {  	v13 =	vld [tilespmem:s6+$0x8E40]  }
0xcb: {  	v8 =	vld [tilespmem:s6+$0xE50];
	v1 =	vmul.f32 v6, v3  }
0xcc: {  	v9 =	vld [tilespmem:s6+$0x8E50];
	[tilespmem:$0x1FFC0] =	vst v0;
	v0 =	vmul.f32 v7, v4;
	v10 =	vmul.f32 v10, v3  }
0xcd: {  	v7 =	vld [tilespmem:s6+$0x8E60];
	v11 =	vmul.f32 v11, v4;
	v14 =	vmul.f32 v14, v3  }
0xce: {  	v6 =	vld [tilespmem:s6+$0xE70];
	v17 =	vmul.f32 v17, v4;
	v20 =	vmul.f32 v20, v3  }
0xcf: {  	v21 =	vmul.f32 v21, v4;
	v26 =	vmul.f32 v26, v3;
	v1 =	vadd.f32 v0, v1;
	v0 =	vld [tilespmem:s6+$0x8E70]  }
0xd0: {  	v5 =	vmul.f32 v5, v3;
	v2 =	vmul.f32 v2, v4;
	v10 =	vadd.f32 v11, v10;
	v11 =	vld [tilespmem:s6+$0x1200]  }
0xd1: {  	v24 =	vmul.f32 v24, v3;
	v25 =	vmul.f32 v25, v4;
	[tilespmem:s6+$0x10200] =	vst v1;
	v1 =	vadd.f32 v17, v14;
	v14 =	vld [tilespmem:s6+$0x9200]  }
0xd2: {  	[tilespmem:s6+$0x10210] =	vst v10;
	v10 =	vadd.f32 v21, v20;
	v21 =	vmul.f32 v28, v3;
	v28 =	vmul.f32 v29, v4;
	v17 =	vld [tilespmem:s6+$0x1210]  }
0xd3: {  	v27 =	vmul.f32 v27, v4;
	v34 =	vmul.f32 v34, v3;
	v2 =	vadd.f32 v2, v5;
	v20 =	vld [tilespmem:s6+$0x9210]  }
0xd4: {  	v35 =	vmul.f32 v35, v4;
	v25 =	vadd.f32 v25, v24;
	[tilespmem:s6+$0x10230] =	vst v10;
	v10 =	vadd.f32 v28, v21;
	v21 =	vld [tilespmem:s6+$0x1220]  }
0xd5: {  	v29 =	vmul.f32 v33, v4;
	[tilespmem:s6+$0x10220] =	vst v1;
	v1 =	vadd.f32 v27, v26;
	v27 =	vmul.f32 v31, v4;
	v31 =	vld [tilespmem:s6+$0x1230]  }
0xd6: {  	[tilespmem:s6+$0x10A70] =	vst v2;
	v26 =	vmul.f32 v30, v3;
	v28 =	vmul.f32 v32, v3;
	v32 =	vld [tilespmem:s6+$0x9230]  }
0xd7: {  	v38 =	vmul.f32 v38, v3;
	[tilespmem:s6+$0x10E00] =	vst v25;
	v30 =	vmul.f32 v15, v3;
	v15 =	vld [tilespmem:s6+$0x1640]  }
0xd8: {  	v39 =	vmul.f32 v39, v4;
	v33 =	vadd.f32 v27, v26;
	v26 =	vld [tilespmem:s6+$0x9220];
	[tilespmem:s6+$0x10250] =	vst v10;
	v10 =	vadd.f32 v29, v28  }
0xd9: {  	[tilespmem:s6+$0x10240] =	vst v1;
	v28 =	vmul.f32 v36, v3;
	v36 =	vmul.f32 v37, v4;
	v37 =	vadd.f32 v35, v34;
	v34 =	vld [tilespmem:s6+$0x9240]  }
0xda: {  	v40 =	vmul.f32 v40, v3;
	v52 =	vmul.f32 v52, v3;
	v35 =	vld [tilespmem:s6+$0x1250];
	[tilespmem:s6+$0x10260] =	vst v33  }
0xdb: {  	v18 =	vmul.f32 v18, v3;
	v27 =	vld [tilespmem:s6+$0x9620];
	[tilespmem:s6+$0x10270] =	vst v10;
	v10 =	vadd.f32 v36, v28;
	v36 =	vmul.f32 v41, v4  }
0xdc: {  	v33 =	vld [tilespmem:s6+$0x1240];
	[tilespmem:s6+$0x10600] =	vst v37;
	v37 =	vadd.f32 v39, v38;
	v38 =	vmul.f32 v42, v3;
	v39 =	vmul.f32 v43, v4  }
0xdd: {  	v41 =	vmul.f32 v45, v4;
	v28 =	vld [tilespmem:s6+$0x1620];
	[tilespmem:s6+$0x10610] =	vst v10;
	v10 =	vadd.f32 v36, v40;
	v40 =	vmul.f32 v44, v3  }
0xde: {  	v43 =	vmul.f32 v46, v3;
	[tilespmem:s6+$0x10620] =	vst v37;
	v42 =	vadd.f32 v39, v38;
	v44 =	vmul.f32 v47, v4;
	v36 =	vld [tilespmem:s6+$0x9250]  }
0xdf: {  	v46 =	vmul.f32 v48, v3;
	v47 =	vmul.f32 v49, v4;
	v37 =	vld [tilespmem:s6+$0x1260];
	[tilespmem:s6+$0x10630] =	vst v10;
	v45 =	vadd.f32 v41, v40  }
0xe0: {  	v49 =	vmul.f32 v50, v3;
	v50 =	vmul.f32 v51, v4;
	v38 =	vld [tilespmem:s6+$0x9260];
	[tilespmem:s6+$0x10640] =	vst v42;
	v48 =	vadd.f32 v44, v43  }
0xe1: {  	v19 =	vmul.f32 v19, v4;
	v39 =	vld [tilespmem:s6+$0x1270];
	v51 =	vadd.f32 v47, v46;
	v44 =	vmul.f32 v53, v4;
	[tilespmem:s6+$0x10650] =	vst v45  }
0xe2: {  	v46 =	vmul.f32 v54, v3;
	v47 =	vmul.f32 v55, v4;
	v40 =	vld [tilespmem:s6+$0x9270];
	[tilespmem:s6+$0x10660] =	vst v48;
	v45 =	vadd.f32 v50, v49  }
0xe3: {  	v41 =	vld [tilespmem:s6+$0x1600];
	v53 =	vmul.f32 v59, v4;
	v55 =	vmul.f32 v60, v3;
	[tilespmem:s6+$0x10670] =	vst v51;
	v48 =	vadd.f32 v44, v52  }
0xe4: {  	v42 =	vld [tilespmem:s6+$0x9600];
	v49 =	vmul.f32 v56, v3;
	v50 =	vmul.f32 v57, v4;
	v51 =	vadd.f32 v47, v46;
	[tilespmem:s6+$0x10A00] =	vst v45  }
0xe5: {  	v43 =	vld [tilespmem:s6+$0x1610];
	v59 =	vmul.f32 v63, v4;
	v52 =	vmul.f32 v58, v3;
	v46 =	vadd.f32 v19, v18;
	[tilespmem:s6+$0x10A10] =	vst v48  }
0xe6: {  	v63 =	vmul.f32 v23, v4;
	v23 =	vld [tilespmem:s6+$0x9630];
	v56 =	vmul.f32 v61, v4;
	v54 =	vadd.f32 v50, v49;
	[tilespmem:s6+$0x10A20] =	vst v51  }
0xe7: {  	v58 =	vmul.f32 v62, v3;
	v44 =	vld [tilespmem:s6+$0x9610];
	v57 =	vadd.f32 v53, v52;
	[tilespmem:s6+$0x10E20] =	vst v46  }
0xe8: {  	v62 =	vmul.f32 v22, v3;
	v22 =	vld [tilespmem:s6+$0x1630];
	v60 =	vadd.f32 v56, v55;
	[tilespmem:s6+$0x10A30] =	vst v54  }
0xe9: {  	v12 =	vmul.f32 v12, v3;
	v13 =	vmul.f32 v13, v4;
	v18 =	vld [tilespmem:s6+$0x1A10];
	v61 =	vadd.f32 v59, v58;
	[tilespmem:s6+$0x10A40] =	vst v57  }
0xea: {  	v25 =	vmul.f32 v34, v4;
	v24 =	vmul.f32 v33, v3;
	v19 =	vld [tilespmem:s6+$0x9A10];
	v29 =	vadd.f32 v63, v62;
	[tilespmem:s6+$0x10A50] =	vst v60  }
0xeb: {  	v45 =	vmul.f32 v16, v4;
	v16 =	vld [tilespmem:s6+$0x9640];
	v48 =	vmul.f32 v8, v3;
	v50 =	vadd.f32 v13, v12;
	[tilespmem:s6+$0x10A60] =	vst v61  }
0xec: {  	v49 =	vmul.f32 v9, v4;
	v9 =	vld [tilespmem:s6+$0x1650];
	v63 =	vmul.f32 v31, v3;
	v31 =	vadd.f32 v25, v24;
	[tilespmem:s6+$0x10E10] =	vst v29  }
0xed: {  	v0 =	vmul.f32 v0, v4;
	v51 =	vld [tilespmem:$0x1FFC0];
	v53 =	vmul.f32 v6, v3;
	v47 =	vadd.f32 v45, v30;
	[tilespmem:s6+$0x10E40] =	vst v50  }
0xee: {  	v12 =	vld [tilespmem:s6+$0x9650];
	v55 =	vmul.f32 v11, v3;
	v56 =	vmul.f32 v14, v4;
	v52 =	vadd.f32 v49, v48;
	[tilespmem:s6+$0x11240] =	vst v31  }
0xef: {  	v6 =	vld [tilespmem:s6+$0x1660];
	v58 =	vmul.f32 v20, v4;
	v20 =	vmul.f32 v32, v4;
	v0 =	vadd.f32 v0, v53;
	[tilespmem:s6+$0x10E30] =	vst v47  }
0xf0: {  	v33 =	vmul.f32 v38, v4;
	v11 =	vld [tilespmem:s6+$0x1670];
	v32 =	vmul.f32 v37, v3;
	v59 =	vadd.f32 v56, v55;
	[tilespmem:s6+$0x10E50] =	vst v52  }
0xf1: {  	v13 =	vld [tilespmem:s6+$0x9670];
	v57 =	vmul.f32 v17, v3;
	v61 =	vmul.f32 v26, v4;
	v26 =	vadd.f32 v20, v63;
	[tilespmem:s6+$0x10E70] =	vst v0  }
0xf2: {  	v7 =	vmul.f32 v7, v4;
	v14 =	vld [tilespmem:s6+$0x1A00];
	v60 =	vmul.f32 v21, v3;
	v37 =	vadd.f32 v33, v32;
	[tilespmem:s6+$0x11200] =	vst v59  }
0xf3: {  	v17 =	vld [tilespmem:s6+$0x9A00];
	v29 =	vmul.f32 v35, v3;
	v30 =	vmul.f32 v36, v4;
	v62 =	vadd.f32 v58, v57;
	[tilespmem:s6+$0x11230] =	vst v26  }
0xf4: {  	v35 =	vmul.f32 v39, v3;
	v36 =	vmul.f32 v40, v4;
	v20 =	vld [tilespmem:s6+$0x1A20];
	v21 =	vadd.f32 v61, v60;
	[tilespmem:s6+$0x11260] =	vst v37  }
0xf5: {  	v38 =	vmul.f32 v41, v3;
	v39 =	vmul.f32 v42, v4;
	v40 =	vld [tilespmem:s6+$0x9A20];
	v34 =	vadd.f32 v30, v29;
	[tilespmem:s6+$0x11210] =	vst v62  }
0xf6: {  	v42 =	vmul.f32 v43, v3;
	v48 =	vld [tilespmem:s6+$0x9A30];
	v43 =	vmul.f32 v44, v4;
	v41 =	vadd.f32 v36, v35;
	[tilespmem:s6+$0x11220] =	vst v21  }
0xf7: {  	v46 =	vmul.f32 v28, v3;
	v56 =	vld [tilespmem:s6+$0x9A40];
	v45 =	vadd.f32 v39, v38;
	v47 =	vmul.f32 v27, v4;
	[tilespmem:s6+$0x11250] =	vst v34  }
0xf8: {  	v63 =	vld [tilespmem:s6+$0x9A50];
	v50 =	vmul.f32 v22, v3;
	v10 =	vmul.f32 v51, v3;
	v49 =	vadd.f32 v43, v42;
	[tilespmem:s6+$0x11270] =	vst v41  }
0xf9: {  	v31 =	vld [tilespmem:s6+$0x9A60];
	v33 =	vmul.f32 v18, v3;
	v51 =	vmul.f32 v23, v4;
	[tilespmem:s6+$0x11600] =	vst v45;
	v53 =	vadd.f32 v47, v46  }
0xfa: {  	v44 =	vld [tilespmem:s6+$0x1A30];
	v58 =	vmul.f32 v9, v3;
	v59 =	vmul.f32 v12, v4;
	v54 =	vadd.f32 v7, v10;
	[tilespmem:s6+$0x11610] =	vst v49  }
0xfb: {  	v52 =	vld [tilespmem:s6+$0x1A40];
	v23 =	vmul.f32 v11, v3;
	v26 =	vmul.f32 v13, v4;
	v57 =	vadd.f32 v51, v50;
	[tilespmem:s6+$0x11620] =	vst v53  }
0xfc: {  	v60 =	vld [tilespmem:s6+$0x1A50];
	v55 =	vmul.f32 v16, v4;
	v34 =	vmul.f32 v19, v4;
	v16 =	vadd.f32 v59, v58;
	[tilespmem:s6+$0x10E60] =	vst v54  }
0xfd: {  	v27 =	vld [tilespmem:s6+$0x1A60];
	v29 =	vmul.f32 v14, v3;
	v30 =	vmul.f32 v17, v4;
	v32 =	vadd.f32 v26, v23;
	[tilespmem:s6+$0x11630] =	vst v57  }
0xfe: {  	v35 =	vld [tilespmem:s6+$0x1A70];
	v37 =	vmul.f32 v20, v3;
	v38 =	vmul.f32 v40, v4;
	v40 =	vadd.f32 v34, v33;
	[tilespmem:s6+$0x11650] =	vst v16  }
0xff: {  	v39 =	vld [tilespmem:s6+$0x9A70];
	v42 =	vmul.f32 v48, v4;
	v41 =	vmul.f32 v44, v3;
	v36 =	vadd.f32 v30, v29;
	[tilespmem:s6+$0x11670] =	vst v32  }
0x100: {  	v10 =	vld [tilespmem:s6+$0x9660];
	v54 =	vmul.f32 v15, v3;
	v43 =	vadd.f32 v38, v37;
	[tilespmem:s6+$0x11A10] =	vst v40  }
0x101: {  	v45 =	vmul.f32 v56, v4;
	v44 =	vmul.f32 v52, v3;
	v46 =	vadd.f32 v42, v41;
	[tilespmem:s6+$0x11A00] =	vst v36  }
0x102: {  	v48 =	vmul.f32 v63, v4;
	v47 =	vmul.f32 v60, v3;
	v61 =	vadd.f32 v55, v54;
	[tilespmem:s6+$0x11A20] =	vst v43  }
0x103: {  	v51 =	vmul.f32 v31, v4;
	v50 =	vmul.f32 v27, v3;
	v49 =	vadd.f32 v45, v44;
	[tilespmem:s6+$0x11A30] =	vst v46  }
0x104: {  	v53 =	vmul.f32 v35, v3;
	v52 =	vadd.f32 v48, v47;
	v54 =	vmul.f32 v39, v4;
	[tilespmem:s6+$0x11640] =	vst v61  }
0x105: {  	v6 =	vmul.f32 v6, v3;
	v55 =	vadd.f32 v51, v50;
	v62 =	vmul.f32 v10, v4;
	[tilespmem:s6+$0x11A40] =	vst v49  }
0x106: {  	s21 =	sand.u32 $0x7, s18;
	[tilespmem:s6+$0x11A50] =	vst v52;
	v56 =	vadd.f32 v54, v53  }
0x107: {  	s21 =	sshll.u32 s21, $0x7;
	[tilespmem:s6+$0x11A60] =	vst v55;
	v28 =	vadd.f32 v62, v6  }
0x108: {  	s21 =	sadd.s32 s21, s19;
	[tilespmem:s6+$0x11A70] =	vst v56  }
0x109: {  	[tilespmem:s6+$0x11660] =	vst v28;
	s6 =	sor.u32 $0x1C00, s21  }
0x10a: {  	v0 =	vld [tilespmem:s6+$0x200]  }
0x10b: {  	v1 =	vld [tilespmem:s6+$0x8200];
	_ =	sdelay $0x4  }
0x10c: {  	v0 =	vmul.f32 v0, v3;
	v1 =	vmul.f32 v1, v4;
	_ =	sdelay $0x1  }
0x10d: {  	v0 =	vadd.f32 v1, v0;
	_ =	sdelay $0x1  }
0x10e: {  	[tilespmem:s6+$0x10200] =	vst v0;
	s6 =	sor.u32 $0x1C10, s21  }
0x10f: {  	v0 =	vld [tilespmem:s6+$0x200]  }
0x110: {  	v57 =	vld [tilespmem:s6+$0x8200];
	_ =	sdelay $0x4  }
0x111: {  	v0 =	vmul.f32 v0, v3;
	v1 =	vmul.f32 v57, v4;
	_ =	sdelay $0x1  }
0x112: {  	v0 =	vadd.f32 v1, v0;
	_ =	sdelay $0x1  }
0x113: {  	[tilespmem:s6+$0x10200] =	vst v0;
	s6 =	sor.u32 $0x1C20, s21  }
0x114: {  	v0 =	vld [tilespmem:s6+$0x200]  }
0x115: {  	v58 =	vld [tilespmem:s6+$0x8200];
	_ =	sdelay $0x4  }
0x116: {  	v0 =	vmul.f32 v0, v3;
	v1 =	vmul.f32 v58, v4;
	_ =	sdelay $0x1  }
0x117: {  	v0 =	vadd.f32 v1, v0;
	_ =	sdelay $0x1  }
0x118: {  	[tilespmem:s6+$0x10200] =	vst v0;
	s6 =	sor.u32 $0x1C30, s21  }
0x119: {  	v0 =	vld [tilespmem:s6+$0x200]  }
0x11a: {  	v59 =	vld [tilespmem:s6+$0x8200];
	_ =	sdelay $0x4  }
0x11b: {  	v0 =	vmul.f32 v0, v3;
	v1 =	vmul.f32 v59, v4;
	_ =	sdelay $0x1  }
0x11c: {  	v0 =	vadd.f32 v1, v0;
	_ =	sdelay $0x1  }
0x11d: {  	[tilespmem:s6+$0x10200] =	vst v0;
	s6 =	sor.u32 $0x1C40, s21  }
0x11e: {  	v0 =	vld [tilespmem:s6+$0x200]  }
0x11f: {  	v60 =	vld [tilespmem:s6+$0x8200];
	_ =	sdelay $0x4  }
0x120: {  	v0 =	vmul.f32 v0, v3;
	v1 =	vmul.f32 v60, v4;
	_ =	sdelay $0x1  }
0x121: {  	v0 =	vadd.f32 v1, v0;
	_ =	sdelay $0x1  }
0x122: {  	[tilespmem:s6+$0x10200] =	vst v0;
	s6 =	sor.u32 $0x1C50, s21  }
0x123: {  	v0 =	vld [tilespmem:s6+$0x200]  }
0x124: {  	v61 =	vld [tilespmem:s6+$0x8200];
	_ =	sdelay $0x4  }
0x125: {  	v0 =	vmul.f32 v0, v3;
	v1 =	vmul.f32 v61, v4;
	_ =	sdelay $0x1  }
0x126: {  	v0 =	vadd.f32 v1, v0;
	_ =	sdelay $0x1  }
0x127: {  	[tilespmem:s6+$0x10200] =	vst v0;
	s6 =	sor.u32 $0x1C60, s21  }
0x128: {  	v0 =	vld [tilespmem:s6+$0x200]  }
0x129: {  	v62 =	vld [tilespmem:s6+$0x8200];
	_ =	sdelay $0x4  }
0x12a: {  	v0 =	vmul.f32 v0, v3;
	v1 =	vmul.f32 v62, v4;
	_ =	sdelay $0x1  }
0x12b: {  	v0 =	vadd.f32 v1, v0;
	_ =	sdelay $0x1  }
0x12c: {  	s21 =	sor.u32 $0x1C70, s21;
	[tilespmem:s6+$0x10200] =	vst v0  }
0x12d: {  	v0 =	vld [tilespmem:s21+$0x200]  }
0x12e: {  	v63 =	vld [tilespmem:s21+$0x8200];
	_ =	sdelay $0x3  }
0x12f: {  	p0 =	sne.s32 s20, $0xF80  }
.Ltmp0:
0x130: {  	v0 =	vmul.f32 v0, v3;
	v1 =	vmul.f32 v63, v4;
	(pc) =	sbr.rel @p0 .LBB2_2-.Ltmp0, $4  }
0x131: {  	_ = 	snop  }
0x132: {  	v0 =	vadd.f32 v1, v0  }
0x133: {  	s1 =	sadd.s32 $0x80, s1;
	s17 =	sadd.s32 $0x80, s17  }
0x134: {  	s20 =	sadd.s32 $0x80, s20;
	s18 =	sadd.s32 $0x1, s18;
	s19 =	sadd.s32 $0x400, s19;
	[tilespmem:s21+$0x10200] =	vst v0  }
0x135: {  	s1 =	simm.s32 $0x0;
	s6 =	rddreg [dreg:$0x8]  }
0x136: {  	[hbm4b:s6+s1] =	stream.linear.scatter [tilespmem:s0], [sflag:$0x3], $0x8000, $0x38;
	[tilespmem:$0x1C200] =	vst v63  }
0x137: {  	_ =	swait.ge [sflag:s16], $0x8000  }
0x138: {  	[sflag:s16] =	ssyncset.done $0x0  }
0x139: {  	[sflag:s16] =	ssyncadd.s32 $0xFFFF8000  }
0x13a: {  	v0 =	vld [tilespmem:$0x80];
	_ =	sdelay $0x2  }
0x13b: {  	v2 =	vld [tilespmem:$0x1FFD0];
	_ =	sdelay $0x1  }
0x13c: {  	v3 =	vld [tilespmem:$0x1FFE0];
	v1 =	vshll.u32 v0, $0x3  }
0x13d: {  	v0 =	vand.u32 $0x7, v0;
	v1 =	vand.u32 $0xFFFFFFC0, v1  }
0x13e: {  	v0 =	vor.u32 v0, v1  }
0x13f: {  	v1 =	vperm.xlane v0, v2;
	_ =	sdelay $0x1  }
0x140: {  	v1 =	vadd.s32 v3, v1  }
0x141: {  	v4 =	vld [tilespmem:$0x1FFF0];
	_ =	sdelay $0x2  }
0x142: {  	s18 =	simm.s32 $0x200  }
0x143: {  	[tilespmem:s18], [sflag:$0x1] =	stream.indirect_vreg.gather [hbm4b:s3+s1], $0x80, v1, vm0, $0xb8;
	[tilespmem:$0x1C200] =	vst v63  }
0x144: {  	s19 =	simm.s32 $0xA00;
	v0 =	vperm.xlane v0, v4  }
0x145: {  	[tilespmem:s19], [sflag:$0x1] =	stream.indirect_vreg.gather [hbm4b:s10+s1], $0x80, v1, vm0, $0xb8;
	[tilespmem:$0x1C200] =	vst v63  }
0x146: {  	s20 =	simm.s32 $0x1200;
	v0 =	vadd.s32 v3, v0  }
0x147: {  	[tilespmem:s20], [sflag:$0x1] =	stream.indirect_vreg.gather [hbm4b:s11+s1], $0x80, v1, vm0, $0xb8;
	[tilespmem:$0x1C200] =	vst v63  }
0x148: {  	s21 =	simm.s32 $0x1A00  }
0x149: {  	[tilespmem:s21], [sflag:$0x1] =	stream.indirect_vreg.gather [hbm4b:s12+s1], $0x80, v1, vm0, $0xb8;
	[tilespmem:$0x1C200] =	vst v63  }
0x14a: {  	s17 =	simm.s32 $0x2200  }
0x14b: {  	[tilespmem:s17], [sflag:$0x1] =	stream.indirect_vreg.gather [hbm4b:s3+s1], $0x80, v0, vm0, $0xb8;
	[tilespmem:$0x1C200] =	vst v63  }
0x14c: {  	s18 =	simm.s32 $0x2A00  }
0x14d: {  	[tilespmem:s18], [sflag:$0x1] =	stream.indirect_vreg.gather [hbm4b:s10+s1], $0x80, v0, vm0, $0xb8;
	[tilespmem:$0x1C200] =	vst v63  }
0x14e: {  	s19 =	simm.s32 $0x3200  }
0x14f: {  	[tilespmem:s19], [sflag:$0x1] =	stream.indirect_vreg.gather [hbm4b:s11+s1], $0x80, v0, vm0, $0xb8;
	[tilespmem:$0x1C200] =	vst v63  }
0x150: {  	s20 =	simm.s32 $0x3A00  }
0x151: {  	[tilespmem:s20], [sflag:$0x1] =	stream.indirect_vreg.gather [hbm4b:s12+s1], $0x80, v0, vm0, $0xb8;
	[tilespmem:$0x1C200] =	vst v63  }
0x152: {  	v0 =	vld [tilespmem:$0x90];
	_ =	sdelay $0x4  }
0x153: {  	v60 =	vshll.u32 v0, $0x3  }
0x154: {  	v0 =	vand.u32 $0x7, v0;
	v1 =	vand.u32 $0xFFFFFFC0, v60  }
0x155: {  	v0 =	vor.u32 v0, v1  }
0x156: {  	v1 =	vperm.xlane v0, v2;
	_ =	sdelay $0x1  }
0x157: {  	v1 =	vadd.s32 v3, v1;
	_ =	sdelay $0x3  }
0x158: {  	s21 =	simm.s32 $0x4200  }
0x159: {  	[tilespmem:s21], [sflag:$0x1] =	stream.indirect_vreg.gather [hbm4b:s3+s1], $0x80, v1, vm0, $0xb8;
	[tilespmem:$0x1C200] =	vst v63  }
0x15a: {  	s17 =	simm.s32 $0x4A00;
	v0 =	vperm.xlane v0, v4  }
0x15b: {  	[tilespmem:s17], [sflag:$0x1] =	stream.indirect_vreg.gather [hbm4b:s10+s1], $0x80, v1, vm0, $0xb8;
	[tilespmem:$0x1C200] =	vst v63  }
0x15c: {  	s18 =	simm.s32 $0x5200;
	v0 =	vadd.s32 v3, v0  }
0x15d: {  	[tilespmem:s18], [sflag:$0x1] =	stream.indirect_vreg.gather [hbm4b:s11+s1], $0x80, v1, vm0, $0xb8;
	[tilespmem:$0x1C200] =	vst v63  }
0x15e: {  	s19 =	simm.s32 $0x5A00  }
0x15f: {  	[tilespmem:s19], [sflag:$0x1] =	stream.indirect_vreg.gather [hbm4b:s12+s1], $0x80, v1, vm0, $0xb8;
	[tilespmem:$0x1C200] =	vst v63  }
0x160: {  	s20 =	simm.s32 $0x6200  }
0x161: {  	[tilespmem:s20], [sflag:$0x1] =	stream.indirect_vreg.gather [hbm4b:s3+s1], $0x80, v0, vm0, $0xb8;
	[tilespmem:$0x1C200] =	vst v63  }
0x162: {  	s21 =	simm.s32 $0x6A00  }
0x163: {  	[tilespmem:s21], [sflag:$0x1] =	stream.indirect_vreg.gather [hbm4b:s10+s1], $0x80, v0, vm0, $0xb8;
	[tilespmem:$0x1C200] =	vst v63  }
0x164: {  	s17 =	simm.s32 $0x7200  }
0x165: {  	[tilespmem:s17], [sflag:$0x1] =	stream.indirect_vreg.gather [hbm4b:s11+s1], $0x80, v0, vm0, $0xb8;
	[tilespmem:$0x1C200] =	vst v63  }
0x166: {  	s18 =	simm.s32 $0x7A00  }
0x167: {  	[tilespmem:s18], [sflag:$0x1] =	stream.indirect_vreg.gather [hbm4b:s12+s1], $0x80, v0, vm0, $0xb8;
	[tilespmem:$0x1C200] =	vst v63  }
0x168: {  	_ =	swait.ge [sflag:s5], $0x8000  }
0x169: {  	[sflag:s5] =	ssyncset.done $0x0  }
0x16a: {  	[sflag:s5] =	ssyncadd.s32 $0xFFFF8000  }
0x16b: {  	v61 =	vld [tilespmem:$0x180];
	_ =	sdelay $0x4  }
0x16c: {  	v62 =	vshll.u32 v61, $0x3  }
0x16d: {  	v0 =	vand.u32 $0x7, v61;
	v1 =	vand.u32 $0xFFFFFFC0, v62  }
0x16e: {  	v0 =	vor.u32 v0, v1  }
0x16f: {  	v1 =	vperm.xlane v0, v2;
	_ =	sdelay $0x1  }
0x170: {  	v1 =	vadd.s32 v3, v1;
	_ =	sdelay $0x3  }
0x171: {  	s19 =	simm.s32 $0x8200  }
0x172: {  	[tilespmem:s19], [sflag:$0x2] =	stream.indirect_vreg.gather [hbm4b:s3+s1], $0x80, v1, vm0, $0xb8;
	[tilespmem:$0x1C200] =	vst v63  }
0x173: {  	s20 =	simm.s32 $0x8A00;
	v0 =	vperm.xlane v0, v4  }
0x174: {  	[tilespmem:s20], [sflag:$0x2] =	stream.indirect_vreg.gather [hbm4b:s10+s1], $0x80, v1, vm0, $0xb8;
	[tilespmem:$0x1C200] =	vst v63  }
0x175: {  	s21 =	simm.s32 $0x9200;
	v0 =	vadd.s32 v3, v0  }
0x176: {  	[tilespmem:s21], [sflag:$0x2] =	stream.indirect_vreg.gather [hbm4b:s11+s1], $0x80, v1, vm0, $0xb8;
	[tilespmem:$0x1C200] =	vst v63  }
0x177: {  	_ = 	snop  }
0x178: {  	[tilespmem:s7], [sflag:$0x2] =	stream.indirect_vreg.gather [hbm4b:s12+s1], $0x80, v1, vm0, $0xb8;
	[tilespmem:$0x1C200] =	vst v63  }
0x179: {  	_ = 	snop  }
0x17a: {  	[tilespmem:s22], [sflag:$0x2] =	stream.indirect_vreg.gather [hbm4b:s3+s1], $0x80, v0, vm0, $0xb8;
	[tilespmem:$0x1C200] =	vst v63  }
0x17b: {  	_ = 	snop  }
0x17c: {  	[tilespmem:s8], [sflag:$0x2] =	stream.indirect_vreg.gather [hbm4b:s10+s1], $0x80, v0, vm0, $0xb8;
	[tilespmem:$0x1C200] =	vst v63  }
0x17d: {  	_ = 	snop  }
0x17e: {  	[tilespmem:s23], [sflag:$0x2] =	stream.indirect_vreg.gather [hbm4b:s11+s1], $0x80, v0, vm0, $0xb8;
	[tilespmem:$0x1C200] =	vst v63  }
0x17f: {  	_ = 	snop  }
0x180: {  	[tilespmem:s9], [sflag:$0x2] =	stream.indirect_vreg.gather [hbm4b:s12+s1], $0x80, v0, vm0, $0xb8;
	[tilespmem:$0x1C200] =	vst v63  }
0x181: {  	v0 =	vld [tilespmem:$0x190];
	_ =	sdelay $0x4  }
0x182: {  	v63 =	vshll.u32 v0, $0x3  }
0x183: {  	v0 =	vand.u32 $0x7, v0;
	v1 =	vand.u32 $0xFFFFFFC0, v63  }
0x184: {  	v0 =	vor.u32 v0, v1  }
0x185: {  	v1 =	vperm.xlane v0, v2;
	_ =	sdelay $0x1  }
0x186: {  	v1 =	vadd.s32 v3, v1;
	_ =	sdelay $0x4  }
0x187: {  	[tilespmem:s24], [sflag:$0x2] =	stream.indirect_vreg.gather [hbm4b:s3+s1], $0x80, v1, vm0, $0xb8;
	[tilespmem:$0x1C200] =	vst v63  }
0x188: {  	v0 =	vperm.xlane v0, v4  }
0x189: {  	[tilespmem:s25], [sflag:$0x2] =	stream.indirect_vreg.gather [hbm4b:s10+s1], $0x80, v1, vm0, $0xb8;
	[tilespmem:$0x1C200] =	vst v63  }
0x18a: {  	v0 =	vadd.s32 v3, v0  }
0x18b: {  	[tilespmem:s26], [sflag:$0x2] =	stream.indirect_vreg.gather [hbm4b:s11+s1], $0x80, v1, vm0, $0xb8;
	[tilespmem:$0x1C200] =	vst v63  }
0x18c: {  	_ = 	snop  }
0x18d: {  	[tilespmem:s28], [sflag:$0x2] =	stream.indirect_vreg.gather [hbm4b:s12+s1], $0x80, v1, vm0, $0xb8;
	[tilespmem:$0x1C200] =	vst v63  }
0x18e: {  	_ = 	snop  }
0x18f: {  	[tilespmem:s29], [sflag:$0x2] =	stream.indirect_vreg.gather [hbm4b:s3+s1], $0x80, v0, vm0, $0xb8;
	[tilespmem:$0x1C200] =	vst v63  }
0x190: {  	_ = 	snop  }
0x191: {  	[tilespmem:s13], [sflag:$0x2] =	stream.indirect_vreg.gather [hbm4b:s10+s1], $0x80, v0, vm0, $0xb8;
	[tilespmem:$0x1C200] =	vst v63  }
0x192: {  	_ = 	snop  }
0x193: {  	[tilespmem:s30], [sflag:$0x2] =	stream.indirect_vreg.gather [hbm4b:s11+s1], $0x80, v0, vm0, $0xb8;
	[tilespmem:$0x1C200] =	vst v63  }
0x194: {  	_ = 	snop  }
0x195: {  	[tilespmem:s31], [sflag:$0x2] =	stream.indirect_vreg.gather [hbm4b:s12+s1], $0x80, v0, vm0, $0xb8;
	[tilespmem:$0x1C200] =	vst v63  }
0x196: {  	_ =	swait.ge [sflag:s14], $0x8000  }
0x197: {  	s17 =	simm.s32 $0x19200;
	s18 =	simm.s32 $0x1B200;
	[sflag:s14] =	ssyncset.done $0x0  }
0x198: {  	s19 =	simm.s32 $0x0;
	s20 =	simm.s32 $0x0;
	[sflag:s14] =	ssyncadd.s32 $0xFFFF8000  }
.LBB2_4:
0x199: {  	v3 =	vld [tilespmem:s17+$0x0];
	s6 =	sand.u32 $0x6000, s19;
	s21 =	sand.u32 $0x380, s20  }
0x19a: {  	v4 =	vld [tilespmem:s18+$0x0];
	s6 =	sor.u32 s21, s6  }
0x19b: {  	v0 =	vld [tilespmem:s6+$0x200]  }
0x19c: {  	v1 =	vld [tilespmem:s6+$0x8200]  }
0x19d: {  	v2 =	vld [tilespmem:s6+$0x210]  }
0x19e: {  	v6 =	vld [tilespmem:s6+$0x8210]  }
0x19f: {  	v10 =	vld [tilespmem:s6+$0x220]  }
0x1a0: {  	v11 =	vld [tilespmem:s6+$0x8220]  }
0x1a1: {  	v14 =	vld [tilespmem:s6+$0x230]  }
0x1a2: {  	v17 =	vld [tilespmem:s6+$0x8230]  }
0x1a3: {  	v20 =	vld [tilespmem:s6+$0x240]  }
0x1a4: {  	v21 =	vld [tilespmem:s6+$0x8240]  }
0x1a5: {  	v26 =	vld [tilespmem:s6+$0x250]  }
0x1a6: {  	v27 =	vld [tilespmem:s6+$0x8250]  }
0x1a7: {  	v28 =	vld [tilespmem:s6+$0x260]  }
0x1a8: {  	v29 =	vld [tilespmem:s6+$0x8260]  }
0x1a9: {  	v30 =	vld [tilespmem:s6+$0x270]  }
0x1aa: {  	v31 =	vld [tilespmem:s6+$0x8270]  }
0x1ab: {  	v32 =	vld [tilespmem:s6+$0x600]  }
0x1ac: {  	v33 =	vld [tilespmem:s6+$0x8600]  }
0x1ad: {  	v34 =	vld [tilespmem:s6+$0x610]  }
0x1ae: {  	v35 =	vld [tilespmem:s6+$0x8610]  }
0x1af: {  	v36 =	vld [tilespmem:s6+$0x620]  }
0x1b0: {  	v37 =	vld [tilespmem:s6+$0x8620]  }
0x1b1: {  	v38 =	vld [tilespmem:s6+$0x630]  }
0x1b2: {  	v39 =	vld [tilespmem:s6+$0x8630]  }
0x1b3: {  	v40 =	vld [tilespmem:s6+$0x640]  }
0x1b4: {  	v41 =	vld [tilespmem:s6+$0x8640]  }
0x1b5: {  	v42 =	vld [tilespmem:s6+$0x650]  }
0x1b6: {  	v43 =	vld [tilespmem:s6+$0x8650]  }
0x1b7: {  	v44 =	vld [tilespmem:s6+$0x660]  }
0x1b8: {  	v45 =	vld [tilespmem:s6+$0x8660]  }
0x1b9: {  	v46 =	vld [tilespmem:s6+$0x670]  }
0x1ba: {  	v47 =	vld [tilespmem:s6+$0x8670]  }
0x1bb: {  	v48 =	vld [tilespmem:s6+$0xA00]  }
0x1bc: {  	v49 =	vld [tilespmem:s6+$0x8A00]  }
0x1bd: {  	v50 =	vld [tilespmem:s6+$0xA10]  }
0x1be: {  	v51 =	vld [tilespmem:s6+$0x8A10]  }
0x1bf: {  	v52 =	vld [tilespmem:s6+$0xA20]  }
0x1c0: {  	v53 =	vld [tilespmem:s6+$0x8A20]  }
0x1c1: {  	v54 =	vld [tilespmem:s6+$0xA30]  }
0x1c2: {  	v55 =	vld [tilespmem:s6+$0x8A30]  }
0x1c3: {  	v56 =	vld [tilespmem:s6+$0xA40]  }
0x1c4: {  	v57 =	vld [tilespmem:s6+$0x8A40]  }
0x1c5: {  	v58 =	vld [tilespmem:s6+$0xA50]  }
0x1c6: {  	v59 =	vld [tilespmem:s6+$0x8A50]  }
0x1c7: {  	v60 =	vld [tilespmem:s6+$0xA60]  }
0x1c8: {  	v61 =	vld [tilespmem:s6+$0x8A60]  }
0x1c9: {  	v62 =	vld [tilespmem:s6+$0xA70]  }
0x1ca: {  	v63 =	vld [tilespmem:s6+$0x8A70]  }
0x1cb: {  	v24 =	vld [tilespmem:s6+$0xE00]  }
0x1cc: {  	v25 =	vld [tilespmem:s6+$0x8E00]  }
0x1cd: {  	v22 =	vld [tilespmem:s6+$0xE10]  }
0x1ce: {  	v23 =	vld [tilespmem:s6+$0x8E10]  }
0x1cf: {  	v18 =	vld [tilespmem:s6+$0xE20]  }
0x1d0: {  	v19 =	vld [tilespmem:s6+$0x8E20]  }
0x1d1: {  	v15 =	vld [tilespmem:s6+$0xE30]  }
0x1d2: {  	v16 =	vld [tilespmem:s6+$0x8E30]  }
0x1d3: {  	v5 =	vld [tilespmem:s6+$0xE60]  }
0x1d4: {  	v12 =	vld [tilespmem:s6+$0xE40]  }
0x1d5: {  	v13 =	vld [tilespmem:s6+$0x8E40]  }
0x1d6: {  	v8 =	vld [tilespmem:s6+$0xE50]  }
0x1d7: {  	v9 =	vld [tilespmem:s6+$0x8E50];
	v0 =	vmul.f32 v0, v3;
	v1 =	vmul.f32 v1, v4  }
0x1d8: {  	v7 =	vld [tilespmem:s6+$0x8E60];
	[tilespmem:$0x1FFA0] =	vst v5;
	v5 =	vmul.f32 v2, v3;
	v2 =	vmul.f32 v6, v4  }
0x1d9: {  	v6 =	vld [tilespmem:s6+$0xE70];
	v17 =	vmul.f32 v17, v4;
	v0 =	vadd.f32 v1, v0  }
0x1da: {  	v1 =	vmul.f32 v10, v3;
	v10 =	vld [tilespmem:s6+$0x8E70];
	v5 =	vadd.f32 v2, v5;
	v2 =	vmul.f32 v14, v3  }
0x1db: {  	v11 =	vmul.f32 v11, v4;
	v14 =	vld [tilespmem:s6+$0x9200]  }
0x1dc: {  	v26 =	vmul.f32 v26, v3;
	v2 =	vadd.f32 v17, v2;
	v17 =	vld [tilespmem:s6+$0x1210]  }
0x1dd: {  	[tilespmem:s6+$0x10200] =	vst v0;
	v0 =	vadd.f32 v11, v1;
	v1 =	vmul.f32 v20, v3;
	v11 =	vmul.f32 v21, v4;
	v20 =	vld [tilespmem:s6+$0x9210]  }
0x1de: {  	v27 =	vmul.f32 v27, v4;
	v30 =	vmul.f32 v30, v3;
	v21 =	vld [tilespmem:s6+$0x1220];
	[tilespmem:$0x1FFB0] =	vst v6  }
0x1df: {  	v31 =	vmul.f32 v31, v4;
	v33 =	vmul.f32 v33, v4;
	v6 =	vld [tilespmem:s6+$0x1200];
	[tilespmem:s6+$0x10220] =	vst v0;
	v0 =	vadd.f32 v11, v1  }
0x1e0: {  	v1 =	vmul.f32 v28, v3;
	v11 =	vmul.f32 v29, v4;
	[tilespmem:s6+$0x10230] =	vst v2;
	v2 =	vadd.f32 v27, v26;
	v26 =	vld [tilespmem:s6+$0x9220]  }
0x1e1: {  	[tilespmem:s6+$0x10210] =	vst v5;
	v5 =	vmul.f32 v34, v3;
	v34 =	vmul.f32 v37, v4;
	v28 =	vld [tilespmem:s6+$0x1230]  }
0x1e2: {  	v37 =	vmul.f32 v39, v4;
	v29 =	vld [tilespmem:s6+$0x9230];
	[tilespmem:s6+$0x10240] =	vst v0;
	v0 =	vadd.f32 v11, v1;
	v1 =	vmul.f32 v32, v3  }
0x1e3: {  	v27 =	vmul.f32 v16, v4;
	v16 =	vld [tilespmem:s6+$0x1640];
	[tilespmem:s6+$0x10250] =	vst v2;
	v2 =	vadd.f32 v31, v30;
	v32 =	vmul.f32 v35, v4  }
0x1e4: {  	v30 =	vld [tilespmem:s6+$0x1240];
	[tilespmem:s6+$0x10260] =	vst v0;
	v0 =	vadd.f32 v33, v1;
	v33 =	vmul.f32 v36, v3;
	v36 =	vmul.f32 v38, v3  }
0x1e5: {  	v39 =	vmul.f32 v40, v3;
	v40 =	vmul.f32 v41, v4;
	v31 =	vld [tilespmem:s6+$0x9240];
	[tilespmem:s6+$0x10270] =	vst v2;
	v35 =	vadd.f32 v32, v5  }
0x1e6: {  	v42 =	vmul.f32 v42, v3;
	v11 =	vld [tilespmem:s6+$0x9650];
	[tilespmem:s6+$0x10600] =	vst v0;
	v38 =	vadd.f32 v34, v33;
	v41 =	vadd.f32 v37, v36  }
0x1e7: {  	v32 =	vld [tilespmem:s6+$0x1250];
	[tilespmem:s6+$0x10610] =	vst v35;
	v36 =	vmul.f32 v43, v4;
	v37 =	vadd.f32 v40, v39;
	v39 =	vmul.f32 v45, v4  }
0x1e8: {  	v33 =	vld [tilespmem:s6+$0x9250];
	v45 =	vmul.f32 v49, v4;
	[tilespmem:s6+$0x10620] =	vst v38;
	v38 =	vmul.f32 v44, v3  }
0x1e9: {  	v34 =	vld [tilespmem:s6+$0x1260];
	[tilespmem:s6+$0x10630] =	vst v41;
	v40 =	vadd.f32 v36, v42;
	v41 =	vmul.f32 v46, v3;
	v42 =	vmul.f32 v47, v4  }
0x1ea: {  	v35 =	vld [tilespmem:s6+$0x9260];
	[tilespmem:s6+$0x10640] =	vst v37;
	v44 =	vmul.f32 v48, v3;
	v47 =	vmul.f32 v50, v3;
	v43 =	vadd.f32 v39, v38  }
0x1eb: {  	v48 =	vmul.f32 v51, v4;
	v36 =	vld [tilespmem:s6+$0x1270];
	v50 =	vmul.f32 v52, v3;
	[tilespmem:s6+$0x10650] =	vst v40;
	v46 =	vadd.f32 v42, v41  }
0x1ec: {  	v51 =	vmul.f32 v53, v4;
	v37 =	vld [tilespmem:s6+$0x9270];
	v53 =	vmul.f32 v54, v3;
	v49 =	vadd.f32 v45, v44;
	[tilespmem:s6+$0x10660] =	vst v43  }
0x1ed: {  	v54 =	vmul.f32 v55, v4;
	v52 =	vadd.f32 v48, v47;
	v38 =	vld [tilespmem:s6+$0x1600];
	v44 =	vmul.f32 v56, v3;
	[tilespmem:s6+$0x10670] =	vst v46  }
0x1ee: {  	v55 =	vadd.f32 v51, v50;
	v45 =	vmul.f32 v57, v4;
	v39 =	vld [tilespmem:s6+$0x9600];
	v47 =	vmul.f32 v58, v3;
	[tilespmem:s6+$0x10A00] =	vst v49  }
0x1ef: {  	v48 =	vmul.f32 v59, v4;
	v40 =	vld [tilespmem:s6+$0x1610];
	v50 =	vmul.f32 v60, v3;
	[tilespmem:s6+$0x10A10] =	vst v52;
	v46 =	vadd.f32 v54, v53  }
0x1f0: {  	v51 =	vmul.f32 v61, v4;
	v41 =	vld [tilespmem:s6+$0x9610];
	v56 =	vmul.f32 v24, v3;
	[tilespmem:s6+$0x10A20] =	vst v55;
	v49 =	vadd.f32 v45, v44  }
0x1f1: {  	v42 =	vld [tilespmem:s6+$0x1620];
	v57 =	vmul.f32 v25, v4;
	v59 =	vmul.f32 v22, v3;
	v52 =	vadd.f32 v48, v47;
	[tilespmem:s6+$0x10A30] =	vst v46  }
0x1f2: {  	v24 =	vld [tilespmem:s6+$0x9620];
	v60 =	vmul.f32 v23, v4;
	v25 =	vmul.f32 v15, v3;
	v55 =	vadd.f32 v51, v50;
	[tilespmem:s6+$0x10A40] =	vst v49  }
0x1f3: {  	v23 =	vld [tilespmem:s6+$0x1630];
	v53 =	vmul.f32 v62, v3;
	v54 =	vmul.f32 v63, v4;
	v61 =	vadd.f32 v57, v56;
	[tilespmem:s6+$0x10A50] =	vst v52  }
0x1f4: {  	v15 =	vld [tilespmem:s6+$0x1A00];
	v62 =	vmul.f32 v18, v3;
	v63 =	vmul.f32 v19, v4;
	v22 =	vadd.f32 v60, v59;
	[tilespmem:s6+$0x10A60] =	vst v55  }
0x1f5: {  	v18 =	vld [tilespmem:s6+$0x9630];
	v44 =	vmul.f32 v12, v3;
	v45 =	vmul.f32 v13, v4;
	v58 =	vadd.f32 v54, v53;
	[tilespmem:s6+$0x10E00] =	vst v61  }
0x1f6: {  	v12 =	vld [tilespmem:s6+$0x9640];
	v47 =	vmul.f32 v8, v3;
	v48 =	vmul.f32 v9, v4;
	v43 =	vadd.f32 v63, v62;
	[tilespmem:s6+$0x10E10] =	vst v22  }
0x1f7: {  	v9 =	vld [tilespmem:s6+$0x1650];
	v56 =	vmul.f32 v14, v4;
	v59 =	vmul.f32 v20, v4;
	v46 =	vadd.f32 v27, v25;
	[tilespmem:s6+$0x10A70] =	vst v58  }
0x1f8: {  	v50 =	vld [tilespmem:$0x1FFA0];
	v20 =	vmul.f32 v28, v3;
	v49 =	vadd.f32 v45, v44;
	v55 =	vmul.f32 v6, v3;
	[tilespmem:s6+$0x10E20] =	vst v43  }
0x1f9: {  	v13 =	vld [tilespmem:s6+$0x1670];
	v51 =	vadd.f32 v48, v47;
	v61 =	vmul.f32 v21, v3;
	v62 =	vmul.f32 v26, v4;
	[tilespmem:s6+$0x10E30] =	vst v46  }
0x1fa: {  	v14 =	vld [tilespmem:s6+$0x9670];
	v28 =	vmul.f32 v32, v3;
	v21 =	vmul.f32 v29, v4;
	[tilespmem:s6+$0x10E40] =	vst v49;
	v60 =	vadd.f32 v56, v55  }
0x1fb: {  	v19 =	vld [tilespmem:s6+$0x1A10];
	v25 =	vmul.f32 v30, v3;
	v26 =	vmul.f32 v31, v4;
	[tilespmem:s6+$0x10E50] =	vst v51;
	v22 =	vadd.f32 v62, v61  }
0x1fc: {  	v32 =	vmul.f32 v35, v4;
	v52 =	vld [tilespmem:$0x1FFB0];
	v29 =	vmul.f32 v33, v4;
	v27 =	vadd.f32 v21, v20;
	[tilespmem:s6+$0x11200] =	vst v60  }
0x1fd: {  	v53 =	vmul.f32 v10, v4;
	v10 =	vld [tilespmem:s6+$0x1660];
	v31 =	vmul.f32 v34, v3;
	v30 =	vadd.f32 v26, v25;
	[tilespmem:s6+$0x11220] =	vst v22  }
0x1fe: {  	v35 =	vmul.f32 v37, v4;
	v34 =	vmul.f32 v36, v3;
	v44 =	vld [tilespmem:s6+$0x1A30];
	v33 =	vadd.f32 v29, v28;
	[tilespmem:s6+$0x11230] =	vst v27  }
0x1ff: {  	v48 =	vld [tilespmem:s6+$0x9A30];
	v37 =	vmul.f32 v38, v3;
	v38 =	vmul.f32 v39, v4;
	v36 =	vadd.f32 v32, v31;
	[tilespmem:s6+$0x11240] =	vst v30  }
0x200: {  	v58 =	vmul.f32 v17, v3;
	v17 =	vld [tilespmem:s6+$0x9A00];
	v39 =	vadd.f32 v35, v34;
	[tilespmem:s6+$0x11250] =	vst v33  }
0x201: {  	v40 =	vmul.f32 v40, v3;
	v20 =	vld [tilespmem:s6+$0x9A10];
	v43 =	vmul.f32 v41, v4;
	v45 =	vadd.f32 v38, v37;
	[tilespmem:s6+$0x11260] =	vst v36  }
0x202: {  	v7 =	vmul.f32 v7, v4;
	v21 =	vld [tilespmem:s6+$0x1A20];
	v1 =	vmul.f32 v50, v3;
	v63 =	vadd.f32 v59, v58;
	[tilespmem:s6+$0x11270] =	vst v39  }
0x203: {  	v56 =	vld [tilespmem:s6+$0x9A40];
	v49 =	vadd.f32 v43, v40;
	v58 =	vmul.f32 v9, v3;
	v59 =	vmul.f32 v11, v4;
	[tilespmem:s6+$0x11600] =	vst v45  }
0x204: {  	v28 =	vld [tilespmem:s6+$0x1A60];
	v26 =	vmul.f32 v13, v3;
	v27 =	vmul.f32 v14, v4;
	v54 =	vadd.f32 v7, v1;
	[tilespmem:s6+$0x11210] =	vst v63  }
0x205: {  	v32 =	vld [tilespmem:s6+$0x9A60];
	v50 =	vmul.f32 v23, v3;
	v5 =	vmul.f32 v52, v3;
	[tilespmem:s6+$0x11610] =	vst v49;
	v23 =	vadd.f32 v59, v58  }
0x206: {  	v47 =	vmul.f32 v24, v4;
	v46 =	vmul.f32 v42, v3;
	v22 =	vld [tilespmem:s6+$0x9A20];
	v33 =	vadd.f32 v27, v26;
	[tilespmem:s6+$0x10E60] =	vst v54  }
0x207: {  	v60 =	vld [tilespmem:s6+$0x1A50];
	v42 =	vmul.f32 v44, v3;
	v43 =	vmul.f32 v48, v4;
	v57 =	vadd.f32 v53, v5;
	[tilespmem:s6+$0x11650] =	vst v23  }
0x208: {  	v51 =	vmul.f32 v18, v4;
	v36 =	vld [tilespmem:s6+$0x1A70];
	v53 =	vadd.f32 v47, v46;
	[tilespmem:s6+$0x11670] =	vst v33  }
0x209: {  	v55 =	vmul.f32 v12, v4;
	v40 =	vld [tilespmem:s6+$0x9A70];
	v54 =	vmul.f32 v16, v3;
	v47 =	vadd.f32 v43, v42;
	[tilespmem:s6+$0x10E70] =	vst v57  }
0x20a: {  	v30 =	vmul.f32 v15, v3;
	v7 =	vld [tilespmem:s6+$0x9660];
	v31 =	vmul.f32 v17, v4;
	v57 =	vadd.f32 v51, v50;
	[tilespmem:s6+$0x11620] =	vst v53  }
0x20b: {  	v34 =	vmul.f32 v19, v3;
	v52 =	vld [tilespmem:s6+$0x1A40];
	v35 =	vmul.f32 v20, v4;
	v61 =	vadd.f32 v55, v54;
	[tilespmem:s6+$0x11A30] =	vst v47  }
0x20c: {  	v16 =	vld [tilespmem:s6+$0x9A50];
	v38 =	vmul.f32 v21, v3;
	v37 =	vadd.f32 v31, v30;
	v39 =	vmul.f32 v22, v4;
	[tilespmem:s6+$0x11630] =	vst v57  }
0x20d: {  	v41 =	vadd.f32 v35, v34;
	v50 =	vmul.f32 v28, v3;
	v51 =	vmul.f32 v32, v4;
	[tilespmem:s6+$0x11640] =	vst v61  }
0x20e: {  	v53 =	vmul.f32 v36, v3;
	v54 =	vmul.f32 v40, v4;
	[tilespmem:s6+$0x11A00] =	vst v37;
	v44 =	vadd.f32 v39, v38  }
0x20f: {  	v62 =	vmul.f32 v10, v3;
	v63 =	vmul.f32 v7, v4;
	[tilespmem:s6+$0x11A10] =	vst v41;
	v55 =	vadd.f32 v51, v50  }
0x210: {  	v46 =	vmul.f32 v56, v4;
	v45 =	vmul.f32 v52, v3;
	v56 =	vadd.f32 v54, v53;
	[tilespmem:s6+$0x11A20] =	vst v44  }
0x211: {  	v48 =	vmul.f32 v60, v3;
	v29 =	vadd.f32 v63, v62;
	v7 =	vmul.f32 v16, v4;
	[tilespmem:s6+$0x11A60] =	vst v55  }
0x212: {  	s21 =	sand.u32 $0x7, s1;
	v49 =	vadd.f32 v46, v45;
	[tilespmem:s6+$0x11A70] =	vst v56  }
0x213: {  	s21 =	sshll.u32 s21, $0x7;
	[tilespmem:s6+$0x11660] =	vst v29;
	v52 =	vadd.f32 v7, v48  }
0x214: {  	s21 =	sadd.s32 s21, s19;
	[tilespmem:s6+$0x11A40] =	vst v49  }
0x215: {  	[tilespmem:s6+$0x11A50] =	vst v52;
	s6 =	sor.u32 $0x1C00, s21  }
0x216: {  	v0 =	vld [tilespmem:s6+$0x200]  }
0x217: {  	v1 =	vld [tilespmem:s6+$0x8200];
	_ =	sdelay $0x4  }
0x218: {  	v0 =	vmul.f32 v0, v3;
	v1 =	vmul.f32 v1, v4;
	_ =	sdelay $0x1  }
0x219: {  	v0 =	vadd.f32 v1, v0;
	_ =	sdelay $0x1  }
0x21a: {  	[tilespmem:s6+$0x10200] =	vst v0;
	s6 =	sor.u32 $0x1C10, s21  }
0x21b: {  	v0 =	vld [tilespmem:s6+$0x200]  }
0x21c: {  	v57 =	vld [tilespmem:s6+$0x8200];
	_ =	sdelay $0x4  }
0x21d: {  	v0 =	vmul.f32 v0, v3;
	v1 =	vmul.f32 v57, v4;
	_ =	sdelay $0x1  }
0x21e: {  	v0 =	vadd.f32 v1, v0;
	_ =	sdelay $0x1  }
0x21f: {  	[tilespmem:s6+$0x10200] =	vst v0;
	s6 =	sor.u32 $0x1C20, s21  }
0x220: {  	v0 =	vld [tilespmem:s6+$0x200]  }
0x221: {  	v58 =	vld [tilespmem:s6+$0x8200];
	_ =	sdelay $0x4  }
0x222: {  	v0 =	vmul.f32 v0, v3;
	v1 =	vmul.f32 v58, v4;
	_ =	sdelay $0x1  }
0x223: {  	v0 =	vadd.f32 v1, v0;
	_ =	sdelay $0x1  }
0x224: {  	[tilespmem:s6+$0x10200] =	vst v0;
	s6 =	sor.u32 $0x1C30, s21  }
0x225: {  	v0 =	vld [tilespmem:s6+$0x200]  }
0x226: {  	v59 =	vld [tilespmem:s6+$0x8200];
	_ =	sdelay $0x4  }
0x227: {  	v0 =	vmul.f32 v0, v3;
	v1 =	vmul.f32 v59, v4;
	_ =	sdelay $0x1  }
0x228: {  	v0 =	vadd.f32 v1, v0;
	_ =	sdelay $0x1  }
0x229: {  	[tilespmem:s6+$0x10200] =	vst v0;
	s6 =	sor.u32 $0x1C40, s21  }
0x22a: {  	v0 =	vld [tilespmem:s6+$0x200]  }
0x22b: {  	v60 =	vld [tilespmem:s6+$0x8200];
	_ =	sdelay $0x4  }
0x22c: {  	v0 =	vmul.f32 v0, v3;
	v1 =	vmul.f32 v60, v4;
	_ =	sdelay $0x1  }
0x22d: {  	v0 =	vadd.f32 v1, v0;
	_ =	sdelay $0x1  }
0x22e: {  	[tilespmem:s6+$0x10200] =	vst v0;
	s6 =	sor.u32 $0x1C50, s21  }
0x22f: {  	v0 =	vld [tilespmem:s6+$0x200]  }
0x230: {  	v61 =	vld [tilespmem:s6+$0x8200];
	_ =	sdelay $0x4  }
0x231: {  	v0 =	vmul.f32 v0, v3;
	v1 =	vmul.f32 v61, v4;
	_ =	sdelay $0x1  }
0x232: {  	v0 =	vadd.f32 v1, v0;
	_ =	sdelay $0x1  }
0x233: {  	[tilespmem:s6+$0x10200] =	vst v0;
	s6 =	sor.u32 $0x1C60, s21  }
0x234: {  	v0 =	vld [tilespmem:s6+$0x200]  }
0x235: {  	v62 =	vld [tilespmem:s6+$0x8200];
	_ =	sdelay $0x4  }
0x236: {  	v0 =	vmul.f32 v0, v3;
	v1 =	vmul.f32 v62, v4;
	_ =	sdelay $0x1  }
0x237: {  	v0 =	vadd.f32 v1, v0;
	_ =	sdelay $0x1  }
0x238: {  	s21 =	sor.u32 $0x1C70, s21;
	[tilespmem:s6+$0x10200] =	vst v0  }
0x239: {  	v0 =	vld [tilespmem:s21+$0x200]  }
0x23a: {  	v63 =	vld [tilespmem:s21+$0x8200];
	_ =	sdelay $0x3  }
0x23b: {  	p0 =	sne.s32 s20, $0xF80  }
.Ltmp1:
0x23c: {  	v0 =	vmul.f32 v0, v3;
	v1 =	vmul.f32 v63, v4;
	(pc) =	sbr.rel @p0 .LBB2_4-.Ltmp1, $4  }
0x23d: {  	_ = 	snop  }
0x23e: {  	v0 =	vadd.f32 v1, v0  }
0x23f: {  	s17 =	sadd.s32 $0x80, s17;
	s18 =	sadd.s32 $0x80, s18  }
0x240: {  	s20 =	sadd.s32 $0x80, s20;
	s1 =	sadd.s32 $0x1, s1;
	s19 =	sadd.s32 $0x400, s19;
	[tilespmem:s21+$0x10200] =	vst v0  }
0x241: {  	s1 =	rddreg [dreg:$0x9]  }
0x242: {  	[hbm4b:s1+s2] =	stream.linear.scatter [tilespmem:s0], [sflag:$0x3], $0x8000, $0x38;
	[tilespmem:$0x1C200] =	vst v63  }
0x243: {  	_ =	swait.ge [sflag:s16], $0x8000  }
0x244: {  	s15 =	sadd.s32 $0x1, s15;
	s21 =	rddreg [dreg:$0xa]  }
0x245: {  	p0 =	sne.s32 s15, s21  }
.Ltmp2:
0x246: {  	_ = 	snop;
	(pc) =	sbr.rel @p0 .LBB2_1-.Ltmp2, $3  }
0x247: {  	_ =	sdelay $0x1  }
0x248: {  	[sflag:s16] =	ssyncset.done $0x0  }
0x249: {  	[sflag:s16] =	ssyncadd.s32 $0xFFFF8000  }
0x24a: {  	_ =	sfence.sel $0x180000  }
0x24b: {  	[bflag:$0x0] =	sbarrier.arrive $0xFFFF  }
0x24c: {  	_ =	strace $0x9000004A  }
0x24d: {  	s0 =	stileid.u32;
	[bflag:$0x2] =	sbarrier.arrive $0xFFFF  }
0x24e: {  	p0 =	sne.s32 s0, $0x0;
	s0 =	rddreg [dreg:$0x2]  }
0x24f: {  	s0 =	sadd.s32 @!p0 $0x100000, s0  }
0x250: {  	[sflag:s0] =	ssyncadd.tile.s32 @!p0 $0x1;
	_ =	shalt  }
.Lfunc_end2:
_tile_overlayer_lowered:
.L_overlay_start_2:
0x251: {  	(tag) =	ssettag $0x2  }
0x252: {  	s0 =	rddreg [dreg:$0x0];
	s2 =	stileid.u32  }
0x253: {  	s1 =	rddreg [dreg:$0x1];
	p0 =	sne.s32 s2, $0x0  }
0x254: {  	s3 =	rddreg [dreg:$0x2];
	[bflag:$0x3] =	sbarrier.arrive $0xFFFF;
	s2 =	simm.s32 @!p0 $0x1C03  }
0x255: {  	[timem:s3], [sflag:s2] =	dma.local @!p0 [hbm:s0], s1  }
0x256: {  	s0 =	simm.s32 @!p0 $0x3  }
0x257: {  	_ =	swait.ge @!p0 [sflag:s0], s1  }
0x258: {  	s1 =	ssub.s32 @!p0 $0x0, s1;
	[sflag:s0] =	ssyncset.done @!p0 $0x0  }
0x259: {  	[sflag:s0] =	ssyncadd.s32 @!p0 s1  }
0x25a: {  	[bflag:$0x3] =	sbarrier.arrive $0xFFFF  }
0x25b: {  	_ =	shalt  }

</sc_bundles>
